<compile_context>
chip_gen: v7x
topology: tpu7x:2x2x1
jax: 0.10.2.dev20260603
libtpu: 0.0.44.dev20260713+nightly
codegen_flags: <defaults>
</compile_context>

<pallas_src>
import jax
import jax.numpy as jnp
from jax import lax
from jax.experimental import pallas as pl
from jax.experimental.pallas import tpu as pltpu
from jax.experimental.pallas import tpu_sc as plsc

T = 1638400
B = 16384
NK = 3
NC = 1
NS = 16
NW = NC * NS
S = B // NW
NV = S // 16
OPAD = NK * B + 8
LB = S + 16

LN = 128
RW = T // LN
RB = 1600
NGB = RW // RB


def _sc_body(o0, o1, o2, out_l, out_o,
             lo_bufs, len_bufs, oof_bufs, ext_bufs, tail_buf, seme, semw, sems):
    wid = lax.axis_index("s") * NC + lax.axis_index("c")
    s = wid * S
    lanes = lax.iota(jnp.int32, 16)
    offs = (o0, o1, o2)

    ext_idx = jnp.where(lanes == 0, s + S, jnp.where(lanes == 1, 0, B))
    extd = [pltpu.async_copy(offs[k].at[ext_idx], ext_bufs.at[k], seme)
            for k in range(NK)]
    wind = [pltpu.async_copy(offs[k].at[pl.ds(s, S)],
                             lo_bufs.at[pl.ds(k * LB, S)], semw)
            for k in range(NK)]
    for e in extd:
        e.wait()
    off0 = [plsc.load_gather(ext_bufs.at[k], [jnp.full((16,), 1, jnp.int32)])
            for k in range(NK)]
    offB = [plsc.load_gather(ext_bufs.at[k], [jnp.full((16,), 2, jnp.int32)])
            for k in range(NK)]
    d0 = offB[0] - off0[0]
    d1 = offB[1] - off0[1]
    c = (-off0[0], d0 - off0[1], d0 + d1 - off0[2])

    small = []
    for k in range(NK):
        wind[k].wait()
        kb = k * LB
        lo_bufs[pl.ds(kb + S, 16)] = ext_bufs[k]
        for i in range(NV):
            lo = lo_bufs[pl.ds(kb + i * 16, 16)]
            hi = plsc.load_gather(
                lo_bufs, [jnp.full((16,), kb + i * 16 + 1, jnp.int32) + lanes])
            len_bufs[pl.ds(k * S + i * 16, 16)] = hi - lo
            oof_bufs[pl.ds(k * S + i * 16, 16)] = lo + c[k]
        small.append(pltpu.async_copy(len_bufs.at[pl.ds(k * S, S)],
                                      out_l.at[pl.ds(k * B + s, S)], sems))
        small.append(pltpu.async_copy(oof_bufs.at[pl.ds(k * S, S)],
                                      out_o.at[pl.ds(k * B + s, S)], sems))

    @pl.when(wid == NW - 1)
    def _():
        tail_buf[...] = offB[NK - 1] + c[NK - 1]
        pltpu.sync_copy(tail_buf.at[pl.ds(0, 8)], out_o.at[pl.ds(NK * B, 8)])

    for d in small:
        d.wait()


def _tc_body(v0, v1, v2, out_v):
    out_v[0] = v0[...]
    out_v[1] = v1[...]
    out_v[2] = v2[...]


@jax.jit
def _kjt(o0, o1, o2, v0, v1, v2):
    mesh = plsc.VectorSubcoreMesh(core_axis_name="c", subcore_axis_name="s",
                                  num_cores=NC)
    out_l, out_o = pl.kernel(
        _sc_body,
        out_type=[
            jax.ShapeDtypeStruct((NK * B,), jnp.int32),
            jax.ShapeDtypeStruct((OPAD,), jnp.int32),
        ],
        mesh=mesh,
        compiler_params=pltpu.CompilerParams(needs_layout_passes=False),
        scratch_types=[
            pltpu.VMEM((NK * LB,), jnp.int32),
            pltpu.VMEM((NK * S,), jnp.int32),
            pltpu.VMEM((NK * S,), jnp.int32),
            pltpu.VMEM((NK, 16), jnp.int32),
            pltpu.VMEM((16,), jnp.int32),
            pltpu.SemaphoreType.DMA,
            pltpu.SemaphoreType.DMA,
            pltpu.SemaphoreType.DMA,
        ],
    )(o0, o1, o2)

    out_v = pl.pallas_call(
        _tc_body,
        grid=(NGB,),
        out_shape=jax.ShapeDtypeStruct((NK, RW, LN), jnp.float32),
        in_specs=[pl.BlockSpec((RB, LN), lambda i: (i, 0))] * NK,
        out_specs=pl.BlockSpec((NK, RB, LN), lambda i: (0, i, 0)),
    )(v0.reshape(RW, LN), v1.reshape(RW, LN), v2.reshape(RW, LN))

    return out_v.reshape(NK * T), out_l, out_o[: NK * B + 1]


def kernel(feat_0__values, feat_0__offsets, feat_1__values, feat_1__offsets,
           feat_2__values, feat_2__offsets):
    return _kjt(feat_0__offsets, feat_1__offsets, feat_2__offsets,
                feat_0__values, feat_1__values, feat_2__values)

# --- scband reference (transcript-rebuilt; emitter-appended) ---
"""Pipeline reference for scband-to-keyed-jagged-tensor-35089882808363 (READ-ONLY COPY).

The authoritative reference and input builder live on the scoring server;
editing this copy changes nothing except your own understanding.
"""

import jax, jax.numpy as jnp
import numpy as np

TOTAL = 1638400
BATCH = 16384
KEYS = ["feat_0", "feat_1", "feat_2"]

def setup_inputs(seed: int = 0) -> dict:
    key = jax.random.key(seed)
    inp = {}
    for i, name in enumerate(KEYS):
        kv = jax.random.fold_in(key, i)
        inp[name + "__values"] = jax.random.normal(kv, (TOTAL,), dtype=jnp.float32)
        ko = jax.random.fold_in(key, 100 + i)
        off = jnp.sort(jax.random.randint(ko, (BATCH + 1,), 0, TOTAL)).astype(jnp.int32)
        inp[name + "__offsets"] = off
    return inp

def reference(feat_0__values, feat_0__offsets, feat_1__values, feat_1__offsets, feat_2__values, feat_2__offsets):
    # Faithful translation of ToKeyedJaggedTensor.forward for an all-ragged schema:
    # each column becomes JaggedTensor(values, offsets); KeyedJaggedTensor.from_jt_dict
    # concatenates per-key values and derives per-key lengths = diff(offsets), then
    # concatenates lengths across keys and recomputes global offsets via cumsum.
    values_list = [feat_0__values, feat_1__values, feat_2__values]
    offsets_list = [feat_0__offsets, feat_1__offsets, feat_2__offsets]
    kjt_values = jnp.concatenate(values_list, axis=0)
    lengths_list = [jnp.diff(o.astype(jnp.int32)) for o in offsets_list]
    kjt_lengths = jnp.concatenate(lengths_list, axis=0)
    kjt_offsets = jnp.concatenate([jnp.zeros((1,), dtype=jnp.int32), jnp.cumsum(kjt_lengths, dtype=jnp.int32)], axis=0)
    return (kjt_values, kjt_lengths, kjt_offsets)

if __name__ == "__main__":
    import jax
    _d = setup_inputs()
    print(jax.jit(kernel)(*tuple(_d.values())))

</pallas_src>

<mosaic_0001>
#map = affine_map<(d0, d1) -> (0)>
module attributes {stable_mosaic.version = 14 : i64} {
  func.func @_sc_body(%arg0: i32, %arg1: i32, %arg2: memref<16385xi32, #tpu.memory_space<hbm>>, %arg3: memref<16385xi32, #tpu.memory_space<hbm>>, %arg4: memref<16385xi32, #tpu.memory_space<hbm>>, %arg5: memref<49152xi32, #tpu.memory_space<hbm>>, %arg6: memref<49160xi32, #tpu.memory_space<hbm>>, %arg7: memref<3120xi32, #tpu.memory_space<vmem>>, %arg8: memref<3072xi32, #tpu.memory_space<vmem>>, %arg9: memref<3072xi32, #tpu.memory_space<vmem>>, %arg10: memref<3x16xi32, #tpu.memory_space<vmem>>, %arg11: memref<16xi32, #tpu.memory_space<vmem>>, %arg12: memref<!tpu.dma_semaphore, #tpu.memory_space<semaphore_mem>>, %arg13: memref<!tpu.dma_semaphore, #tpu.memory_space<semaphore_mem>>, %arg14: memref<!tpu.dma_semaphore, #tpu.memory_space<semaphore_mem>>) attributes {dimension_semantics = [#tpu.dimension_semantics<core_parallel>, #tpu.dimension_semantics<subcore_parallel>], iteration_bounds = array<i64: 1, 16>, scalar_prefetch = 0 : i64, scratch_operands = 8 : i64, tpu.core_type = #tpu.core_type<sc_vector_subcore>, window_params = [{transform_indices = #map}, {transform_indices = #map}, {transform_indices = #map}, {transform_indices = #map}, {transform_indices = #map}]} {
    %mul3A = arith.constant 1 : i32
    %mul3A_0 = arith.muli %arg1, %mul3A : i32
    %add3A = arith.addi %mul3A_0, %arg0 : i32
    %mul3A_1 = arith.constant 1024 : i32
    %mul3A_2 = arith.muli %add3A, %mul3A_1 : i32
    %iota3A = tpu.iota {dimensions = array<i32: 0>} : vector<16xi32>
    %eq3A = arith.constant 0 : i32
    %eq3A_3 = vector.broadcast %eq3A : i32 to vector<16xi32>
    %eq3A_4 = arith.cmpi eq, %iota3A, %eq3A_3 : vector<16xi32>
    %add3A_5 = arith.constant 1024 : i32
    %add3A_6 = arith.addi %mul3A_2, %add3A_5 : i32
    %eq3A_7 = arith.constant 1 : i32
    %eq3A_8 = vector.broadcast %eq3A_7 : i32 to vector<16xi32>
    %eq3A_9 = arith.cmpi eq, %iota3A, %eq3A_8 : vector<16xi32>
    %jit3A = arith.constant 0 : i32
    %jit3A_10 = arith.constant 16384 : i32
    %broadcast_in_dim3A = vector.broadcast %jit3A : i32 to vector<16xi32>
    %broadcast_in_dim3A_11 = vector.broadcast %jit3A_10 : i32 to vector<16xi32>
    %select_n3A = arith.select %eq3A_9, %broadcast_in_dim3A, %broadcast_in_dim3A_11 : vector<16xi1>, vector<16xi32>
    %broadcast_in_dim3A_12 = vector.broadcast %add3A_6 : i32 to vector<16xi32>
    %select_n3A_13 = arith.select %eq3A_4, %broadcast_in_dim3A_12, %select_n3A : vector<16xi1>, vector<16xi32>
    %dma_start3A = arith.constant 0 : i32
    %dma_start3A_14 = arith.constant 0 : i32
    %dma_start3A_15 = tpu.memref_slice %arg10[%dma_start3A, %dma_start3A_14] : memref<3x16xi32, #tpu.memory_space<vmem>> -> memref<1x16xi32, #tpu.memory_space<vmem>>
    %dma_start3A_16 = tpu.memref_squeeze %dma_start3A_15 : memref<1x16xi32, #tpu.memory_space<vmem>> -> memref<16xi32, #tpu.memory_space<vmem>>
    %dma_start3A_17 = arith.constant 0 : i32
    %dma_start3A_18 = tpu.memref_slice %arg2[%dma_start3A_17] : memref<16385xi32, #tpu.memory_space<hbm>> -> memref<16385xi32, #tpu.memory_space<hbm>>
    tpu.enqueue_indirect_dma source(%dma_start3A_18 : memref<16385xi32, #tpu.memory_space<hbm>>) target(%dma_start3A_16 : memref<16xi32, #tpu.memory_space<vmem>>) offsets(%select_n3A_13 : vector<16xi32>) semaphore(%arg12 : memref<!tpu.dma_semaphore, #tpu.memory_space<semaphore_mem>>)
    %dma_start3A_19 = arith.constant 1 : i32
    %dma_start3A_20 = arith.constant 0 : i32
    %dma_start3A_21 = tpu.memref_slice %arg10[%dma_start3A_19, %dma_start3A_20] : memref<3x16xi32, #tpu.memory_space<vmem>> -> memref<1x16xi32, #tpu.memory_space<vmem>>
    %dma_start3A_22 = tpu.memref_squeeze %dma_start3A_21 : memref<1x16xi32, #tpu.memory_space<vmem>> -> memref<16xi32, #tpu.memory_space<vmem>>
    %dma_start3A_23 = arith.constant 0 : i32
    %dma_start3A_24 = tpu.memref_slice %arg3[%dma_start3A_23] : memref<16385xi32, #tpu.memory_space<hbm>> -> memref<16385xi32, #tpu.memory_space<hbm>>
    tpu.enqueue_indirect_dma source(%dma_start3A_24 : memref<16385xi32, #tpu.memory_space<hbm>>) target(%dma_start3A_22 : memref<16xi32, #tpu.memory_space<vmem>>) offsets(%select_n3A_13 : vector<16xi32>) semaphore(%arg12 : memref<!tpu.dma_semaphore, #tpu.memory_space<semaphore_mem>>)
    %dma_start3A_25 = arith.constant 2 : i32
    %dma_start3A_26 = arith.constant 0 : i32
    %dma_start3A_27 = tpu.memref_slice %arg10[%dma_start3A_25, %dma_start3A_26] : memref<3x16xi32, #tpu.memory_space<vmem>> -> memref<1x16xi32, #tpu.memory_space<vmem>>
    %dma_start3A_28 = tpu.memref_squeeze %dma_start3A_27 : memref<1x16xi32, #tpu.memory_space<vmem>> -> memref<16xi32, #tpu.memory_space<vmem>>
    %dma_start3A_29 = arith.constant 0 : i32
    %dma_start3A_30 = tpu.memref_slice %arg4[%dma_start3A_29] : memref<16385xi32, #tpu.memory_space<hbm>> -> memref<16385xi32, #tpu.memory_space<hbm>>
    tpu.enqueue_indirect_dma source(%dma_start3A_30 : memref<16385xi32, #tpu.memory_space<hbm>>) target(%dma_start3A_28 : memref<16xi32, #tpu.memory_space<vmem>>) offsets(%select_n3A_13 : vector<16xi32>) semaphore(%arg12 : memref<!tpu.dma_semaphore, #tpu.memory_space<semaphore_mem>>)
    %dma_start3A_31 = arith.constant 0 : i32
    %dma_start3A_32 = tpu.memref_slice %arg7[%dma_start3A_31] : memref<3120xi32, #tpu.memory_space<vmem>> -> memref<1024xi32, #tpu.memory_space<vmem>>
    %dma_start3A_33 = tpu.memref_slice %arg2[%mul3A_2] : memref<16385xi32, #tpu.memory_space<hbm>> -> memref<1024xi32, #tpu.memory_space<hbm>>
    %dma_start3A_34 = arith.constant 0 : i32
    %dma_start3A_35 = tpu.memref_slice %arg7[%dma_start3A_34] : memref<3120xi32, #tpu.memory_space<vmem>> -> memref<1024xi32, #tpu.memory_space<vmem>>
    %dma_start3A_36 = tpu.memref_slice %arg2[%mul3A_2] : memref<16385xi32, #tpu.memory_space<hbm>> -> memref<1024xi32, #tpu.memory_space<hbm>>
    tpu.enqueue_dma source(%dma_start3A_36 : memref<1024xi32, #tpu.memory_space<hbm>>) target(%dma_start3A_35 : memref<1024xi32, #tpu.memory_space<vmem>>) target_semaphore(%arg13 : memref<!tpu.dma_semaphore, #tpu.memory_space<semaphore_mem>>)
    %dma_start3A_37 = arith.constant 1040 : i32
    %dma_start3A_38 = tpu.memref_slice %arg7[%dma_start3A_37] : memref<3120xi32, #tpu.memory_space<vmem>> -> memref<1024xi32, #tpu.memory_space<vmem>>
    %dma_start3A_39 = tpu.memref_slice %arg3[%mul3A_2] : memref<16385xi32, #tpu.memory_space<hbm>> -> memref<1024xi32, #tpu.memory_space<hbm>>
    %dma_start3A_40 = arith.constant 1040 : i32
    %dma_start3A_41 = tpu.memref_slice %arg7[%dma_start3A_40] : memref<3120xi32, #tpu.memory_space<vmem>> -> memref<1024xi32, #tpu.memory_space<vmem>>
    %dma_start3A_42 = tpu.memref_slice %arg3[%mul3A_2] : memref<16385xi32, #tpu.memory_space<hbm>> -> memref<1024xi32, #tpu.memory_space<hbm>>
    tpu.enqueue_dma source(%dma_start3A_42 : memref<1024xi32, #tpu.memory_space<hbm>>) target(%dma_start3A_41 : memref<1024xi32, #tpu.memory_space<vmem>>) target_semaphore(%arg13 : memref<!tpu.dma_semaphore, #tpu.memory_space<semaphore_mem>>)
    %dma_start3A_43 = arith.constant 2080 : i32
    %dma_start3A_44 = tpu.memref_slice %arg7[%dma_start3A_43] : memref<3120xi32, #tpu.memory_space<vmem>> -> memref<1024xi32, #tpu.memory_space<vmem>>
    %dma_start3A_45 = tpu.memref_slice %arg4[%mul3A_2] : memref<16385xi32, #tpu.memory_space<hbm>> -> memref<1024xi32, #tpu.memory_space<hbm>>
    %dma_start3A_46 = arith.constant 2080 : i32
    %dma_start3A_47 = tpu.memref_slice %arg7[%dma_start3A_46] : memref<3120xi32, #tpu.memory_space<vmem>> -> memref<1024xi32, #tpu.memory_space<vmem>>
    %dma_start3A_48 = tpu.memref_slice %arg4[%mul3A_2] : memref<16385xi32, #tpu.memory_space<hbm>> -> memref<1024xi32, #tpu.memory_space<hbm>>
    tpu.enqueue_dma source(%dma_start3A_48 : memref<1024xi32, #tpu.memory_space<hbm>>) target(%dma_start3A_47 : memref<1024xi32, #tpu.memory_space<vmem>>) target_semaphore(%arg13 : memref<!tpu.dma_semaphore, #tpu.memory_space<semaphore_mem>>)
    %dma_wait3A = arith.constant 0 : i32
    %dma_wait3A_49 = arith.constant 0 : i32
    %dma_wait3A_50 = tpu.memref_slice %arg10[%dma_wait3A, %dma_wait3A_49] : memref<3x16xi32, #tpu.memory_space<vmem>> -> memref<1x16xi32, #tpu.memory_space<vmem>>
    %dma_wait3A_51 = tpu.memref_squeeze %dma_wait3A_50 : memref<1x16xi32, #tpu.memory_space<vmem>> -> memref<16xi32, #tpu.memory_space<vmem>>
    %dma_wait3A_52 = arith.constant 0 : i32
    %dma_wait3A_53 = tpu.memref_slice %arg2[%dma_wait3A_52] : memref<16385xi32, #tpu.memory_space<hbm>> -> memref<16385xi32, #tpu.memory_space<hbm>>
    tpu.wait_indirect_dma semaphore(%arg12 : memref<!tpu.dma_semaphore, #tpu.memory_space<semaphore_mem>>) src(%dma_wait3A_53 : memref<16385xi32, #tpu.memory_space<hbm>>) dst(%dma_wait3A_51 : memref<16xi32, #tpu.memory_space<vmem>>)
    %dma_wait3A_54 = arith.constant 1 : i32
    %dma_wait3A_55 = arith.constant 0 : i32
    %dma_wait3A_56 = tpu.memref_slice %arg10[%dma_wait3A_54, %dma_wait3A_55] : memref<3x16xi32, #tpu.memory_space<vmem>> -> memref<1x16xi32, #tpu.memory_space<vmem>>
    %dma_wait3A_57 = tpu.memref_squeeze %dma_wait3A_56 : memref<1x16xi32, #tpu.memory_space<vmem>> -> memref<16xi32, #tpu.memory_space<vmem>>
    %dma_wait3A_58 = arith.constant 0 : i32
    %dma_wait3A_59 = tpu.memref_slice %arg3[%dma_wait3A_58] : memref<16385xi32, #tpu.memory_space<hbm>> -> memref<16385xi32, #tpu.memory_space<hbm>>
    tpu.wait_indirect_dma semaphore(%arg12 : memref<!tpu.dma_semaphore, #tpu.memory_space<semaphore_mem>>) src(%dma_wait3A_59 : memref<16385xi32, #tpu.memory_space<hbm>>) dst(%dma_wait3A_57 : memref<16xi32, #tpu.memory_space<vmem>>)
    %dma_wait3A_60 = arith.constant 2 : i32
    %dma_wait3A_61 = arith.constant 0 : i32
    %dma_wait3A_62 = tpu.memref_slice %arg10[%dma_wait3A_60, %dma_wait3A_61] : memref<3x16xi32, #tpu.memory_space<vmem>> -> memref<1x16xi32, #tpu.memory_space<vmem>>
    %dma_wait3A_63 = tpu.memref_squeeze %dma_wait3A_62 : memref<1x16xi32, #tpu.memory_space<vmem>> -> memref<16xi32, #tpu.memory_space<vmem>>
    %dma_wait3A_64 = arith.constant 0 : i32
    %dma_wait3A_65 = tpu.memref_slice %arg4[%dma_wait3A_64] : memref<16385xi32, #tpu.memory_space<hbm>> -> memref<16385xi32, #tpu.memory_space<hbm>>
    tpu.wait_indirect_dma semaphore(%arg12 : memref<!tpu.dma_semaphore, #tpu.memory_space<semaphore_mem>>) src(%dma_wait3A_65 : memref<16385xi32, #tpu.memory_space<hbm>>) dst(%dma_wait3A_63 : memref<16xi32, #tpu.memory_space<vmem>>)
    %broadcast_in_dim3A_66 = arith.constant 1 : i32
    %broadcast_in_dim3A_67 = vector.broadcast %broadcast_in_dim3A_66 : i32 to vector<16xi32>
    %gather3A = arith.constant 0 : i32
    %gather3A_68 = arith.constant 0 : i32
    %gather3A_69 = tpu.memref_slice %arg10[%gather3A, %gather3A_68] : memref<3x16xi32, #tpu.memory_space<vmem>> -> memref<1x16xi32, #tpu.memory_space<vmem>>
    %gather3A_70 = tpu.memref_squeeze %gather3A_69 : memref<1x16xi32, #tpu.memory_space<vmem>> -> memref<16xi32, #tpu.memory_space<vmem>>
    %gather3A_71 = tpu.vector_load_idx %gather3A_70[%broadcast_in_dim3A_67] : memref<16xi32, #tpu.memory_space<vmem>>[vector<16xi32>], vector<16xi32>,
    %broadcast_in_dim3A_72 = arith.constant 1 : i32
    %broadcast_in_dim3A_73 = vector.broadcast %broadcast_in_dim3A_72 : i32 to vector<16xi32>
    %gather3A_74 = arith.constant 1 : i32
    %gather3A_75 = arith.constant 0 : i32
    %gather3A_76 = tpu.memref_slice %arg10[%gather3A_74, %gather3A_75] : memref<3x16xi32, #tpu.memory_space<vmem>> -> memref<1x16xi32, #tpu.memory_space<vmem>>
    %gather3A_77 = tpu.memref_squeeze %gather3A_76 : memref<1x16xi32, #tpu.memory_space<vmem>> -> memref<16xi32, #tpu.memory_space<vmem>>
    %gather3A_78 = tpu.vector_load_idx %gather3A_77[%broadcast_in_dim3A_73] : memref<16xi32, #tpu.memory_space<vmem>>[vector<16xi32>], vector<16xi32>,
    %broadcast_in_dim3A_79 = arith.constant 1 : i32
    %broadcast_in_dim3A_80 = vector.broadcast %broadcast_in_dim3A_79 : i32 to vector<16xi32>
    %gather3A_81 = arith.constant 2 : i32
    %gather3A_82 = arith.constant 0 : i32
    %gather3A_83 = tpu.memref_slice %arg10[%gather3A_81, %gather3A_82] : memref<3x16xi32, #tpu.memory_space<vmem>> -> memref<1x16xi32, #tpu.memory_space<vmem>>
    %gather3A_84 = tpu.memref_squeeze %gather3A_83 : memref<1x16xi32, #tpu.memory_space<vmem>> -> memref<16xi32, #tpu.memory_space<vmem>>
    %gather3A_85 = tpu.vector_load_idx %gather3A_84[%broadcast_in_dim3A_80] : memref<16xi32, #tpu.memory_space<vmem>>[vector<16xi32>], vector<16xi32>,
    %broadcast_in_dim3A_86 = arith.constant 2 : i32
    %broadcast_in_dim3A_87 = vector.broadcast %broadcast_in_dim3A_86 : i32 to vector<16xi32>
    %gather3A_88 = arith.constant 0 : i32
    %gather3A_89 = arith.constant 0 : i32
    %gather3A_90 = tpu.memref_slice %arg10[%gather3A_88, %gather3A_89] : memref<3x16xi32, #tpu.memory_space<vmem>> -> memref<1x16xi32, #tpu.memory_space<vmem>>
    %gather3A_91 = tpu.memref_squeeze %gather3A_90 : memref<1x16xi32, #tpu.memory_space<vmem>> -> memref<16xi32, #tpu.memory_space<vmem>>
    %gather3A_92 = tpu.vector_load_idx %gather3A_91[%broadcast_in_dim3A_87] : memref<16xi32, #tpu.memory_space<vmem>>[vector<16xi32>], vector<16xi32>,
    %broadcast_in_dim3A_93 = arith.constant 2 : i32
    %broadcast_in_dim3A_94 = vector.broadcast %broadcast_in_dim3A_93 : i32 to vector<16xi32>
    %gather3A_95 = arith.constant 1 : i32
    %gather3A_96 = arith.constant 0 : i32
    %gather3A_97 = tpu.memref_slice %arg10[%gather3A_95, %gather3A_96] : memref<3x16xi32, #tpu.memory_space<vmem>> -> memref<1x16xi32, #tpu.memory_space<vmem>>
    %gather3A_98 = tpu.memref_squeeze %gather3A_97 : memref<1x16xi32, #tpu.memory_space<vmem>> -> memref<16xi32, #tpu.memory_space<vmem>>
    %gather3A_99 = tpu.vector_load_idx %gather3A_98[%broadcast_in_dim3A_94] : memref<16xi32, #tpu.memory_space<vmem>>[vector<16xi32>], vector<16xi32>,
    %broadcast_in_dim3A_100 = arith.constant 2 : i32
    %broadcast_in_dim3A_101 = vector.broadcast %broadcast_in_dim3A_100 : i32 to vector<16xi32>
    %gather3A_102 = arith.constant 2 : i32
    %gather3A_103 = arith.constant 0 : i32
    %gather3A_104 = tpu.memref_slice %arg10[%gather3A_102, %gather3A_103] : memref<3x16xi32, #tpu.memory_space<vmem>> -> memref<1x16xi32, #tpu.memory_space<vmem>>
    %gather3A_105 = tpu.memref_squeeze %gather3A_104 : memref<1x16xi32, #tpu.memory_space<vmem>> -> memref<16xi32, #tpu.memory_space<vmem>>
    %gather3A_106 = tpu.vector_load_idx %gather3A_105[%broadcast_in_dim3A_101] : memref<16xi32, #tpu.memory_space<vmem>>[vector<16xi32>], vector<16xi32>,
    %sub3A = arith.subi %gather3A_92, %gather3A_71 : vector<16xi32>
    %sub3A_107 = arith.subi %gather3A_99, %gather3A_78 : vector<16xi32>
    %neg3A = arith.constant 0 : i32
    %neg3A_108 = vector.broadcast %neg3A : i32 to vector<16xi32>
    %neg3A_109 = arith.subi %neg3A_108, %gather3A_71 : vector<16xi32>
    %sub3A_110 = arith.subi %sub3A, %gather3A_78 : vector<16xi32>
    %add3A_111 = arith.addi %sub3A, %sub3A_107 : vector<16xi32>
    %sub3A_112 = arith.subi %add3A_111, %gather3A_85 : vector<16xi32>
    %dma_wait3A_113 = arith.constant 0 : i32
    %dma_wait3A_114 = tpu.memref_slice %arg7[%dma_wait3A_113] : memref<3120xi32, #tpu.memory_space<vmem>> -> memref<1024xi32, #tpu.memory_space<vmem>>
    %dma_wait3A_115 = tpu.memref_slice %arg2[%mul3A_2] : memref<16385xi32, #tpu.memory_space<hbm>> -> memref<1024xi32, #tpu.memory_space<hbm>>
    %dma_wait3A_116 = arith.constant 0 : i32
    %dma_wait3A_117 = tpu.memref_slice %arg7[%dma_wait3A_116] : memref<3120xi32, #tpu.memory_space<vmem>> -> memref<1024xi32, #tpu.memory_space<vmem>>
    %dma_wait3A_118 = tpu.memref_slice %arg2[%mul3A_2] : memref<16385xi32, #tpu.memory_space<hbm>> -> memref<1024xi32, #tpu.memory_space<hbm>>
    tpu.wait_dma2 semaphore(%arg13 : memref<!tpu.dma_semaphore, #tpu.memory_space<semaphore_mem>>) src(%dma_wait3A_118 : memref<1024xi32, #tpu.memory_space<hbm>>) dst(%dma_wait3A_117 : memref<1024xi32, #tpu.memory_space<vmem>>)
    %get3A = arith.constant 0 : i32
    %get3A_119 = arith.index_cast %get3A : i32 to index
    %get3A_120 = arith.constant 0 : index
    %get3A_121 = tpu.vector_load %arg10[%get3A_119, %get3A_120] {strides = array<i32>} : memref<3x16xi32, #tpu.memory_space<vmem>>, vector<16xi32>,
    %swap3A = arith.constant 1024 : index
    %swap3A_122 = tpu.vector_load %arg7[%swap3A] {strides = array<i32>} : memref<3120xi32, #tpu.memory_space<vmem>>, vector<16xi32>,
    tpu.vector_store %arg7[%swap3A], %get3A_121 {strides = array<i32>} : memref<3120xi32, #tpu.memory_space<vmem>>, vector<16xi32>,
    %get3A_123 = arith.constant 0 : index
    %get3A_124 = tpu.vector_load %arg7[%get3A_123] {strides = array<i32>} : memref<3120xi32, #tpu.memory_space<vmem>>, vector<16xi32>,
    %broadcast_in_dim3A_125 = arith.constant 1 : i32
    %broadcast_in_dim3A_126 = vector.broadcast %broadcast_in_dim3A_125 : i32 to vector<16xi32>
    %add3A_127 = arith.addi %broadcast_in_dim3A_126, %iota3A : vector<16xi32>
    %gather3A_128 = tpu.vector_load_idx %arg7[%add3A_127] : memref<3120xi32, #tpu.memory_space<vmem>>[vector<16xi32>], vector<16xi32>,
    %sub3A_129 = arith.subi %gather3A_128, %get3A_124 : vector<16xi32>
    %swap3A_130 = arith.constant 0 : index
    %swap3A_131 = tpu.vector_load %arg8[%swap3A_130] {strides = array<i32>} : memref<3072xi32, #tpu.memory_space<vmem>>, vector<16xi32>,
    tpu.vector_store %arg8[%swap3A_130], %sub3A_129 {strides = array<i32>} : memref<3072xi32, #tpu.memory_space<vmem>>, vector<16xi32>,
    %add3A_132 = arith.addi %get3A_124, %neg3A_109 : vector<16xi32>
    %swap3A_133 = arith.constant 0 : index
    %swap3A_134 = tpu.vector_load %arg9[%swap3A_133] {strides = array<i32>} : memref<3072xi32, #tpu.memory_space<vmem>>, vector<16xi32>,
    tpu.vector_store %arg9[%swap3A_133], %add3A_132 {strides = array<i32>} : memref<3072xi32, #tpu.memory_space<vmem>>, vector<16xi32>,
    %get3A_135 = arith.constant 16 : index
    %get3A_136 = tpu.vector_load %arg7[%get3A_135] {strides = array<i32>} : memref<3120xi32, #tpu.memory_space<vmem>>, vector<16xi32>,
    %broadcast_in_dim3A_137 = arith.constant 17 : i32
    %broadcast_in_dim3A_138 = vector.broadcast %broadcast_in_dim3A_137 : i32 to vector<16xi32>
    %add3A_139 = arith.addi %broadcast_in_dim3A_138, %iota3A : vector<16xi32>
    %gather3A_140 = tpu.vector_load_idx %arg7[%add3A_139] : memref<3120xi32, #tpu.memory_space<vmem>>[vector<16xi32>], vector<16xi32>,
    %sub3A_141 = arith.subi %gather3A_140, %get3A_136 : vector<16xi32>
    %swap3A_142 = arith.constant 16 : index
    %swap3A_143 = tpu.vector_load %arg8[%swap3A_142] {strides = array<i32>} : memref<3072xi32, #tpu.memory_space<vmem>>, vector<16xi32>,
    tpu.vector_store %arg8[%swap3A_142], %sub3A_141 {strides = array<i32>} : memref<3072xi32, #tpu.memory_space<vmem>>, vector<16xi32>,
    %add3A_144 = arith.addi %get3A_136, %neg3A_109 : vector<16xi32>
    %swap3A_145 = arith.constant 16 : index
    %swap3A_146 = tpu.vector_load %arg9[%swap3A_145] {strides = array<i32>} : memref<3072xi32, #tpu.memory_space<vmem>>, vector<16xi32>,
    tpu.vector_store %arg9[%swap3A_145], %add3A_144 {strides = array<i32>} : memref<3072xi32, #tpu.memory_space<vmem>>, vector<16xi32>,
    %get3A_147 = arith.constant 32 : index
    %get3A_148 = tpu.vector_load %arg7[%get3A_147] {strides = array<i32>} : memref<3120xi32, #tpu.memory_space<vmem>>, vector<16xi32>,
    %broadcast_in_dim3A_149 = arith.constant 33 : i32
    %broadcast_in_dim3A_150 = vector.broadcast %broadcast_in_dim3A_149 : i32 to vector<16xi32>
    %add3A_151 = arith.addi %broadcast_in_dim3A_150, %iota3A : vector<16xi32>
    %gather3A_152 = tpu.vector_load_idx %arg7[%add3A_151] : memref<3120xi32, #tpu.memory_space<vmem>>[vector<16xi32>], vector<16xi32>,
    %sub3A_153 = arith.subi %gather3A_152, %get3A_148 : vector<16xi32>
    %swap3A_154 = arith.constant 32 : index
    %swap3A_155 = tpu.vector_load %arg8[%swap3A_154] {strides = array<i32>} : memref<3072xi32, #tpu.memory_space<vmem>>, vector<16xi32>,
    tpu.vector_store %arg8[%swap3A_154], %sub3A_153 {strides = array<i32>} : memref<3072xi32, #tpu.memory_space<vmem>>, vector<16xi32>,
    %add3A_156 = arith.addi %get3A_148, %neg3A_109 : vector<16xi32>
    %swap3A_157 = arith.constant 32 : index
    %swap3A_158 = tpu.vector_load %arg9[%swap3A_157] {strides = array<i32>} : memref<3072xi32, #tpu.memory_space<vmem>>, vector<16xi32>,
    tpu.vector_store %arg9[%swap3A_157], %add3A_156 {strides = array<i32>} : memref<3072xi32, #tpu.memory_space<vmem>>, vector<16xi32>,
    %get3A_159 = arith.constant 48 : index
    %get3A_160 = tpu.vector_load %arg7[%get3A_159] {strides = array<i32>} : memref<3120xi32, #tpu.memory_space<vmem>>, vector<16xi32>,
    %broadcast_in_dim3A_161 = arith.constant 49 : i32
    %broadcast_in_dim3A_162 = vector.broadcast %broadcast_in_dim3A_161 : i32 to vector<16xi32>
    %add3A_163 = arith.addi %broadcast_in_dim3A_162, %iota3A : vector<16xi32>
    %gather3A_164 = tpu.vector_load_idx %arg7[%add3A_163] : memref<3120xi32, #tpu.memory_space<vmem>>[vector<16xi32>], vector<16xi32>,
    %sub3A_165 = arith.subi %gather3A_164, %get3A_160 : vector<16xi32>
    %swap3A_166 = arith.constant 48 : index
    %swap3A_167 = tpu.vector_load %arg8[%swap3A_166] {strides = array<i32>} : memref<3072xi32, #tpu.memory_space<vmem>>, vector<16xi32>,
    tpu.vector_store %arg8[%swap3A_166], %sub3A_165 {strides = array<i32>} : memref<3072xi32, #tpu.memory_space<vmem>>, vector<16xi32>,
    %add3A_168 = arith.addi %get3A_160, %neg3A_109 : vector<16xi32>
    %swap3A_169 = arith.constant 48 : index
    %swap3A_170 = tpu.vector_load %arg9[%swap3A_169] {strides = array<i32>} : memref<3072xi32, #tpu.memory_space<vmem>>, vector<16xi32>,
    tpu.vector_store %arg9[%swap3A_169], %add3A_168 {strides = array<i32>} : memref<3072xi32, #tpu.memory_space<vmem>>, vector<16xi32>,
    %get3A_171 = arith.constant 64 : index
    %get3A_172 = tpu.vector_load %arg7[%get3A_171] {strides = array<i32>} : memref<3120xi32, #tpu.memory_space<vmem>>, vector<16xi32>,
    %broadcast_in_dim3A_173 = arith.constant 65 : i32
    %broadcast_in_dim3A_174 = vector.broadcast %broadcast_in_dim3A_173 : i32 to vector<16xi32>
    %add3A_175 = arith.addi %broadcast_in_dim3A_174, %iota3A : vector<16xi32>
    %gather3A_176 = tpu.vector_load_idx %arg7[%add3A_175] : memref<3120xi32, #tpu.memory_space<vmem>>[vector<16xi32>], vector<16xi32>,
    %sub3A_177 = arith.subi %gather3A_176, %get3A_172 : vector<16xi32>
    %swap3A_178 = arith.constant 64 : index
    %swap3A_179 = tpu.vector_load %arg8[%swap3A_178] {strides = array<i32>} : memref<3072xi32, #tpu.memory_space<vmem>>, vector<16xi32>,
    tpu.vector_store %arg8[%swap3A_178], %sub3A_177 {strides = array<i32>} : memref<3072xi32, #tpu.memory_space<vmem>>, vector<16xi32>,
    %add3A_180 = arith.addi %get3A_172, %neg3A_109 : vector<16xi32>
    %swap3A_181 = arith.constant 64 : index
    %swap3A_182 = tpu.vector_load %arg9[%swap3A_181] {strides = array<i32>} : memref<3072xi32, #tpu.memory_space<vmem>>, vector<16xi32>,
    tpu.vector_store %arg9[%swap3A_181], %add3A_180 {strides = array<i32>} : memref<3072xi32, #tpu.memory_space<vmem>>, vector<16xi32>,
    %get3A_183 = arith.constant 80 : index
    %get3A_184 = tpu.vector_load %arg7[%get3A_183] {strides = array<i32>} : memref<3120xi32, #tpu.memory_space<vmem>>, vector<16xi32>,
    %broadcast_in_dim3A_185 = arith.constant 81 : i32
    %broadcast_in_dim3A_186 = vector.broadcast %broadcast_in_dim3A_185 : i32 to vector<16xi32>
    %add3A_187 = arith.addi %broadcast_in_dim3A_186, %iota3A : vector<16xi32>
    %gather3A_188 = tpu.vector_load_idx %arg7[%add3A_187] : memref<3120xi32, #tpu.memory_space<vmem>>[vector<16xi32>], vector<16xi32>,
    %sub3A_189 = arith.subi %gather3A_188, %get3A_184 : vector<16xi32>
    %swap3A_190 = arith.constant 80 : index
    %swap3A_191 = tpu.vector_load %arg8[%swap3A_190] {strides = array<i32>} : memref<3072xi32, #tpu.memory_space<vmem>>, vector<16xi32>,
    tpu.vector_store %arg8[%swap3A_190], %sub3A_189 {strides = array<i32>} : memref<3072xi32, #tpu.memory_space<vmem>>, vector<16xi32>,
    %add3A_192 = arith.addi %get3A_184, %neg3A_109 : vector<16xi32>
    %swap3A_193 = arith.constant 80 : index
    %swap3A_194 = tpu.vector_load %arg9[%swap3A_193] {strides = array<i32>} : memref<3072xi32, #tpu.memory_space<vmem>>, vector<16xi32>,
    tpu.vector_store %arg9[%swap3A_193], %add3A_192 {strides = array<i32>} : memref<3072xi32, #tpu.memory_space<vmem>>, vector<16xi32>,
    %get3A_195 = arith.constant 96 : index
    %get3A_196 = tpu.vector_load %arg7[%get3A_195] {strides = array<i32>} : memref<3120xi32, #tpu.memory_space<vmem>>, vector<16xi32>,
    %broadcast_in_dim3A_197 = arith.constant 97 : i32
    %broadcast_in_dim3A_198 = vector.broadcast %broadcast_in_dim3A_197 : i32 to vector<16xi32>
    %add3A_199 = arith.addi %broadcast_in_dim3A_198, %iota3A : vector<16xi32>
    %gather3A_200 = tpu.vector_load_idx %arg7[%add3A_199] : memref<3120xi32, #tpu.memory_space<vmem>>[vector<16xi32>], vector<16xi32>,
    %sub3A_201 = arith.subi %gather3A_200, %get3A_196 : vector<16xi32>
    %swap3A_202 = arith.constant 96 : index
    %swap3A_203 = tpu.vector_load %arg8[%swap3A_202] {strides = array<i32>} : memref<3072xi32, #tpu.memory_space<vmem>>, vector<16xi32>,
    tpu.vector_store %arg8[%swap3A_202], %sub3A_201 {strides = array<i32>} : memref<3072xi32, #tpu.memory_space<vmem>>, vector<16xi32>,
    %add3A_204 = arith.addi %get3A_196, %neg3A_109 : vector<16xi32>
    %swap3A_205 = arith.constant 96 : index
    %swap3A_206 = tpu.vector_load %arg9[%swap3A_205] {strides = array<i32>} : memref<3072xi32, #tpu.memory_space<vmem>>, vector<16xi32>,
    tpu.vector_store %arg9[%swap3A_205], %add3A_204 {strides = array<i32>} : memref<3072xi32, #tpu.memory_space<vmem>>, vector<16xi32>,
    %get3A_207 = arith.constant 112 : index
    %get3A_208 = tpu.vector_load %arg7[%get3A_207] {strides = array<i32>} : memref<3120xi32, #tpu.memory_space<vmem>>, vector<16xi32>,
    %broadcast_in_dim3A_209 = arith.constant 113 : i32
    %broadcast_in_dim3A_210 = vector.broadcast %broadcast_in_dim3A_209 : i32 to vector<16xi32>
    %add3A_211 = arith.addi %broadcast_in_dim3A_210, %iota3A : vector<16xi32>
    %gather3A_212 = tpu.vector_load_idx %arg7[%add3A_211] : memref<3120xi32, #tpu.memory_space<vmem>>[vector<16xi32>], vector<16xi32>,
    %sub3A_213 = arith.subi %gather3A_212, %get3A_208 : vector<16xi32>
    %swap3A_214 = arith.constant 112 : index
    %swap3A_215 = tpu.vector_load %arg8[%swap3A_214] {strides = array<i32>} : memref<3072xi32, #tpu.memory_space<vmem>>, vector<16xi32>,
    tpu.vector_store %arg8[%swap3A_214], %sub3A_213 {strides = array<i32>} : memref<3072xi32, #tpu.memory_space<vmem>>, vector<16xi32>,
    %add3A_216 = arith.addi %get3A_208, %neg3A_109 : vector<16xi32>
    %swap3A_217 = arith.constant 112 : index
    %swap3A_218 = tpu.vector_load %arg9[%swap3A_217] {strides = array<i32>} : memref<3072xi32, #tpu.memory_space<vmem>>, vector<16xi32>,
    tpu.vector_store %arg9[%swap3A_217], %add3A_216 {strides = array<i32>} : memref<3072xi32, #tpu.memory_space<vmem>>, vector<16xi32>,
    %get3A_219 = arith.constant 128 : index
    %get3A_220 = tpu.vector_load %arg7[%get3A_219] {strides = array<i32>} : memref<3120xi32, #tpu.memory_space<vmem>>, vector<16xi32>,
    %broadcast_in_dim3A_221 = arith.constant 129 : i32
    %broadcast_in_dim3A_222 = vector.broadcast %broadcast_in_dim3A_221 : i32 to vector<16xi32>
    %add3A_223 = arith.addi %broadcast_in_dim3A_222, %iota3A : vector<16xi32>
    %gather3A_224 = tpu.vector_load_idx %arg7[%add3A_223] : memref<3120xi32, #tpu.memory_space<vmem>>[vector<16xi32>], vector<16xi32>,
    %sub3A_225 = arith.subi %gather3A_224, %get3A_220 : vector<16xi32>
    %swap3A_226 = arith.constant 128 : index
    %swap3A_227 = tpu.vector_load %arg8[%swap3A_226] {strides = array<i32>} : memref<3072xi32, #tpu.memory_space<vmem>>, vector<16xi32>,
    tpu.vector_store %arg8[%swap3A_226], %sub3A_225 {strides = array<i32>} : memref<3072xi32, #tpu.memory_space<vmem>>, vector<16xi32>,
    %add3A_228 = arith.addi %get3A_220, %neg3A_109 : vector<16xi32>
    %swap3A_229 = arith.constant 128 : index
    %swap3A_230 = tpu.vector_load %arg9[%swap3A_229] {strides = array<i32>} : memref<3072xi32, #tpu.memory_space<vmem>>, vector<16xi32>,
    tpu.vector_store %arg9[%swap3A_229], %add3A_228 {strides = array<i32>} : memref<3072xi32, #tpu.memory_space<vmem>>, vector<16xi32>,
    %get3A_231 = arith.constant 144 : index
    %get3A_232 = tpu.vector_load %arg7[%get3A_231] {strides = array<i32>} : memref<3120xi32, #tpu.memory_space<vmem>>, vector<16xi32>,
    %broadcast_in_dim3A_233 = arith.constant 145 : i32
    %broadcast_in_dim3A_234 = vector.broadcast %broadcast_in_dim3A_233 : i32 to vector<16xi32>
    %add3A_235 = arith.addi %broadcast_in_dim3A_234, %iota3A : vector<16xi32>
    %gather3A_236 = tpu.vector_load_idx %arg7[%add3A_235] : memref<3120xi32, #tpu.memory_space<vmem>>[vector<16xi32>], vector<16xi32>,
    %sub3A_237 = arith.subi %gather3A_236, %get3A_232 : vector<16xi32>
    %swap3A_238 = arith.constant 144 : index
    %swap3A_239 = tpu.vector_load %arg8[%swap3A_238] {strides = array<i32>} : memref<3072xi32, #tpu.memory_space<vmem>>, vector<16xi32>,
    tpu.vector_store %arg8[%swap3A_238], %sub3A_237 {strides = array<i32>} : memref<3072xi32, #tpu.memory_space<vmem>>, vector<16xi32>,
    %add3A_240 = arith.addi %get3A_232, %neg3A_109 : vector<16xi32>
    %swap3A_241 = arith.constant 144 : index
    %swap3A_242 = tpu.vector_load %arg9[%swap3A_241] {strides = array<i32>} : memref<3072xi32, #tpu.memory_space<vmem>>, vector<16xi32>,
    tpu.vector_store %arg9[%swap3A_241], %add3A_240 {strides = array<i32>} : memref<3072xi32, #tpu.memory_space<vmem>>, vector<16xi32>,
    %get3A_243 = arith.constant 160 : index
    %get3A_244 = tpu.vector_load %arg7[%get3A_243] {strides = array<i32>} : memref<3120xi32, #tpu.memory_space<vmem>>, vector<16xi32>,
    %broadcast_in_dim3A_245 = arith.constant 161 : i32
    %broadcast_in_dim3A_246 = vector.broadcast %broadcast_in_dim3A_245 : i32 to vector<16xi32>
    %add3A_247 = arith.addi %broadcast_in_dim3A_246, %iota3A : vector<16xi32>
    %gather3A_248 = tpu.vector_load_idx %arg7[%add3A_247] : memref<3120xi32, #tpu.memory_space<vmem>>[vector<16xi32>], vector<16xi32>,
    %sub3A_249 = arith.subi %gather3A_248, %get3A_244 : vector<16xi32>
    %swap3A_250 = arith.constant 160 : index
    %swap3A_251 = tpu.vector_load %arg8[%swap3A_250] {strides = array<i32>} : memref<3072xi32, #tpu.memory_space<vmem>>, vector<16xi32>,
    tpu.vector_store %arg8[%swap3A_250], %sub3A_249 {strides = array<i32>} : memref<3072xi32, #tpu.memory_space<vmem>>, vector<16xi32>,
    %add3A_252 = arith.addi %get3A_244, %neg3A_109 : vector<16xi32>
    %swap3A_253 = arith.constant 160 : index
    %swap3A_254 = tpu.vector_load %arg9[%swap3A_253] {strides = array<i32>} : memref<3072xi32, #tpu.memory_space<vmem>>, vector<16xi32>,
    tpu.vector_store %arg9[%swap3A_253], %add3A_252 {strides = array<i32>} : memref<3072xi32, #tpu.memory_space<vmem>>, vector<16xi32>,
    %get3A_255 = arith.constant 176 : index
    %get3A_256 = tpu.vector_load %arg7[%get3A_255] {strides = array<i32>} : memref<3120xi32, #tpu.memory_space<vmem>>, vector<16xi32>,
    %broadcast_in_dim3A_257 = arith.constant 177 : i32
    %broadcast_in_dim3A_258 = vector.broadcast %broadcast_in_dim3A_257 : i32 to vector<16xi32>
    %add3A_259 = arith.addi %broadcast_in_dim3A_258, %iota3A : vector<16xi32>
    %gather3A_260 = tpu.vector_load_idx %arg7[%add3A_259] : memref<3120xi32, #tpu.memory_space<vmem>>[vector<16xi32>], vector<16xi32>,
    %sub3A_261 = arith.subi %gather3A_260, %get3A_256 : vector<16xi32>
    %swap3A_262 = arith.constant 176 : index
    %swap3A_263 = tpu.vector_load %arg8[%swap3A_262] {strides = array<i32>} : memref<3072xi32, #tpu.memory_space<vmem>>, vector<16xi32>,
    tpu.vector_store %arg8[%swap3A_262], %sub3A_261 {strides = array<i32>} : memref<3072xi32, #tpu.memory_space<vmem>>, vector<16xi32>,
    %add3A_264 = arith.addi %get3A_256, %neg3A_109 : vector<16xi32>
    %swap3A_265 = arith.constant 176 : index
    %swap3A_266 = tpu.vector_load %arg9[%swap3A_265] {strides = array<i32>} : memref<3072xi32, #tpu.memory_space<vmem>>, vector<16xi32>,
    tpu.vector_store %arg9[%swap3A_265], %add3A_264 {strides = array<i32>} : memref<3072xi32, #tpu.memory_space<vmem>>, vector<16xi32>,
    %get3A_267 = arith.constant 192 : index
    %get3A_268 = tpu.vector_load %arg7[%get3A_267] {strides = array<i32>} : memref<3120xi32, #tpu.memory_space<vmem>>, vector<16xi32>,
    %broadcast_in_dim3A_269 = arith.constant 193 : i32
    %broadcast_in_dim3A_270 = vector.broadcast %broadcast_in_dim3A_269 : i32 to vector<16xi32>
    %add3A_271 = arith.addi %broadcast_in_dim3A_270, %iota3A : vector<16xi32>
    %gather3A_272 = tpu.vector_load_idx %arg7[%add3A_271] : memref<3120xi32, #tpu.memory_space<vmem>>[vector<16xi32>], vector<16xi32>,
    %sub3A_273 = arith.subi %gather3A_272, %get3A_268 : vector<16xi32>
    %swap3A_274 = arith.constant 192 : index
    %swap3A_275 = tpu.vector_load %arg8[%swap3A_274] {strides = array<i32>} : memref<3072xi32, #tpu.memory_space<vmem>>, vector<16xi32>,
    tpu.vector_store %arg8[%swap3A_274], %sub3A_273 {strides = array<i32>} : memref<3072xi32, #tpu.memory_space<vmem>>, vector<16xi32>,
    %add3A_276 = arith.addi %get3A_268, %neg3A_109 : vector<16xi32>
    %swap3A_277 = arith.constant 192 : index
    %swap3A_278 = tpu.vector_load %arg9[%swap3A_277] {strides = array<i32>} : memref<3072xi32, #tpu.memory_space<vmem>>, vector<16xi32>,
    tpu.vector_store %arg9[%swap3A_277], %add3A_276 {strides = array<i32>} : memref<3072xi32, #tpu.memory_space<vmem>>, vector<16xi32>,
    %get3A_279 = arith.constant 208 : index
    %get3A_280 = tpu.vector_load %arg7[%get3A_279] {strides = array<i32>} : memref<3120xi32, #tpu.memory_space<vmem>>, vector<16xi32>,
    %broadcast_in_dim3A_281 = arith.constant 209 : i32
    %broadcast_in_dim3A_282 = vector.broadcast %broadcast_in_dim3A_281 : i32 to vector<16xi32>
    %add3A_283 = arith.addi %broadcast_in_dim3A_282, %iota3A : vector<16xi32>
    %gather3A_284 = tpu.vector_load_idx %arg7[%add3A_283] : memref<3120xi32, #tpu.memory_space<vmem>>[vector<16xi32>], vector<16xi32>,
    %sub3A_285 = arith.subi %gather3A_284, %get3A_280 : vector<16xi32>
    %swap3A_286 = arith.constant 208 : index
    %swap3A_287 = tpu.vector_load %arg8[%swap3A_286] {strides = array<i32>} : memref<3072xi32, #tpu.memory_space<vmem>>, vector<16xi32>,
    tpu.vector_store %arg8[%swap3A_286], %sub3A_285 {strides = array<i32>} : memref<3072xi32, #tpu.memory_space<vmem>>, vector<16xi32>,
    %add3A_288 = arith.addi %get3A_280, %neg3A_109 : vector<16xi32>
    %swap3A_289 = arith.constant 208 : index
    %swap3A_290 = tpu.vector_load %arg9[%swap3A_289] {strides = array<i32>} : memref<3072xi32, #tpu.memory_space<vmem>>, vector<16xi32>,
    tpu.vector_store %arg9[%swap3A_289], %add3A_288 {strides = array<i32>} : memref<3072xi32, #tpu.memory_space<vmem>>, vector<16xi32>,
    %get3A_291 = arith.constant 224 : index
    %get3A_292 = tpu.vector_load %arg7[%get3A_291] {strides = array<i32>} : memref<3120xi32, #tpu.memory_space<vmem>>, vector<16xi32>,
    %broadcast_in_dim3A_293 = arith.constant 225 : i32
    %broadcast_in_dim3A_294 = vector.broadcast %broadcast_in_dim3A_293 : i32 to vector<16xi32>
    %add3A_295 = arith.addi %broadcast_in_dim3A_294, %iota3A : vector<16xi32>
    %gather3A_296 = tpu.vector_load_idx %arg7[%add3A_295] : memref<3120xi32, #tpu.memory_space<vmem>>[vector<16xi32>], vector<16xi32>,
    %sub3A_297 = arith.subi %gather3A_296, %get3A_292 : vector<16xi32>
    %swap3A_298 = arith.constant 224 : index
    %swap3A_299 = tpu.vector_load %arg8[%swap3A_298] {strides = array<i32>} : memref<3072xi32, #tpu.memory_space<vmem>>, vector<16xi32>,
    tpu.vector_store %arg8[%swap3A_298], %sub3A_297 {strides = array<i32>} : memref<3072xi32, #tpu.memory_space<vmem>>, vector<16xi32>,
    %add3A_300 = arith.addi %get3A_292, %neg3A_109 : vector<16xi32>
    %swap3A_301 = arith.constant 224 : index
    %swap3A_302 = tpu.vector_load %arg9[%swap3A_301] {strides = array<i32>} : memref<3072xi32, #tpu.memory_space<vmem>>, vector<16xi32>,
    tpu.vector_store %arg9[%swap3A_301], %add3A_300 {strides = array<i32>} : memref<3072xi32, #tpu.memory_space<vmem>>, vector<16xi32>,
    %get3A_303 = arith.constant 240 : index
    %get3A_304 = tpu.vector_load %arg7[%get3A_303] {strides = array<i32>} : memref<3120xi32, #tpu.memory_space<vmem>>, vector<16xi32>,
    %broadcast_in_dim3A_305 = arith.constant 241 : i32
    %broadcast_in_dim3A_306 = vector.broadcast %broadcast_in_dim3A_305 : i32 to vector<16xi32>
    %add3A_307 = arith.addi %broadcast_in_dim3A_306, %iota3A : vector<16xi32>
    %gather3A_308 = tpu.vector_load_idx %arg7[%add3A_307] : memref<3120xi32, #tpu.memory_space<vmem>>[vector<16xi32>], vector<16xi32>,
    %sub3A_309 = arith.subi %gather3A_308, %get3A_304 : vector<16xi32>
    %swap3A_310 = arith.constant 240 : index
    %swap3A_311 = tpu.vector_load %arg8[%swap3A_310] {strides = array<i32>} : memref<3072xi32, #tpu.memory_space<vmem>>, vector<16xi32>,
    tpu.vector_store %arg8[%swap3A_310], %sub3A_309 {strides = array<i32>} : memref<3072xi32, #tpu.memory_space<vmem>>, vector<16xi32>,
    %add3A_312 = arith.addi %get3A_304, %neg3A_109 : vector<16xi32>
    %swap3A_313 = arith.constant 240 : index
    %swap3A_314 = tpu.vector_load %arg9[%swap3A_313] {strides = array<i32>} : memref<3072xi32, #tpu.memory_space<vmem>>, vector<16xi32>,
    tpu.vector_store %arg9[%swap3A_313], %add3A_312 {strides = array<i32>} : memref<3072xi32, #tpu.memory_space<vmem>>, vector<16xi32>,
    %get3A_315 = arith.constant 256 : index
    %get3A_316 = tpu.vector_load %arg7[%get3A_315] {strides = array<i32>} : memref<3120xi32, #tpu.memory_space<vmem>>, vector<16xi32>,
    %broadcast_in_dim3A_317 = arith.constant 257 : i32
    %broadcast_in_dim3A_318 = vector.broadcast %broadcast_in_dim3A_317 : i32 to vector<16xi32>
    %add3A_319 = arith.addi %broadcast_in_dim3A_318, %iota3A : vector<16xi32>
    %gather3A_320 = tpu.vector_load_idx %arg7[%add3A_319] : memref<3120xi32, #tpu.memory_space<vmem>>[vector<16xi32>], vector<16xi32>,
    %sub3A_321 = arith.subi %gather3A_320, %get3A_316 : vector<16xi32>
    %swap3A_322 = arith.constant 256 : index
    %swap3A_323 = tpu.vector_load %arg8[%swap3A_322] {strides = array<i32>} : memref<3072xi32, #tpu.memory_space<vmem>>, vector<16xi32>,
    tpu.vector_store %arg8[%swap3A_322], %sub3A_321 {strides = array<i32>} : memref<3072xi32, #tpu.memory_space<vmem>>, vector<16xi32>,
    %add3A_324 = arith.addi %get3A_316, %neg3A_109 : vector<16xi32>
    %swap3A_325 = arith.constant 256 : index
    %swap3A_326 = tpu.vector_load %arg9[%swap3A_325] {strides = array<i32>} : memref<3072xi32, #tpu.memory_space<vmem>>, vector<16xi32>,
    tpu.vector_store %arg9[%swap3A_325], %add3A_324 {strides = array<i32>} : memref<3072xi32, #tpu.memory_space<vmem>>, vector<16xi32>,
    %get3A_327 = arith.constant 272 : index
    %get3A_328 = tpu.vector_load %arg7[%get3A_327] {strides = array<i32>} : memref<3120xi32, #tpu.memory_space<vmem>>, vector<16xi32>,
    %broadcast_in_dim3A_329 = arith.constant 273 : i32
    %broadcast_in_dim3A_330 = vector.broadcast %broadcast_in_dim3A_329 : i32 to vector<16xi32>
    %add3A_331 = arith.addi %broadcast_in_dim3A_330, %iota3A : vector<16xi32>
    %gather3A_332 = tpu.vector_load_idx %arg7[%add3A_331] : memref<3120xi32, #tpu.memory_space<vmem>>[vector<16xi32>], vector<16xi32>,
    %sub3A_333 = arith.subi %gather3A_332, %get3A_328 : vector<16xi32>
    %swap3A_334 = arith.constant 272 : index
    %swap3A_335 = tpu.vector_load %arg8[%swap3A_334] {strides = array<i32>} : memref<3072xi32, #tpu.memory_space<vmem>>, vector<16xi32>,
    tpu.vector_store %arg8[%swap3A_334], %sub3A_333 {strides = array<i32>} : memref<3072xi32, #tpu.memory_space<vmem>>, vector<16xi32>,
    %add3A_336 = arith.addi %get3A_328, %neg3A_109 : vector<16xi32>
    %swap3A_337 = arith.constant 272 : index
    %swap3A_338 = tpu.vector_load %arg9[%swap3A_337] {strides = array<i32>} : memref<3072xi32, #tpu.memory_space<vmem>>, vector<16xi32>,
    tpu.vector_store %arg9[%swap3A_337], %add3A_336 {strides = array<i32>} : memref<3072xi32, #tpu.memory_space<vmem>>, vector<16xi32>,
    %get3A_339 = arith.constant 288 : index
    %get3A_340 = tpu.vector_load %arg7[%get3A_339] {strides = array<i32>} : memref<3120xi32, #tpu.memory_space<vmem>>, vector<16xi32>,
    %broadcast_in_dim3A_341 = arith.constant 289 : i32
    %broadcast_in_dim3A_342 = vector.broadcast %broadcast_in_dim3A_341 : i32 to vector<16xi32>
    %add3A_343 = arith.addi %broadcast_in_dim3A_342, %iota3A : vector<16xi32>
    %gather3A_344 = tpu.vector_load_idx %arg7[%add3A_343] : memref<3120xi32, #tpu.memory_space<vmem>>[vector<16xi32>], vector<16xi32>,
    %sub3A_345 = arith.subi %gather3A_344, %get3A_340 : vector<16xi32>
    %swap3A_346 = arith.constant 288 : index
    %swap3A_347 = tpu.vector_load %arg8[%swap3A_346] {strides = array<i32>} : memref<3072xi32, #tpu.memory_space<vmem>>, vector<16xi32>,
    tpu.vector_store %arg8[%swap3A_346], %sub3A_345 {strides = array<i32>} : memref<3072xi32, #tpu.memory_space<vmem>>, vector<16xi32>,
    %add3A_348 = arith.addi %get3A_340, %neg3A_109 : vector<16xi32>
    %swap3A_349 = arith.constant 288 : index
    %swap3A_350 = tpu.vector_load %arg9[%swap3A_349] {strides = array<i32>} : memref<3072xi32, #tpu.memory_space<vmem>>, vector<16xi32>,
    tpu.vector_store %arg9[%swap3A_349], %add3A_348 {strides = array<i32>} : memref<3072xi32, #tpu.memory_space<vmem>>, vector<16xi32>,
    %get3A_351 = arith.constant 304 : index
    %get3A_352 = tpu.vector_load %arg7[%get3A_351] {strides = array<i32>} : memref<3120xi32, #tpu.memory_space<vmem>>, vector<16xi32>,
    %broadcast_in_dim3A_353 = arith.constant 305 : i32
    %broadcast_in_dim3A_354 = vector.broadcast %broadcast_in_dim3A_353 : i32 to vector<16xi32>
    %add3A_355 = arith.addi %broadcast_in_dim3A_354, %iota3A : vector<16xi32>
    %gather3A_356 = tpu.vector_load_idx %arg7[%add3A_355] : memref<3120xi32, #tpu.memory_space<vmem>>[vector<16xi32>], vector<16xi32>,
    %sub3A_357 = arith.subi %gather3A_356, %get3A_352 : vector<16xi32>
    %swap3A_358 = arith.constant 304 : index
    %swap3A_359 = tpu.vector_load %arg8[%swap3A_358] {strides = array<i32>} : memref<3072xi32, #tpu.memory_space<vmem>>, vector<16xi32>,
    tpu.vector_store %arg8[%swap3A_358], %sub3A_357 {strides = array<i32>} : memref<3072xi32, #tpu.memory_space<vmem>>, vector<16xi32>,
    %add3A_360 = arith.addi %get3A_352, %neg3A_109 : vector<16xi32>
    %swap3A_361 = arith.constant 304 : index
    %swap3A_362 = tpu.vector_load %arg9[%swap3A_361] {strides = array<i32>} : memref<3072xi32, #tpu.memory_space<vmem>>, vector<16xi32>,
    tpu.vector_store %arg9[%swap3A_361], %add3A_360 {strides = array<i32>} : memref<3072xi32, #tpu.memory_space<vmem>>, vector<16xi32>,
    %get3A_363 = arith.constant 320 : index
    %get3A_364 = tpu.vector_load %arg7[%get3A_363] {strides = array<i32>} : memref<3120xi32, #tpu.memory_space<vmem>>, vector<16xi32>,
    %broadcast_in_dim3A_365 = arith.constant 321 : i32
    %broadcast_in_dim3A_366 = vector.broadcast %broadcast_in_dim3A_365 : i32 to vector<16xi32>
    %add3A_367 = arith.addi %broadcast_in_dim3A_366, %iota3A : vector<16xi32>
    %gather3A_368 = tpu.vector_load_idx %arg7[%add3A_367] : memref<3120xi32, #tpu.memory_space<vmem>>[vector<16xi32>], vector<16xi32>,
    %sub3A_369 = arith.subi %gather3A_368, %get3A_364 : vector<16xi32>
    %swap3A_370 = arith.constant 320 : index
    %swap3A_371 = tpu.vector_load %arg8[%swap3A_370] {strides = array<i32>} : memref<3072xi32, #tpu.memory_space<vmem>>, vector<16xi32>,
    tpu.vector_store %arg8[%swap3A_370], %sub3A_369 {strides = array<i32>} : memref<3072xi32, #tpu.memory_space<vmem>>, vector<16xi32>,
    %add3A_372 = arith.addi %get3A_364, %neg3A_109 : vector<16xi32>
    %swap3A_373 = arith.constant 320 : index
    %swap3A_374 = tpu.vector_load %arg9[%swap3A_373] {strides = array<i32>} : memref<3072xi32, #tpu.memory_space<vmem>>, vector<16xi32>,
    tpu.vector_store %arg9[%swap3A_373], %add3A_372 {strides = array<i32>} : memref<3072xi32, #tpu.memory_space<vmem>>, vector<16xi32>,
    %get3A_375 = arith.constant 336 : index
    %get3A_376 = tpu.vector_load %arg7[%get3A_375] {strides = array<i32>} : memref<3120xi32, #tpu.memory_space<vmem>>, vector<16xi32>,
    %broadcast_in_dim3A_377 = arith.constant 337 : i32
    %broadcast_in_dim3A_378 = vector.broadcast %broadcast_in_dim3A_377 : i32 to vector<16xi32>
    %add3A_379 = arith.addi %broadcast_in_dim3A_378, %iota3A : vector<16xi32>
    %gather3A_380 = tpu.vector_load_idx %arg7[%add3A_379] : memref<3120xi32, #tpu.memory_space<vmem>>[vector<16xi32>], vector<16xi32>,
    %sub3A_381 = arith.subi %gather3A_380, %get3A_376 : vector<16xi32>
    %swap3A_382 = arith.constant 336 : index
    %swap3A_383 = tpu.vector_load %arg8[%swap3A_382] {strides = array<i32>} : memref<3072xi32, #tpu.memory_space<vmem>>, vector<16xi32>,
    tpu.vector_store %arg8[%swap3A_382], %sub3A_381 {strides = array<i32>} : memref<3072xi32, #tpu.memory_space<vmem>>, vector<16xi32>,
    %add3A_384 = arith.addi %get3A_376, %neg3A_109 : vector<16xi32>
    %swap3A_385 = arith.constant 336 : index
    %swap3A_386 = tpu.vector_load %arg9[%swap3A_385] {strides = array<i32>} : memref<3072xi32, #tpu.memory_space<vmem>>, vector<16xi32>,
    tpu.vector_store %arg9[%swap3A_385], %add3A_384 {strides = array<i32>} : memref<3072xi32, #tpu.memory_space<vmem>>, vector<16xi32>,
    %get3A_387 = arith.constant 352 : index
    %get3A_388 = tpu.vector_load %arg7[%get3A_387] {strides = array<i32>} : memref<3120xi32, #tpu.memory_space<vmem>>, vector<16xi32>,
    %broadcast_in_dim3A_389 = arith.constant 353 : i32
    %broadcast_in_dim3A_390 = vector.broadcast %broadcast_in_dim3A_389 : i32 to vector<16xi32>
    %add3A_391 = arith.addi %broadcast_in_dim3A_390, %iota3A : vector<16xi32>
    %gather3A_392 = tpu.vector_load_idx %arg7[%add3A_391] : memref<3120xi32, #tpu.memory_space<vmem>>[vector<16xi32>], vector<16xi32>,
    %sub3A_393 = arith.subi %gather3A_392, %get3A_388 : vector<16xi32>
    %swap3A_394 = arith.constant 352 : index
    %swap3A_395 = tpu.vector_load %arg8[%swap3A_394] {strides = array<i32>} : memref<3072xi32, #tpu.memory_space<vmem>>, vector<16xi32>,
    tpu.vector_store %arg8[%swap3A_394], %sub3A_393 {strides = array<i32>} : memref<3072xi32, #tpu.memory_space<vmem>>, vector<16xi32>,
    %add3A_396 = arith.addi %get3A_388, %neg3A_109 : vector<16xi32>
    %swap3A_397 = arith.constant 352 : index
    %swap3A_398 = tpu.vector_load %arg9[%swap3A_397] {strides = array<i32>} : memref<3072xi32, #tpu.memory_space<vmem>>, vector<16xi32>,
    tpu.vector_store %arg9[%swap3A_397], %add3A_396 {strides = array<i32>} : memref<3072xi32, #tpu.memory_space<vmem>>, vector<16xi32>,
    %get3A_399 = arith.constant 368 : index
    %get3A_400 = tpu.vector_load %arg7[%get3A_399] {strides = array<i32>} : memref<3120xi32, #tpu.memory_space<vmem>>, vector<16xi32>,
    %broadcast_in_dim3A_401 = arith.constant 369 : i32
    %broadcast_in_dim3A_402 = vector.broadcast %broadcast_in_dim3A_401 : i32 to vector<16xi32>
    %add3A_403 = arith.addi %broadcast_in_dim3A_402, %iota3A : vector<16xi32>
    %gather3A_404 = tpu.vector_load_idx %arg7[%add3A_403] : memref<3120xi32, #tpu.memory_space<vmem>>[vector<16xi32>], vector<16xi32>,
    %sub3A_405 = arith.subi %gather3A_404, %get3A_400 : vector<16xi32>
    %swap3A_406 = arith.constant 368 : index
    %swap3A_407 = tpu.vector_load %arg8[%swap3A_406] {strides = array<i32>} : memref<3072xi32, #tpu.memory_space<vmem>>, vector<16xi32>,
    tpu.vector_store %arg8[%swap3A_406], %sub3A_405 {strides = array<i32>} : memref<3072xi32, #tpu.memory_space<vmem>>, vector<16xi32>,
    %add3A_408 = arith.addi %get3A_400, %neg3A_109 : vector<16xi32>
    %swap3A_409 = arith.constant 368 : index
    %swap3A_410 = tpu.vector_load %arg9[%swap3A_409] {strides = array<i32>} : memref<3072xi32, #tpu.memory_space<vmem>>, vector<16xi32>,
    tpu.vector_store %arg9[%swap3A_409], %add3A_408 {strides = array<i32>} : memref<3072xi32, #tpu.memory_space<vmem>>, vector<16xi32>,
    %get3A_411 = arith.constant 384 : index
    %get3A_412 = tpu.vector_load %arg7[%get3A_411] {strides = array<i32>} : memref<3120xi32, #tpu.memory_space<vmem>>, vector<16xi32>,
    %broadcast_in_dim3A_413 = arith.constant 385 : i32
    %broadcast_in_dim3A_414 = vector.broadcast %broadcast_in_dim3A_413 : i32 to vector<16xi32>
    %add3A_415 = arith.addi %broadcast_in_dim3A_414, %iota3A : vector<16xi32>
    %gather3A_416 = tpu.vector_load_idx %arg7[%add3A_415] : memref<3120xi32, #tpu.memory_space<vmem>>[vector<16xi32>], vector<16xi32>,
    %sub3A_417 = arith.subi %gather3A_416, %get3A_412 : vector<16xi32>
    %swap3A_418 = arith.constant 384 : index
    %swap3A_419 = tpu.vector_load %arg8[%swap3A_418] {strides = array<i32>} : memref<3072xi32, #tpu.memory_space<vmem>>, vector<16xi32>,
    tpu.vector_store %arg8[%swap3A_418], %sub3A_417 {strides = array<i32>} : memref<3072xi32, #tpu.memory_space<vmem>>, vector<16xi32>,
    %add3A_420 = arith.addi %get3A_412, %neg3A_109 : vector<16xi32>
    %swap3A_421 = arith.constant 384 : index
    %swap3A_422 = tpu.vector_load %arg9[%swap3A_421] {strides = array<i32>} : memref<3072xi32, #tpu.memory_space<vmem>>, vector<16xi32>,
    tpu.vector_store %arg9[%swap3A_421], %add3A_420 {strides = array<i32>} : memref<3072xi32, #tpu.memory_space<vmem>>, vector<16xi32>,
    %get3A_423 = arith.constant 400 : index
    %get3A_424 = tpu.vector_load %arg7[%get3A_423] {strides = array<i32>} : memref<3120xi32, #tpu.memory_space<vmem>>, vector<16xi32>,
    %broadcast_in_dim3A_425 = arith.constant 401 : i32
    %broadcast_in_dim3A_426 = vector.broadcast %broadcast_in_dim3A_425 : i32 to vector<16xi32>
    %add3A_427 = arith.addi %broadcast_in_dim3A_426, %iota3A : vector<16xi32>
    %gather3A_428 = tpu.vector_load_idx %arg7[%add3A_427] : memref<3120xi32, #tpu.memory_space<vmem>>[vector<16xi32>], vector<16xi32>,
    %sub3A_429 = arith.subi %gather3A_428, %get3A_424 : vector<16xi32>
    %swap3A_430 = arith.constant 400 : index
    %swap3A_431 = tpu.vector_load %arg8[%swap3A_430] {strides = array<i32>} : memref<3072xi32, #tpu.memory_space<vmem>>, vector<16xi32>,
    tpu.vector_store %arg8[%swap3A_430], %sub3A_429 {strides = array<i32>} : memref<3072xi32, #tpu.memory_space<vmem>>, vector<16xi32>,
    %add3A_432 = arith.addi %get3A_424, %neg3A_109 : vector<16xi32>
    %swap3A_433 = arith.constant 400 : index
    %swap3A_434 = tpu.vector_load %arg9[%swap3A_433] {strides = array<i32>} : memref<3072xi32, #tpu.memory_space<vmem>>, vector<16xi32>,
    tpu.vector_store %arg9[%swap3A_433], %add3A_432 {strides = array<i32>} : memref<3072xi32, #tpu.memory_space<vmem>>, vector<16xi32>,
    %get3A_435 = arith.constant 416 : index
    %get3A_436 = tpu.vector_load %arg7[%get3A_435] {strides = array<i32>} : memref<3120xi32, #tpu.memory_space<vmem>>, vector<16xi32>,
    %broadcast_in_dim3A_437 = arith.constant 417 : i32
    %broadcast_in_dim3A_438 = vector.broadcast %broadcast_in_dim3A_437 : i32 to vector<16xi32>
    %add3A_439 = arith.addi %broadcast_in_dim3A_438, %iota3A : vector<16xi32>
    %gather3A_440 = tpu.vector_load_idx %arg7[%add3A_439] : memref<3120xi32, #tpu.memory_space<vmem>>[vector<16xi32>], vector<16xi32>,
    %sub3A_441 = arith.subi %gather3A_440, %get3A_436 : vector<16xi32>
    %swap3A_442 = arith.constant 416 : index
    %swap3A_443 = tpu.vector_load %arg8[%swap3A_442] {strides = array<i32>} : memref<3072xi32, #tpu.memory_space<vmem>>, vector<16xi32>,
    tpu.vector_store %arg8[%swap3A_442], %sub3A_441 {strides = array<i32>} : memref<3072xi32, #tpu.memory_space<vmem>>, vector<16xi32>,
    %add3A_444 = arith.addi %get3A_436, %neg3A_109 : vector<16xi32>
    %swap3A_445 = arith.constant 416 : index
    %swap3A_446 = tpu.vector_load %arg9[%swap3A_445] {strides = array<i32>} : memref<3072xi32, #tpu.memory_space<vmem>>, vector<16xi32>,
    tpu.vector_store %arg9[%swap3A_445], %add3A_444 {strides = array<i32>} : memref<3072xi32, #tpu.memory_space<vmem>>, vector<16xi32>,
    %get3A_447 = arith.constant 432 : index
    %get3A_448 = tpu.vector_load %arg7[%get3A_447] {strides = array<i32>} : memref<3120xi32, #tpu.memory_space<vmem>>, vector<16xi32>,
    %broadcast_in_dim3A_449 = arith.constant 433 : i32
    %broadcast_in_dim3A_450 = vector.broadcast %broadcast_in_dim3A_449 : i32 to vector<16xi32>
    %add3A_451 = arith.addi %broadcast_in_dim3A_450, %iota3A : vector<16xi32>
    %gather3A_452 = tpu.vector_load_idx %arg7[%add3A_451] : memref<3120xi32, #tpu.memory_space<vmem>>[vector<16xi32>], vector<16xi32>,
    %sub3A_453 = arith.subi %gather3A_452, %get3A_448 : vector<16xi32>
    %swap3A_454 = arith.constant 432 : index
    %swap3A_455 = tpu.vector_load %arg8[%swap3A_454] {strides = array<i32>} : memref<3072xi32, #tpu.memory_space<vmem>>, vector<16xi32>,
    tpu.vector_store %arg8[%swap3A_454], %sub3A_453 {strides = array<i32>} : memref<3072xi32, #tpu.memory_space<vmem>>, vector<16xi32>,
    %add3A_456 = arith.addi %get3A_448, %neg3A_109 : vector<16xi32>
    %swap3A_457 = arith.constant 432 : index
    %swap3A_458 = tpu.vector_load %arg9[%swap3A_457] {strides = array<i32>} : memref<3072xi32, #tpu.memory_space<vmem>>, vector<16xi32>,
    tpu.vector_store %arg9[%swap3A_457], %add3A_456 {strides = array<i32>} : memref<3072xi32, #tpu.memory_space<vmem>>, vector<16xi32>,
    %get3A_459 = arith.constant 448 : index
    %get3A_460 = tpu.vector_load %arg7[%get3A_459] {strides = array<i32>} : memref<3120xi32, #tpu.memory_space<vmem>>, vector<16xi32>,
    %broadcast_in_dim3A_461 = arith.constant 449 : i32
    %broadcast_in_dim3A_462 = vector.broadcast %broadcast_in_dim3A_461 : i32 to vector<16xi32>
    %add3A_463 = arith.addi %broadcast_in_dim3A_462, %iota3A : vector<16xi32>
    %gather3A_464 = tpu.vector_load_idx %arg7[%add3A_463] : memref<3120xi32, #tpu.memory_space<vmem>>[vector<16xi32>], vector<16xi32>,
    %sub3A_465 = arith.subi %gather3A_464, %get3A_460 : vector<16xi32>
    %swap3A_466 = arith.constant 448 : index
    %swap3A_467 = tpu.vector_load %arg8[%swap3A_466] {strides = array<i32>} : memref<3072xi32, #tpu.memory_space<vmem>>, vector<16xi32>,
    tpu.vector_store %arg8[%swap3A_466], %sub3A_465 {strides = array<i32>} : memref<3072xi32, #tpu.memory_space<vmem>>, vector<16xi32>,
    %add3A_468 = arith.addi %get3A_460, %neg3A_109 : vector<16xi32>
    %swap3A_469 = arith.constant 448 : index
    %swap3A_470 = tpu.vector_load %arg9[%swap3A_469] {strides = array<i32>} : memref<3072xi32, #tpu.memory_space<vmem>>, vector<16xi32>,
    tpu.vector_store %arg9[%swap3A_469], %add3A_468 {strides = array<i32>} : memref<3072xi32, #tpu.memory_space<vmem>>, vector<16xi32>,
    %get3A_471 = arith.constant 464 : index
    %get3A_472 = tpu.vector_load %arg7[%get3A_471] {strides = array<i32>} : memref<3120xi32, #tpu.memory_space<vmem>>, vector<16xi32>,
    %broadcast_in_dim3A_473 = arith.constant 465 : i32
    %broadcast_in_dim3A_474 = vector.broadcast %broadcast_in_dim3A_473 : i32 to vector<16xi32>
    %add3A_475 = arith.addi %broadcast_in_dim3A_474, %iota3A : vector<16xi32>
    %gather3A_476 = tpu.vector_load_idx %arg7[%add3A_475] : memref<3120xi32, #tpu.memory_space<vmem>>[vector<16xi32>], vector<16xi32>,
    %sub3A_477 = arith.subi %gather3A_476, %get3A_472 : vector<16xi32>
    %swap3A_478 = arith.constant 464 : index
    %swap3A_479 = tpu.vector_load %arg8[%swap3A_478] {strides = array<i32>} : memref<3072xi32, #tpu.memory_space<vmem>>, vector<16xi32>,
    tpu.vector_store %arg8[%swap3A_478], %sub3A_477 {strides = array<i32>} : memref<3072xi32, #tpu.memory_space<vmem>>, vector<16xi32>,
    %add3A_480 = arith.addi %get3A_472, %neg3A_109 : vector<16xi32>
    %swap3A_481 = arith.constant 464 : index
    %swap3A_482 = tpu.vector_load %arg9[%swap3A_481] {strides = array<i32>} : memref<3072xi32, #tpu.memory_space<vmem>>, vector<16xi32>,
    tpu.vector_store %arg9[%swap3A_481], %add3A_480 {strides = array<i32>} : memref<3072xi32, #tpu.memory_space<vmem>>, vector<16xi32>,
    %get3A_483 = arith.constant 480 : index
    %get3A_484 = tpu.vector_load %arg7[%get3A_483] {strides = array<i32>} : memref<3120xi32, #tpu.memory_space<vmem>>, vector<16xi32>,
    %broadcast_in_dim3A_485 = arith.constant 481 : i32
    %broadcast_in_dim3A_486 = vector.broadcast %broadcast_in_dim3A_485 : i32 to vector<16xi32>
    %add3A_487 = arith.addi %broadcast_in_dim3A_486, %iota3A : vector<16xi32>
    %gather3A_488 = tpu.vector_load_idx %arg7[%add3A_487] : memref<3120xi32, #tpu.memory_space<vmem>>[vector<16xi32>], vector<16xi32>,
    %sub3A_489 = arith.subi %gather3A_488, %get3A_484 : vector<16xi32>
    %swap3A_490 = arith.constant 480 : index
    %swap3A_491 = tpu.vector_load %arg8[%swap3A_490] {strides = array<i32>} : memref<3072xi32, #tpu.memory_space<vmem>>, vector<16xi32>,
    tpu.vector_store %arg8[%swap3A_490], %sub3A_489 {strides = array<i32>} : memref<3072xi32, #tpu.memory_space<vmem>>, vector<16xi32>,
    %add3A_492 = arith.addi %get3A_484, %neg3A_109 : vector<16xi32>
    %swap3A_493 = arith.constant 480 : index
    %swap3A_494 = tpu.vector_load %arg9[%swap3A_493] {strides = array<i32>} : memref<3072xi32, #tpu.memory_space<vmem>>, vector<16xi32>,
    tpu.vector_store %arg9[%swap3A_493], %add3A_492 {strides = array<i32>} : memref<3072xi32, #tpu.memory_space<vmem>>, vector<16xi32>,
    %get3A_495 = arith.constant 496 : index
    %get3A_496 = tpu.vector_load %arg7[%get3A_495] {strides = array<i32>} : memref<3120xi32, #tpu.memory_space<vmem>>, vector<16xi32>,
    %broadcast_in_dim3A_497 = arith.constant 497 : i32
    %broadcast_in_dim3A_498 = vector.broadcast %broadcast_in_dim3A_497 : i32 to vector<16xi32>
    %add3A_499 = arith.addi %broadcast_in_dim3A_498, %iota3A : vector<16xi32>
    %gather3A_500 = tpu.vector_load_idx %arg7[%add3A_499] : memref<3120xi32, #tpu.memory_space<vmem>>[vector<16xi32>], vector<16xi32>,
    %sub3A_501 = arith.subi %gather3A_500, %get3A_496 : vector<16xi32>
    %swap3A_502 = arith.constant 496 : index
    %swap3A_503 = tpu.vector_load %arg8[%swap3A_502] {strides = array<i32>} : memref<3072xi32, #tpu.memory_space<vmem>>, vector<16xi32>,
    tpu.vector_store %arg8[%swap3A_502], %sub3A_501 {strides = array<i32>} : memref<3072xi32, #tpu.memory_space<vmem>>, vector<16xi32>,
    %add3A_504 = arith.addi %get3A_496, %neg3A_109 : vector<16xi32>
    %swap3A_505 = arith.constant 496 : index
    %swap3A_506 = tpu.vector_load %arg9[%swap3A_505] {strides = array<i32>} : memref<3072xi32, #tpu.memory_space<vmem>>, vector<16xi32>,
    tpu.vector_store %arg9[%swap3A_505], %add3A_504 {strides = array<i32>} : memref<3072xi32, #tpu.memory_space<vmem>>, vector<16xi32>,
    %get3A_507 = arith.constant 512 : index
    %get3A_508 = tpu.vector_load %arg7[%get3A_507] {strides = array<i32>} : memref<3120xi32, #tpu.memory_space<vmem>>, vector<16xi32>,
    %broadcast_in_dim3A_509 = arith.constant 513 : i32
    %broadcast_in_dim3A_510 = vector.broadcast %broadcast_in_dim3A_509 : i32 to vector<16xi32>
    %add3A_511 = arith.addi %broadcast_in_dim3A_510, %iota3A : vector<16xi32>
    %gather3A_512 = tpu.vector_load_idx %arg7[%add3A_511] : memref<3120xi32, #tpu.memory_space<vmem>>[vector<16xi32>], vector<16xi32>,
    %sub3A_513 = arith.subi %gather3A_512, %get3A_508 : vector<16xi32>
    %swap3A_514 = arith.constant 512 : index
    %swap3A_515 = tpu.vector_load %arg8[%swap3A_514] {strides = array<i32>} : memref<3072xi32, #tpu.memory_space<vmem>>, vector<16xi32>,
    tpu.vector_store %arg8[%swap3A_514], %sub3A_513 {strides = array<i32>} : memref<3072xi32, #tpu.memory_space<vmem>>, vector<16xi32>,
    %add3A_516 = arith.addi %get3A_508, %neg3A_109 : vector<16xi32>
    %swap3A_517 = arith.constant 512 : index
    %swap3A_518 = tpu.vector_load %arg9[%swap3A_517] {strides = array<i32>} : memref<3072xi32, #tpu.memory_space<vmem>>, vector<16xi32>,
    tpu.vector_store %arg9[%swap3A_517], %add3A_516 {strides = array<i32>} : memref<3072xi32, #tpu.memory_space<vmem>>, vector<16xi32>,
    %get3A_519 = arith.constant 528 : index
    %get3A_520 = tpu.vector_load %arg7[%get3A_519] {strides = array<i32>} : memref<3120xi32, #tpu.memory_space<vmem>>, vector<16xi32>,
    %broadcast_in_dim3A_521 = arith.constant 529 : i32
    %broadcast_in_dim3A_522 = vector.broadcast %broadcast_in_dim3A_521 : i32 to vector<16xi32>
    %add3A_523 = arith.addi %broadcast_in_dim3A_522, %iota3A : vector<16xi32>
    %gather3A_524 = tpu.vector_load_idx %arg7[%add3A_523] : memref<3120xi32, #tpu.memory_space<vmem>>[vector<16xi32>], vector<16xi32>,
    %sub3A_525 = arith.subi %gather3A_524, %get3A_520 : vector<16xi32>
    %swap3A_526 = arith.constant 528 : index
    %swap3A_527 = tpu.vector_load %arg8[%swap3A_526] {strides = array<i32>} : memref<3072xi32, #tpu.memory_space<vmem>>, vector<16xi32>,
    tpu.vector_store %arg8[%swap3A_526], %sub3A_525 {strides = array<i32>} : memref<3072xi32, #tpu.memory_space<vmem>>, vector<16xi32>,
    %add3A_528 = arith.addi %get3A_520, %neg3A_109 : vector<16xi32>
    %swap3A_529 = arith.constant 528 : index
    %swap3A_530 = tpu.vector_load %arg9[%swap3A_529] {strides = array<i32>} : memref<3072xi32, #tpu.memory_space<vmem>>, vector<16xi32>,
    tpu.vector_store %arg9[%swap3A_529], %add3A_528 {strides = array<i32>} : memref<3072xi32, #tpu.memory_space<vmem>>, vector<16xi32>,
    %get3A_531 = arith.constant 544 : index
    %get3A_532 = tpu.vector_load %arg7[%get3A_531] {strides = array<i32>} : memref<3120xi32, #tpu.memory_space<vmem>>, vector<16xi32>,
    %broadcast_in_dim3A_533 = arith.constant 545 : i32
    %broadcast_in_dim3A_534 = vector.broadcast %broadcast_in_dim3A_533 : i32 to vector<16xi32>
    %add3A_535 = arith.addi %broadcast_in_dim3A_534, %iota3A : vector<16xi32>
    %gather3A_536 = tpu.vector_load_idx %arg7[%add3A_535] : memref<3120xi32, #tpu.memory_space<vmem>>[vector<16xi32>], vector<16xi32>,
    %sub3A_537 = arith.subi %gather3A_536, %get3A_532 : vector<16xi32>
    %swap3A_538 = arith.constant 544 : index
    %swap3A_539 = tpu.vector_load %arg8[%swap3A_538] {strides = array<i32>} : memref<3072xi32, #tpu.memory_space<vmem>>, vector<16xi32>,
    tpu.vector_store %arg8[%swap3A_538], %sub3A_537 {strides = array<i32>} : memref<3072xi32, #tpu.memory_space<vmem>>, vector<16xi32>,
    %add3A_540 = arith.addi %get3A_532, %neg3A_109 : vector<16xi32>
    %swap3A_541 = arith.constant 544 : index
    %swap3A_542 = tpu.vector_load %arg9[%swap3A_541] {strides = array<i32>} : memref<3072xi32, #tpu.memory_space<vmem>>, vector<16xi32>,
    tpu.vector_store %arg9[%swap3A_541], %add3A_540 {strides = array<i32>} : memref<3072xi32, #tpu.memory_space<vmem>>, vector<16xi32>,
    %get3A_543 = arith.constant 560 : index
    %get3A_544 = tpu.vector_load %arg7[%get3A_543] {strides = array<i32>} : memref<3120xi32, #tpu.memory_space<vmem>>, vector<16xi32>,
    %broadcast_in_dim3A_545 = arith.constant 561 : i32
    %broadcast_in_dim3A_546 = vector.broadcast %broadcast_in_dim3A_545 : i32 to vector<16xi32>
    %add3A_547 = arith.addi %broadcast_in_dim3A_546, %iota3A : vector<16xi32>
    %gather3A_548 = tpu.vector_load_idx %arg7[%add3A_547] : memref<3120xi32, #tpu.memory_space<vmem>>[vector<16xi32>], vector<16xi32>,
    %sub3A_549 = arith.subi %gather3A_548, %get3A_544 : vector<16xi32>
    %swap3A_550 = arith.constant 560 : index
    %swap3A_551 = tpu.vector_load %arg8[%swap3A_550] {strides = array<i32>} : memref<3072xi32, #tpu.memory_space<vmem>>, vector<16xi32>,
    tpu.vector_store %arg8[%swap3A_550], %sub3A_549 {strides = array<i32>} : memref<3072xi32, #tpu.memory_space<vmem>>, vector<16xi32>,
    %add3A_552 = arith.addi %get3A_544, %neg3A_109 : vector<16xi32>
    %swap3A_553 = arith.constant 560 : index
    %swap3A_554 = tpu.vector_load %arg9[%swap3A_553] {strides = array<i32>} : memref<3072xi32, #tpu.memory_space<vmem>>, vector<16xi32>,
    tpu.vector_store %arg9[%swap3A_553], %add3A_552 {strides = array<i32>} : memref<3072xi32, #tpu.memory_space<vmem>>, vector<16xi32>,
    %get3A_555 = arith.constant 576 : index
    %get3A_556 = tpu.vector_load %arg7[%get3A_555] {strides = array<i32>} : memref<3120xi32, #tpu.memory_space<vmem>>, vector<16xi32>,
    %broadcast_in_dim3A_557 = arith.constant 577 : i32
    %broadcast_in_dim3A_558 = vector.broadcast %broadcast_in_dim3A_557 : i32 to vector<16xi32>
    %add3A_559 = arith.addi %broadcast_in_dim3A_558, %iota3A : vector<16xi32>
    %gather3A_560 = tpu.vector_load_idx %arg7[%add3A_559] : memref<3120xi32, #tpu.memory_space<vmem>>[vector<16xi32>], vector<16xi32>,
    %sub3A_561 = arith.subi %gather3A_560, %get3A_556 : vector<16xi32>
    %swap3A_562 = arith.constant 576 : index
    %swap3A_563 = tpu.vector_load %arg8[%swap3A_562] {strides = array<i32>} : memref<3072xi32, #tpu.memory_space<vmem>>, vector<16xi32>,
    tpu.vector_store %arg8[%swap3A_562], %sub3A_561 {strides = array<i32>} : memref<3072xi32, #tpu.memory_space<vmem>>, vector<16xi32>,
    %add3A_564 = arith.addi %get3A_556, %neg3A_109 : vector<16xi32>
    %swap3A_565 = arith.constant 576 : index
    %swap3A_566 = tpu.vector_load %arg9[%swap3A_565] {strides = array<i32>} : memref<3072xi32, #tpu.memory_space<vmem>>, vector<16xi32>,
    tpu.vector_store %arg9[%swap3A_565], %add3A_564 {strides = array<i32>} : memref<3072xi32, #tpu.memory_space<vmem>>, vector<16xi32>,
    %get3A_567 = arith.constant 592 : index
    %get3A_568 = tpu.vector_load %arg7[%get3A_567] {strides = array<i32>} : memref<3120xi32, #tpu.memory_space<vmem>>, vector<16xi32>,
    %broadcast_in_dim3A_569 = arith.constant 593 : i32
    %broadcast_in_dim3A_570 = vector.broadcast %broadcast_in_dim3A_569 : i32 to vector<16xi32>
    %add3A_571 = arith.addi %broadcast_in_dim3A_570, %iota3A : vector<16xi32>
    %gather3A_572 = tpu.vector_load_idx %arg7[%add3A_571] : memref<3120xi32, #tpu.memory_space<vmem>>[vector<16xi32>], vector<16xi32>,
    %sub3A_573 = arith.subi %gather3A_572, %get3A_568 : vector<16xi32>
    %swap3A_574 = arith.constant 592 : index
    %swap3A_575 = tpu.vector_load %arg8[%swap3A_574] {strides = array<i32>} : memref<3072xi32, #tpu.memory_space<vmem>>, vector<16xi32>,
    tpu.vector_store %arg8[%swap3A_574], %sub3A_573 {strides = array<i32>} : memref<3072xi32, #tpu.memory_space<vmem>>, vector<16xi32>,
    %add3A_576 = arith.addi %get3A_568, %neg3A_109 : vector<16xi32>
    %swap3A_577 = arith.constant 592 : index
    %swap3A_578 = tpu.vector_load %arg9[%swap3A_577] {strides = array<i32>} : memref<3072xi32, #tpu.memory_space<vmem>>, vector<16xi32>,
    tpu.vector_store %arg9[%swap3A_577], %add3A_576 {strides = array<i32>} : memref<3072xi32, #tpu.memory_space<vmem>>, vector<16xi32>,
    %get3A_579 = arith.constant 608 : index
    %get3A_580 = tpu.vector_load %arg7[%get3A_579] {strides = array<i32>} : memref<3120xi32, #tpu.memory_space<vmem>>, vector<16xi32>,
    %broadcast_in_dim3A_581 = arith.constant 609 : i32
    %broadcast_in_dim3A_582 = vector.broadcast %broadcast_in_dim3A_581 : i32 to vector<16xi32>
    %add3A_583 = arith.addi %broadcast_in_dim3A_582, %iota3A : vector<16xi32>
    %gather3A_584 = tpu.vector_load_idx %arg7[%add3A_583] : memref<3120xi32, #tpu.memory_space<vmem>>[vector<16xi32>], vector<16xi32>,
    %sub3A_585 = arith.subi %gather3A_584, %get3A_580 : vector<16xi32>
    %swap3A_586 = arith.constant 608 : index
    %swap3A_587 = tpu.vector_load %arg8[%swap3A_586] {strides = array<i32>} : memref<3072xi32, #tpu.memory_space<vmem>>, vector<16xi32>,
    tpu.vector_store %arg8[%swap3A_586], %sub3A_585 {strides = array<i32>} : memref<3072xi32, #tpu.memory_space<vmem>>, vector<16xi32>,
    %add3A_588 = arith.addi %get3A_580, %neg3A_109 : vector<16xi32>
    %swap3A_589 = arith.constant 608 : index
    %swap3A_590 = tpu.vector_load %arg9[%swap3A_589] {strides = array<i32>} : memref<3072xi32, #tpu.memory_space<vmem>>, vector<16xi32>,
    tpu.vector_store %arg9[%swap3A_589], %add3A_588 {strides = array<i32>} : memref<3072xi32, #tpu.memory_space<vmem>>, vector<16xi32>,
    %get3A_591 = arith.constant 624 : index
    %get3A_592 = tpu.vector_load %arg7[%get3A_591] {strides = array<i32>} : memref<3120xi32, #tpu.memory_space<vmem>>, vector<16xi32>,
    %broadcast_in_dim3A_593 = arith.constant 625 : i32
    %broadcast_in_dim3A_594 = vector.broadcast %broadcast_in_dim3A_593 : i32 to vector<16xi32>
    %add3A_595 = arith.addi %broadcast_in_dim3A_594, %iota3A : vector<16xi32>
    %gather3A_596 = tpu.vector_load_idx %arg7[%add3A_595] : memref<3120xi32, #tpu.memory_space<vmem>>[vector<16xi32>], vector<16xi32>,
    %sub3A_597 = arith.subi %gather3A_596, %get3A_592 : vector<16xi32>
    %swap3A_598 = arith.constant 624 : index
    %swap3A_599 = tpu.vector_load %arg8[%swap3A_598] {strides = array<i32>} : memref<3072xi32, #tpu.memory_space<vmem>>, vector<16xi32>,
    tpu.vector_store %arg8[%swap3A_598], %sub3A_597 {strides = array<i32>} : memref<3072xi32, #tpu.memory_space<vmem>>, vector<16xi32>,
    %add3A_600 = arith.addi %get3A_592, %neg3A_109 : vector<16xi32>
    %swap3A_601 = arith.constant 624 : index
    %swap3A_602 = tpu.vector_load %arg9[%swap3A_601] {strides = array<i32>} : memref<3072xi32, #tpu.memory_space<vmem>>, vector<16xi32>,
    tpu.vector_store %arg9[%swap3A_601], %add3A_600 {strides = array<i32>} : memref<3072xi32, #tpu.memory_space<vmem>>, vector<16xi32>,
    %get3A_603 = arith.constant 640 : index
    %get3A_604 = tpu.vector_load %arg7[%get3A_603] {strides = array<i32>} : memref<3120xi32, #tpu.memory_space<vmem>>, vector<16xi32>,
    %broadcast_in_dim3A_605 = arith.constant 641 : i32
    %broadcast_in_dim3A_606 = vector.broadcast %broadcast_in_dim3A_605 : i32 to vector<16xi32>
    %add3A_607 = arith.addi %broadcast_in_dim3A_606, %iota3A : vector<16xi32>
    %gather3A_608 = tpu.vector_load_idx %arg7[%add3A_607] : memref<3120xi32, #tpu.memory_space<vmem>>[vector<16xi32>], vector<16xi32>,
    %sub3A_609 = arith.subi %gather3A_608, %get3A_604 : vector<16xi32>
    %swap3A_610 = arith.constant 640 : index
    %swap3A_611 = tpu.vector_load %arg8[%swap3A_610] {strides = array<i32>} : memref<3072xi32, #tpu.memory_space<vmem>>, vector<16xi32>,
    tpu.vector_store %arg8[%swap3A_610], %sub3A_609 {strides = array<i32>} : memref<3072xi32, #tpu.memory_space<vmem>>, vector<16xi32>,
    %add3A_612 = arith.addi %get3A_604, %neg3A_109 : vector<16xi32>
    %swap3A_613 = arith.constant 640 : index
    %swap3A_614 = tpu.vector_load %arg9[%swap3A_613] {strides = array<i32>} : memref<3072xi32, #tpu.memory_space<vmem>>, vector<16xi32>,
    tpu.vector_store %arg9[%swap3A_613], %add3A_612 {strides = array<i32>} : memref<3072xi32, #tpu.memory_space<vmem>>, vector<16xi32>,
    %get3A_615 = arith.constant 656 : index
    %get3A_616 = tpu.vector_load %arg7[%get3A_615] {strides = array<i32>} : memref<3120xi32, #tpu.memory_space<vmem>>, vector<16xi32>,
    %broadcast_in_dim3A_617 = arith.constant 657 : i32
    %broadcast_in_dim3A_618 = vector.broadcast %broadcast_in_dim3A_617 : i32 to vector<16xi32>
    %add3A_619 = arith.addi %broadcast_in_dim3A_618, %iota3A : vector<16xi32>
    %gather3A_620 = tpu.vector_load_idx %arg7[%add3A_619] : memref<3120xi32, #tpu.memory_space<vmem>>[vector<16xi32>], vector<16xi32>,
    %sub3A_621 = arith.subi %gather3A_620, %get3A_616 : vector<16xi32>
    %swap3A_622 = arith.constant 656 : index
    %swap3A_623 = tpu.vector_load %arg8[%swap3A_622] {strides = array<i32>} : memref<3072xi32, #tpu.memory_space<vmem>>, vector<16xi32>,
    tpu.vector_store %arg8[%swap3A_622], %sub3A_621 {strides = array<i32>} : memref<3072xi32, #tpu.memory_space<vmem>>, vector<16xi32>,
    %add3A_624 = arith.addi %get3A_616, %neg3A_109 : vector<16xi32>
    %swap3A_625 = arith.constant 656 : index
    %swap3A_626 = tpu.vector_load %arg9[%swap3A_625] {strides = array<i32>} : memref<3072xi32, #tpu.memory_space<vmem>>, vector<16xi32>,
    tpu.vector_store %arg9[%swap3A_625], %add3A_624 {strides = array<i32>} : memref<3072xi32, #tpu.memory_space<vmem>>, vector<16xi32>,
    %get3A_627 = arith.constant 672 : index
    %get3A_628 = tpu.vector_load %arg7[%get3A_627] {strides = array<i32>} : memref<3120xi32, #tpu.memory_space<vmem>>, vector<16xi32>,
    %broadcast_in_dim3A_629 = arith.constant 673 : i32
    %broadcast_in_dim3A_630 = vector.broadcast %broadcast_in_dim3A_629 : i32 to vector<16xi32>
    %add3A_631 = arith.addi %broadcast_in_dim3A_630, %iota3A : vector<16xi32>
    %gather3A_632 = tpu.vector_load_idx %arg7[%add3A_631] : memref<3120xi32, #tpu.memory_space<vmem>>[vector<16xi32>], vector<16xi32>,
    %sub3A_633 = arith.subi %gather3A_632, %get3A_628 : vector<16xi32>
    %swap3A_634 = arith.constant 672 : index
    %swap3A_635 = tpu.vector_load %arg8[%swap3A_634] {strides = array<i32>} : memref<3072xi32, #tpu.memory_space<vmem>>, vector<16xi32>,
    tpu.vector_store %arg8[%swap3A_634], %sub3A_633 {strides = array<i32>} : memref<3072xi32, #tpu.memory_space<vmem>>, vector<16xi32>,
    %add3A_636 = arith.addi %get3A_628, %neg3A_109 : vector<16xi32>
    %swap3A_637 = arith.constant 672 : index
    %swap3A_638 = tpu.vector_load %arg9[%swap3A_637] {strides = array<i32>} : memref<3072xi32, #tpu.memory_space<vmem>>, vector<16xi32>,
    tpu.vector_store %arg9[%swap3A_637], %add3A_636 {strides = array<i32>} : memref<3072xi32, #tpu.memory_space<vmem>>, vector<16xi32>,
    %get3A_639 = arith.constant 688 : index
    %get3A_640 = tpu.vector_load %arg7[%get3A_639] {strides = array<i32>} : memref<3120xi32, #tpu.memory_space<vmem>>, vector<16xi32>,
    %broadcast_in_dim3A_641 = arith.constant 689 : i32
    %broadcast_in_dim3A_642 = vector.broadcast %broadcast_in_dim3A_641 : i32 to vector<16xi32>
    %add3A_643 = arith.addi %broadcast_in_dim3A_642, %iota3A : vector<16xi32>
    %gather3A_644 = tpu.vector_load_idx %arg7[%add3A_643] : memref<3120xi32, #tpu.memory_space<vmem>>[vector<16xi32>], vector<16xi32>,
    %sub3A_645 = arith.subi %gather3A_644, %get3A_640 : vector<16xi32>
    %swap3A_646 = arith.constant 688 : index
    %swap3A_647 = tpu.vector_load %arg8[%swap3A_646] {strides = array<i32>} : memref<3072xi32, #tpu.memory_space<vmem>>, vector<16xi32>,
    tpu.vector_store %arg8[%swap3A_646], %sub3A_645 {strides = array<i32>} : memref<3072xi32, #tpu.memory_space<vmem>>, vector<16xi32>,
    %add3A_648 = arith.addi %get3A_640, %neg3A_109 : vector<16xi32>
    %swap3A_649 = arith.constant 688 : index
    %swap3A_650 = tpu.vector_load %arg9[%swap3A_649] {strides = array<i32>} : memref<3072xi32, #tpu.memory_space<vmem>>, vector<16xi32>,
    tpu.vector_store %arg9[%swap3A_649], %add3A_648 {strides = array<i32>} : memref<3072xi32, #tpu.memory_space<vmem>>, vector<16xi32>,
    %get3A_651 = arith.constant 704 : index
    %get3A_652 = tpu.vector_load %arg7[%get3A_651] {strides = array<i32>} : memref<3120xi32, #tpu.memory_space<vmem>>, vector<16xi32>,
    %broadcast_in_dim3A_653 = arith.constant 705 : i32
    %broadcast_in_dim3A_654 = vector.broadcast %broadcast_in_dim3A_653 : i32 to vector<16xi32>
    %add3A_655 = arith.addi %broadcast_in_dim3A_654, %iota3A : vector<16xi32>
    %gather3A_656 = tpu.vector_load_idx %arg7[%add3A_655] : memref<3120xi32, #tpu.memory_space<vmem>>[vector<16xi32>], vector<16xi32>,
    %sub3A_657 = arith.subi %gather3A_656, %get3A_652 : vector<16xi32>
    %swap3A_658 = arith.constant 704 : index
    %swap3A_659 = tpu.vector_load %arg8[%swap3A_658] {strides = array<i32>} : memref<3072xi32, #tpu.memory_space<vmem>>, vector<16xi32>,
    tpu.vector_store %arg8[%swap3A_658], %sub3A_657 {strides = array<i32>} : memref<3072xi32, #tpu.memory_space<vmem>>, vector<16xi32>,
    %add3A_660 = arith.addi %get3A_652, %neg3A_109 : vector<16xi32>
    %swap3A_661 = arith.constant 704 : index
    %swap3A_662 = tpu.vector_load %arg9[%swap3A_661] {strides = array<i32>} : memref<3072xi32, #tpu.memory_space<vmem>>, vector<16xi32>,
    tpu.vector_store %arg9[%swap3A_661], %add3A_660 {strides = array<i32>} : memref<3072xi32, #tpu.memory_space<vmem>>, vector<16xi32>,
    %get3A_663 = arith.constant 720 : index
    %get3A_664 = tpu.vector_load %arg7[%get3A_663] {strides = array<i32>} : memref<3120xi32, #tpu.memory_space<vmem>>, vector<16xi32>,
    %broadcast_in_dim3A_665 = arith.constant 721 : i32
    %broadcast_in_dim3A_666 = vector.broadcast %broadcast_in_dim3A_665 : i32 to vector<16xi32>
    %add3A_667 = arith.addi %broadcast_in_dim3A_666, %iota3A : vector<16xi32>
    %gather3A_668 = tpu.vector_load_idx %arg7[%add3A_667] : memref<3120xi32, #tpu.memory_space<vmem>>[vector<16xi32>], vector<16xi32>,
    %sub3A_669 = arith.subi %gather3A_668, %get3A_664 : vector<16xi32>
    %swap3A_670 = arith.constant 720 : index
    %swap3A_671 = tpu.vector_load %arg8[%swap3A_670] {strides = array<i32>} : memref<3072xi32, #tpu.memory_space<vmem>>, vector<16xi32>,
    tpu.vector_store %arg8[%swap3A_670], %sub3A_669 {strides = array<i32>} : memref<3072xi32, #tpu.memory_space<vmem>>, vector<16xi32>,
    %add3A_672 = arith.addi %get3A_664, %neg3A_109 : vector<16xi32>
    %swap3A_673 = arith.constant 720 : index
    %swap3A_674 = tpu.vector_load %arg9[%swap3A_673] {strides = array<i32>} : memref<3072xi32, #tpu.memory_space<vmem>>, vector<16xi32>,
    tpu.vector_store %arg9[%swap3A_673], %add3A_672 {strides = array<i32>} : memref<3072xi32, #tpu.memory_space<vmem>>, vector<16xi32>,
    %get3A_675 = arith.constant 736 : index
    %get3A_676 = tpu.vector_load %arg7[%get3A_675] {strides = array<i32>} : memref<3120xi32, #tpu.memory_space<vmem>>, vector<16xi32>,
    %broadcast_in_dim3A_677 = arith.constant 737 : i32
    %broadcast_in_dim3A_678 = vector.broadcast %broadcast_in_dim3A_677 : i32 to vector<16xi32>
    %add3A_679 = arith.addi %broadcast_in_dim3A_678, %iota3A : vector<16xi32>
    %gather3A_680 = tpu.vector_load_idx %arg7[%add3A_679] : memref<3120xi32, #tpu.memory_space<vmem>>[vector<16xi32>], vector<16xi32>,
    %sub3A_681 = arith.subi %gather3A_680, %get3A_676 : vector<16xi32>
    %swap3A_682 = arith.constant 736 : index
    %swap3A_683 = tpu.vector_load %arg8[%swap3A_682] {strides = array<i32>} : memref<3072xi32, #tpu.memory_space<vmem>>, vector<16xi32>,
    tpu.vector_store %arg8[%swap3A_682], %sub3A_681 {strides = array<i32>} : memref<3072xi32, #tpu.memory_space<vmem>>, vector<16xi32>,
    %add3A_684 = arith.addi %get3A_676, %neg3A_109 : vector<16xi32>
    %swap3A_685 = arith.constant 736 : index
    %swap3A_686 = tpu.vector_load %arg9[%swap3A_685] {strides = array<i32>} : memref<3072xi32, #tpu.memory_space<vmem>>, vector<16xi32>,
    tpu.vector_store %arg9[%swap3A_685], %add3A_684 {strides = array<i32>} : memref<3072xi32, #tpu.memory_space<vmem>>, vector<16xi32>,
    %get3A_687 = arith.constant 752 : index
    %get3A_688 = tpu.vector_load %arg7[%get3A_687] {strides = array<i32>} : memref<3120xi32, #tpu.memory_space<vmem>>, vector<16xi32>,
    %broadcast_in_dim3A_689 = arith.constant 753 : i32
    %broadcast_in_dim3A_690 = vector.broadcast %broadcast_in_dim3A_689 : i32 to vector<16xi32>
    %add3A_691 = arith.addi %broadcast_in_dim3A_690, %iota3A : vector<16xi32>
    %gather3A_692 = tpu.vector_load_idx %arg7[%add3A_691] : memref<3120xi32, #tpu.memory_space<vmem>>[vector<16xi32>], vector<16xi32>,
    %sub3A_693 = arith.subi %gather3A_692, %get3A_688 : vector<16xi32>
    %swap3A_694 = arith.constant 752 : index
    %swap3A_695 = tpu.vector_load %arg8[%swap3A_694] {strides = array<i32>} : memref<3072xi32, #tpu.memory_space<vmem>>, vector<16xi32>,
    tpu.vector_store %arg8[%swap3A_694], %sub3A_693 {strides = array<i32>} : memref<3072xi32, #tpu.memory_space<vmem>>, vector<16xi32>,
    %add3A_696 = arith.addi %get3A_688, %neg3A_109 : vector<16xi32>
    %swap3A_697 = arith.constant 752 : index
    %swap3A_698 = tpu.vector_load %arg9[%swap3A_697] {strides = array<i32>} : memref<3072xi32, #tpu.memory_space<vmem>>, vector<16xi32>,
    tpu.vector_store %arg9[%swap3A_697], %add3A_696 {strides = array<i32>} : memref<3072xi32, #tpu.memory_space<vmem>>, vector<16xi32>,
    %get3A_699 = arith.constant 768 : index
    %get3A_700 = tpu.vector_load %arg7[%get3A_699] {strides = array<i32>} : memref<3120xi32, #tpu.memory_space<vmem>>, vector<16xi32>,
    %broadcast_in_dim3A_701 = arith.constant 769 : i32
    %broadcast_in_dim3A_702 = vector.broadcast %broadcast_in_dim3A_701 : i32 to vector<16xi32>
    %add3A_703 = arith.addi %broadcast_in_dim3A_702, %iota3A : vector<16xi32>
    %gather3A_704 = tpu.vector_load_idx %arg7[%add3A_703] : memref<3120xi32, #tpu.memory_space<vmem>>[vector<16xi32>], vector<16xi32>,
    %sub3A_705 = arith.subi %gather3A_704, %get3A_700 : vector<16xi32>
    %swap3A_706 = arith.constant 768 : index
    %swap3A_707 = tpu.vector_load %arg8[%swap3A_706] {strides = array<i32>} : memref<3072xi32, #tpu.memory_space<vmem>>, vector<16xi32>,
    tpu.vector_store %arg8[%swap3A_706], %sub3A_705 {strides = array<i32>} : memref<3072xi32, #tpu.memory_space<vmem>>, vector<16xi32>,
    %add3A_708 = arith.addi %get3A_700, %neg3A_109 : vector<16xi32>
    %swap3A_709 = arith.constant 768 : index
    %swap3A_710 = tpu.vector_load %arg9[%swap3A_709] {strides = array<i32>} : memref<3072xi32, #tpu.memory_space<vmem>>, vector<16xi32>,
    tpu.vector_store %arg9[%swap3A_709], %add3A_708 {strides = array<i32>} : memref<3072xi32, #tpu.memory_space<vmem>>, vector<16xi32>,
    %get3A_711 = arith.constant 784 : index
    %get3A_712 = tpu.vector_load %arg7[%get3A_711] {strides = array<i32>} : memref<3120xi32, #tpu.memory_space<vmem>>, vector<16xi32>,
    %broadcast_in_dim3A_713 = arith.constant 785 : i32
    %broadcast_in_dim3A_714 = vector.broadcast %broadcast_in_dim3A_713 : i32 to vector<16xi32>
    %add3A_715 = arith.addi %broadcast_in_dim3A_714, %iota3A : vector<16xi32>
    %gather3A_716 = tpu.vector_load_idx %arg7[%add3A_715] : memref<3120xi32, #tpu.memory_space<vmem>>[vector<16xi32>], vector<16xi32>,
    %sub3A_717 = arith.subi %gather3A_716, %get3A_712 : vector<16xi32>
    %swap3A_718 = arith.constant 784 : index
    %swap3A_719 = tpu.vector_load %arg8[%swap3A_718] {strides = array<i32>} : memref<3072xi32, #tpu.memory_space<vmem>>, vector<16xi32>,
    tpu.vector_store %arg8[%swap3A_718], %sub3A_717 {strides = array<i32>} : memref<3072xi32, #tpu.memory_space<vmem>>, vector<16xi32>,
    %add3A_720 = arith.addi %get3A_712, %neg3A_109 : vector<16xi32>
    %swap3A_721 = arith.constant 784 : index
    %swap3A_722 = tpu.vector_load %arg9[%swap3A_721] {strides = array<i32>} : memref<3072xi32, #tpu.memory_space<vmem>>, vector<16xi32>,
    tpu.vector_store %arg9[%swap3A_721], %add3A_720 {strides = array<i32>} : memref<3072xi32, #tpu.memory_space<vmem>>, vector<16xi32>,
    %get3A_723 = arith.constant 800 : index
    %get3A_724 = tpu.vector_load %arg7[%get3A_723] {strides = array<i32>} : memref<3120xi32, #tpu.memory_space<vmem>>, vector<16xi32>,
    %broadcast_in_dim3A_725 = arith.constant 801 : i32
    %broadcast_in_dim3A_726 = vector.broadcast %broadcast_in_dim3A_725 : i32 to vector<16xi32>
    %add3A_727 = arith.addi %broadcast_in_dim3A_726, %iota3A : vector<16xi32>
    %gather3A_728 = tpu.vector_load_idx %arg7[%add3A_727] : memref<3120xi32, #tpu.memory_space<vmem>>[vector<16xi32>], vector<16xi32>,
    %sub3A_729 = arith.subi %gather3A_728, %get3A_724 : vector<16xi32>
    %swap3A_730 = arith.constant 800 : index
    %swap3A_731 = tpu.vector_load %arg8[%swap3A_730] {strides = array<i32>} : memref<3072xi32, #tpu.memory_space<vmem>>, vector<16xi32>,
    tpu.vector_store %arg8[%swap3A_730], %sub3A_729 {strides = array<i32>} : memref<3072xi32, #tpu.memory_space<vmem>>, vector<16xi32>,
    %add3A_732 = arith.addi %get3A_724, %neg3A_109 : vector<16xi32>
    %swap3A_733 = arith.constant 800 : index
    %swap3A_734 = tpu.vector_load %arg9[%swap3A_733] {strides = array<i32>} : memref<3072xi32, #tpu.memory_space<vmem>>, vector<16xi32>,
    tpu.vector_store %arg9[%swap3A_733], %add3A_732 {strides = array<i32>} : memref<3072xi32, #tpu.memory_space<vmem>>, vector<16xi32>,
    %get3A_735 = arith.constant 816 : index
    %get3A_736 = tpu.vector_load %arg7[%get3A_735] {strides = array<i32>} : memref<3120xi32, #tpu.memory_space<vmem>>, vector<16xi32>,
    %broadcast_in_dim3A_737 = arith.constant 817 : i32
    %broadcast_in_dim3A_738 = vector.broadcast %broadcast_in_dim3A_737 : i32 to vector<16xi32>
    %add3A_739 = arith.addi %broadcast_in_dim3A_738, %iota3A : vector<16xi32>
    %gather3A_740 = tpu.vector_load_idx %arg7[%add3A_739] : memref<3120xi32, #tpu.memory_space<vmem>>[vector<16xi32>], vector<16xi32>,
    %sub3A_741 = arith.subi %gather3A_740, %get3A_736 : vector<16xi32>
    %swap3A_742 = arith.constant 816 : index
    %swap3A_743 = tpu.vector_load %arg8[%swap3A_742] {strides = array<i32>} : memref<3072xi32, #tpu.memory_space<vmem>>, vector<16xi32>,
    tpu.vector_store %arg8[%swap3A_742], %sub3A_741 {strides = array<i32>} : memref<3072xi32, #tpu.memory_space<vmem>>, vector<16xi32>,
    %add3A_744 = arith.addi %get3A_736, %neg3A_109 : vector<16xi32>
    %swap3A_745 = arith.constant 816 : index
    %swap3A_746 = tpu.vector_load %arg9[%swap3A_745] {strides = array<i32>} : memref<3072xi32, #tpu.memory_space<vmem>>, vector<16xi32>,
    tpu.vector_store %arg9[%swap3A_745], %add3A_744 {strides = array<i32>} : memref<3072xi32, #tpu.memory_space<vmem>>, vector<16xi32>,
    %get3A_747 = arith.constant 832 : index
    %get3A_748 = tpu.vector_load %arg7[%get3A_747] {strides = array<i32>} : memref<3120xi32, #tpu.memory_space<vmem>>, vector<16xi32>,
    %broadcast_in_dim3A_749 = arith.constant 833 : i32
    %broadcast_in_dim3A_750 = vector.broadcast %broadcast_in_dim3A_749 : i32 to vector<16xi32>
    %add3A_751 = arith.addi %broadcast_in_dim3A_750, %iota3A : vector<16xi32>
    %gather3A_752 = tpu.vector_load_idx %arg7[%add3A_751] : memref<3120xi32, #tpu.memory_space<vmem>>[vector<16xi32>], vector<16xi32>,
    %sub3A_753 = arith.subi %gather3A_752, %get3A_748 : vector<16xi32>
    %swap3A_754 = arith.constant 832 : index
    %swap3A_755 = tpu.vector_load %arg8[%swap3A_754] {strides = array<i32>} : memref<3072xi32, #tpu.memory_space<vmem>>, vector<16xi32>,
    tpu.vector_store %arg8[%swap3A_754], %sub3A_753 {strides = array<i32>} : memref<3072xi32, #tpu.memory_space<vmem>>, vector<16xi32>,
    %add3A_756 = arith.addi %get3A_748, %neg3A_109 : vector<16xi32>
    %swap3A_757 = arith.constant 832 : index
    %swap3A_758 = tpu.vector_load %arg9[%swap3A_757] {strides = array<i32>} : memref<3072xi32, #tpu.memory_space<vmem>>, vector<16xi32>,
    tpu.vector_store %arg9[%swap3A_757], %add3A_756 {strides = array<i32>} : memref<3072xi32, #tpu.memory_space<vmem>>, vector<16xi32>,
    %get3A_759 = arith.constant 848 : index
    %get3A_760 = tpu.vector_load %arg7[%get3A_759] {strides = array<i32>} : memref<3120xi32, #tpu.memory_space<vmem>>, vector<16xi32>,
    %broadcast_in_dim3A_761 = arith.constant 849 : i32
    %broadcast_in_dim3A_762 = vector.broadcast %broadcast_in_dim3A_761 : i32 to vector<16xi32>
    %add3A_763 = arith.addi %broadcast_in_dim3A_762, %iota3A : vector<16xi32>
    %gather3A_764 = tpu.vector_load_idx %arg7[%add3A_763] : memref<3120xi32, #tpu.memory_space<vmem>>[vector<16xi32>], vector<16xi32>,
    %sub3A_765 = arith.subi %gather3A_764, %get3A_760 : vector<16xi32>
    %swap3A_766 = arith.constant 848 : index
    %swap3A_767 = tpu.vector_load %arg8[%swap3A_766] {strides = array<i32>} : memref<3072xi32, #tpu.memory_space<vmem>>, vector<16xi32>,
    tpu.vector_store %arg8[%swap3A_766], %sub3A_765 {strides = array<i32>} : memref<3072xi32, #tpu.memory_space<vmem>>, vector<16xi32>,
    %add3A_768 = arith.addi %get3A_760, %neg3A_109 : vector<16xi32>
    %swap3A_769 = arith.constant 848 : index
    %swap3A_770 = tpu.vector_load %arg9[%swap3A_769] {strides = array<i32>} : memref<3072xi32, #tpu.memory_space<vmem>>, vector<16xi32>,
    tpu.vector_store %arg9[%swap3A_769], %add3A_768 {strides = array<i32>} : memref<3072xi32, #tpu.memory_space<vmem>>, vector<16xi32>,
    %get3A_771 = arith.constant 864 : index
    %get3A_772 = tpu.vector_load %arg7[%get3A_771] {strides = array<i32>} : memref<3120xi32, #tpu.memory_space<vmem>>, vector<16xi32>,
    %broadcast_in_dim3A_773 = arith.constant 865 : i32
    %broadcast_in_dim3A_774 = vector.broadcast %broadcast_in_dim3A_773 : i32 to vector<16xi32>
    %add3A_775 = arith.addi %broadcast_in_dim3A_774, %iota3A : vector<16xi32>
    %gather3A_776 = tpu.vector_load_idx %arg7[%add3A_775] : memref<3120xi32, #tpu.memory_space<vmem>>[vector<16xi32>], vector<16xi32>,
    %sub3A_777 = arith.subi %gather3A_776, %get3A_772 : vector<16xi32>
    %swap3A_778 = arith.constant 864 : index
    %swap3A_779 = tpu.vector_load %arg8[%swap3A_778] {strides = array<i32>} : memref<3072xi32, #tpu.memory_space<vmem>>, vector<16xi32>,
    tpu.vector_store %arg8[%swap3A_778], %sub3A_777 {strides = array<i32>} : memref<3072xi32, #tpu.memory_space<vmem>>, vector<16xi32>,
    %add3A_780 = arith.addi %get3A_772, %neg3A_109 : vector<16xi32>
    %swap3A_781 = arith.constant 864 : index
    %swap3A_782 = tpu.vector_load %arg9[%swap3A_781] {strides = array<i32>} : memref<3072xi32, #tpu.memory_space<vmem>>, vector<16xi32>,
    tpu.vector_store %arg9[%swap3A_781], %add3A_780 {strides = array<i32>} : memref<3072xi32, #tpu.memory_space<vmem>>, vector<16xi32>,
    %get3A_783 = arith.constant 880 : index
    %get3A_784 = tpu.vector_load %arg7[%get3A_783] {strides = array<i32>} : memref<3120xi32, #tpu.memory_space<vmem>>, vector<16xi32>,
    %broadcast_in_dim3A_785 = arith.constant 881 : i32
    %broadcast_in_dim3A_786 = vector.broadcast %broadcast_in_dim3A_785 : i32 to vector<16xi32>
    %add3A_787 = arith.addi %broadcast_in_dim3A_786, %iota3A : vector<16xi32>
    %gather3A_788 = tpu.vector_load_idx %arg7[%add3A_787] : memref<3120xi32, #tpu.memory_space<vmem>>[vector<16xi32>], vector<16xi32>,
    %sub3A_789 = arith.subi %gather3A_788, %get3A_784 : vector<16xi32>
    %swap3A_790 = arith.constant 880 : index
    %swap3A_791 = tpu.vector_load %arg8[%swap3A_790] {strides = array<i32>} : memref<3072xi32, #tpu.memory_space<vmem>>, vector<16xi32>,
    tpu.vector_store %arg8[%swap3A_790], %sub3A_789 {strides = array<i32>} : memref<3072xi32, #tpu.memory_space<vmem>>, vector<16xi32>,
    %add3A_792 = arith.addi %get3A_784, %neg3A_109 : vector<16xi32>
    %swap3A_793 = arith.constant 880 : index
    %swap3A_794 = tpu.vector_load %arg9[%swap3A_793] {strides = array<i32>} : memref<3072xi32, #tpu.memory_space<vmem>>, vector<16xi32>,
    tpu.vector_store %arg9[%swap3A_793], %add3A_792 {strides = array<i32>} : memref<3072xi32, #tpu.memory_space<vmem>>, vector<16xi32>,
    %get3A_795 = arith.constant 896 : index
    %get3A_796 = tpu.vector_load %arg7[%get3A_795] {strides = array<i32>} : memref<3120xi32, #tpu.memory_space<vmem>>, vector<16xi32>,
    %broadcast_in_dim3A_797 = arith.constant 897 : i32
    %broadcast_in_dim3A_798 = vector.broadcast %broadcast_in_dim3A_797 : i32 to vector<16xi32>
    %add3A_799 = arith.addi %broadcast_in_dim3A_798, %iota3A : vector<16xi32>
    %gather3A_800 = tpu.vector_load_idx %arg7[%add3A_799] : memref<3120xi32, #tpu.memory_space<vmem>>[vector<16xi32>], vector<16xi32>,
    %sub3A_801 = arith.subi %gather3A_800, %get3A_796 : vector<16xi32>
    %swap3A_802 = arith.constant 896 : index
    %swap3A_803 = tpu.vector_load %arg8[%swap3A_802] {strides = array<i32>} : memref<3072xi32, #tpu.memory_space<vmem>>, vector<16xi32>,
    tpu.vector_store %arg8[%swap3A_802], %sub3A_801 {strides = array<i32>} : memref<3072xi32, #tpu.memory_space<vmem>>, vector<16xi32>,
    %add3A_804 = arith.addi %get3A_796, %neg3A_109 : vector<16xi32>
    %swap3A_805 = arith.constant 896 : index
    %swap3A_806 = tpu.vector_load %arg9[%swap3A_805] {strides = array<i32>} : memref<3072xi32, #tpu.memory_space<vmem>>, vector<16xi32>,
    tpu.vector_store %arg9[%swap3A_805], %add3A_804 {strides = array<i32>} : memref<3072xi32, #tpu.memory_space<vmem>>, vector<16xi32>,
    %get3A_807 = arith.constant 912 : index
    %get3A_808 = tpu.vector_load %arg7[%get3A_807] {strides = array<i32>} : memref<3120xi32, #tpu.memory_space<vmem>>, vector<16xi32>,
    %broadcast_in_dim3A_809 = arith.constant 913 : i32
    %broadcast_in_dim3A_810 = vector.broadcast %broadcast_in_dim3A_809 : i32 to vector<16xi32>
    %add3A_811 = arith.addi %broadcast_in_dim3A_810, %iota3A : vector<16xi32>
    %gather3A_812 = tpu.vector_load_idx %arg7[%add3A_811] : memref<3120xi32, #tpu.memory_space<vmem>>[vector<16xi32>], vector<16xi32>,
    %sub3A_813 = arith.subi %gather3A_812, %get3A_808 : vector<16xi32>
    %swap3A_814 = arith.constant 912 : index
    %swap3A_815 = tpu.vector_load %arg8[%swap3A_814] {strides = array<i32>} : memref<3072xi32, #tpu.memory_space<vmem>>, vector<16xi32>,
    tpu.vector_store %arg8[%swap3A_814], %sub3A_813 {strides = array<i32>} : memref<3072xi32, #tpu.memory_space<vmem>>, vector<16xi32>,
    %add3A_816 = arith.addi %get3A_808, %neg3A_109 : vector<16xi32>
    %swap3A_817 = arith.constant 912 : index
    %swap3A_818 = tpu.vector_load %arg9[%swap3A_817] {strides = array<i32>} : memref<3072xi32, #tpu.memory_space<vmem>>, vector<16xi32>,
    tpu.vector_store %arg9[%swap3A_817], %add3A_816 {strides = array<i32>} : memref<3072xi32, #tpu.memory_space<vmem>>, vector<16xi32>,
    %get3A_819 = arith.constant 928 : index
    %get3A_820 = tpu.vector_load %arg7[%get3A_819] {strides = array<i32>} : memref<3120xi32, #tpu.memory_space<vmem>>, vector<16xi32>,
    %broadcast_in_dim3A_821 = arith.constant 929 : i32
    %broadcast_in_dim3A_822 = vector.broadcast %broadcast_in_dim3A_821 : i32 to vector<16xi32>
    %add3A_823 = arith.addi %broadcast_in_dim3A_822, %iota3A : vector<16xi32>
    %gather3A_824 = tpu.vector_load_idx %arg7[%add3A_823] : memref<3120xi32, #tpu.memory_space<vmem>>[vector<16xi32>], vector<16xi32>,
    %sub3A_825 = arith.subi %gather3A_824, %get3A_820 : vector<16xi32>
    %swap3A_826 = arith.constant 928 : index
    %swap3A_827 = tpu.vector_load %arg8[%swap3A_826] {strides = array<i32>} : memref<3072xi32, #tpu.memory_space<vmem>>, vector<16xi32>,
    tpu.vector_store %arg8[%swap3A_826], %sub3A_825 {strides = array<i32>} : memref<3072xi32, #tpu.memory_space<vmem>>, vector<16xi32>,
    %add3A_828 = arith.addi %get3A_820, %neg3A_109 : vector<16xi32>
    %swap3A_829 = arith.constant 928 : index
    %swap3A_830 = tpu.vector_load %arg9[%swap3A_829] {strides = array<i32>} : memref<3072xi32, #tpu.memory_space<vmem>>, vector<16xi32>,
    tpu.vector_store %arg9[%swap3A_829], %add3A_828 {strides = array<i32>} : memref<3072xi32, #tpu.memory_space<vmem>>, vector<16xi32>,
    %get3A_831 = arith.constant 944 : index
    %get3A_832 = tpu.vector_load %arg7[%get3A_831] {strides = array<i32>} : memref<3120xi32, #tpu.memory_space<vmem>>, vector<16xi32>,
    %broadcast_in_dim3A_833 = arith.constant 945 : i32
    %broadcast_in_dim3A_834 = vector.broadcast %broadcast_in_dim3A_833 : i32 to vector<16xi32>
    %add3A_835 = arith.addi %broadcast_in_dim3A_834, %iota3A : vector<16xi32>
    %gather3A_836 = tpu.vector_load_idx %arg7[%add3A_835] : memref<3120xi32, #tpu.memory_space<vmem>>[vector<16xi32>], vector<16xi32>,
    %sub3A_837 = arith.subi %gather3A_836, %get3A_832 : vector<16xi32>
    %swap3A_838 = arith.constant 944 : index
    %swap3A_839 = tpu.vector_load %arg8[%swap3A_838] {strides = array<i32>} : memref<3072xi32, #tpu.memory_space<vmem>>, vector<16xi32>,
    tpu.vector_store %arg8[%swap3A_838], %sub3A_837 {strides = array<i32>} : memref<3072xi32, #tpu.memory_space<vmem>>, vector<16xi32>,
    %add3A_840 = arith.addi %get3A_832, %neg3A_109 : vector<16xi32>
    %swap3A_841 = arith.constant 944 : index
    %swap3A_842 = tpu.vector_load %arg9[%swap3A_841] {strides = array<i32>} : memref<3072xi32, #tpu.memory_space<vmem>>, vector<16xi32>,
    tpu.vector_store %arg9[%swap3A_841], %add3A_840 {strides = array<i32>} : memref<3072xi32, #tpu.memory_space<vmem>>, vector<16xi32>,
    %get3A_843 = arith.constant 960 : index
    %get3A_844 = tpu.vector_load %arg7[%get3A_843] {strides = array<i32>} : memref<3120xi32, #tpu.memory_space<vmem>>, vector<16xi32>,
    %broadcast_in_dim3A_845 = arith.constant 961 : i32
    %broadcast_in_dim3A_846 = vector.broadcast %broadcast_in_dim3A_845 : i32 to vector<16xi32>
    %add3A_847 = arith.addi %broadcast_in_dim3A_846, %iota3A : vector<16xi32>
    %gather3A_848 = tpu.vector_load_idx %arg7[%add3A_847] : memref<3120xi32, #tpu.memory_space<vmem>>[vector<16xi32>], vector<16xi32>,
    %sub3A_849 = arith.subi %gather3A_848, %get3A_844 : vector<16xi32>
    %swap3A_850 = arith.constant 960 : index
    %swap3A_851 = tpu.vector_load %arg8[%swap3A_850] {strides = array<i32>} : memref<3072xi32, #tpu.memory_space<vmem>>, vector<16xi32>,
    tpu.vector_store %arg8[%swap3A_850], %sub3A_849 {strides = array<i32>} : memref<3072xi32, #tpu.memory_space<vmem>>, vector<16xi32>,
    %add3A_852 = arith.addi %get3A_844, %neg3A_109 : vector<16xi32>
    %swap3A_853 = arith.constant 960 : index
    %swap3A_854 = tpu.vector_load %arg9[%swap3A_853] {strides = array<i32>} : memref<3072xi32, #tpu.memory_space<vmem>>, vector<16xi32>,
    tpu.vector_store %arg9[%swap3A_853], %add3A_852 {strides = array<i32>} : memref<3072xi32, #tpu.memory_space<vmem>>, vector<16xi32>,
    %get3A_855 = arith.constant 976 : index
    %get3A_856 = tpu.vector_load %arg7[%get3A_855] {strides = array<i32>} : memref<3120xi32, #tpu.memory_space<vmem>>, vector<16xi32>,
    %broadcast_in_dim3A_857 = arith.constant 977 : i32
    %broadcast_in_dim3A_858 = vector.broadcast %broadcast_in_dim3A_857 : i32 to vector<16xi32>
    %add3A_859 = arith.addi %broadcast_in_dim3A_858, %iota3A : vector<16xi32>
    %gather3A_860 = tpu.vector_load_idx %arg7[%add3A_859] : memref<3120xi32, #tpu.memory_space<vmem>>[vector<16xi32>], vector<16xi32>,
    %sub3A_861 = arith.subi %gather3A_860, %get3A_856 : vector<16xi32>
    %swap3A_862 = arith.constant 976 : index
    %swap3A_863 = tpu.vector_load %arg8[%swap3A_862] {strides = array<i32>} : memref<3072xi32, #tpu.memory_space<vmem>>, vector<16xi32>,
    tpu.vector_store %arg8[%swap3A_862], %sub3A_861 {strides = array<i32>} : memref<3072xi32, #tpu.memory_space<vmem>>, vector<16xi32>,
    %add3A_864 = arith.addi %get3A_856, %neg3A_109 : vector<16xi32>
    %swap3A_865 = arith.constant 976 : index
    %swap3A_866 = tpu.vector_load %arg9[%swap3A_865] {strides = array<i32>} : memref<3072xi32, #tpu.memory_space<vmem>>, vector<16xi32>,
    tpu.vector_store %arg9[%swap3A_865], %add3A_864 {strides = array<i32>} : memref<3072xi32, #tpu.memory_space<vmem>>, vector<16xi32>,
    %get3A_867 = arith.constant 992 : index
    %get3A_868 = tpu.vector_load %arg7[%get3A_867] {strides = array<i32>} : memref<3120xi32, #tpu.memory_space<vmem>>, vector<16xi32>,
    %broadcast_in_dim3A_869 = arith.constant 993 : i32
    %broadcast_in_dim3A_870 = vector.broadcast %broadcast_in_dim3A_869 : i32 to vector<16xi32>
    %add3A_871 = arith.addi %broadcast_in_dim3A_870, %iota3A : vector<16xi32>
    %gather3A_872 = tpu.vector_load_idx %arg7[%add3A_871] : memref<3120xi32, #tpu.memory_space<vmem>>[vector<16xi32>], vector<16xi32>,
    %sub3A_873 = arith.subi %gather3A_872, %get3A_868 : vector<16xi32>
    %swap3A_874 = arith.constant 992 : index
    %swap3A_875 = tpu.vector_load %arg8[%swap3A_874] {strides = array<i32>} : memref<3072xi32, #tpu.memory_space<vmem>>, vector<16xi32>,
    tpu.vector_store %arg8[%swap3A_874], %sub3A_873 {strides = array<i32>} : memref<3072xi32, #tpu.memory_space<vmem>>, vector<16xi32>,
    %add3A_876 = arith.addi %get3A_868, %neg3A_109 : vector<16xi32>
    %swap3A_877 = arith.constant 992 : index
    %swap3A_878 = tpu.vector_load %arg9[%swap3A_877] {strides = array<i32>} : memref<3072xi32, #tpu.memory_space<vmem>>, vector<16xi32>,
    tpu.vector_store %arg9[%swap3A_877], %add3A_876 {strides = array<i32>} : memref<3072xi32, #tpu.memory_space<vmem>>, vector<16xi32>,
    %get3A_879 = arith.constant 1008 : index
    %get3A_880 = tpu.vector_load %arg7[%get3A_879] {strides = array<i32>} : memref<3120xi32, #tpu.memory_space<vmem>>, vector<16xi32>,
    %broadcast_in_dim3A_881 = arith.constant 1009 : i32
    %broadcast_in_dim3A_882 = vector.broadcast %broadcast_in_dim3A_881 : i32 to vector<16xi32>
    %add3A_883 = arith.addi %broadcast_in_dim3A_882, %iota3A : vector<16xi32>
    %gather3A_884 = tpu.vector_load_idx %arg7[%add3A_883] : memref<3120xi32, #tpu.memory_space<vmem>>[vector<16xi32>], vector<16xi32>,
    %sub3A_885 = arith.subi %gather3A_884, %get3A_880 : vector<16xi32>
    %swap3A_886 = arith.constant 1008 : index
    %swap3A_887 = tpu.vector_load %arg8[%swap3A_886] {strides = array<i32>} : memref<3072xi32, #tpu.memory_space<vmem>>, vector<16xi32>,
    tpu.vector_store %arg8[%swap3A_886], %sub3A_885 {strides = array<i32>} : memref<3072xi32, #tpu.memory_space<vmem>>, vector<16xi32>,
    %add3A_888 = arith.addi %get3A_880, %neg3A_109 : vector<16xi32>
    %swap3A_889 = arith.constant 1008 : index
    %swap3A_890 = tpu.vector_load %arg9[%swap3A_889] {strides = array<i32>} : memref<3072xi32, #tpu.memory_space<vmem>>, vector<16xi32>,
    tpu.vector_store %arg9[%swap3A_889], %add3A_888 {strides = array<i32>} : memref<3072xi32, #tpu.memory_space<vmem>>, vector<16xi32>,
    %add3A_891 = arith.constant 0 : i32
    %add3A_892 = arith.addi %add3A_891, %mul3A_2 : i32
    %dma_start3A_893 = arith.constant 0 : i32
    %dma_start3A_894 = tpu.memref_slice %arg8[%dma_start3A_893] : memref<3072xi32, #tpu.memory_space<vmem>> -> memref<1024xi32, #tpu.memory_space<vmem>>
    %dma_start3A_895 = tpu.memref_slice %arg5[%add3A_892] : memref<49152xi32, #tpu.memory_space<hbm>> -> memref<1024xi32, #tpu.memory_space<hbm>>
    %dma_start3A_896 = tpu.memref_slice %arg5[%add3A_892] : memref<49152xi32, #tpu.memory_space<hbm>> -> memref<1024xi32, #tpu.memory_space<hbm>>
    %dma_start3A_897 = arith.constant 0 : i32
    %dma_start3A_898 = tpu.memref_slice %arg8[%dma_start3A_897] : memref<3072xi32, #tpu.memory_space<vmem>> -> memref<1024xi32, #tpu.memory_space<vmem>>
    tpu.enqueue_dma source(%dma_start3A_898 : memref<1024xi32, #tpu.memory_space<vmem>>) target(%dma_start3A_896 : memref<1024xi32, #tpu.memory_space<hbm>>) target_semaphore(%arg14 : memref<!tpu.dma_semaphore, #tpu.memory_space<semaphore_mem>>)
    %add3A_899 = arith.constant 0 : i32
    %add3A_900 = arith.addi %add3A_899, %mul3A_2 : i32
    %dma_start3A_901 = arith.constant 0 : i32
    %dma_start3A_902 = tpu.memref_slice %arg9[%dma_start3A_901] : memref<3072xi32, #tpu.memory_space<vmem>> -> memref<1024xi32, #tpu.memory_space<vmem>>
    %dma_start3A_903 = tpu.memref_slice %arg6[%add3A_900] : memref<49160xi32, #tpu.memory_space<hbm>> -> memref<1024xi32, #tpu.memory_space<hbm>>
    %dma_start3A_904 = tpu.memref_slice %arg6[%add3A_900] : memref<49160xi32, #tpu.memory_space<hbm>> -> memref<1024xi32, #tpu.memory_space<hbm>>
    %dma_start3A_905 = arith.constant 0 : i32
    %dma_start3A_906 = tpu.memref_slice %arg9[%dma_start3A_905] : memref<3072xi32, #tpu.memory_space<vmem>> -> memref<1024xi32, #tpu.memory_space<vmem>>
    tpu.enqueue_dma source(%dma_start3A_906 : memref<1024xi32, #tpu.memory_space<vmem>>) target(%dma_start3A_904 : memref<1024xi32, #tpu.memory_space<hbm>>) target_semaphore(%arg14 : memref<!tpu.dma_semaphore, #tpu.memory_space<semaphore_mem>>)
    %dma_wait3A_907 = arith.constant 1040 : i32
    %dma_wait3A_908 = tpu.memref_slice %arg7[%dma_wait3A_907] : memref<3120xi32, #tpu.memory_space<vmem>> -> memref<1024xi32, #tpu.memory_space<vmem>>
    %dma_wait3A_909 = tpu.memref_slice %arg3[%mul3A_2] : memref<16385xi32, #tpu.memory_space<hbm>> -> memref<1024xi32, #tpu.memory_space<hbm>>
    %dma_wait3A_910 = arith.constant 1040 : i32
    %dma_wait3A_911 = tpu.memref_slice %arg7[%dma_wait3A_910] : memref<3120xi32, #tpu.memory_space<vmem>> -> memref<1024xi32, #tpu.memory_space<vmem>>
    %dma_wait3A_912 = tpu.memref_slice %arg3[%mul3A_2] : memref<16385xi32, #tpu.memory_space<hbm>> -> memref<1024xi32, #tpu.memory_space<hbm>>
    tpu.wait_dma2 semaphore(%arg13 : memref<!tpu.dma_semaphore, #tpu.memory_space<semaphore_mem>>) src(%dma_wait3A_912 : memref<1024xi32, #tpu.memory_space<hbm>>) dst(%dma_wait3A_911 : memref<1024xi32, #tpu.memory_space<vmem>>)
    %get3A_913 = arith.constant 1 : i32
    %get3A_914 = arith.index_cast %get3A_913 : i32 to index
    %get3A_915 = arith.constant 0 : index
    %get3A_916 = tpu.vector_load %arg10[%get3A_914, %get3A_915] {strides = array<i32>} : memref<3x16xi32, #tpu.memory_space<vmem>>, vector<16xi32>,
    %swap3A_917 = arith.constant 2064 : index
    %swap3A_918 = tpu.vector_load %arg7[%swap3A_917] {strides = array<i32>} : memref<3120xi32, #tpu.memory_space<vmem>>, vector<16xi32>,
    tpu.vector_store %arg7[%swap3A_917], %get3A_916 {strides = array<i32>} : memref<3120xi32, #tpu.memory_space<vmem>>, vector<16xi32>,
    %get3A_919 = arith.constant 1040 : index
    %get3A_920 = tpu.vector_load %arg7[%get3A_919] {strides = array<i32>} : memref<3120xi32, #tpu.memory_space<vmem>>, vector<16xi32>,
    %broadcast_in_dim3A_921 = arith.constant 1041 : i32
    %broadcast_in_dim3A_922 = vector.broadcast %broadcast_in_dim3A_921 : i32 to vector<16xi32>
    %add3A_923 = arith.addi %broadcast_in_dim3A_922, %iota3A : vector<16xi32>
    %gather3A_924 = tpu.vector_load_idx %arg7[%add3A_923] : memref<3120xi32, #tpu.memory_space<vmem>>[vector<16xi32>], vector<16xi32>,
    %sub3A_925 = arith.subi %gather3A_924, %get3A_920 : vector<16xi32>
    %swap3A_926 = arith.constant 1024 : index
    %swap3A_927 = tpu.vector_load %arg8[%swap3A_926] {strides = array<i32>} : memref<3072xi32, #tpu.memory_space<vmem>>, vector<16xi32>,
    tpu.vector_store %arg8[%swap3A_926], %sub3A_925 {strides = array<i32>} : memref<3072xi32, #tpu.memory_space<vmem>>, vector<16xi32>,
    %add3A_928 = arith.addi %get3A_920, %sub3A_110 : vector<16xi32>
    %swap3A_929 = arith.constant 1024 : index
    %swap3A_930 = tpu.vector_load %arg9[%swap3A_929] {strides = array<i32>} : memref<3072xi32, #tpu.memory_space<vmem>>, vector<16xi32>,
    tpu.vector_store %arg9[%swap3A_929], %add3A_928 {strides = array<i32>} : memref<3072xi32, #tpu.memory_space<vmem>>, vector<16xi32>,
    %get3A_931 = arith.constant 1056 : index
    %get3A_932 = tpu.vector_load %arg7[%get3A_931] {strides = array<i32>} : memref<3120xi32, #tpu.memory_space<vmem>>, vector<16xi32>,
    %broadcast_in_dim3A_933 = arith.constant 1057 : i32
    %broadcast_in_dim3A_934 = vector.broadcast %broadcast_in_dim3A_933 : i32 to vector<16xi32>
    %add3A_935 = arith.addi %broadcast_in_dim3A_934, %iota3A : vector<16xi32>
    %gather3A_936 = tpu.vector_load_idx %arg7[%add3A_935] : memref<3120xi32, #tpu.memory_space<vmem>>[vector<16xi32>], vector<16xi32>,
    %sub3A_937 = arith.subi %gather3A_936, %get3A_932 : vector<16xi32>
    %swap3A_938 = arith.constant 1040 : index
    %swap3A_939 = tpu.vector_load %arg8[%swap3A_938] {strides = array<i32>} : memref<3072xi32, #tpu.memory_space<vmem>>, vector<16xi32>,
    tpu.vector_store %arg8[%swap3A_938], %sub3A_937 {strides = array<i32>} : memref<3072xi32, #tpu.memory_space<vmem>>, vector<16xi32>,
    %add3A_940 = arith.addi %get3A_932, %sub3A_110 : vector<16xi32>
    %swap3A_941 = arith.constant 1040 : index
    %swap3A_942 = tpu.vector_load %arg9[%swap3A_941] {strides = array<i32>} : memref<3072xi32, #tpu.memory_space<vmem>>, vector<16xi32>,
    tpu.vector_store %arg9[%swap3A_941], %add3A_940 {strides = array<i32>} : memref<3072xi32, #tpu.memory_space<vmem>>, vector<16xi32>,
    %get3A_943 = arith.constant 1072 : index
    %get3A_944 = tpu.vector_load %arg7[%get3A_943] {strides = array<i32>} : memref<3120xi32, #tpu.memory_space<vmem>>, vector<16xi32>,
    %broadcast_in_dim3A_945 = arith.constant 1073 : i32
    %broadcast_in_dim3A_946 = vector.broadcast %broadcast_in_dim3A_945 : i32 to vector<16xi32>
    %add3A_947 = arith.addi %broadcast_in_dim3A_946, %iota3A : vector<16xi32>
    %gather3A_948 = tpu.vector_load_idx %arg7[%add3A_947] : memref<3120xi32, #tpu.memory_space<vmem>>[vector<16xi32>], vector<16xi32>,
    %sub3A_949 = arith.subi %gather3A_948, %get3A_944 : vector<16xi32>
    %swap3A_950 = arith.constant 1056 : index
    %swap3A_951 = tpu.vector_load %arg8[%swap3A_950] {strides = array<i32>} : memref<3072xi32, #tpu.memory_space<vmem>>, vector<16xi32>,
    tpu.vector_store %arg8[%swap3A_950], %sub3A_949 {strides = array<i32>} : memref<3072xi32, #tpu.memory_space<vmem>>, vector<16xi32>,
    %add3A_952 = arith.addi %get3A_944, %sub3A_110 : vector<16xi32>
    %swap3A_953 = arith.constant 1056 : index
    %swap3A_954 = tpu.vector_load %arg9[%swap3A_953] {strides = array<i32>} : memref<3072xi32, #tpu.memory_space<vmem>>, vector<16xi32>,
    tpu.vector_store %arg9[%swap3A_953], %add3A_952 {strides = array<i32>} : memref<3072xi32, #tpu.memory_space<vmem>>, vector<16xi32>,
    %get3A_955 = arith.constant 1088 : index
    %get3A_956 = tpu.vector_load %arg7[%get3A_955] {strides = array<i32>} : memref<3120xi32, #tpu.memory_space<vmem>>, vector<16xi32>,
    %broadcast_in_dim3A_957 = arith.constant 1089 : i32
    %broadcast_in_dim3A_958 = vector.broadcast %broadcast_in_dim3A_957 : i32 to vector<16xi32>
    %add3A_959 = arith.addi %broadcast_in_dim3A_958, %iota3A : vector<16xi32>
    %gather3A_960 = tpu.vector_load_idx %arg7[%add3A_959] : memref<3120xi32, #tpu.memory_space<vmem>>[vector<16xi32>], vector<16xi32>,
    %sub3A_961 = arith.subi %gather3A_960, %get3A_956 : vector<16xi32>
    %swap3A_962 = arith.constant 1072 : index
    %swap3A_963 = tpu.vector_load %arg8[%swap3A_962] {strides = array<i32>} : memref<3072xi32, #tpu.memory_space<vmem>>, vector<16xi32>,
    tpu.vector_store %arg8[%swap3A_962], %sub3A_961 {strides = array<i32>} : memref<3072xi32, #tpu.memory_space<vmem>>, vector<16xi32>,
    %add3A_964 = arith.addi %get3A_956, %sub3A_110 : vector<16xi32>
    %swap3A_965 = arith.constant 1072 : index
    %swap3A_966 = tpu.vector_load %arg9[%swap3A_965] {strides = array<i32>} : memref<3072xi32, #tpu.memory_space<vmem>>, vector<16xi32>,
    tpu.vector_store %arg9[%swap3A_965], %add3A_964 {strides = array<i32>} : memref<3072xi32, #tpu.memory_space<vmem>>, vector<16xi32>,
    %get3A_967 = arith.constant 1104 : index
    %get3A_968 = tpu.vector_load %arg7[%get3A_967] {strides = array<i32>} : memref<3120xi32, #tpu.memory_space<vmem>>, vector<16xi32>,
    %broadcast_in_dim3A_969 = arith.constant 1105 : i32
    %broadcast_in_dim3A_970 = vector.broadcast %broadcast_in_dim3A_969 : i32 to vector<16xi32>
    %add3A_971 = arith.addi %broadcast_in_dim3A_970, %iota3A : vector<16xi32>
    %gather3A_972 = tpu.vector_load_idx %arg7[%add3A_971] : memref<3120xi32, #tpu.memory_space<vmem>>[vector<16xi32>], vector<16xi32>,
    %sub3A_973 = arith.subi %gather3A_972, %get3A_968 : vector<16xi32>
    %swap3A_974 = arith.constant 1088 : index
    %swap3A_975 = tpu.vector_load %arg8[%swap3A_974] {strides = array<i32>} : memref<3072xi32, #tpu.memory_space<vmem>>, vector<16xi32>,
    tpu.vector_store %arg8[%swap3A_974], %sub3A_973 {strides = array<i32>} : memref<3072xi32, #tpu.memory_space<vmem>>, vector<16xi32>,
    %add3A_976 = arith.addi %get3A_968, %sub3A_110 : vector<16xi32>
    %swap3A_977 = arith.constant 1088 : index
    %swap3A_978 = tpu.vector_load %arg9[%swap3A_977] {strides = array<i32>} : memref<3072xi32, #tpu.memory_space<vmem>>, vector<16xi32>,
    tpu.vector_store %arg9[%swap3A_977], %add3A_976 {strides = array<i32>} : memref<3072xi32, #tpu.memory_space<vmem>>, vector<16xi32>,
    %get3A_979 = arith.constant 1120 : index
    %get3A_980 = tpu.vector_load %arg7[%get3A_979] {strides = array<i32>} : memref<3120xi32, #tpu.memory_space<vmem>>, vector<16xi32>,
    %broadcast_in_dim3A_981 = arith.constant 1121 : i32
    %broadcast_in_dim3A_982 = vector.broadcast %broadcast_in_dim3A_981 : i32 to vector<16xi32>
    %add3A_983 = arith.addi %broadcast_in_dim3A_982, %iota3A : vector<16xi32>
    %gather3A_984 = tpu.vector_load_idx %arg7[%add3A_983] : memref<3120xi32, #tpu.memory_space<vmem>>[vector<16xi32>], vector<16xi32>,
    %sub3A_985 = arith.subi %gather3A_984, %get3A_980 : vector<16xi32>
    %swap3A_986 = arith.constant 1104 : index
    %swap3A_987 = tpu.vector_load %arg8[%swap3A_986] {strides = array<i32>} : memref<3072xi32, #tpu.memory_space<vmem>>, vector<16xi32>,
    tpu.vector_store %arg8[%swap3A_986], %sub3A_985 {strides = array<i32>} : memref<3072xi32, #tpu.memory_space<vmem>>, vector<16xi32>,
    %add3A_988 = arith.addi %get3A_980, %sub3A_110 : vector<16xi32>
    %swap3A_989 = arith.constant 1104 : index
    %swap3A_990 = tpu.vector_load %arg9[%swap3A_989] {strides = array<i32>} : memref<3072xi32, #tpu.memory_space<vmem>>, vector<16xi32>,
    tpu.vector_store %arg9[%swap3A_989], %add3A_988 {strides = array<i32>} : memref<3072xi32, #tpu.memory_space<vmem>>, vector<16xi32>,
    %get3A_991 = arith.constant 1136 : index
    %get3A_992 = tpu.vector_load %arg7[%get3A_991] {strides = array<i32>} : memref<3120xi32, #tpu.memory_space<vmem>>, vector<16xi32>,
    %broadcast_in_dim3A_993 = arith.constant 1137 : i32
    %broadcast_in_dim3A_994 = vector.broadcast %broadcast_in_dim3A_993 : i32 to vector<16xi32>
    %add3A_995 = arith.addi %broadcast_in_dim3A_994, %iota3A : vector<16xi32>
    %gather3A_996 = tpu.vector_load_idx %arg7[%add3A_995] : memref<3120xi32, #tpu.memory_space<vmem>>[vector<16xi32>], vector<16xi32>,
    %sub3A_997 = arith.subi %gather3A_996, %get3A_992 : vector<16xi32>
    %swap3A_998 = arith.constant 1120 : index
    %swap3A_999 = tpu.vector_load %arg8[%swap3A_998] {strides = array<i32>} : memref<3072xi32, #tpu.memory_space<vmem>>, vector<16xi32>,
    tpu.vector_store %arg8[%swap3A_998], %sub3A_997 {strides = array<i32>} : memref<3072xi32, #tpu.memory_space<vmem>>, vector<16xi32>,
    %add3A_1000 = arith.addi %get3A_992, %sub3A_110 : vector<16xi32>
    %swap3A_1001 = arith.constant 1120 : index
    %swap3A_1002 = tpu.vector_load %arg9[%swap3A_1001] {strides = array<i32>} : memref<3072xi32, #tpu.memory_space<vmem>>, vector<16xi32>,
    tpu.vector_store %arg9[%swap3A_1001], %add3A_1000 {strides = array<i32>} : memref<3072xi32, #tpu.memory_space<vmem>>, vector<16xi32>,
    %get3A_1003 = arith.constant 1152 : index
    %get3A_1004 = tpu.vector_load %arg7[%get3A_1003] {strides = array<i32>} : memref<3120xi32, #tpu.memory_space<vmem>>, vector<16xi32>,
    %broadcast_in_dim3A_1005 = arith.constant 1153 : i32
    %broadcast_in_dim3A_1006 = vector.broadcast %broadcast_in_dim3A_1005 : i32 to vector<16xi32>
    %add3A_1007 = arith.addi %broadcast_in_dim3A_1006, %iota3A : vector<16xi32>
    %gather3A_1008 = tpu.vector_load_idx %arg7[%add3A_1007] : memref<3120xi32, #tpu.memory_space<vmem>>[vector<16xi32>], vector<16xi32>,
    %sub3A_1009 = arith.subi %gather3A_1008, %get3A_1004 : vector<16xi32>
    %swap3A_1010 = arith.constant 1136 : index
    %swap3A_1011 = tpu.vector_load %arg8[%swap3A_1010] {strides = array<i32>} : memref<3072xi32, #tpu.memory_space<vmem>>, vector<16xi32>,
    tpu.vector_store %arg8[%swap3A_1010], %sub3A_1009 {strides = array<i32>} : memref<3072xi32, #tpu.memory_space<vmem>>, vector<16xi32>,
    %add3A_1012 = arith.addi %get3A_1004, %sub3A_110 : vector<16xi32>
    %swap3A_1013 = arith.constant 1136 : index
    %swap3A_1014 = tpu.vector_load %arg9[%swap3A_1013] {strides = array<i32>} : memref<3072xi32, #tpu.memory_space<vmem>>, vector<16xi32>,
    tpu.vector_store %arg9[%swap3A_1013], %add3A_1012 {strides = array<i32>} : memref<3072xi32, #tpu.memory_space<vmem>>, vector<16xi32>,
    %get3A_1015 = arith.constant 1168 : index
    %get3A_1016 = tpu.vector_load %arg7[%get3A_1015] {strides = array<i32>} : memref<3120xi32, #tpu.memory_space<vmem>>, vector<16xi32>,
    %broadcast_in_dim3A_1017 = arith.constant 1169 : i32
    %broadcast_in_dim3A_1018 = vector.broadcast %broadcast_in_dim3A_1017 : i32 to vector<16xi32>
    %add3A_1019 = arith.addi %broadcast_in_dim3A_1018, %iota3A : vector<16xi32>
    %gather3A_1020 = tpu.vector_load_idx %arg7[%add3A_1019] : memref<3120xi32, #tpu.memory_space<vmem>>[vector<16xi32>], vector<16xi32>,
    %sub3A_1021 = arith.subi %gather3A_1020, %get3A_1016 : vector<16xi32>
    %swap3A_1022 = arith.constant 1152 : index
    %swap3A_1023 = tpu.vector_load %arg8[%swap3A_1022] {strides = array<i32>} : memref<3072xi32, #tpu.memory_space<vmem>>, vector<16xi32>,
    tpu.vector_store %arg8[%swap3A_1022], %sub3A_1021 {strides = array<i32>} : memref<3072xi32, #tpu.memory_space<vmem>>, vector<16xi32>,
    %add3A_1024 = arith.addi %get3A_1016, %sub3A_110 : vector<16xi32>
    %swap3A_1025 = arith.constant 1152 : index
    %swap3A_1026 = tpu.vector_load %arg9[%swap3A_1025] {strides = array<i32>} : memref<3072xi32, #tpu.memory_space<vmem>>, vector<16xi32>,
    tpu.vector_store %arg9[%swap3A_1025], %add3A_1024 {strides = array<i32>} : memref<3072xi32, #tpu.memory_space<vmem>>, vector<16xi32>,
    %get3A_1027 = arith.constant 1184 : index
    %get3A_1028 = tpu.vector_load %arg7[%get3A_1027] {strides = array<i32>} : memref<3120xi32, #tpu.memory_space<vmem>>, vector<16xi32>,
    %broadcast_in_dim3A_1029 = arith.constant 1185 : i32
    %broadcast_in_dim3A_1030 = vector.broadcast %broadcast_in_dim3A_1029 : i32 to vector<16xi32>
    %add3A_1031 = arith.addi %broadcast_in_dim3A_1030, %iota3A : vector<16xi32>
    %gather3A_1032 = tpu.vector_load_idx %arg7[%add3A_1031] : memref<3120xi32, #tpu.memory_space<vmem>>[vector<16xi32>], vector<16xi32>,
    %sub3A_1033 = arith.subi %gather3A_1032, %get3A_1028 : vector<16xi32>
    %swap3A_1034 = arith.constant 1168 : index
    %swap3A_1035 = tpu.vector_load %arg8[%swap3A_1034] {strides = array<i32>} : memref<3072xi32, #tpu.memory_space<vmem>>, vector<16xi32>,
    tpu.vector_store %arg8[%swap3A_1034], %sub3A_1033 {strides = array<i32>} : memref<3072xi32, #tpu.memory_space<vmem>>, vector<16xi32>,
    %add3A_1036 = arith.addi %get3A_1028, %sub3A_110 : vector<16xi32>
    %swap3A_1037 = arith.constant 1168 : index
    %swap3A_1038 = tpu.vector_load %arg9[%swap3A_1037] {strides = array<i32>} : memref<3072xi32, #tpu.memory_space<vmem>>, vector<16xi32>,
    tpu.vector_store %arg9[%swap3A_1037], %add3A_1036 {strides = array<i32>} : memref<3072xi32, #tpu.memory_space<vmem>>, vector<16xi32>,
    %get3A_1039 = arith.constant 1200 : index
    %get3A_1040 = tpu.vector_load %arg7[%get3A_1039] {strides = array<i32>} : memref<3120xi32, #tpu.memory_space<vmem>>, vector<16xi32>,
    %broadcast_in_dim3A_1041 = arith.constant 1201 : i32
    %broadcast_in_dim3A_1042 = vector.broadcast %broadcast_in_dim3A_1041 : i32 to vector<16xi32>
    %add3A_1043 = arith.addi %broadcast_in_dim3A_1042, %iota3A : vector<16xi32>
    %gather3A_1044 = tpu.vector_load_idx %arg7[%add3A_1043] : memref<3120xi32, #tpu.memory_space<vmem>>[vector<16xi32>], vector<16xi32>,
    %sub3A_1045 = arith.subi %gather3A_1044, %get3A_1040 : vector<16xi32>
    %swap3A_1046 = arith.constant 1184 : index
    %swap3A_1047 = tpu.vector_load %arg8[%swap3A_1046] {strides = array<i32>} : memref<3072xi32, #tpu.memory_space<vmem>>, vector<16xi32>,
    tpu.vector_store %arg8[%swap3A_1046], %sub3A_1045 {strides = array<i32>} : memref<3072xi32, #tpu.memory_space<vmem>>, vector<16xi32>,
    %add3A_1048 = arith.addi %get3A_1040, %sub3A_110 : vector<16xi32>
    %swap3A_1049 = arith.constant 1184 : index
    %swap3A_1050 = tpu.vector_load %arg9[%swap3A_1049] {strides = array<i32>} : memref<3072xi32, #tpu.memory_space<vmem>>, vector<16xi32>,
    tpu.vector_store %arg9[%swap3A_1049], %add3A_1048 {strides = array<i32>} : memref<3072xi32, #tpu.memory_space<vmem>>, vector<16xi32>,
    %get3A_1051 = arith.constant 1216 : index
    %get3A_1052 = tpu.vector_load %arg7[%get3A_1051] {strides = array<i32>} : memref<3120xi32, #tpu.memory_space<vmem>>, vector<16xi32>,
    %broadcast_in_dim3A_1053 = arith.constant 1217 : i32
    %broadcast_in_dim3A_1054 = vector.broadcast %broadcast_in_dim3A_1053 : i32 to vector<16xi32>
    %add3A_1055 = arith.addi %broadcast_in_dim3A_1054, %iota3A : vector<16xi32>
    %gather3A_1056 = tpu.vector_load_idx %arg7[%add3A_1055] : memref<3120xi32, #tpu.memory_space<vmem>>[vector<16xi32>], vector<16xi32>,
    %sub3A_1057 = arith.subi %gather3A_1056, %get3A_1052 : vector<16xi32>
    %swap3A_1058 = arith.constant 1200 : index
    %swap3A_1059 = tpu.vector_load %arg8[%swap3A_1058] {strides = array<i32>} : memref<3072xi32, #tpu.memory_space<vmem>>, vector<16xi32>,
    tpu.vector_store %arg8[%swap3A_1058], %sub3A_1057 {strides = array<i32>} : memref<3072xi32, #tpu.memory_space<vmem>>, vector<16xi32>,
    %add3A_1060 = arith.addi %get3A_1052, %sub3A_110 : vector<16xi32>
    %swap3A_1061 = arith.constant 1200 : index
    %swap3A_1062 = tpu.vector_load %arg9[%swap3A_1061] {strides = array<i32>} : memref<3072xi32, #tpu.memory_space<vmem>>, vector<16xi32>,
    tpu.vector_store %arg9[%swap3A_1061], %add3A_1060 {strides = array<i32>} : memref<3072xi32, #tpu.memory_space<vmem>>, vector<16xi32>,
    %get3A_1063 = arith.constant 1232 : index
    %get3A_1064 = tpu.vector_load %arg7[%get3A_1063] {strides = array<i32>} : memref<3120xi32, #tpu.memory_space<vmem>>, vector<16xi32>,
    %broadcast_in_dim3A_1065 = arith.constant 1233 : i32
    %broadcast_in_dim3A_1066 = vector.broadcast %broadcast_in_dim3A_1065 : i32 to vector<16xi32>
    %add3A_1067 = arith.addi %broadcast_in_dim3A_1066, %iota3A : vector<16xi32>
    %gather3A_1068 = tpu.vector_load_idx %arg7[%add3A_1067] : memref<3120xi32, #tpu.memory_space<vmem>>[vector<16xi32>], vector<16xi32>,
    %sub3A_1069 = arith.subi %gather3A_1068, %get3A_1064 : vector<16xi32>
    %swap3A_1070 = arith.constant 1216 : index
    %swap3A_1071 = tpu.vector_load %arg8[%swap3A_1070] {strides = array<i32>} : memref<3072xi32, #tpu.memory_space<vmem>>, vector<16xi32>,
    tpu.vector_store %arg8[%swap3A_1070], %sub3A_1069 {strides = array<i32>} : memref<3072xi32, #tpu.memory_space<vmem>>, vector<16xi32>,
    %add3A_1072 = arith.addi %get3A_1064, %sub3A_110 : vector<16xi32>
    %swap3A_1073 = arith.constant 1216 : index
    %swap3A_1074 = tpu.vector_load %arg9[%swap3A_1073] {strides = array<i32>} : memref<3072xi32, #tpu.memory_space<vmem>>, vector<16xi32>,
    tpu.vector_store %arg9[%swap3A_1073], %add3A_1072 {strides = array<i32>} : memref<3072xi32, #tpu.memory_space<vmem>>, vector<16xi32>,
    %get3A_1075 = arith.constant 1248 : index
    %get3A_1076 = tpu.vector_load %arg7[%get3A_1075] {strides = array<i32>} : memref<3120xi32, #tpu.memory_space<vmem>>, vector<16xi32>,
    %broadcast_in_dim3A_1077 = arith.constant 1249 : i32
    %broadcast_in_dim3A_1078 = vector.broadcast %broadcast_in_dim3A_1077 : i32 to vector<16xi32>
    %add3A_1079 = arith.addi %broadcast_in_dim3A_1078, %iota3A : vector<16xi32>
    %gather3A_1080 = tpu.vector_load_idx %arg7[%add3A_1079] : memref<3120xi32, #tpu.memory_space<vmem>>[vector<16xi32>], vector<16xi32>,
    %sub3A_1081 = arith.subi %gather3A_1080, %get3A_1076 : vector<16xi32>
    %swap3A_1082 = arith.constant 1232 : index
    %swap3A_1083 = tpu.vector_load %arg8[%swap3A_1082] {strides = array<i32>} : memref<3072xi32, #tpu.memory_space<vmem>>, vector<16xi32>,
    tpu.vector_store %arg8[%swap3A_1082], %sub3A_1081 {strides = array<i32>} : memref<3072xi32, #tpu.memory_space<vmem>>, vector<16xi32>,
    %add3A_1084 = arith.addi %get3A_1076, %sub3A_110 : vector<16xi32>
    %swap3A_1085 = arith.constant 1232 : index
    %swap3A_1086 = tpu.vector_load %arg9[%swap3A_1085] {strides = array<i32>} : memref<3072xi32, #tpu.memory_space<vmem>>, vector<16xi32>,
    tpu.vector_store %arg9[%swap3A_1085], %add3A_1084 {strides = array<i32>} : memref<3072xi32, #tpu.memory_space<vmem>>, vector<16xi32>,
    %get3A_1087 = arith.constant 1264 : index
    %get3A_1088 = tpu.vector_load %arg7[%get3A_1087] {strides = array<i32>} : memref<3120xi32, #tpu.memory_space<vmem>>, vector<16xi32>,
    %broadcast_in_dim3A_1089 = arith.constant 1265 : i32
    %broadcast_in_dim3A_1090 = vector.broadcast %broadcast_in_dim3A_1089 : i32 to vector<16xi32>
    %add3A_1091 = arith.addi %broadcast_in_dim3A_1090, %iota3A : vector<16xi32>
    %gather3A_1092 = tpu.vector_load_idx %arg7[%add3A_1091] : memref<3120xi32, #tpu.memory_space<vmem>>[vector<16xi32>], vector<16xi32>,
    %sub3A_1093 = arith.subi %gather3A_1092, %get3A_1088 : vector<16xi32>
    %swap3A_1094 = arith.constant 1248 : index
    %swap3A_1095 = tpu.vector_load %arg8[%swap3A_1094] {strides = array<i32>} : memref<3072xi32, #tpu.memory_space<vmem>>, vector<16xi32>,
    tpu.vector_store %arg8[%swap3A_1094], %sub3A_1093 {strides = array<i32>} : memref<3072xi32, #tpu.memory_space<vmem>>, vector<16xi32>,
    %add3A_1096 = arith.addi %get3A_1088, %sub3A_110 : vector<16xi32>
    %swap3A_1097 = arith.constant 1248 : index
    %swap3A_1098 = tpu.vector_load %arg9[%swap3A_1097] {strides = array<i32>} : memref<3072xi32, #tpu.memory_space<vmem>>, vector<16xi32>,
    tpu.vector_store %arg9[%swap3A_1097], %add3A_1096 {strides = array<i32>} : memref<3072xi32, #tpu.memory_space<vmem>>, vector<16xi32>,
    %get3A_1099 = arith.constant 1280 : index
    %get3A_1100 = tpu.vector_load %arg7[%get3A_1099] {strides = array<i32>} : memref<3120xi32, #tpu.memory_space<vmem>>, vector<16xi32>,
    %broadcast_in_dim3A_1101 = arith.constant 1281 : i32
    %broadcast_in_dim3A_1102 = vector.broadcast %broadcast_in_dim3A_1101 : i32 to vector<16xi32>
    %add3A_1103 = arith.addi %broadcast_in_dim3A_1102, %iota3A : vector<16xi32>
    %gather3A_1104 = tpu.vector_load_idx %arg7[%add3A_1103] : memref<3120xi32, #tpu.memory_space<vmem>>[vector<16xi32>], vector<16xi32>,
    %sub3A_1105 = arith.subi %gather3A_1104, %get3A_1100 : vector<16xi32>
    %swap3A_1106 = arith.constant 1264 : index
    %swap3A_1107 = tpu.vector_load %arg8[%swap3A_1106] {strides = array<i32>} : memref<3072xi32, #tpu.memory_space<vmem>>, vector<16xi32>,
    tpu.vector_store %arg8[%swap3A_1106], %sub3A_1105 {strides = array<i32>} : memref<3072xi32, #tpu.memory_space<vmem>>, vector<16xi32>,
    %add3A_1108 = arith.addi %get3A_1100, %sub3A_110 : vector<16xi32>
    %swap3A_1109 = arith.constant 1264 : index
    %swap3A_1110 = tpu.vector_load %arg9[%swap3A_1109] {strides = array<i32>} : memref<3072xi32, #tpu.memory_space<vmem>>, vector<16xi32>,
    tpu.vector_store %arg9[%swap3A_1109], %add3A_1108 {strides = array<i32>} : memref<3072xi32, #tpu.memory_space<vmem>>, vector<16xi32>,
    %get3A_1111 = arith.constant 1296 : index
    %get3A_1112 = tpu.vector_load %arg7[%get3A_1111] {strides = array<i32>} : memref<3120xi32, #tpu.memory_space<vmem>>, vector<16xi32>,
    %broadcast_in_dim3A_1113 = arith.constant 1297 : i32
    %broadcast_in_dim3A_1114 = vector.broadcast %broadcast_in_dim3A_1113 : i32 to vector<16xi32>
    %add3A_1115 = arith.addi %broadcast_in_dim3A_1114, %iota3A : vector<16xi32>
    %gather3A_1116 = tpu.vector_load_idx %arg7[%add3A_1115] : memref<3120xi32, #tpu.memory_space<vmem>>[vector<16xi32>], vector<16xi32>,
    %sub3A_1117 = arith.subi %gather3A_1116, %get3A_1112 : vector<16xi32>
    %swap3A_1118 = arith.constant 1280 : index
    %swap3A_1119 = tpu.vector_load %arg8[%swap3A_1118] {strides = array<i32>} : memref<3072xi32, #tpu.memory_space<vmem>>, vector<16xi32>,
    tpu.vector_store %arg8[%swap3A_1118], %sub3A_1117 {strides = array<i32>} : memref<3072xi32, #tpu.memory_space<vmem>>, vector<16xi32>,
    %add3A_1120 = arith.addi %get3A_1112, %sub3A_110 : vector<16xi32>
    %swap3A_1121 = arith.constant 1280 : index
    %swap3A_1122 = tpu.vector_load %arg9[%swap3A_1121] {strides = array<i32>} : memref<3072xi32, #tpu.memory_space<vmem>>, vector<16xi32>,
    tpu.vector_store %arg9[%swap3A_1121], %add3A_1120 {strides = array<i32>} : memref<3072xi32, #tpu.memory_space<vmem>>, vector<16xi32>,
    %get3A_1123 = arith.constant 1312 : index
    %get3A_1124 = tpu.vector_load %arg7[%get3A_1123] {strides = array<i32>} : memref<3120xi32, #tpu.memory_space<vmem>>, vector<16xi32>,
    %broadcast_in_dim3A_1125 = arith.constant 1313 : i32
    %broadcast_in_dim3A_1126 = vector.broadcast %broadcast_in_dim3A_1125 : i32 to vector<16xi32>
    %add3A_1127 = arith.addi %broadcast_in_dim3A_1126, %iota3A : vector<16xi32>
    %gather3A_1128 = tpu.vector_load_idx %arg7[%add3A_1127] : memref<3120xi32, #tpu.memory_space<vmem>>[vector<16xi32>], vector<16xi32>,
    %sub3A_1129 = arith.subi %gather3A_1128, %get3A_1124 : vector<16xi32>
    %swap3A_1130 = arith.constant 1296 : index
    %swap3A_1131 = tpu.vector_load %arg8[%swap3A_1130] {strides = array<i32>} : memref<3072xi32, #tpu.memory_space<vmem>>, vector<16xi32>,
    tpu.vector_store %arg8[%swap3A_1130], %sub3A_1129 {strides = array<i32>} : memref<3072xi32, #tpu.memory_space<vmem>>, vector<16xi32>,
    %add3A_1132 = arith.addi %get3A_1124, %sub3A_110 : vector<16xi32>
    %swap3A_1133 = arith.constant 1296 : index
    %swap3A_1134 = tpu.vector_load %arg9[%swap3A_1133] {strides = array<i32>} : memref<3072xi32, #tpu.memory_space<vmem>>, vector<16xi32>,
    tpu.vector_store %arg9[%swap3A_1133], %add3A_1132 {strides = array<i32>} : memref<3072xi32, #tpu.memory_space<vmem>>, vector<16xi32>,
    %get3A_1135 = arith.constant 1328 : index
    %get3A_1136 = tpu.vector_load %arg7[%get3A_1135] {strides = array<i32>} : memref<3120xi32, #tpu.memory_space<vmem>>, vector<16xi32>,
    %broadcast_in_dim3A_1137 = arith.constant 1329 : i32
    %broadcast_in_dim3A_1138 = vector.broadcast %broadcast_in_dim3A_1137 : i32 to vector<16xi32>
    %add3A_1139 = arith.addi %broadcast_in_dim3A_1138, %iota3A : vector<16xi32>
    %gather3A_1140 = tpu.vector_load_idx %arg7[%add3A_1139] : memref<3120xi32, #tpu.memory_space<vmem>>[vector<16xi32>], vector<16xi32>,
    %sub3A_1141 = arith.subi %gather3A_1140, %get3A_1136 : vector<16xi32>
    %swap3A_1142 = arith.constant 1312 : index
    %swap3A_1143 = tpu.vector_load %arg8[%swap3A_1142] {strides = array<i32>} : memref<3072xi32, #tpu.memory_space<vmem>>, vector<16xi32>,
    tpu.vector_store %arg8[%swap3A_1142], %sub3A_1141 {strides = array<i32>} : memref<3072xi32, #tpu.memory_space<vmem>>, vector<16xi32>,
    %add3A_1144 = arith.addi %get3A_1136, %sub3A_110 : vector<16xi32>
    %swap3A_1145 = arith.constant 1312 : index
    %swap3A_1146 = tpu.vector_load %arg9[%swap3A_1145] {strides = array<i32>} : memref<3072xi32, #tpu.memory_space<vmem>>, vector<16xi32>,
    tpu.vector_store %arg9[%swap3A_1145], %add3A_1144 {strides = array<i32>} : memref<3072xi32, #tpu.memory_space<vmem>>, vector<16xi32>,
    %get3A_1147 = arith.constant 1344 : index
    %get3A_1148 = tpu.vector_load %arg7[%get3A_1147] {strides = array<i32>} : memref<3120xi32, #tpu.memory_space<vmem>>, vector<16xi32>,
    %broadcast_in_dim3A_1149 = arith.constant 1345 : i32
    %broadcast_in_dim3A_1150 = vector.broadcast %broadcast_in_dim3A_1149 : i32 to vector<16xi32>
    %add3A_1151 = arith.addi %broadcast_in_dim3A_1150, %iota3A : vector<16xi32>
    %gather3A_1152 = tpu.vector_load_idx %arg7[%add3A_1151] : memref<3120xi32, #tpu.memory_space<vmem>>[vector<16xi32>], vector<16xi32>,
    %sub3A_1153 = arith.subi %gather3A_1152, %get3A_1148 : vector<16xi32>
    %swap3A_1154 = arith.constant 1328 : index
    %swap3A_1155 = tpu.vector_load %arg8[%swap3A_1154] {strides = array<i32>} : memref<3072xi32, #tpu.memory_space<vmem>>, vector<16xi32>,
    tpu.vector_store %arg8[%swap3A_1154], %sub3A_1153 {strides = array<i32>} : memref<3072xi32, #tpu.memory_space<vmem>>, vector<16xi32>,
    %add3A_1156 = arith.addi %get3A_1148, %sub3A_110 : vector<16xi32>
    %swap3A_1157 = arith.constant 1328 : index
    %swap3A_1158 = tpu.vector_load %arg9[%swap3A_1157] {strides = array<i32>} : memref<3072xi32, #tpu.memory_space<vmem>>, vector<16xi32>,
    tpu.vector_store %arg9[%swap3A_1157], %add3A_1156 {strides = array<i32>} : memref<3072xi32, #tpu.memory_space<vmem>>, vector<16xi32>,
    %get3A_1159 = arith.constant 1360 : index
    %get3A_1160 = tpu.vector_load %arg7[%get3A_1159] {strides = array<i32>} : memref<3120xi32, #tpu.memory_space<vmem>>, vector<16xi32>,
    %broadcast_in_dim3A_1161 = arith.constant 1361 : i32
    %broadcast_in_dim3A_1162 = vector.broadcast %broadcast_in_dim3A_1161 : i32 to vector<16xi32>
    %add3A_1163 = arith.addi %broadcast_in_dim3A_1162, %iota3A : vector<16xi32>
    %gather3A_1164 = tpu.vector_load_idx %arg7[%add3A_1163] : memref<3120xi32, #tpu.memory_space<vmem>>[vector<16xi32>], vector<16xi32>,
    %sub3A_1165 = arith.subi %gather3A_1164, %get3A_1160 : vector<16xi32>
    %swap3A_1166 = arith.constant 1344 : index
    %swap3A_1167 = tpu.vector_load %arg8[%swap3A_1166] {strides = array<i32>} : memref<3072xi32, #tpu.memory_space<vmem>>, vector<16xi32>,
    tpu.vector_store %arg8[%swap3A_1166], %sub3A_1165 {strides = array<i32>} : memref<3072xi32, #tpu.memory_space<vmem>>, vector<16xi32>,
    %add3A_1168 = arith.addi %get3A_1160, %sub3A_110 : vector<16xi32>
    %swap3A_1169 = arith.constant 1344 : index
    %swap3A_1170 = tpu.vector_load %arg9[%swap3A_1169] {strides = array<i32>} : memref<3072xi32, #tpu.memory_space<vmem>>, vector<16xi32>,
    tpu.vector_store %arg9[%swap3A_1169], %add3A_1168 {strides = array<i32>} : memref<3072xi32, #tpu.memory_space<vmem>>, vector<16xi32>,
    %get3A_1171 = arith.constant 1376 : index
    %get3A_1172 = tpu.vector_load %arg7[%get3A_1171] {strides = array<i32>} : memref<3120xi32, #tpu.memory_space<vmem>>, vector<16xi32>,
    %broadcast_in_dim3A_1173 = arith.constant 1377 : i32
    %broadcast_in_dim3A_1174 = vector.broadcast %broadcast_in_dim3A_1173 : i32 to vector<16xi32>
    %add3A_1175 = arith.addi %broadcast_in_dim3A_1174, %iota3A : vector<16xi32>
    %gather3A_1176 = tpu.vector_load_idx %arg7[%add3A_1175] : memref<3120xi32, #tpu.memory_space<vmem>>[vector<16xi32>], vector<16xi32>,
    %sub3A_1177 = arith.subi %gather3A_1176, %get3A_1172 : vector<16xi32>
    %swap3A_1178 = arith.constant 1360 : index
    %swap3A_1179 = tpu.vector_load %arg8[%swap3A_1178] {strides = array<i32>} : memref<3072xi32, #tpu.memory_space<vmem>>, vector<16xi32>,
    tpu.vector_store %arg8[%swap3A_1178], %sub3A_1177 {strides = array<i32>} : memref<3072xi32, #tpu.memory_space<vmem>>, vector<16xi32>,
    %add3A_1180 = arith.addi %get3A_1172, %sub3A_110 : vector<16xi32>
    %swap3A_1181 = arith.constant 1360 : index
    %swap3A_1182 = tpu.vector_load %arg9[%swap3A_1181] {strides = array<i32>} : memref<3072xi32, #tpu.memory_space<vmem>>, vector<16xi32>,
    tpu.vector_store %arg9[%swap3A_1181], %add3A_1180 {strides = array<i32>} : memref<3072xi32, #tpu.memory_space<vmem>>, vector<16xi32>,
    %get3A_1183 = arith.constant 1392 : index
    %get3A_1184 = tpu.vector_load %arg7[%get3A_1183] {strides = array<i32>} : memref<3120xi32, #tpu.memory_space<vmem>>, vector<16xi32>,
    %broadcast_in_dim3A_1185 = arith.constant 1393 : i32
    %broadcast_in_dim3A_1186 = vector.broadcast %broadcast_in_dim3A_1185 : i32 to vector<16xi32>
    %add3A_1187 = arith.addi %broadcast_in_dim3A_1186, %iota3A : vector<16xi32>
    %gather3A_1188 = tpu.vector_load_idx %arg7[%add3A_1187] : memref<3120xi32, #tpu.memory_space<vmem>>[vector<16xi32>], vector<16xi32>,
    %sub3A_1189 = arith.subi %gather3A_1188, %get3A_1184 : vector<16xi32>
    %swap3A_1190 = arith.constant 1376 : index
    %swap3A_1191 = tpu.vector_load %arg8[%swap3A_1190] {strides = array<i32>} : memref<3072xi32, #tpu.memory_space<vmem>>, vector<16xi32>,
    tpu.vector_store %arg8[%swap3A_1190], %sub3A_1189 {strides = array<i32>} : memref<3072xi32, #tpu.memory_space<vmem>>, vector<16xi32>,
    %add3A_1192 = arith.addi %get3A_1184, %sub3A_110 : vector<16xi32>
    %swap3A_1193 = arith.constant 1376 : index
    %swap3A_1194 = tpu.vector_load %arg9[%swap3A_1193] {strides = array<i32>} : memref<3072xi32, #tpu.memory_space<vmem>>, vector<16xi32>,
    tpu.vector_store %arg9[%swap3A_1193], %add3A_1192 {strides = array<i32>} : memref<3072xi32, #tpu.memory_space<vmem>>, vector<16xi32>,
    %get3A_1195 = arith.constant 1408 : index
    %get3A_1196 = tpu.vector_load %arg7[%get3A_1195] {strides = array<i32>} : memref<3120xi32, #tpu.memory_space<vmem>>, vector<16xi32>,
    %broadcast_in_dim3A_1197 = arith.constant 1409 : i32
    %broadcast_in_dim3A_1198 = vector.broadcast %broadcast_in_dim3A_1197 : i32 to vector<16xi32>
    %add3A_1199 = arith.addi %broadcast_in_dim3A_1198, %iota3A : vector<16xi32>
    %gather3A_1200 = tpu.vector_load_idx %arg7[%add3A_1199] : memref<3120xi32, #tpu.memory_space<vmem>>[vector<16xi32>], vector<16xi32>,
    %sub3A_1201 = arith.subi %gather3A_1200, %get3A_1196 : vector<16xi32>
    %swap3A_1202 = arith.constant 1392 : index
    %swap3A_1203 = tpu.vector_load %arg8[%swap3A_1202] {strides = array<i32>} : memref<3072xi32, #tpu.memory_space<vmem>>, vector<16xi32>,
    tpu.vector_store %arg8[%swap3A_1202], %sub3A_1201 {strides = array<i32>} : memref<3072xi32, #tpu.memory_space<vmem>>, vector<16xi32>,
    %add3A_1204 = arith.addi %get3A_1196, %sub3A_110 : vector<16xi32>
    %swap3A_1205 = arith.constant 1392 : index
    %swap3A_1206 = tpu.vector_load %arg9[%swap3A_1205] {strides = array<i32>} : memref<3072xi32, #tpu.memory_space<vmem>>, vector<16xi32>,
    tpu.vector_store %arg9[%swap3A_1205], %add3A_1204 {strides = array<i32>} : memref<3072xi32, #tpu.memory_space<vmem>>, vector<16xi32>,
    %get3A_1207 = arith.constant 1424 : index
    %get3A_1208 = tpu.vector_load %arg7[%get3A_1207] {strides = array<i32>} : memref<3120xi32, #tpu.memory_space<vmem>>, vector<16xi32>,
    %broadcast_in_dim3A_1209 = arith.constant 1425 : i32
    %broadcast_in_dim3A_1210 = vector.broadcast %broadcast_in_dim3A_1209 : i32 to vector<16xi32>
    %add3A_1211 = arith.addi %broadcast_in_dim3A_1210, %iota3A : vector<16xi32>
    %gather3A_1212 = tpu.vector_load_idx %arg7[%add3A_1211] : memref<3120xi32, #tpu.memory_space<vmem>>[vector<16xi32>], vector<16xi32>,
    %sub3A_1213 = arith.subi %gather3A_1212, %get3A_1208 : vector<16xi32>
    %swap3A_1214 = arith.constant 1408 : index
    %swap3A_1215 = tpu.vector_load %arg8[%swap3A_1214] {strides = array<i32>} : memref<3072xi32, #tpu.memory_space<vmem>>, vector<16xi32>,
    tpu.vector_store %arg8[%swap3A_1214], %sub3A_1213 {strides = array<i32>} : memref<3072xi32, #tpu.memory_space<vmem>>, vector<16xi32>,
    %add3A_1216 = arith.addi %get3A_1208, %sub3A_110 : vector<16xi32>
    %swap3A_1217 = arith.constant 1408 : index
    %swap3A_1218 = tpu.vector_load %arg9[%swap3A_1217] {strides = array<i32>} : memref<3072xi32, #tpu.memory_space<vmem>>, vector<16xi32>,
    tpu.vector_store %arg9[%swap3A_1217], %add3A_1216 {strides = array<i32>} : memref<3072xi32, #tpu.memory_space<vmem>>, vector<16xi32>,
    %get3A_1219 = arith.constant 1440 : index
    %get3A_1220 = tpu.vector_load %arg7[%get3A_1219] {strides = array<i32>} : memref<3120xi32, #tpu.memory_space<vmem>>, vector<16xi32>,
    %broadcast_in_dim3A_1221 = arith.constant 1441 : i32
    %broadcast_in_dim3A_1222 = vector.broadcast %broadcast_in_dim3A_1221 : i32 to vector<16xi32>
    %add3A_1223 = arith.addi %broadcast_in_dim3A_1222, %iota3A : vector<16xi32>
    %gather3A_1224 = tpu.vector_load_idx %arg7[%add3A_1223] : memref<3120xi32, #tpu.memory_space<vmem>>[vector<16xi32>], vector<16xi32>,
    %sub3A_1225 = arith.subi %gather3A_1224, %get3A_1220 : vector<16xi32>
    %swap3A_1226 = arith.constant 1424 : index
    %swap3A_1227 = tpu.vector_load %arg8[%swap3A_1226] {strides = array<i32>} : memref<3072xi32, #tpu.memory_space<vmem>>, vector<16xi32>,
    tpu.vector_store %arg8[%swap3A_1226], %sub3A_1225 {strides = array<i32>} : memref<3072xi32, #tpu.memory_space<vmem>>, vector<16xi32>,
    %add3A_1228 = arith.addi %get3A_1220, %sub3A_110 : vector<16xi32>
    %swap3A_1229 = arith.constant 1424 : index
    %swap3A_1230 = tpu.vector_load %arg9[%swap3A_1229] {strides = array<i32>} : memref<3072xi32, #tpu.memory_space<vmem>>, vector<16xi32>,
    tpu.vector_store %arg9[%swap3A_1229], %add3A_1228 {strides = array<i32>} : memref<3072xi32, #tpu.memory_space<vmem>>, vector<16xi32>,
    %get3A_1231 = arith.constant 1456 : index
    %get3A_1232 = tpu.vector_load %arg7[%get3A_1231] {strides = array<i32>} : memref<3120xi32, #tpu.memory_space<vmem>>, vector<16xi32>,
    %broadcast_in_dim3A_1233 = arith.constant 1457 : i32
    %broadcast_in_dim3A_1234 = vector.broadcast %broadcast_in_dim3A_1233 : i32 to vector<16xi32>
    %add3A_1235 = arith.addi %broadcast_in_dim3A_1234, %iota3A : vector<16xi32>
    %gather3A_1236 = tpu.vector_load_idx %arg7[%add3A_1235] : memref<3120xi32, #tpu.memory_space<vmem>>[vector<16xi32>], vector<16xi32>,
    %sub3A_1237 = arith.subi %gather3A_1236, %get3A_1232 : vector<16xi32>
    %swap3A_1238 = arith.constant 1440 : index
    %swap3A_1239 = tpu.vector_load %arg8[%swap3A_1238] {strides = array<i32>} : memref<3072xi32, #tpu.memory_space<vmem>>, vector<16xi32>,
    tpu.vector_store %arg8[%swap3A_1238], %sub3A_1237 {strides = array<i32>} : memref<3072xi32, #tpu.memory_space<vmem>>, vector<16xi32>,
    %add3A_1240 = arith.addi %get3A_1232, %sub3A_110 : vector<16xi32>
    %swap3A_1241 = arith.constant 1440 : index
    %swap3A_1242 = tpu.vector_load %arg9[%swap3A_1241] {strides = array<i32>} : memref<3072xi32, #tpu.memory_space<vmem>>, vector<16xi32>,
    tpu.vector_store %arg9[%swap3A_1241], %add3A_1240 {strides = array<i32>} : memref<3072xi32, #tpu.memory_space<vmem>>, vector<16xi32>,
    %get3A_1243 = arith.constant 1472 : index
    %get3A_1244 = tpu.vector_load %arg7[%get3A_1243] {strides = array<i32>} : memref<3120xi32, #tpu.memory_space<vmem>>, vector<16xi32>,
    %broadcast_in_dim3A_1245 = arith.constant 1473 : i32
    %broadcast_in_dim3A_1246 = vector.broadcast %broadcast_in_dim3A_1245 : i32 to vector<16xi32>
    %add3A_1247 = arith.addi %broadcast_in_dim3A_1246, %iota3A : vector<16xi32>
    %gather3A_1248 = tpu.vector_load_idx %arg7[%add3A_1247] : memref<3120xi32, #tpu.memory_space<vmem>>[vector<16xi32>], vector<16xi32>,
    %sub3A_1249 = arith.subi %gather3A_1248, %get3A_1244 : vector<16xi32>
    %swap3A_1250 = arith.constant 1456 : index
    %swap3A_1251 = tpu.vector_load %arg8[%swap3A_1250] {strides = array<i32>} : memref<3072xi32, #tpu.memory_space<vmem>>, vector<16xi32>,
    tpu.vector_store %arg8[%swap3A_1250], %sub3A_1249 {strides = array<i32>} : memref<3072xi32, #tpu.memory_space<vmem>>, vector<16xi32>,
    %add3A_1252 = arith.addi %get3A_1244, %sub3A_110 : vector<16xi32>
    %swap3A_1253 = arith.constant 1456 : index
    %swap3A_1254 = tpu.vector_load %arg9[%swap3A_1253] {strides = array<i32>} : memref<3072xi32, #tpu.memory_space<vmem>>, vector<16xi32>,
    tpu.vector_store %arg9[%swap3A_1253], %add3A_1252 {strides = array<i32>} : memref<3072xi32, #tpu.memory_space<vmem>>, vector<16xi32>,
    %get3A_1255 = arith.constant 1488 : index
    %get3A_1256 = tpu.vector_load %arg7[%get3A_1255] {strides = array<i32>} : memref<3120xi32, #tpu.memory_space<vmem>>, vector<16xi32>,
    %broadcast_in_dim3A_1257 = arith.constant 1489 : i32
    %broadcast_in_dim3A_1258 = vector.broadcast %broadcast_in_dim3A_1257 : i32 to vector<16xi32>
    %add3A_1259 = arith.addi %broadcast_in_dim3A_1258, %iota3A : vector<16xi32>
    %gather3A_1260 = tpu.vector_load_idx %arg7[%add3A_1259] : memref<3120xi32, #tpu.memory_space<vmem>>[vector<16xi32>], vector<16xi32>,
    %sub3A_1261 = arith.subi %gather3A_1260, %get3A_1256 : vector<16xi32>
    %swap3A_1262 = arith.constant 1472 : index
    %swap3A_1263 = tpu.vector_load %arg8[%swap3A_1262] {strides = array<i32>} : memref<3072xi32, #tpu.memory_space<vmem>>, vector<16xi32>,
    tpu.vector_store %arg8[%swap3A_1262], %sub3A_1261 {strides = array<i32>} : memref<3072xi32, #tpu.memory_space<vmem>>, vector<16xi32>,
    %add3A_1264 = arith.addi %get3A_1256, %sub3A_110 : vector<16xi32>
    %swap3A_1265 = arith.constant 1472 : index
    %swap3A_1266 = tpu.vector_load %arg9[%swap3A_1265] {strides = array<i32>} : memref<3072xi32, #tpu.memory_space<vmem>>, vector<16xi32>,
    tpu.vector_store %arg9[%swap3A_1265], %add3A_1264 {strides = array<i32>} : memref<3072xi32, #tpu.memory_space<vmem>>, vector<16xi32>,
    %get3A_1267 = arith.constant 1504 : index
    %get3A_1268 = tpu.vector_load %arg7[%get3A_1267] {strides = array<i32>} : memref<3120xi32, #tpu.memory_space<vmem>>, vector<16xi32>,
    %broadcast_in_dim3A_1269 = arith.constant 1505 : i32
    %broadcast_in_dim3A_1270 = vector.broadcast %broadcast_in_dim3A_1269 : i32 to vector<16xi32>
    %add3A_1271 = arith.addi %broadcast_in_dim3A_1270, %iota3A : vector<16xi32>
    %gather3A_1272 = tpu.vector_load_idx %arg7[%add3A_1271] : memref<3120xi32, #tpu.memory_space<vmem>>[vector<16xi32>], vector<16xi32>,
    %sub3A_1273 = arith.subi %gather3A_1272, %get3A_1268 : vector<16xi32>
    %swap3A_1274 = arith.constant 1488 : index
    %swap3A_1275 = tpu.vector_load %arg8[%swap3A_1274] {strides = array<i32>} : memref<3072xi32, #tpu.memory_space<vmem>>, vector<16xi32>,
    tpu.vector_store %arg8[%swap3A_1274], %sub3A_1273 {strides = array<i32>} : memref<3072xi32, #tpu.memory_space<vmem>>, vector<16xi32>,
    %add3A_1276 = arith.addi %get3A_1268, %sub3A_110 : vector<16xi32>
    %swap3A_1277 = arith.constant 1488 : index
    %swap3A_1278 = tpu.vector_load %arg9[%swap3A_1277] {strides = array<i32>} : memref<3072xi32, #tpu.memory_space<vmem>>, vector<16xi32>,
    tpu.vector_store %arg9[%swap3A_1277], %add3A_1276 {strides = array<i32>} : memref<3072xi32, #tpu.memory_space<vmem>>, vector<16xi32>,
    %get3A_1279 = arith.constant 1520 : index
    %get3A_1280 = tpu.vector_load %arg7[%get3A_1279] {strides = array<i32>} : memref<3120xi32, #tpu.memory_space<vmem>>, vector<16xi32>,
    %broadcast_in_dim3A_1281 = arith.constant 1521 : i32
    %broadcast_in_dim3A_1282 = vector.broadcast %broadcast_in_dim3A_1281 : i32 to vector<16xi32>
    %add3A_1283 = arith.addi %broadcast_in_dim3A_1282, %iota3A : vector<16xi32>
    %gather3A_1284 = tpu.vector_load_idx %arg7[%add3A_1283] : memref<3120xi32, #tpu.memory_space<vmem>>[vector<16xi32>], vector<16xi32>,
    %sub3A_1285 = arith.subi %gather3A_1284, %get3A_1280 : vector<16xi32>
    %swap3A_1286 = arith.constant 1504 : index
    %swap3A_1287 = tpu.vector_load %arg8[%swap3A_1286] {strides = array<i32>} : memref<3072xi32, #tpu.memory_space<vmem>>, vector<16xi32>,
    tpu.vector_store %arg8[%swap3A_1286], %sub3A_1285 {strides = array<i32>} : memref<3072xi32, #tpu.memory_space<vmem>>, vector<16xi32>,
    %add3A_1288 = arith.addi %get3A_1280, %sub3A_110 : vector<16xi32>
    %swap3A_1289 = arith.constant 1504 : index
    %swap3A_1290 = tpu.vector_load %arg9[%swap3A_1289] {strides = array<i32>} : memref<3072xi32, #tpu.memory_space<vmem>>, vector<16xi32>,
    tpu.vector_store %arg9[%swap3A_1289], %add3A_1288 {strides = array<i32>} : memref<3072xi32, #tpu.memory_space<vmem>>, vector<16xi32>,
    %get3A_1291 = arith.constant 1536 : index
    %get3A_1292 = tpu.vector_load %arg7[%get3A_1291] {strides = array<i32>} : memref<3120xi32, #tpu.memory_space<vmem>>, vector<16xi32>,
    %broadcast_in_dim3A_1293 = arith.constant 1537 : i32
    %broadcast_in_dim3A_1294 = vector.broadcast %broadcast_in_dim3A_1293 : i32 to vector<16xi32>
    %add3A_1295 = arith.addi %broadcast_in_dim3A_1294, %iota3A : vector<16xi32>
    %gather3A_1296 = tpu.vector_load_idx %arg7[%add3A_1295] : memref<3120xi32, #tpu.memory_space<vmem>>[vector<16xi32>], vector<16xi32>,
    %sub3A_1297 = arith.subi %gather3A_1296, %get3A_1292 : vector<16xi32>
    %swap3A_1298 = arith.constant 1520 : index
    %swap3A_1299 = tpu.vector_load %arg8[%swap3A_1298] {strides = array<i32>} : memref<3072xi32, #tpu.memory_space<vmem>>, vector<16xi32>,
    tpu.vector_store %arg8[%swap3A_1298], %sub3A_1297 {strides = array<i32>} : memref<3072xi32, #tpu.memory_space<vmem>>, vector<16xi32>,
    %add3A_1300 = arith.addi %get3A_1292, %sub3A_110 : vector<16xi32>
    %swap3A_1301 = arith.constant 1520 : index
    %swap3A_1302 = tpu.vector_load %arg9[%swap3A_1301] {strides = array<i32>} : memref<3072xi32, #tpu.memory_space<vmem>>, vector<16xi32>,
    tpu.vector_store %arg9[%swap3A_1301], %add3A_1300 {strides = array<i32>} : memref<3072xi32, #tpu.memory_space<vmem>>, vector<16xi32>,
    %get3A_1303 = arith.constant 1552 : index
    %get3A_1304 = tpu.vector_load %arg7[%get3A_1303] {strides = array<i32>} : memref<3120xi32, #tpu.memory_space<vmem>>, vector<16xi32>,
    %broadcast_in_dim3A_1305 = arith.constant 1553 : i32
    %broadcast_in_dim3A_1306 = vector.broadcast %broadcast_in_dim3A_1305 : i32 to vector<16xi32>
    %add3A_1307 = arith.addi %broadcast_in_dim3A_1306, %iota3A : vector<16xi32>
    %gather3A_1308 = tpu.vector_load_idx %arg7[%add3A_1307] : memref<3120xi32, #tpu.memory_space<vmem>>[vector<16xi32>], vector<16xi32>,
    %sub3A_1309 = arith.subi %gather3A_1308, %get3A_1304 : vector<16xi32>
    %swap3A_1310 = arith.constant 1536 : index
    %swap3A_1311 = tpu.vector_load %arg8[%swap3A_1310] {strides = array<i32>} : memref<3072xi32, #tpu.memory_space<vmem>>, vector<16xi32>,
    tpu.vector_store %arg8[%swap3A_1310], %sub3A_1309 {strides = array<i32>} : memref<3072xi32, #tpu.memory_space<vmem>>, vector<16xi32>,
    %add3A_1312 = arith.addi %get3A_1304, %sub3A_110 : vector<16xi32>
    %swap3A_1313 = arith.constant 1536 : index
    %swap3A_1314 = tpu.vector_load %arg9[%swap3A_1313] {strides = array<i32>} : memref<3072xi32, #tpu.memory_space<vmem>>, vector<16xi32>,
    tpu.vector_store %arg9[%swap3A_1313], %add3A_1312 {strides = array<i32>} : memref<3072xi32, #tpu.memory_space<vmem>>, vector<16xi32>,
    %get3A_1315 = arith.constant 1568 : index
    %get3A_1316 = tpu.vector_load %arg7[%get3A_1315] {strides = array<i32>} : memref<3120xi32, #tpu.memory_space<vmem>>, vector<16xi32>,
    %broadcast_in_dim3A_1317 = arith.constant 1569 : i32
    %broadcast_in_dim3A_1318 = vector.broadcast %broadcast_in_dim3A_1317 : i32 to vector<16xi32>
    %add3A_1319 = arith.addi %broadcast_in_dim3A_1318, %iota3A : vector<16xi32>
    %gather3A_1320 = tpu.vector_load_idx %arg7[%add3A_1319] : memref<3120xi32, #tpu.memory_space<vmem>>[vector<16xi32>], vector<16xi32>,
    %sub3A_1321 = arith.subi %gather3A_1320, %get3A_1316 : vector<16xi32>
    %swap3A_1322 = arith.constant 1552 : index
    %swap3A_1323 = tpu.vector_load %arg8[%swap3A_1322] {strides = array<i32>} : memref<3072xi32, #tpu.memory_space<vmem>>, vector<16xi32>,
    tpu.vector_store %arg8[%swap3A_1322], %sub3A_1321 {strides = array<i32>} : memref<3072xi32, #tpu.memory_space<vmem>>, vector<16xi32>,
    %add3A_1324 = arith.addi %get3A_1316, %sub3A_110 : vector<16xi32>
    %swap3A_1325 = arith.constant 1552 : index
    %swap3A_1326 = tpu.vector_load %arg9[%swap3A_1325] {strides = array<i32>} : memref<3072xi32, #tpu.memory_space<vmem>>, vector<16xi32>,
    tpu.vector_store %arg9[%swap3A_1325], %add3A_1324 {strides = array<i32>} : memref<3072xi32, #tpu.memory_space<vmem>>, vector<16xi32>,
    %get3A_1327 = arith.constant 1584 : index
    %get3A_1328 = tpu.vector_load %arg7[%get3A_1327] {strides = array<i32>} : memref<3120xi32, #tpu.memory_space<vmem>>, vector<16xi32>,
    %broadcast_in_dim3A_1329 = arith.constant 1585 : i32
    %broadcast_in_dim3A_1330 = vector.broadcast %broadcast_in_dim3A_1329 : i32 to vector<16xi32>
    %add3A_1331 = arith.addi %broadcast_in_dim3A_1330, %iota3A : vector<16xi32>
    %gather3A_1332 = tpu.vector_load_idx %arg7[%add3A_1331] : memref<3120xi32, #tpu.memory_space<vmem>>[vector<16xi32>], vector<16xi32>,
    %sub3A_1333 = arith.subi %gather3A_1332, %get3A_1328 : vector<16xi32>
    %swap3A_1334 = arith.constant 1568 : index
    %swap3A_1335 = tpu.vector_load %arg8[%swap3A_1334] {strides = array<i32>} : memref<3072xi32, #tpu.memory_space<vmem>>, vector<16xi32>,
    tpu.vector_store %arg8[%swap3A_1334], %sub3A_1333 {strides = array<i32>} : memref<3072xi32, #tpu.memory_space<vmem>>, vector<16xi32>,
    %add3A_1336 = arith.addi %get3A_1328, %sub3A_110 : vector<16xi32>
    %swap3A_1337 = arith.constant 1568 : index
    %swap3A_1338 = tpu.vector_load %arg9[%swap3A_1337] {strides = array<i32>} : memref<3072xi32, #tpu.memory_space<vmem>>, vector<16xi32>,
    tpu.vector_store %arg9[%swap3A_1337], %add3A_1336 {strides = array<i32>} : memref<3072xi32, #tpu.memory_space<vmem>>, vector<16xi32>,
    %get3A_1339 = arith.constant 1600 : index
    %get3A_1340 = tpu.vector_load %arg7[%get3A_1339] {strides = array<i32>} : memref<3120xi32, #tpu.memory_space<vmem>>, vector<16xi32>,
    %broadcast_in_dim3A_1341 = arith.constant 1601 : i32
    %broadcast_in_dim3A_1342 = vector.broadcast %broadcast_in_dim3A_1341 : i32 to vector<16xi32>
    %add3A_1343 = arith.addi %broadcast_in_dim3A_1342, %iota3A : vector<16xi32>
    %gather3A_1344 = tpu.vector_load_idx %arg7[%add3A_1343] : memref<3120xi32, #tpu.memory_space<vmem>>[vector<16xi32>], vector<16xi32>,
    %sub3A_1345 = arith.subi %gather3A_1344, %get3A_1340 : vector<16xi32>
    %swap3A_1346 = arith.constant 1584 : index
    %swap3A_1347 = tpu.vector_load %arg8[%swap3A_1346] {strides = array<i32>} : memref<3072xi32, #tpu.memory_space<vmem>>, vector<16xi32>,
    tpu.vector_store %arg8[%swap3A_1346], %sub3A_1345 {strides = array<i32>} : memref<3072xi32, #tpu.memory_space<vmem>>, vector<16xi32>,
    %add3A_1348 = arith.addi %get3A_1340, %sub3A_110 : vector<16xi32>
    %swap3A_1349 = arith.constant 1584 : index
    %swap3A_1350 = tpu.vector_load %arg9[%swap3A_1349] {strides = array<i32>} : memref<3072xi32, #tpu.memory_space<vmem>>, vector<16xi32>,
    tpu.vector_store %arg9[%swap3A_1349], %add3A_1348 {strides = array<i32>} : memref<3072xi32, #tpu.memory_space<vmem>>, vector<16xi32>,
    %get3A_1351 = arith.constant 1616 : index
    %get3A_1352 = tpu.vector_load %arg7[%get3A_1351] {strides = array<i32>} : memref<3120xi32, #tpu.memory_space<vmem>>, vector<16xi32>,
    %broadcast_in_dim3A_1353 = arith.constant 1617 : i32
    %broadcast_in_dim3A_1354 = vector.broadcast %broadcast_in_dim3A_1353 : i32 to vector<16xi32>
    %add3A_1355 = arith.addi %broadcast_in_dim3A_1354, %iota3A : vector<16xi32>
    %gather3A_1356 = tpu.vector_load_idx %arg7[%add3A_1355] : memref<3120xi32, #tpu.memory_space<vmem>>[vector<16xi32>], vector<16xi32>,
    %sub3A_1357 = arith.subi %gather3A_1356, %get3A_1352 : vector<16xi32>
    %swap3A_1358 = arith.constant 1600 : index
    %swap3A_1359 = tpu.vector_load %arg8[%swap3A_1358] {strides = array<i32>} : memref<3072xi32, #tpu.memory_space<vmem>>, vector<16xi32>,
    tpu.vector_store %arg8[%swap3A_1358], %sub3A_1357 {strides = array<i32>} : memref<3072xi32, #tpu.memory_space<vmem>>, vector<16xi32>,
    %add3A_1360 = arith.addi %get3A_1352, %sub3A_110 : vector<16xi32>
    %swap3A_1361 = arith.constant 1600 : index
    %swap3A_1362 = tpu.vector_load %arg9[%swap3A_1361] {strides = array<i32>} : memref<3072xi32, #tpu.memory_space<vmem>>, vector<16xi32>,
    tpu.vector_store %arg9[%swap3A_1361], %add3A_1360 {strides = array<i32>} : memref<3072xi32, #tpu.memory_space<vmem>>, vector<16xi32>,
    %get3A_1363 = arith.constant 1632 : index
    %get3A_1364 = tpu.vector_load %arg7[%get3A_1363] {strides = array<i32>} : memref<3120xi32, #tpu.memory_space<vmem>>, vector<16xi32>,
    %broadcast_in_dim3A_1365 = arith.constant 1633 : i32
    %broadcast_in_dim3A_1366 = vector.broadcast %broadcast_in_dim3A_1365 : i32 to vector<16xi32>
    %add3A_1367 = arith.addi %broadcast_in_dim3A_1366, %iota3A : vector<16xi32>
    %gather3A_1368 = tpu.vector_load_idx %arg7[%add3A_1367] : memref<3120xi32, #tpu.memory_space<vmem>>[vector<16xi32>], vector<16xi32>,
    %sub3A_1369 = arith.subi %gather3A_1368, %get3A_1364 : vector<16xi32>
    %swap3A_1370 = arith.constant 1616 : index
    %swap3A_1371 = tpu.vector_load %arg8[%swap3A_1370] {strides = array<i32>} : memref<3072xi32, #tpu.memory_space<vmem>>, vector<16xi32>,
    tpu.vector_store %arg8[%swap3A_1370], %sub3A_1369 {strides = array<i32>} : memref<3072xi32, #tpu.memory_space<vmem>>, vector<16xi32>,
    %add3A_1372 = arith.addi %get3A_1364, %sub3A_110 : vector<16xi32>
    %swap3A_1373 = arith.constant 1616 : index
    %swap3A_1374 = tpu.vector_load %arg9[%swap3A_1373] {strides = array<i32>} : memref<3072xi32, #tpu.memory_space<vmem>>, vector<16xi32>,
    tpu.vector_store %arg9[%swap3A_1373], %add3A_1372 {strides = array<i32>} : memref<3072xi32, #tpu.memory_space<vmem>>, vector<16xi32>,
    %get3A_1375 = arith.constant 1648 : index
    %get3A_1376 = tpu.vector_load %arg7[%get3A_1375] {strides = array<i32>} : memref<3120xi32, #tpu.memory_space<vmem>>, vector<16xi32>,
    %broadcast_in_dim3A_1377 = arith.constant 1649 : i32
    %broadcast_in_dim3A_1378 = vector.broadcast %broadcast_in_dim3A_1377 : i32 to vector<16xi32>
    %add3A_1379 = arith.addi %broadcast_in_dim3A_1378, %iota3A : vector<16xi32>
    %gather3A_1380 = tpu.vector_load_idx %arg7[%add3A_1379] : memref<3120xi32, #tpu.memory_space<vmem>>[vector<16xi32>], vector<16xi32>,
    %sub3A_1381 = arith.subi %gather3A_1380, %get3A_1376 : vector<16xi32>
    %swap3A_1382 = arith.constant 1632 : index
    %swap3A_1383 = tpu.vector_load %arg8[%swap3A_1382] {strides = array<i32>} : memref<3072xi32, #tpu.memory_space<vmem>>, vector<16xi32>,
    tpu.vector_store %arg8[%swap3A_1382], %sub3A_1381 {strides = array<i32>} : memref<3072xi32, #tpu.memory_space<vmem>>, vector<16xi32>,
    %add3A_1384 = arith.addi %get3A_1376, %sub3A_110 : vector<16xi32>
    %swap3A_1385 = arith.constant 1632 : index
    %swap3A_1386 = tpu.vector_load %arg9[%swap3A_1385] {strides = array<i32>} : memref<3072xi32, #tpu.memory_space<vmem>>, vector<16xi32>,
    tpu.vector_store %arg9[%swap3A_1385], %add3A_1384 {strides = array<i32>} : memref<3072xi32, #tpu.memory_space<vmem>>, vector<16xi32>,
    %get3A_1387 = arith.constant 1664 : index
    %get3A_1388 = tpu.vector_load %arg7[%get3A_1387] {strides = array<i32>} : memref<3120xi32, #tpu.memory_space<vmem>>, vector<16xi32>,
    %broadcast_in_dim3A_1389 = arith.constant 1665 : i32
    %broadcast_in_dim3A_1390 = vector.broadcast %broadcast_in_dim3A_1389 : i32 to vector<16xi32>
    %add3A_1391 = arith.addi %broadcast_in_dim3A_1390, %iota3A : vector<16xi32>
    %gather3A_1392 = tpu.vector_load_idx %arg7[%add3A_1391] : memref<3120xi32, #tpu.memory_space<vmem>>[vector<16xi32>], vector<16xi32>,
    %sub3A_1393 = arith.subi %gather3A_1392, %get3A_1388 : vector<16xi32>
    %swap3A_1394 = arith.constant 1648 : index
    %swap3A_1395 = tpu.vector_load %arg8[%swap3A_1394] {strides = array<i32>} : memref<3072xi32, #tpu.memory_space<vmem>>, vector<16xi32>,
    tpu.vector_store %arg8[%swap3A_1394], %sub3A_1393 {strides = array<i32>} : memref<3072xi32, #tpu.memory_space<vmem>>, vector<16xi32>,
    %add3A_1396 = arith.addi %get3A_1388, %sub3A_110 : vector<16xi32>
    %swap3A_1397 = arith.constant 1648 : index
    %swap3A_1398 = tpu.vector_load %arg9[%swap3A_1397] {strides = array<i32>} : memref<3072xi32, #tpu.memory_space<vmem>>, vector<16xi32>,
    tpu.vector_store %arg9[%swap3A_1397], %add3A_1396 {strides = array<i32>} : memref<3072xi32, #tpu.memory_space<vmem>>, vector<16xi32>,
    %get3A_1399 = arith.constant 1680 : index
    %get3A_1400 = tpu.vector_load %arg7[%get3A_1399] {strides = array<i32>} : memref<3120xi32, #tpu.memory_space<vmem>>, vector<16xi32>,
    %broadcast_in_dim3A_1401 = arith.constant 1681 : i32
    %broadcast_in_dim3A_1402 = vector.broadcast %broadcast_in_dim3A_1401 : i32 to vector<16xi32>
    %add3A_1403 = arith.addi %broadcast_in_dim3A_1402, %iota3A : vector<16xi32>
    %gather3A_1404 = tpu.vector_load_idx %arg7[%add3A_1403] : memref<3120xi32, #tpu.memory_space<vmem>>[vector<16xi32>], vector<16xi32>,
    %sub3A_1405 = arith.subi %gather3A_1404, %get3A_1400 : vector<16xi32>
    %swap3A_1406 = arith.constant 1664 : index
    %swap3A_1407 = tpu.vector_load %arg8[%swap3A_1406] {strides = array<i32>} : memref<3072xi32, #tpu.memory_space<vmem>>, vector<16xi32>,
    tpu.vector_store %arg8[%swap3A_1406], %sub3A_1405 {strides = array<i32>} : memref<3072xi32, #tpu.memory_space<vmem>>, vector<16xi32>,
    %add3A_1408 = arith.addi %get3A_1400, %sub3A_110 : vector<16xi32>
    %swap3A_1409 = arith.constant 1664 : index
    %swap3A_1410 = tpu.vector_load %arg9[%swap3A_1409] {strides = array<i32>} : memref<3072xi32, #tpu.memory_space<vmem>>, vector<16xi32>,
    tpu.vector_store %arg9[%swap3A_1409], %add3A_1408 {strides = array<i32>} : memref<3072xi32, #tpu.memory_space<vmem>>, vector<16xi32>,
    %get3A_1411 = arith.constant 1696 : index
    %get3A_1412 = tpu.vector_load %arg7[%get3A_1411] {strides = array<i32>} : memref<3120xi32, #tpu.memory_space<vmem>>, vector<16xi32>,
    %broadcast_in_dim3A_1413 = arith.constant 1697 : i32
    %broadcast_in_dim3A_1414 = vector.broadcast %broadcast_in_dim3A_1413 : i32 to vector<16xi32>
    %add3A_1415 = arith.addi %broadcast_in_dim3A_1414, %iota3A : vector<16xi32>
    %gather3A_1416 = tpu.vector_load_idx %arg7[%add3A_1415] : memref<3120xi32, #tpu.memory_space<vmem>>[vector<16xi32>], vector<16xi32>,
    %sub3A_1417 = arith.subi %gather3A_1416, %get3A_1412 : vector<16xi32>
    %swap3A_1418 = arith.constant 1680 : index
    %swap3A_1419 = tpu.vector_load %arg8[%swap3A_1418] {strides = array<i32>} : memref<3072xi32, #tpu.memory_space<vmem>>, vector<16xi32>,
    tpu.vector_store %arg8[%swap3A_1418], %sub3A_1417 {strides = array<i32>} : memref<3072xi32, #tpu.memory_space<vmem>>, vector<16xi32>,
    %add3A_1420 = arith.addi %get3A_1412, %sub3A_110 : vector<16xi32>
    %swap3A_1421 = arith.constant 1680 : index
    %swap3A_1422 = tpu.vector_load %arg9[%swap3A_1421] {strides = array<i32>} : memref<3072xi32, #tpu.memory_space<vmem>>, vector<16xi32>,
    tpu.vector_store %arg9[%swap3A_1421], %add3A_1420 {strides = array<i32>} : memref<3072xi32, #tpu.memory_space<vmem>>, vector<16xi32>,
    %get3A_1423 = arith.constant 1712 : index
    %get3A_1424 = tpu.vector_load %arg7[%get3A_1423] {strides = array<i32>} : memref<3120xi32, #tpu.memory_space<vmem>>, vector<16xi32>,
    %broadcast_in_dim3A_1425 = arith.constant 1713 : i32
    %broadcast_in_dim3A_1426 = vector.broadcast %broadcast_in_dim3A_1425 : i32 to vector<16xi32>
    %add3A_1427 = arith.addi %broadcast_in_dim3A_1426, %iota3A : vector<16xi32>
    %gather3A_1428 = tpu.vector_load_idx %arg7[%add3A_1427] : memref<3120xi32, #tpu.memory_space<vmem>>[vector<16xi32>], vector<16xi32>,
    %sub3A_1429 = arith.subi %gather3A_1428, %get3A_1424 : vector<16xi32>
    %swap3A_1430 = arith.constant 1696 : index
    %swap3A_1431 = tpu.vector_load %arg8[%swap3A_1430] {strides = array<i32>} : memref<3072xi32, #tpu.memory_space<vmem>>, vector<16xi32>,
    tpu.vector_store %arg8[%swap3A_1430], %sub3A_1429 {strides = array<i32>} : memref<3072xi32, #tpu.memory_space<vmem>>, vector<16xi32>,
    %add3A_1432 = arith.addi %get3A_1424, %sub3A_110 : vector<16xi32>
    %swap3A_1433 = arith.constant 1696 : index
    %swap3A_1434 = tpu.vector_load %arg9[%swap3A_1433] {strides = array<i32>} : memref<3072xi32, #tpu.memory_space<vmem>>, vector<16xi32>,
    tpu.vector_store %arg9[%swap3A_1433], %add3A_1432 {strides = array<i32>} : memref<3072xi32, #tpu.memory_space<vmem>>, vector<16xi32>,
    %get3A_1435 = arith.constant 1728 : index
    %get3A_1436 = tpu.vector_load %arg7[%get3A_1435] {strides = array<i32>} : memref<3120xi32, #tpu.memory_space<vmem>>, vector<16xi32>,
    %broadcast_in_dim3A_1437 = arith.constant 1729 : i32
    %broadcast_in_dim3A_1438 = vector.broadcast %broadcast_in_dim3A_1437 : i32 to vector<16xi32>
    %add3A_1439 = arith.addi %broadcast_in_dim3A_1438, %iota3A : vector<16xi32>
    %gather3A_1440 = tpu.vector_load_idx %arg7[%add3A_1439] : memref<3120xi32, #tpu.memory_space<vmem>>[vector<16xi32>], vector<16xi32>,
    %sub3A_1441 = arith.subi %gather3A_1440, %get3A_1436 : vector<16xi32>
    %swap3A_1442 = arith.constant 1712 : index
    %swap3A_1443 = tpu.vector_load %arg8[%swap3A_1442] {strides = array<i32>} : memref<3072xi32, #tpu.memory_space<vmem>>, vector<16xi32>,
    tpu.vector_store %arg8[%swap3A_1442], %sub3A_1441 {strides = array<i32>} : memref<3072xi32, #tpu.memory_space<vmem>>, vector<16xi32>,
    %add3A_1444 = arith.addi %get3A_1436, %sub3A_110 : vector<16xi32>
    %swap3A_1445 = arith.constant 1712 : index
    %swap3A_1446 = tpu.vector_load %arg9[%swap3A_1445] {strides = array<i32>} : memref<3072xi32, #tpu.memory_space<vmem>>, vector<16xi32>,
    tpu.vector_store %arg9[%swap3A_1445], %add3A_1444 {strides = array<i32>} : memref<3072xi32, #tpu.memory_space<vmem>>, vector<16xi32>,
    %get3A_1447 = arith.constant 1744 : index
    %get3A_1448 = tpu.vector_load %arg7[%get3A_1447] {strides = array<i32>} : memref<3120xi32, #tpu.memory_space<vmem>>, vector<16xi32>,
    %broadcast_in_dim3A_1449 = arith.constant 1745 : i32
    %broadcast_in_dim3A_1450 = vector.broadcast %broadcast_in_dim3A_1449 : i32 to vector<16xi32>
    %add3A_1451 = arith.addi %broadcast_in_dim3A_1450, %iota3A : vector<16xi32>
    %gather3A_1452 = tpu.vector_load_idx %arg7[%add3A_1451] : memref<3120xi32, #tpu.memory_space<vmem>>[vector<16xi32>], vector<16xi32>,
    %sub3A_1453 = arith.subi %gather3A_1452, %get3A_1448 : vector<16xi32>
    %swap3A_1454 = arith.constant 1728 : index
    %swap3A_1455 = tpu.vector_load %arg8[%swap3A_1454] {strides = array<i32>} : memref<3072xi32, #tpu.memory_space<vmem>>, vector<16xi32>,
    tpu.vector_store %arg8[%swap3A_1454], %sub3A_1453 {strides = array<i32>} : memref<3072xi32, #tpu.memory_space<vmem>>, vector<16xi32>,
    %add3A_1456 = arith.addi %get3A_1448, %sub3A_110 : vector<16xi32>
    %swap3A_1457 = arith.constant 1728 : index
    %swap3A_1458 = tpu.vector_load %arg9[%swap3A_1457] {strides = array<i32>} : memref<3072xi32, #tpu.memory_space<vmem>>, vector<16xi32>,
    tpu.vector_store %arg9[%swap3A_1457], %add3A_1456 {strides = array<i32>} : memref<3072xi32, #tpu.memory_space<vmem>>, vector<16xi32>,
    %get3A_1459 = arith.constant 1760 : index
    %get3A_1460 = tpu.vector_load %arg7[%get3A_1459] {strides = array<i32>} : memref<3120xi32, #tpu.memory_space<vmem>>, vector<16xi32>,
    %broadcast_in_dim3A_1461 = arith.constant 1761 : i32
    %broadcast_in_dim3A_1462 = vector.broadcast %broadcast_in_dim3A_1461 : i32 to vector<16xi32>
    %add3A_1463 = arith.addi %broadcast_in_dim3A_1462, %iota3A : vector<16xi32>
    %gather3A_1464 = tpu.vector_load_idx %arg7[%add3A_1463] : memref<3120xi32, #tpu.memory_space<vmem>>[vector<16xi32>], vector<16xi32>,
    %sub3A_1465 = arith.subi %gather3A_1464, %get3A_1460 : vector<16xi32>
    %swap3A_1466 = arith.constant 1744 : index
    %swap3A_1467 = tpu.vector_load %arg8[%swap3A_1466] {strides = array<i32>} : memref<3072xi32, #tpu.memory_space<vmem>>, vector<16xi32>,
    tpu.vector_store %arg8[%swap3A_1466], %sub3A_1465 {strides = array<i32>} : memref<3072xi32, #tpu.memory_space<vmem>>, vector<16xi32>,
    %add3A_1468 = arith.addi %get3A_1460, %sub3A_110 : vector<16xi32>
    %swap3A_1469 = arith.constant 1744 : index
    %swap3A_1470 = tpu.vector_load %arg9[%swap3A_1469] {strides = array<i32>} : memref<3072xi32, #tpu.memory_space<vmem>>, vector<16xi32>,
    tpu.vector_store %arg9[%swap3A_1469], %add3A_1468 {strides = array<i32>} : memref<3072xi32, #tpu.memory_space<vmem>>, vector<16xi32>,
    %get3A_1471 = arith.constant 1776 : index
    %get3A_1472 = tpu.vector_load %arg7[%get3A_1471] {strides = array<i32>} : memref<3120xi32, #tpu.memory_space<vmem>>, vector<16xi32>,
    %broadcast_in_dim3A_1473 = arith.constant 1777 : i32
    %broadcast_in_dim3A_1474 = vector.broadcast %broadcast_in_dim3A_1473 : i32 to vector<16xi32>
    %add3A_1475 = arith.addi %broadcast_in_dim3A_1474, %iota3A : vector<16xi32>
    %gather3A_1476 = tpu.vector_load_idx %arg7[%add3A_1475] : memref<3120xi32, #tpu.memory_space<vmem>>[vector<16xi32>], vector<16xi32>,
    %sub3A_1477 = arith.subi %gather3A_1476, %get3A_1472 : vector<16xi32>
    %swap3A_1478 = arith.constant 1760 : index
    %swap3A_1479 = tpu.vector_load %arg8[%swap3A_1478] {strides = array<i32>} : memref<3072xi32, #tpu.memory_space<vmem>>, vector<16xi32>,
    tpu.vector_store %arg8[%swap3A_1478], %sub3A_1477 {strides = array<i32>} : memref<3072xi32, #tpu.memory_space<vmem>>, vector<16xi32>,
    %add3A_1480 = arith.addi %get3A_1472, %sub3A_110 : vector<16xi32>
    %swap3A_1481 = arith.constant 1760 : index
    %swap3A_1482 = tpu.vector_load %arg9[%swap3A_1481] {strides = array<i32>} : memref<3072xi32, #tpu.memory_space<vmem>>, vector<16xi32>,
    tpu.vector_store %arg9[%swap3A_1481], %add3A_1480 {strides = array<i32>} : memref<3072xi32, #tpu.memory_space<vmem>>, vector<16xi32>,
    %get3A_1483 = arith.constant 1792 : index
    %get3A_1484 = tpu.vector_load %arg7[%get3A_1483] {strides = array<i32>} : memref<3120xi32, #tpu.memory_space<vmem>>, vector<16xi32>,
    %broadcast_in_dim3A_1485 = arith.constant 1793 : i32
    %broadcast_in_dim3A_1486 = vector.broadcast %broadcast_in_dim3A_1485 : i32 to vector<16xi32>
    %add3A_1487 = arith.addi %broadcast_in_dim3A_1486, %iota3A : vector<16xi32>
    %gather3A_1488 = tpu.vector_load_idx %arg7[%add3A_1487] : memref<3120xi32, #tpu.memory_space<vmem>>[vector<16xi32>], vector<16xi32>,
    %sub3A_1489 = arith.subi %gather3A_1488, %get3A_1484 : vector<16xi32>
    %swap3A_1490 = arith.constant 1776 : index
    %swap3A_1491 = tpu.vector_load %arg8[%swap3A_1490] {strides = array<i32>} : memref<3072xi32, #tpu.memory_space<vmem>>, vector<16xi32>,
    tpu.vector_store %arg8[%swap3A_1490], %sub3A_1489 {strides = array<i32>} : memref<3072xi32, #tpu.memory_space<vmem>>, vector<16xi32>,
    %add3A_1492 = arith.addi %get3A_1484, %sub3A_110 : vector<16xi32>
    %swap3A_1493 = arith.constant 1776 : index
    %swap3A_1494 = tpu.vector_load %arg9[%swap3A_1493] {strides = array<i32>} : memref<3072xi32, #tpu.memory_space<vmem>>, vector<16xi32>,
    tpu.vector_store %arg9[%swap3A_1493], %add3A_1492 {strides = array<i32>} : memref<3072xi32, #tpu.memory_space<vmem>>, vector<16xi32>,
    %get3A_1495 = arith.constant 1808 : index
    %get3A_1496 = tpu.vector_load %arg7[%get3A_1495] {strides = array<i32>} : memref<3120xi32, #tpu.memory_space<vmem>>, vector<16xi32>,
    %broadcast_in_dim3A_1497 = arith.constant 1809 : i32
    %broadcast_in_dim3A_1498 = vector.broadcast %broadcast_in_dim3A_1497 : i32 to vector<16xi32>
    %add3A_1499 = arith.addi %broadcast_in_dim3A_1498, %iota3A : vector<16xi32>
    %gather3A_1500 = tpu.vector_load_idx %arg7[%add3A_1499] : memref<3120xi32, #tpu.memory_space<vmem>>[vector<16xi32>], vector<16xi32>,
    %sub3A_1501 = arith.subi %gather3A_1500, %get3A_1496 : vector<16xi32>
    %swap3A_1502 = arith.constant 1792 : index
    %swap3A_1503 = tpu.vector_load %arg8[%swap3A_1502] {strides = array<i32>} : memref<3072xi32, #tpu.memory_space<vmem>>, vector<16xi32>,
    tpu.vector_store %arg8[%swap3A_1502], %sub3A_1501 {strides = array<i32>} : memref<3072xi32, #tpu.memory_space<vmem>>, vector<16xi32>,
    %add3A_1504 = arith.addi %get3A_1496, %sub3A_110 : vector<16xi32>
    %swap3A_1505 = arith.constant 1792 : index
    %swap3A_1506 = tpu.vector_load %arg9[%swap3A_1505] {strides = array<i32>} : memref<3072xi32, #tpu.memory_space<vmem>>, vector<16xi32>,
    tpu.vector_store %arg9[%swap3A_1505], %add3A_1504 {strides = array<i32>} : memref<3072xi32, #tpu.memory_space<vmem>>, vector<16xi32>,
    %get3A_1507 = arith.constant 1824 : index
    %get3A_1508 = tpu.vector_load %arg7[%get3A_1507] {strides = array<i32>} : memref<3120xi32, #tpu.memory_space<vmem>>, vector<16xi32>,
    %broadcast_in_dim3A_1509 = arith.constant 1825 : i32
    %broadcast_in_dim3A_1510 = vector.broadcast %broadcast_in_dim3A_1509 : i32 to vector<16xi32>
    %add3A_1511 = arith.addi %broadcast_in_dim3A_1510, %iota3A : vector<16xi32>
    %gather3A_1512 = tpu.vector_load_idx %arg7[%add3A_1511] : memref<3120xi32, #tpu.memory_space<vmem>>[vector<16xi32>], vector<16xi32>,
    %sub3A_1513 = arith.subi %gather3A_1512, %get3A_1508 : vector<16xi32>
    %swap3A_1514 = arith.constant 1808 : index
    %swap3A_1515 = tpu.vector_load %arg8[%swap3A_1514] {strides = array<i32>} : memref<3072xi32, #tpu.memory_space<vmem>>, vector<16xi32>,
    tpu.vector_store %arg8[%swap3A_1514], %sub3A_1513 {strides = array<i32>} : memref<3072xi32, #tpu.memory_space<vmem>>, vector<16xi32>,
    %add3A_1516 = arith.addi %get3A_1508, %sub3A_110 : vector<16xi32>
    %swap3A_1517 = arith.constant 1808 : index
    %swap3A_1518 = tpu.vector_load %arg9[%swap3A_1517] {strides = array<i32>} : memref<3072xi32, #tpu.memory_space<vmem>>, vector<16xi32>,
    tpu.vector_store %arg9[%swap3A_1517], %add3A_1516 {strides = array<i32>} : memref<3072xi32, #tpu.memory_space<vmem>>, vector<16xi32>,
    %get3A_1519 = arith.constant 1840 : index
    %get3A_1520 = tpu.vector_load %arg7[%get3A_1519] {strides = array<i32>} : memref<3120xi32, #tpu.memory_space<vmem>>, vector<16xi32>,
    %broadcast_in_dim3A_1521 = arith.constant 1841 : i32
    %broadcast_in_dim3A_1522 = vector.broadcast %broadcast_in_dim3A_1521 : i32 to vector<16xi32>
    %add3A_1523 = arith.addi %broadcast_in_dim3A_1522, %iota3A : vector<16xi32>
    %gather3A_1524 = tpu.vector_load_idx %arg7[%add3A_1523] : memref<3120xi32, #tpu.memory_space<vmem>>[vector<16xi32>], vector<16xi32>,
    %sub3A_1525 = arith.subi %gather3A_1524, %get3A_1520 : vector<16xi32>
    %swap3A_1526 = arith.constant 1824 : index
    %swap3A_1527 = tpu.vector_load %arg8[%swap3A_1526] {strides = array<i32>} : memref<3072xi32, #tpu.memory_space<vmem>>, vector<16xi32>,
    tpu.vector_store %arg8[%swap3A_1526], %sub3A_1525 {strides = array<i32>} : memref<3072xi32, #tpu.memory_space<vmem>>, vector<16xi32>,
    %add3A_1528 = arith.addi %get3A_1520, %sub3A_110 : vector<16xi32>
    %swap3A_1529 = arith.constant 1824 : index
    %swap3A_1530 = tpu.vector_load %arg9[%swap3A_1529] {strides = array<i32>} : memref<3072xi32, #tpu.memory_space<vmem>>, vector<16xi32>,
    tpu.vector_store %arg9[%swap3A_1529], %add3A_1528 {strides = array<i32>} : memref<3072xi32, #tpu.memory_space<vmem>>, vector<16xi32>,
    %get3A_1531 = arith.constant 1856 : index
    %get3A_1532 = tpu.vector_load %arg7[%get3A_1531] {strides = array<i32>} : memref<3120xi32, #tpu.memory_space<vmem>>, vector<16xi32>,
    %broadcast_in_dim3A_1533 = arith.constant 1857 : i32
    %broadcast_in_dim3A_1534 = vector.broadcast %broadcast_in_dim3A_1533 : i32 to vector<16xi32>
    %add3A_1535 = arith.addi %broadcast_in_dim3A_1534, %iota3A : vector<16xi32>
    %gather3A_1536 = tpu.vector_load_idx %arg7[%add3A_1535] : memref<3120xi32, #tpu.memory_space<vmem>>[vector<16xi32>], vector<16xi32>,
    %sub3A_1537 = arith.subi %gather3A_1536, %get3A_1532 : vector<16xi32>
    %swap3A_1538 = arith.constant 1840 : index
    %swap3A_1539 = tpu.vector_load %arg8[%swap3A_1538] {strides = array<i32>} : memref<3072xi32, #tpu.memory_space<vmem>>, vector<16xi32>,
    tpu.vector_store %arg8[%swap3A_1538], %sub3A_1537 {strides = array<i32>} : memref<3072xi32, #tpu.memory_space<vmem>>, vector<16xi32>,
    %add3A_1540 = arith.addi %get3A_1532, %sub3A_110 : vector<16xi32>
    %swap3A_1541 = arith.constant 1840 : index
    %swap3A_1542 = tpu.vector_load %arg9[%swap3A_1541] {strides = array<i32>} : memref<3072xi32, #tpu.memory_space<vmem>>, vector<16xi32>,
    tpu.vector_store %arg9[%swap3A_1541], %add3A_1540 {strides = array<i32>} : memref<3072xi32, #tpu.memory_space<vmem>>, vector<16xi32>,
    %get3A_1543 = arith.constant 1872 : index
    %get3A_1544 = tpu.vector_load %arg7[%get3A_1543] {strides = array<i32>} : memref<3120xi32, #tpu.memory_space<vmem>>, vector<16xi32>,
    %broadcast_in_dim3A_1545 = arith.constant 1873 : i32
    %broadcast_in_dim3A_1546 = vector.broadcast %broadcast_in_dim3A_1545 : i32 to vector<16xi32>
    %add3A_1547 = arith.addi %broadcast_in_dim3A_1546, %iota3A : vector<16xi32>
    %gather3A_1548 = tpu.vector_load_idx %arg7[%add3A_1547] : memref<3120xi32, #tpu.memory_space<vmem>>[vector<16xi32>], vector<16xi32>,
    %sub3A_1549 = arith.subi %gather3A_1548, %get3A_1544 : vector<16xi32>
    %swap3A_1550 = arith.constant 1856 : index
    %swap3A_1551 = tpu.vector_load %arg8[%swap3A_1550] {strides = array<i32>} : memref<3072xi32, #tpu.memory_space<vmem>>, vector<16xi32>,
    tpu.vector_store %arg8[%swap3A_1550], %sub3A_1549 {strides = array<i32>} : memref<3072xi32, #tpu.memory_space<vmem>>, vector<16xi32>,
    %add3A_1552 = arith.addi %get3A_1544, %sub3A_110 : vector<16xi32>
    %swap3A_1553 = arith.constant 1856 : index
    %swap3A_1554 = tpu.vector_load %arg9[%swap3A_1553] {strides = array<i32>} : memref<3072xi32, #tpu.memory_space<vmem>>, vector<16xi32>,
    tpu.vector_store %arg9[%swap3A_1553], %add3A_1552 {strides = array<i32>} : memref<3072xi32, #tpu.memory_space<vmem>>, vector<16xi32>,
    %get3A_1555 = arith.constant 1888 : index
    %get3A_1556 = tpu.vector_load %arg7[%get3A_1555] {strides = array<i32>} : memref<3120xi32, #tpu.memory_space<vmem>>, vector<16xi32>,
    %broadcast_in_dim3A_1557 = arith.constant 1889 : i32
    %broadcast_in_dim3A_1558 = vector.broadcast %broadcast_in_dim3A_1557 : i32 to vector<16xi32>
    %add3A_1559 = arith.addi %broadcast_in_dim3A_1558, %iota3A : vector<16xi32>
    %gather3A_1560 = tpu.vector_load_idx %arg7[%add3A_1559] : memref<3120xi32, #tpu.memory_space<vmem>>[vector<16xi32>], vector<16xi32>,
    %sub3A_1561 = arith.subi %gather3A_1560, %get3A_1556 : vector<16xi32>
    %swap3A_1562 = arith.constant 1872 : index
    %swap3A_1563 = tpu.vector_load %arg8[%swap3A_1562] {strides = array<i32>} : memref<3072xi32, #tpu.memory_space<vmem>>, vector<16xi32>,
    tpu.vector_store %arg8[%swap3A_1562], %sub3A_1561 {strides = array<i32>} : memref<3072xi32, #tpu.memory_space<vmem>>, vector<16xi32>,
    %add3A_1564 = arith.addi %get3A_1556, %sub3A_110 : vector<16xi32>
    %swap3A_1565 = arith.constant 1872 : index
    %swap3A_1566 = tpu.vector_load %arg9[%swap3A_1565] {strides = array<i32>} : memref<3072xi32, #tpu.memory_space<vmem>>, vector<16xi32>,
    tpu.vector_store %arg9[%swap3A_1565], %add3A_1564 {strides = array<i32>} : memref<3072xi32, #tpu.memory_space<vmem>>, vector<16xi32>,
    %get3A_1567 = arith.constant 1904 : index
    %get3A_1568 = tpu.vector_load %arg7[%get3A_1567] {strides = array<i32>} : memref<3120xi32, #tpu.memory_space<vmem>>, vector<16xi32>,
    %broadcast_in_dim3A_1569 = arith.constant 1905 : i32
    %broadcast_in_dim3A_1570 = vector.broadcast %broadcast_in_dim3A_1569 : i32 to vector<16xi32>
    %add3A_1571 = arith.addi %broadcast_in_dim3A_1570, %iota3A : vector<16xi32>
    %gather3A_1572 = tpu.vector_load_idx %arg7[%add3A_1571] : memref<3120xi32, #tpu.memory_space<vmem>>[vector<16xi32>], vector<16xi32>,
    %sub3A_1573 = arith.subi %gather3A_1572, %get3A_1568 : vector<16xi32>
    %swap3A_1574 = arith.constant 1888 : index
    %swap3A_1575 = tpu.vector_load %arg8[%swap3A_1574] {strides = array<i32>} : memref<3072xi32, #tpu.memory_space<vmem>>, vector<16xi32>,
    tpu.vector_store %arg8[%swap3A_1574], %sub3A_1573 {strides = array<i32>} : memref<3072xi32, #tpu.memory_space<vmem>>, vector<16xi32>,
    %add3A_1576 = arith.addi %get3A_1568, %sub3A_110 : vector<16xi32>
    %swap3A_1577 = arith.constant 1888 : index
    %swap3A_1578 = tpu.vector_load %arg9[%swap3A_1577] {strides = array<i32>} : memref<3072xi32, #tpu.memory_space<vmem>>, vector<16xi32>,
    tpu.vector_store %arg9[%swap3A_1577], %add3A_1576 {strides = array<i32>} : memref<3072xi32, #tpu.memory_space<vmem>>, vector<16xi32>,
    %get3A_1579 = arith.constant 1920 : index
    %get3A_1580 = tpu.vector_load %arg7[%get3A_1579] {strides = array<i32>} : memref<3120xi32, #tpu.memory_space<vmem>>, vector<16xi32>,
    %broadcast_in_dim3A_1581 = arith.constant 1921 : i32
    %broadcast_in_dim3A_1582 = vector.broadcast %broadcast_in_dim3A_1581 : i32 to vector<16xi32>
    %add3A_1583 = arith.addi %broadcast_in_dim3A_1582, %iota3A : vector<16xi32>
    %gather3A_1584 = tpu.vector_load_idx %arg7[%add3A_1583] : memref<3120xi32, #tpu.memory_space<vmem>>[vector<16xi32>], vector<16xi32>,
    %sub3A_1585 = arith.subi %gather3A_1584, %get3A_1580 : vector<16xi32>
    %swap3A_1586 = arith.constant 1904 : index
    %swap3A_1587 = tpu.vector_load %arg8[%swap3A_1586] {strides = array<i32>} : memref<3072xi32, #tpu.memory_space<vmem>>, vector<16xi32>,
    tpu.vector_store %arg8[%swap3A_1586], %sub3A_1585 {strides = array<i32>} : memref<3072xi32, #tpu.memory_space<vmem>>, vector<16xi32>,
    %add3A_1588 = arith.addi %get3A_1580, %sub3A_110 : vector<16xi32>
    %swap3A_1589 = arith.constant 1904 : index
    %swap3A_1590 = tpu.vector_load %arg9[%swap3A_1589] {strides = array<i32>} : memref<3072xi32, #tpu.memory_space<vmem>>, vector<16xi32>,
    tpu.vector_store %arg9[%swap3A_1589], %add3A_1588 {strides = array<i32>} : memref<3072xi32, #tpu.memory_space<vmem>>, vector<16xi32>,
    %get3A_1591 = arith.constant 1936 : index
    %get3A_1592 = tpu.vector_load %arg7[%get3A_1591] {strides = array<i32>} : memref<3120xi32, #tpu.memory_space<vmem>>, vector<16xi32>,
    %broadcast_in_dim3A_1593 = arith.constant 1937 : i32
    %broadcast_in_dim3A_1594 = vector.broadcast %broadcast_in_dim3A_1593 : i32 to vector<16xi32>
    %add3A_1595 = arith.addi %broadcast_in_dim3A_1594, %iota3A : vector<16xi32>
    %gather3A_1596 = tpu.vector_load_idx %arg7[%add3A_1595] : memref<3120xi32, #tpu.memory_space<vmem>>[vector<16xi32>], vector<16xi32>,
    %sub3A_1597 = arith.subi %gather3A_1596, %get3A_1592 : vector<16xi32>
    %swap3A_1598 = arith.constant 1920 : index
    %swap3A_1599 = tpu.vector_load %arg8[%swap3A_1598] {strides = array<i32>} : memref<3072xi32, #tpu.memory_space<vmem>>, vector<16xi32>,
    tpu.vector_store %arg8[%swap3A_1598], %sub3A_1597 {strides = array<i32>} : memref<3072xi32, #tpu.memory_space<vmem>>, vector<16xi32>,
    %add3A_1600 = arith.addi %get3A_1592, %sub3A_110 : vector<16xi32>
    %swap3A_1601 = arith.constant 1920 : index
    %swap3A_1602 = tpu.vector_load %arg9[%swap3A_1601] {strides = array<i32>} : memref<3072xi32, #tpu.memory_space<vmem>>, vector<16xi32>,
    tpu.vector_store %arg9[%swap3A_1601], %add3A_1600 {strides = array<i32>} : memref<3072xi32, #tpu.memory_space<vmem>>, vector<16xi32>,
    %get3A_1603 = arith.constant 1952 : index
    %get3A_1604 = tpu.vector_load %arg7[%get3A_1603] {strides = array<i32>} : memref<3120xi32, #tpu.memory_space<vmem>>, vector<16xi32>,
    %broadcast_in_dim3A_1605 = arith.constant 1953 : i32
    %broadcast_in_dim3A_1606 = vector.broadcast %broadcast_in_dim3A_1605 : i32 to vector<16xi32>
    %add3A_1607 = arith.addi %broadcast_in_dim3A_1606, %iota3A : vector<16xi32>
    %gather3A_1608 = tpu.vector_load_idx %arg7[%add3A_1607] : memref<3120xi32, #tpu.memory_space<vmem>>[vector<16xi32>], vector<16xi32>,
    %sub3A_1609 = arith.subi %gather3A_1608, %get3A_1604 : vector<16xi32>
    %swap3A_1610 = arith.constant 1936 : index
    %swap3A_1611 = tpu.vector_load %arg8[%swap3A_1610] {strides = array<i32>} : memref<3072xi32, #tpu.memory_space<vmem>>, vector<16xi32>,
    tpu.vector_store %arg8[%swap3A_1610], %sub3A_1609 {strides = array<i32>} : memref<3072xi32, #tpu.memory_space<vmem>>, vector<16xi32>,
    %add3A_1612 = arith.addi %get3A_1604, %sub3A_110 : vector<16xi32>
    %swap3A_1613 = arith.constant 1936 : index
    %swap3A_1614 = tpu.vector_load %arg9[%swap3A_1613] {strides = array<i32>} : memref<3072xi32, #tpu.memory_space<vmem>>, vector<16xi32>,
    tpu.vector_store %arg9[%swap3A_1613], %add3A_1612 {strides = array<i32>} : memref<3072xi32, #tpu.memory_space<vmem>>, vector<16xi32>,
    %get3A_1615 = arith.constant 1968 : index
    %get3A_1616 = tpu.vector_load %arg7[%get3A_1615] {strides = array<i32>} : memref<3120xi32, #tpu.memory_space<vmem>>, vector<16xi32>,
    %broadcast_in_dim3A_1617 = arith.constant 1969 : i32
    %broadcast_in_dim3A_1618 = vector.broadcast %broadcast_in_dim3A_1617 : i32 to vector<16xi32>
    %add3A_1619 = arith.addi %broadcast_in_dim3A_1618, %iota3A : vector<16xi32>
    %gather3A_1620 = tpu.vector_load_idx %arg7[%add3A_1619] : memref<3120xi32, #tpu.memory_space<vmem>>[vector<16xi32>], vector<16xi32>,
    %sub3A_1621 = arith.subi %gather3A_1620, %get3A_1616 : vector<16xi32>
    %swap3A_1622 = arith.constant 1952 : index
    %swap3A_1623 = tpu.vector_load %arg8[%swap3A_1622] {strides = array<i32>} : memref<3072xi32, #tpu.memory_space<vmem>>, vector<16xi32>,
    tpu.vector_store %arg8[%swap3A_1622], %sub3A_1621 {strides = array<i32>} : memref<3072xi32, #tpu.memory_space<vmem>>, vector<16xi32>,
    %add3A_1624 = arith.addi %get3A_1616, %sub3A_110 : vector<16xi32>
    %swap3A_1625 = arith.constant 1952 : index
    %swap3A_1626 = tpu.vector_load %arg9[%swap3A_1625] {strides = array<i32>} : memref<3072xi32, #tpu.memory_space<vmem>>, vector<16xi32>,
    tpu.vector_store %arg9[%swap3A_1625], %add3A_1624 {strides = array<i32>} : memref<3072xi32, #tpu.memory_space<vmem>>, vector<16xi32>,
    %get3A_1627 = arith.constant 1984 : index
    %get3A_1628 = tpu.vector_load %arg7[%get3A_1627] {strides = array<i32>} : memref<3120xi32, #tpu.memory_space<vmem>>, vector<16xi32>,
    %broadcast_in_dim3A_1629 = arith.constant 1985 : i32
    %broadcast_in_dim3A_1630 = vector.broadcast %broadcast_in_dim3A_1629 : i32 to vector<16xi32>
    %add3A_1631 = arith.addi %broadcast_in_dim3A_1630, %iota3A : vector<16xi32>
    %gather3A_1632 = tpu.vector_load_idx %arg7[%add3A_1631] : memref<3120xi32, #tpu.memory_space<vmem>>[vector<16xi32>], vector<16xi32>,
    %sub3A_1633 = arith.subi %gather3A_1632, %get3A_1628 : vector<16xi32>
    %swap3A_1634 = arith.constant 1968 : index
    %swap3A_1635 = tpu.vector_load %arg8[%swap3A_1634] {strides = array<i32>} : memref<3072xi32, #tpu.memory_space<vmem>>, vector<16xi32>,
    tpu.vector_store %arg8[%swap3A_1634], %sub3A_1633 {strides = array<i32>} : memref<3072xi32, #tpu.memory_space<vmem>>, vector<16xi32>,
    %add3A_1636 = arith.addi %get3A_1628, %sub3A_110 : vector<16xi32>
    %swap3A_1637 = arith.constant 1968 : index
    %swap3A_1638 = tpu.vector_load %arg9[%swap3A_1637] {strides = array<i32>} : memref<3072xi32, #tpu.memory_space<vmem>>, vector<16xi32>,
    tpu.vector_store %arg9[%swap3A_1637], %add3A_1636 {strides = array<i32>} : memref<3072xi32, #tpu.memory_space<vmem>>, vector<16xi32>,
    %get3A_1639 = arith.constant 2000 : index
    %get3A_1640 = tpu.vector_load %arg7[%get3A_1639] {strides = array<i32>} : memref<3120xi32, #tpu.memory_space<vmem>>, vector<16xi32>,
    %broadcast_in_dim3A_1641 = arith.constant 2001 : i32
    %broadcast_in_dim3A_1642 = vector.broadcast %broadcast_in_dim3A_1641 : i32 to vector<16xi32>
    %add3A_1643 = arith.addi %broadcast_in_dim3A_1642, %iota3A : vector<16xi32>
    %gather3A_1644 = tpu.vector_load_idx %arg7[%add3A_1643] : memref<3120xi32, #tpu.memory_space<vmem>>[vector<16xi32>], vector<16xi32>,
    %sub3A_1645 = arith.subi %gather3A_1644, %get3A_1640 : vector<16xi32>
    %swap3A_1646 = arith.constant 1984 : index
    %swap3A_1647 = tpu.vector_load %arg8[%swap3A_1646] {strides = array<i32>} : memref<3072xi32, #tpu.memory_space<vmem>>, vector<16xi32>,
    tpu.vector_store %arg8[%swap3A_1646], %sub3A_1645 {strides = array<i32>} : memref<3072xi32, #tpu.memory_space<vmem>>, vector<16xi32>,
    %add3A_1648 = arith.addi %get3A_1640, %sub3A_110 : vector<16xi32>
    %swap3A_1649 = arith.constant 1984 : index
    %swap3A_1650 = tpu.vector_load %arg9[%swap3A_1649] {strides = array<i32>} : memref<3072xi32, #tpu.memory_space<vmem>>, vector<16xi32>,
    tpu.vector_store %arg9[%swap3A_1649], %add3A_1648 {strides = array<i32>} : memref<3072xi32, #tpu.memory_space<vmem>>, vector<16xi32>,
    %get3A_1651 = arith.constant 2016 : index
    %get3A_1652 = tpu.vector_load %arg7[%get3A_1651] {strides = array<i32>} : memref<3120xi32, #tpu.memory_space<vmem>>, vector<16xi32>,
    %broadcast_in_dim3A_1653 = arith.constant 2017 : i32
    %broadcast_in_dim3A_1654 = vector.broadcast %broadcast_in_dim3A_1653 : i32 to vector<16xi32>
    %add3A_1655 = arith.addi %broadcast_in_dim3A_1654, %iota3A : vector<16xi32>
    %gather3A_1656 = tpu.vector_load_idx %arg7[%add3A_1655] : memref<3120xi32, #tpu.memory_space<vmem>>[vector<16xi32>], vector<16xi32>,
    %sub3A_1657 = arith.subi %gather3A_1656, %get3A_1652 : vector<16xi32>
    %swap3A_1658 = arith.constant 2000 : index
    %swap3A_1659 = tpu.vector_load %arg8[%swap3A_1658] {strides = array<i32>} : memref<3072xi32, #tpu.memory_space<vmem>>, vector<16xi32>,
    tpu.vector_store %arg8[%swap3A_1658], %sub3A_1657 {strides = array<i32>} : memref<3072xi32, #tpu.memory_space<vmem>>, vector<16xi32>,
    %add3A_1660 = arith.addi %get3A_1652, %sub3A_110 : vector<16xi32>
    %swap3A_1661 = arith.constant 2000 : index
    %swap3A_1662 = tpu.vector_load %arg9[%swap3A_1661] {strides = array<i32>} : memref<3072xi32, #tpu.memory_space<vmem>>, vector<16xi32>,
    tpu.vector_store %arg9[%swap3A_1661], %add3A_1660 {strides = array<i32>} : memref<3072xi32, #tpu.memory_space<vmem>>, vector<16xi32>,
    %get3A_1663 = arith.constant 2032 : index
    %get3A_1664 = tpu.vector_load %arg7[%get3A_1663] {strides = array<i32>} : memref<3120xi32, #tpu.memory_space<vmem>>, vector<16xi32>,
    %broadcast_in_dim3A_1665 = arith.constant 2033 : i32
    %broadcast_in_dim3A_1666 = vector.broadcast %broadcast_in_dim3A_1665 : i32 to vector<16xi32>
    %add3A_1667 = arith.addi %broadcast_in_dim3A_1666, %iota3A : vector<16xi32>
    %gather3A_1668 = tpu.vector_load_idx %arg7[%add3A_1667] : memref<3120xi32, #tpu.memory_space<vmem>>[vector<16xi32>], vector<16xi32>,
    %sub3A_1669 = arith.subi %gather3A_1668, %get3A_1664 : vector<16xi32>
    %swap3A_1670 = arith.constant 2016 : index
    %swap3A_1671 = tpu.vector_load %arg8[%swap3A_1670] {strides = array<i32>} : memref<3072xi32, #tpu.memory_space<vmem>>, vector<16xi32>,
    tpu.vector_store %arg8[%swap3A_1670], %sub3A_1669 {strides = array<i32>} : memref<3072xi32, #tpu.memory_space<vmem>>, vector<16xi32>,
    %add3A_1672 = arith.addi %get3A_1664, %sub3A_110 : vector<16xi32>
    %swap3A_1673 = arith.constant 2016 : index
    %swap3A_1674 = tpu.vector_load %arg9[%swap3A_1673] {strides = array<i32>} : memref<3072xi32, #tpu.memory_space<vmem>>, vector<16xi32>,
    tpu.vector_store %arg9[%swap3A_1673], %add3A_1672 {strides = array<i32>} : memref<3072xi32, #tpu.memory_space<vmem>>, vector<16xi32>,
    %get3A_1675 = arith.constant 2048 : index
    %get3A_1676 = tpu.vector_load %arg7[%get3A_1675] {strides = array<i32>} : memref<3120xi32, #tpu.memory_space<vmem>>, vector<16xi32>,
    %broadcast_in_dim3A_1677 = arith.constant 2049 : i32
    %broadcast_in_dim3A_1678 = vector.broadcast %broadcast_in_dim3A_1677 : i32 to vector<16xi32>
    %add3A_1679 = arith.addi %broadcast_in_dim3A_1678, %iota3A : vector<16xi32>
    %gather3A_1680 = tpu.vector_load_idx %arg7[%add3A_1679] : memref<3120xi32, #tpu.memory_space<vmem>>[vector<16xi32>], vector<16xi32>,
    %sub3A_1681 = arith.subi %gather3A_1680, %get3A_1676 : vector<16xi32>
    %swap3A_1682 = arith.constant 2032 : index
    %swap3A_1683 = tpu.vector_load %arg8[%swap3A_1682] {strides = array<i32>} : memref<3072xi32, #tpu.memory_space<vmem>>, vector<16xi32>,
    tpu.vector_store %arg8[%swap3A_1682], %sub3A_1681 {strides = array<i32>} : memref<3072xi32, #tpu.memory_space<vmem>>, vector<16xi32>,
    %add3A_1684 = arith.addi %get3A_1676, %sub3A_110 : vector<16xi32>
    %swap3A_1685 = arith.constant 2032 : index
    %swap3A_1686 = tpu.vector_load %arg9[%swap3A_1685] {strides = array<i32>} : memref<3072xi32, #tpu.memory_space<vmem>>, vector<16xi32>,
    tpu.vector_store %arg9[%swap3A_1685], %add3A_1684 {strides = array<i32>} : memref<3072xi32, #tpu.memory_space<vmem>>, vector<16xi32>,
    %add3A_1687 = arith.constant 16384 : i32
    %add3A_1688 = arith.addi %add3A_1687, %mul3A_2 : i32
    %dma_start3A_1689 = arith.constant 1024 : i32
    %dma_start3A_1690 = tpu.memref_slice %arg8[%dma_start3A_1689] : memref<3072xi32, #tpu.memory_space<vmem>> -> memref<1024xi32, #tpu.memory_space<vmem>>
    %dma_start3A_1691 = tpu.memref_slice %arg5[%add3A_1688] : memref<49152xi32, #tpu.memory_space<hbm>> -> memref<1024xi32, #tpu.memory_space<hbm>>
    %dma_start3A_1692 = tpu.memref_slice %arg5[%add3A_1688] : memref<49152xi32, #tpu.memory_space<hbm>> -> memref<1024xi32, #tpu.memory_space<hbm>>
    %dma_start3A_1693 = arith.constant 1024 : i32
    %dma_start3A_1694 = tpu.memref_slice %arg8[%dma_start3A_1693] : memref<3072xi32, #tpu.memory_space<vmem>> -> memref<1024xi32, #tpu.memory_space<vmem>>
    tpu.enqueue_dma source(%dma_start3A_1694 : memref<1024xi32, #tpu.memory_space<vmem>>) target(%dma_start3A_1692 : memref<1024xi32, #tpu.memory_space<hbm>>) target_semaphore(%arg14 : memref<!tpu.dma_semaphore, #tpu.memory_space<semaphore_mem>>)
    %add3A_1695 = arith.constant 16384 : i32
    %add3A_1696 = arith.addi %add3A_1695, %mul3A_2 : i32
    %dma_start3A_1697 = arith.constant 1024 : i32
    %dma_start3A_1698 = tpu.memref_slice %arg9[%dma_start3A_1697] : memref<3072xi32, #tpu.memory_space<vmem>> -> memref<1024xi32, #tpu.memory_space<vmem>>
    %dma_start3A_1699 = tpu.memref_slice %arg6[%add3A_1696] : memref<49160xi32, #tpu.memory_space<hbm>> -> memref<1024xi32, #tpu.memory_space<hbm>>
    %dma_start3A_1700 = tpu.memref_slice %arg6[%add3A_1696] : memref<49160xi32, #tpu.memory_space<hbm>> -> memref<1024xi32, #tpu.memory_space<hbm>>
    %dma_start3A_1701 = arith.constant 1024 : i32
    %dma_start3A_1702 = tpu.memref_slice %arg9[%dma_start3A_1701] : memref<3072xi32, #tpu.memory_space<vmem>> -> memref<1024xi32, #tpu.memory_space<vmem>>
    tpu.enqueue_dma source(%dma_start3A_1702 : memref<1024xi32, #tpu.memory_space<vmem>>) target(%dma_start3A_1700 : memref<1024xi32, #tpu.memory_space<hbm>>) target_semaphore(%arg14 : memref<!tpu.dma_semaphore, #tpu.memory_space<semaphore_mem>>)
    %dma_wait3A_1703 = arith.constant 2080 : i32
    %dma_wait3A_1704 = tpu.memref_slice %arg7[%dma_wait3A_1703] : memref<3120xi32, #tpu.memory_space<vmem>> -> memref<1024xi32, #tpu.memory_space<vmem>>
    %dma_wait3A_1705 = tpu.memref_slice %arg4[%mul3A_2] : memref<16385xi32, #tpu.memory_space<hbm>> -> memref<1024xi32, #tpu.memory_space<hbm>>
    %dma_wait3A_1706 = arith.constant 2080 : i32
    %dma_wait3A_1707 = tpu.memref_slice %arg7[%dma_wait3A_1706] : memref<3120xi32, #tpu.memory_space<vmem>> -> memref<1024xi32, #tpu.memory_space<vmem>>
    %dma_wait3A_1708 = tpu.memref_slice %arg4[%mul3A_2] : memref<16385xi32, #tpu.memory_space<hbm>> -> memref<1024xi32, #tpu.memory_space<hbm>>
    tpu.wait_dma2 semaphore(%arg13 : memref<!tpu.dma_semaphore, #tpu.memory_space<semaphore_mem>>) src(%dma_wait3A_1708 : memref<1024xi32, #tpu.memory_space<hbm>>) dst(%dma_wait3A_1707 : memref<1024xi32, #tpu.memory_space<vmem>>)
    %get3A_1709 = arith.constant 2 : i32
    %get3A_1710 = arith.index_cast %get3A_1709 : i32 to index
    %get3A_1711 = arith.constant 0 : index
    %get3A_1712 = tpu.vector_load %arg10[%get3A_1710, %get3A_1711] {strides = array<i32>} : memref<3x16xi32, #tpu.memory_space<vmem>>, vector<16xi32>,
    %swap3A_1713 = arith.constant 3104 : index
    %swap3A_1714 = tpu.vector_load %arg7[%swap3A_1713] {strides = array<i32>} : memref<3120xi32, #tpu.memory_space<vmem>>, vector<16xi32>,
    tpu.vector_store %arg7[%swap3A_1713], %get3A_1712 {strides = array<i32>} : memref<3120xi32, #tpu.memory_space<vmem>>, vector<16xi32>,
    %get3A_1715 = arith.constant 2080 : index
    %get3A_1716 = tpu.vector_load %arg7[%get3A_1715] {strides = array<i32>} : memref<3120xi32, #tpu.memory_space<vmem>>, vector<16xi32>,
    %broadcast_in_dim3A_1717 = arith.constant 2081 : i32
    %broadcast_in_dim3A_1718 = vector.broadcast %broadcast_in_dim3A_1717 : i32 to vector<16xi32>
    %add3A_1719 = arith.addi %broadcast_in_dim3A_1718, %iota3A : vector<16xi32>
    %gather3A_1720 = tpu.vector_load_idx %arg7[%add3A_1719] : memref<3120xi32, #tpu.memory_space<vmem>>[vector<16xi32>], vector<16xi32>,
    %sub3A_1721 = arith.subi %gather3A_1720, %get3A_1716 : vector<16xi32>
    %swap3A_1722 = arith.constant 2048 : index
    %swap3A_1723 = tpu.vector_load %arg8[%swap3A_1722] {strides = array<i32>} : memref<3072xi32, #tpu.memory_space<vmem>>, vector<16xi32>,
    tpu.vector_store %arg8[%swap3A_1722], %sub3A_1721 {strides = array<i32>} : memref<3072xi32, #tpu.memory_space<vmem>>, vector<16xi32>,
    %add3A_1724 = arith.addi %get3A_1716, %sub3A_112 : vector<16xi32>
    %swap3A_1725 = arith.constant 2048 : index
    %swap3A_1726 = tpu.vector_load %arg9[%swap3A_1725] {strides = array<i32>} : memref<3072xi32, #tpu.memory_space<vmem>>, vector<16xi32>,
    tpu.vector_store %arg9[%swap3A_1725], %add3A_1724 {strides = array<i32>} : memref<3072xi32, #tpu.memory_space<vmem>>, vector<16xi32>,
    %get3A_1727 = arith.constant 2096 : index
    %get3A_1728 = tpu.vector_load %arg7[%get3A_1727] {strides = array<i32>} : memref<3120xi32, #tpu.memory_space<vmem>>, vector<16xi32>,
    %broadcast_in_dim3A_1729 = arith.constant 2097 : i32
    %broadcast_in_dim3A_1730 = vector.broadcast %broadcast_in_dim3A_1729 : i32 to vector<16xi32>
    %add3A_1731 = arith.addi %broadcast_in_dim3A_1730, %iota3A : vector<16xi32>
    %gather3A_1732 = tpu.vector_load_idx %arg7[%add3A_1731] : memref<3120xi32, #tpu.memory_space<vmem>>[vector<16xi32>], vector<16xi32>,
    %sub3A_1733 = arith.subi %gather3A_1732, %get3A_1728 : vector<16xi32>
    %swap3A_1734 = arith.constant 2064 : index
    %swap3A_1735 = tpu.vector_load %arg8[%swap3A_1734] {strides = array<i32>} : memref<3072xi32, #tpu.memory_space<vmem>>, vector<16xi32>,
    tpu.vector_store %arg8[%swap3A_1734], %sub3A_1733 {strides = array<i32>} : memref<3072xi32, #tpu.memory_space<vmem>>, vector<16xi32>,
    %add3A_1736 = arith.addi %get3A_1728, %sub3A_112 : vector<16xi32>
    %swap3A_1737 = arith.constant 2064 : index
    %swap3A_1738 = tpu.vector_load %arg9[%swap3A_1737] {strides = array<i32>} : memref<3072xi32, #tpu.memory_space<vmem>>, vector<16xi32>,
    tpu.vector_store %arg9[%swap3A_1737], %add3A_1736 {strides = array<i32>} : memref<3072xi32, #tpu.memory_space<vmem>>, vector<16xi32>,
    %get3A_1739 = arith.constant 2112 : index
    %get3A_1740 = tpu.vector_load %arg7[%get3A_1739] {strides = array<i32>} : memref<3120xi32, #tpu.memory_space<vmem>>, vector<16xi32>,
    %broadcast_in_dim3A_1741 = arith.constant 2113 : i32
    %broadcast_in_dim3A_1742 = vector.broadcast %broadcast_in_dim3A_1741 : i32 to vector<16xi32>
    %add3A_1743 = arith.addi %broadcast_in_dim3A_1742, %iota3A : vector<16xi32>
    %gather3A_1744 = tpu.vector_load_idx %arg7[%add3A_1743] : memref<3120xi32, #tpu.memory_space<vmem>>[vector<16xi32>], vector<16xi32>,
    %sub3A_1745 = arith.subi %gather3A_1744, %get3A_1740 : vector<16xi32>
    %swap3A_1746 = arith.constant 2080 : index
    %swap3A_1747 = tpu.vector_load %arg8[%swap3A_1746] {strides = array<i32>} : memref<3072xi32, #tpu.memory_space<vmem>>, vector<16xi32>,
    tpu.vector_store %arg8[%swap3A_1746], %sub3A_1745 {strides = array<i32>} : memref<3072xi32, #tpu.memory_space<vmem>>, vector<16xi32>,
    %add3A_1748 = arith.addi %get3A_1740, %sub3A_112 : vector<16xi32>
    %swap3A_1749 = arith.constant 2080 : index
    %swap3A_1750 = tpu.vector_load %arg9[%swap3A_1749] {strides = array<i32>} : memref<3072xi32, #tpu.memory_space<vmem>>, vector<16xi32>,
    tpu.vector_store %arg9[%swap3A_1749], %add3A_1748 {strides = array<i32>} : memref<3072xi32, #tpu.memory_space<vmem>>, vector<16xi32>,
    %get3A_1751 = arith.constant 2128 : index
    %get3A_1752 = tpu.vector_load %arg7[%get3A_1751] {strides = array<i32>} : memref<3120xi32, #tpu.memory_space<vmem>>, vector<16xi32>,
    %broadcast_in_dim3A_1753 = arith.constant 2129 : i32
    %broadcast_in_dim3A_1754 = vector.broadcast %broadcast_in_dim3A_1753 : i32 to vector<16xi32>
    %add3A_1755 = arith.addi %broadcast_in_dim3A_1754, %iota3A : vector<16xi32>
    %gather3A_1756 = tpu.vector_load_idx %arg7[%add3A_1755] : memref<3120xi32, #tpu.memory_space<vmem>>[vector<16xi32>], vector<16xi32>,
    %sub3A_1757 = arith.subi %gather3A_1756, %get3A_1752 : vector<16xi32>
    %swap3A_1758 = arith.constant 2096 : index
    %swap3A_1759 = tpu.vector_load %arg8[%swap3A_1758] {strides = array<i32>} : memref<3072xi32, #tpu.memory_space<vmem>>, vector<16xi32>,
    tpu.vector_store %arg8[%swap3A_1758], %sub3A_1757 {strides = array<i32>} : memref<3072xi32, #tpu.memory_space<vmem>>, vector<16xi32>,
    %add3A_1760 = arith.addi %get3A_1752, %sub3A_112 : vector<16xi32>
    %swap3A_1761 = arith.constant 2096 : index
    %swap3A_1762 = tpu.vector_load %arg9[%swap3A_1761] {strides = array<i32>} : memref<3072xi32, #tpu.memory_space<vmem>>, vector<16xi32>,
    tpu.vector_store %arg9[%swap3A_1761], %add3A_1760 {strides = array<i32>} : memref<3072xi32, #tpu.memory_space<vmem>>, vector<16xi32>,
    %get3A_1763 = arith.constant 2144 : index
    %get3A_1764 = tpu.vector_load %arg7[%get3A_1763] {strides = array<i32>} : memref<3120xi32, #tpu.memory_space<vmem>>, vector<16xi32>,
    %broadcast_in_dim3A_1765 = arith.constant 2145 : i32
    %broadcast_in_dim3A_1766 = vector.broadcast %broadcast_in_dim3A_1765 : i32 to vector<16xi32>
    %add3A_1767 = arith.addi %broadcast_in_dim3A_1766, %iota3A : vector<16xi32>
    %gather3A_1768 = tpu.vector_load_idx %arg7[%add3A_1767] : memref<3120xi32, #tpu.memory_space<vmem>>[vector<16xi32>], vector<16xi32>,
    %sub3A_1769 = arith.subi %gather3A_1768, %get3A_1764 : vector<16xi32>
    %swap3A_1770 = arith.constant 2112 : index
    %swap3A_1771 = tpu.vector_load %arg8[%swap3A_1770] {strides = array<i32>} : memref<3072xi32, #tpu.memory_space<vmem>>, vector<16xi32>,
    tpu.vector_store %arg8[%swap3A_1770], %sub3A_1769 {strides = array<i32>} : memref<3072xi32, #tpu.memory_space<vmem>>, vector<16xi32>,
    %add3A_1772 = arith.addi %get3A_1764, %sub3A_112 : vector<16xi32>
    %swap3A_1773 = arith.constant 2112 : index
    %swap3A_1774 = tpu.vector_load %arg9[%swap3A_1773] {strides = array<i32>} : memref<3072xi32, #tpu.memory_space<vmem>>, vector<16xi32>,
    tpu.vector_store %arg9[%swap3A_1773], %add3A_1772 {strides = array<i32>} : memref<3072xi32, #tpu.memory_space<vmem>>, vector<16xi32>,
    %get3A_1775 = arith.constant 2160 : index
    %get3A_1776 = tpu.vector_load %arg7[%get3A_1775] {strides = array<i32>} : memref<3120xi32, #tpu.memory_space<vmem>>, vector<16xi32>,
    %broadcast_in_dim3A_1777 = arith.constant 2161 : i32
    %broadcast_in_dim3A_1778 = vector.broadcast %broadcast_in_dim3A_1777 : i32 to vector<16xi32>
    %add3A_1779 = arith.addi %broadcast_in_dim3A_1778, %iota3A : vector<16xi32>
    %gather3A_1780 = tpu.vector_load_idx %arg7[%add3A_1779] : memref<3120xi32, #tpu.memory_space<vmem>>[vector<16xi32>], vector<16xi32>,
    %sub3A_1781 = arith.subi %gather3A_1780, %get3A_1776 : vector<16xi32>
    %swap3A_1782 = arith.constant 2128 : index
    %swap3A_1783 = tpu.vector_load %arg8[%swap3A_1782] {strides = array<i32>} : memref<3072xi32, #tpu.memory_space<vmem>>, vector<16xi32>,
    tpu.vector_store %arg8[%swap3A_1782], %sub3A_1781 {strides = array<i32>} : memref<3072xi32, #tpu.memory_space<vmem>>, vector<16xi32>,
    %add3A_1784 = arith.addi %get3A_1776, %sub3A_112 : vector<16xi32>
    %swap3A_1785 = arith.constant 2128 : index
    %swap3A_1786 = tpu.vector_load %arg9[%swap3A_1785] {strides = array<i32>} : memref<3072xi32, #tpu.memory_space<vmem>>, vector<16xi32>,
    tpu.vector_store %arg9[%swap3A_1785], %add3A_1784 {strides = array<i32>} : memref<3072xi32, #tpu.memory_space<vmem>>, vector<16xi32>,
    %get3A_1787 = arith.constant 2176 : index
    %get3A_1788 = tpu.vector_load %arg7[%get3A_1787] {strides = array<i32>} : memref<3120xi32, #tpu.memory_space<vmem>>, vector<16xi32>,
    %broadcast_in_dim3A_1789 = arith.constant 2177 : i32
    %broadcast_in_dim3A_1790 = vector.broadcast %broadcast_in_dim3A_1789 : i32 to vector<16xi32>
    %add3A_1791 = arith.addi %broadcast_in_dim3A_1790, %iota3A : vector<16xi32>
    %gather3A_1792 = tpu.vector_load_idx %arg7[%add3A_1791] : memref<3120xi32, #tpu.memory_space<vmem>>[vector<16xi32>], vector<16xi32>,
    %sub3A_1793 = arith.subi %gather3A_1792, %get3A_1788 : vector<16xi32>
    %swap3A_1794 = arith.constant 2144 : index
    %swap3A_1795 = tpu.vector_load %arg8[%swap3A_1794] {strides = array<i32>} : memref<3072xi32, #tpu.memory_space<vmem>>, vector<16xi32>,
    tpu.vector_store %arg8[%swap3A_1794], %sub3A_1793 {strides = array<i32>} : memref<3072xi32, #tpu.memory_space<vmem>>, vector<16xi32>,
    %add3A_1796 = arith.addi %get3A_1788, %sub3A_112 : vector<16xi32>
    %swap3A_1797 = arith.constant 2144 : index
    %swap3A_1798 = tpu.vector_load %arg9[%swap3A_1797] {strides = array<i32>} : memref<3072xi32, #tpu.memory_space<vmem>>, vector<16xi32>,
    tpu.vector_store %arg9[%swap3A_1797], %add3A_1796 {strides = array<i32>} : memref<3072xi32, #tpu.memory_space<vmem>>, vector<16xi32>,
    %get3A_1799 = arith.constant 2192 : index
    %get3A_1800 = tpu.vector_load %arg7[%get3A_1799] {strides = array<i32>} : memref<3120xi32, #tpu.memory_space<vmem>>, vector<16xi32>,
    %broadcast_in_dim3A_1801 = arith.constant 2193 : i32
    %broadcast_in_dim3A_1802 = vector.broadcast %broadcast_in_dim3A_1801 : i32 to vector<16xi32>
    %add3A_1803 = arith.addi %broadcast_in_dim3A_1802, %iota3A : vector<16xi32>
    %gather3A_1804 = tpu.vector_load_idx %arg7[%add3A_1803] : memref<3120xi32, #tpu.memory_space<vmem>>[vector<16xi32>], vector<16xi32>,
    %sub3A_1805 = arith.subi %gather3A_1804, %get3A_1800 : vector<16xi32>
    %swap3A_1806 = arith.constant 2160 : index
    %swap3A_1807 = tpu.vector_load %arg8[%swap3A_1806] {strides = array<i32>} : memref<3072xi32, #tpu.memory_space<vmem>>, vector<16xi32>,
    tpu.vector_store %arg8[%swap3A_1806], %sub3A_1805 {strides = array<i32>} : memref<3072xi32, #tpu.memory_space<vmem>>, vector<16xi32>,
    %add3A_1808 = arith.addi %get3A_1800, %sub3A_112 : vector<16xi32>
    %swap3A_1809 = arith.constant 2160 : index
    %swap3A_1810 = tpu.vector_load %arg9[%swap3A_1809] {strides = array<i32>} : memref<3072xi32, #tpu.memory_space<vmem>>, vector<16xi32>,
    tpu.vector_store %arg9[%swap3A_1809], %add3A_1808 {strides = array<i32>} : memref<3072xi32, #tpu.memory_space<vmem>>, vector<16xi32>,
    %get3A_1811 = arith.constant 2208 : index
    %get3A_1812 = tpu.vector_load %arg7[%get3A_1811] {strides = array<i32>} : memref<3120xi32, #tpu.memory_space<vmem>>, vector<16xi32>,
    %broadcast_in_dim3A_1813 = arith.constant 2209 : i32
    %broadcast_in_dim3A_1814 = vector.broadcast %broadcast_in_dim3A_1813 : i32 to vector<16xi32>
    %add3A_1815 = arith.addi %broadcast_in_dim3A_1814, %iota3A : vector<16xi32>
    %gather3A_1816 = tpu.vector_load_idx %arg7[%add3A_1815] : memref<3120xi32, #tpu.memory_space<vmem>>[vector<16xi32>], vector<16xi32>,
    %sub3A_1817 = arith.subi %gather3A_1816, %get3A_1812 : vector<16xi32>
    %swap3A_1818 = arith.constant 2176 : index
    %swap3A_1819 = tpu.vector_load %arg8[%swap3A_1818] {strides = array<i32>} : memref<3072xi32, #tpu.memory_space<vmem>>, vector<16xi32>,
    tpu.vector_store %arg8[%swap3A_1818], %sub3A_1817 {strides = array<i32>} : memref<3072xi32, #tpu.memory_space<vmem>>, vector<16xi32>,
    %add3A_1820 = arith.addi %get3A_1812, %sub3A_112 : vector<16xi32>
    %swap3A_1821 = arith.constant 2176 : index
    %swap3A_1822 = tpu.vector_load %arg9[%swap3A_1821] {strides = array<i32>} : memref<3072xi32, #tpu.memory_space<vmem>>, vector<16xi32>,
    tpu.vector_store %arg9[%swap3A_1821], %add3A_1820 {strides = array<i32>} : memref<3072xi32, #tpu.memory_space<vmem>>, vector<16xi32>,
    %get3A_1823 = arith.constant 2224 : index
    %get3A_1824 = tpu.vector_load %arg7[%get3A_1823] {strides = array<i32>} : memref<3120xi32, #tpu.memory_space<vmem>>, vector<16xi32>,
    %broadcast_in_dim3A_1825 = arith.constant 2225 : i32
    %broadcast_in_dim3A_1826 = vector.broadcast %broadcast_in_dim3A_1825 : i32 to vector<16xi32>
    %add3A_1827 = arith.addi %broadcast_in_dim3A_1826, %iota3A : vector<16xi32>
    %gather3A_1828 = tpu.vector_load_idx %arg7[%add3A_1827] : memref<3120xi32, #tpu.memory_space<vmem>>[vector<16xi32>], vector<16xi32>,
    %sub3A_1829 = arith.subi %gather3A_1828, %get3A_1824 : vector<16xi32>
    %swap3A_1830 = arith.constant 2192 : index
    %swap3A_1831 = tpu.vector_load %arg8[%swap3A_1830] {strides = array<i32>} : memref<3072xi32, #tpu.memory_space<vmem>>, vector<16xi32>,
    tpu.vector_store %arg8[%swap3A_1830], %sub3A_1829 {strides = array<i32>} : memref<3072xi32, #tpu.memory_space<vmem>>, vector<16xi32>,
    %add3A_1832 = arith.addi %get3A_1824, %sub3A_112 : vector<16xi32>
    %swap3A_1833 = arith.constant 2192 : index
    %swap3A_1834 = tpu.vector_load %arg9[%swap3A_1833] {strides = array<i32>} : memref<3072xi32, #tpu.memory_space<vmem>>, vector<16xi32>,
    tpu.vector_store %arg9[%swap3A_1833], %add3A_1832 {strides = array<i32>} : memref<3072xi32, #tpu.memory_space<vmem>>, vector<16xi32>,
    %get3A_1835 = arith.constant 2240 : index
    %get3A_1836 = tpu.vector_load %arg7[%get3A_1835] {strides = array<i32>} : memref<3120xi32, #tpu.memory_space<vmem>>, vector<16xi32>,
    %broadcast_in_dim3A_1837 = arith.constant 2241 : i32
    %broadcast_in_dim3A_1838 = vector.broadcast %broadcast_in_dim3A_1837 : i32 to vector<16xi32>
    %add3A_1839 = arith.addi %broadcast_in_dim3A_1838, %iota3A : vector<16xi32>
    %gather3A_1840 = tpu.vector_load_idx %arg7[%add3A_1839] : memref<3120xi32, #tpu.memory_space<vmem>>[vector<16xi32>], vector<16xi32>,
    %sub3A_1841 = arith.subi %gather3A_1840, %get3A_1836 : vector<16xi32>
    %swap3A_1842 = arith.constant 2208 : index
    %swap3A_1843 = tpu.vector_load %arg8[%swap3A_1842] {strides = array<i32>} : memref<3072xi32, #tpu.memory_space<vmem>>, vector<16xi32>,
    tpu.vector_store %arg8[%swap3A_1842], %sub3A_1841 {strides = array<i32>} : memref<3072xi32, #tpu.memory_space<vmem>>, vector<16xi32>,
    %add3A_1844 = arith.addi %get3A_1836, %sub3A_112 : vector<16xi32>
    %swap3A_1845 = arith.constant 2208 : index
    %swap3A_1846 = tpu.vector_load %arg9[%swap3A_1845] {strides = array<i32>} : memref<3072xi32, #tpu.memory_space<vmem>>, vector<16xi32>,
    tpu.vector_store %arg9[%swap3A_1845], %add3A_1844 {strides = array<i32>} : memref<3072xi32, #tpu.memory_space<vmem>>, vector<16xi32>,
    %get3A_1847 = arith.constant 2256 : index
    %get3A_1848 = tpu.vector_load %arg7[%get3A_1847] {strides = array<i32>} : memref<3120xi32, #tpu.memory_space<vmem>>, vector<16xi32>,
    %broadcast_in_dim3A_1849 = arith.constant 2257 : i32
    %broadcast_in_dim3A_1850 = vector.broadcast %broadcast_in_dim3A_1849 : i32 to vector<16xi32>
    %add3A_1851 = arith.addi %broadcast_in_dim3A_1850, %iota3A : vector<16xi32>
    %gather3A_1852 = tpu.vector_load_idx %arg7[%add3A_1851] : memref<3120xi32, #tpu.memory_space<vmem>>[vector<16xi32>], vector<16xi32>,
    %sub3A_1853 = arith.subi %gather3A_1852, %get3A_1848 : vector<16xi32>
    %swap3A_1854 = arith.constant 2224 : index
    %swap3A_1855 = tpu.vector_load %arg8[%swap3A_1854] {strides = array<i32>} : memref<3072xi32, #tpu.memory_space<vmem>>, vector<16xi32>,
    tpu.vector_store %arg8[%swap3A_1854], %sub3A_1853 {strides = array<i32>} : memref<3072xi32, #tpu.memory_space<vmem>>, vector<16xi32>,
    %add3A_1856 = arith.addi %get3A_1848, %sub3A_112 : vector<16xi32>
    %swap3A_1857 = arith.constant 2224 : index
    %swap3A_1858 = tpu.vector_load %arg9[%swap3A_1857] {strides = array<i32>} : memref<3072xi32, #tpu.memory_space<vmem>>, vector<16xi32>,
    tpu.vector_store %arg9[%swap3A_1857], %add3A_1856 {strides = array<i32>} : memref<3072xi32, #tpu.memory_space<vmem>>, vector<16xi32>,
    %get3A_1859 = arith.constant 2272 : index
    %get3A_1860 = tpu.vector_load %arg7[%get3A_1859] {strides = array<i32>} : memref<3120xi32, #tpu.memory_space<vmem>>, vector<16xi32>,
    %broadcast_in_dim3A_1861 = arith.constant 2273 : i32
    %broadcast_in_dim3A_1862 = vector.broadcast %broadcast_in_dim3A_1861 : i32 to vector<16xi32>
    %add3A_1863 = arith.addi %broadcast_in_dim3A_1862, %iota3A : vector<16xi32>
    %gather3A_1864 = tpu.vector_load_idx %arg7[%add3A_1863] : memref<3120xi32, #tpu.memory_space<vmem>>[vector<16xi32>], vector<16xi32>,
    %sub3A_1865 = arith.subi %gather3A_1864, %get3A_1860 : vector<16xi32>
    %swap3A_1866 = arith.constant 2240 : index
    %swap3A_1867 = tpu.vector_load %arg8[%swap3A_1866] {strides = array<i32>} : memref<3072xi32, #tpu.memory_space<vmem>>, vector<16xi32>,
    tpu.vector_store %arg8[%swap3A_1866], %sub3A_1865 {strides = array<i32>} : memref<3072xi32, #tpu.memory_space<vmem>>, vector<16xi32>,
    %add3A_1868 = arith.addi %get3A_1860, %sub3A_112 : vector<16xi32>
    %swap3A_1869 = arith.constant 2240 : index
    %swap3A_1870 = tpu.vector_load %arg9[%swap3A_1869] {strides = array<i32>} : memref<3072xi32, #tpu.memory_space<vmem>>, vector<16xi32>,
    tpu.vector_store %arg9[%swap3A_1869], %add3A_1868 {strides = array<i32>} : memref<3072xi32, #tpu.memory_space<vmem>>, vector<16xi32>,
    %get3A_1871 = arith.constant 2288 : index
    %get3A_1872 = tpu.vector_load %arg7[%get3A_1871] {strides = array<i32>} : memref<3120xi32, #tpu.memory_space<vmem>>, vector<16xi32>,
    %broadcast_in_dim3A_1873 = arith.constant 2289 : i32
    %broadcast_in_dim3A_1874 = vector.broadcast %broadcast_in_dim3A_1873 : i32 to vector<16xi32>
    %add3A_1875 = arith.addi %broadcast_in_dim3A_1874, %iota3A : vector<16xi32>
    %gather3A_1876 = tpu.vector_load_idx %arg7[%add3A_1875] : memref<3120xi32, #tpu.memory_space<vmem>>[vector<16xi32>], vector<16xi32>,
    %sub3A_1877 = arith.subi %gather3A_1876, %get3A_1872 : vector<16xi32>
    %swap3A_1878 = arith.constant 2256 : index
    %swap3A_1879 = tpu.vector_load %arg8[%swap3A_1878] {strides = array<i32>} : memref<3072xi32, #tpu.memory_space<vmem>>, vector<16xi32>,
    tpu.vector_store %arg8[%swap3A_1878], %sub3A_1877 {strides = array<i32>} : memref<3072xi32, #tpu.memory_space<vmem>>, vector<16xi32>,
    %add3A_1880 = arith.addi %get3A_1872, %sub3A_112 : vector<16xi32>
    %swap3A_1881 = arith.constant 2256 : index
    %swap3A_1882 = tpu.vector_load %arg9[%swap3A_1881] {strides = array<i32>} : memref<3072xi32, #tpu.memory_space<vmem>>, vector<16xi32>,
    tpu.vector_store %arg9[%swap3A_1881], %add3A_1880 {strides = array<i32>} : memref<3072xi32, #tpu.memory_space<vmem>>, vector<16xi32>,
    %get3A_1883 = arith.constant 2304 : index
    %get3A_1884 = tpu.vector_load %arg7[%get3A_1883] {strides = array<i32>} : memref<3120xi32, #tpu.memory_space<vmem>>, vector<16xi32>,
    %broadcast_in_dim3A_1885 = arith.constant 2305 : i32
    %broadcast_in_dim3A_1886 = vector.broadcast %broadcast_in_dim3A_1885 : i32 to vector<16xi32>
    %add3A_1887 = arith.addi %broadcast_in_dim3A_1886, %iota3A : vector<16xi32>
    %gather3A_1888 = tpu.vector_load_idx %arg7[%add3A_1887] : memref<3120xi32, #tpu.memory_space<vmem>>[vector<16xi32>], vector<16xi32>,
    %sub3A_1889 = arith.subi %gather3A_1888, %get3A_1884 : vector<16xi32>
    %swap3A_1890 = arith.constant 2272 : index
    %swap3A_1891 = tpu.vector_load %arg8[%swap3A_1890] {strides = array<i32>} : memref<3072xi32, #tpu.memory_space<vmem>>, vector<16xi32>,
    tpu.vector_store %arg8[%swap3A_1890], %sub3A_1889 {strides = array<i32>} : memref<3072xi32, #tpu.memory_space<vmem>>, vector<16xi32>,
    %add3A_1892 = arith.addi %get3A_1884, %sub3A_112 : vector<16xi32>
    %swap3A_1893 = arith.constant 2272 : index
    %swap3A_1894 = tpu.vector_load %arg9[%swap3A_1893] {strides = array<i32>} : memref<3072xi32, #tpu.memory_space<vmem>>, vector<16xi32>,
    tpu.vector_store %arg9[%swap3A_1893], %add3A_1892 {strides = array<i32>} : memref<3072xi32, #tpu.memory_space<vmem>>, vector<16xi32>,
    %get3A_1895 = arith.constant 2320 : index
    %get3A_1896 = tpu.vector_load %arg7[%get3A_1895] {strides = array<i32>} : memref<3120xi32, #tpu.memory_space<vmem>>, vector<16xi32>,
    %broadcast_in_dim3A_1897 = arith.constant 2321 : i32
    %broadcast_in_dim3A_1898 = vector.broadcast %broadcast_in_dim3A_1897 : i32 to vector<16xi32>
    %add3A_1899 = arith.addi %broadcast_in_dim3A_1898, %iota3A : vector<16xi32>
    %gather3A_1900 = tpu.vector_load_idx %arg7[%add3A_1899] : memref<3120xi32, #tpu.memory_space<vmem>>[vector<16xi32>], vector<16xi32>,
    %sub3A_1901 = arith.subi %gather3A_1900, %get3A_1896 : vector<16xi32>
    %swap3A_1902 = arith.constant 2288 : index
    %swap3A_1903 = tpu.vector_load %arg8[%swap3A_1902] {strides = array<i32>} : memref<3072xi32, #tpu.memory_space<vmem>>, vector<16xi32>,
    tpu.vector_store %arg8[%swap3A_1902], %sub3A_1901 {strides = array<i32>} : memref<3072xi32, #tpu.memory_space<vmem>>, vector<16xi32>,
    %add3A_1904 = arith.addi %get3A_1896, %sub3A_112 : vector<16xi32>
    %swap3A_1905 = arith.constant 2288 : index
    %swap3A_1906 = tpu.vector_load %arg9[%swap3A_1905] {strides = array<i32>} : memref<3072xi32, #tpu.memory_space<vmem>>, vector<16xi32>,
    tpu.vector_store %arg9[%swap3A_1905], %add3A_1904 {strides = array<i32>} : memref<3072xi32, #tpu.memory_space<vmem>>, vector<16xi32>,
    %get3A_1907 = arith.constant 2336 : index
    %get3A_1908 = tpu.vector_load %arg7[%get3A_1907] {strides = array<i32>} : memref<3120xi32, #tpu.memory_space<vmem>>, vector<16xi32>,
    %broadcast_in_dim3A_1909 = arith.constant 2337 : i32
    %broadcast_in_dim3A_1910 = vector.broadcast %broadcast_in_dim3A_1909 : i32 to vector<16xi32>
    %add3A_1911 = arith.addi %broadcast_in_dim3A_1910, %iota3A : vector<16xi32>
    %gather3A_1912 = tpu.vector_load_idx %arg7[%add3A_1911] : memref<3120xi32, #tpu.memory_space<vmem>>[vector<16xi32>], vector<16xi32>,
    %sub3A_1913 = arith.subi %gather3A_1912, %get3A_1908 : vector<16xi32>
    %swap3A_1914 = arith.constant 2304 : index
    %swap3A_1915 = tpu.vector_load %arg8[%swap3A_1914] {strides = array<i32>} : memref<3072xi32, #tpu.memory_space<vmem>>, vector<16xi32>,
    tpu.vector_store %arg8[%swap3A_1914], %sub3A_1913 {strides = array<i32>} : memref<3072xi32, #tpu.memory_space<vmem>>, vector<16xi32>,
    %add3A_1916 = arith.addi %get3A_1908, %sub3A_112 : vector<16xi32>
    %swap3A_1917 = arith.constant 2304 : index
    %swap3A_1918 = tpu.vector_load %arg9[%swap3A_1917] {strides = array<i32>} : memref<3072xi32, #tpu.memory_space<vmem>>, vector<16xi32>,
    tpu.vector_store %arg9[%swap3A_1917], %add3A_1916 {strides = array<i32>} : memref<3072xi32, #tpu.memory_space<vmem>>, vector<16xi32>,
    %get3A_1919 = arith.constant 2352 : index
    %get3A_1920 = tpu.vector_load %arg7[%get3A_1919] {strides = array<i32>} : memref<3120xi32, #tpu.memory_space<vmem>>, vector<16xi32>,
    %broadcast_in_dim3A_1921 = arith.constant 2353 : i32
    %broadcast_in_dim3A_1922 = vector.broadcast %broadcast_in_dim3A_1921 : i32 to vector<16xi32>
    %add3A_1923 = arith.addi %broadcast_in_dim3A_1922, %iota3A : vector<16xi32>
    %gather3A_1924 = tpu.vector_load_idx %arg7[%add3A_1923] : memref<3120xi32, #tpu.memory_space<vmem>>[vector<16xi32>], vector<16xi32>,
    %sub3A_1925 = arith.subi %gather3A_1924, %get3A_1920 : vector<16xi32>
    %swap3A_1926 = arith.constant 2320 : index
    %swap3A_1927 = tpu.vector_load %arg8[%swap3A_1926] {strides = array<i32>} : memref<3072xi32, #tpu.memory_space<vmem>>, vector<16xi32>,
    tpu.vector_store %arg8[%swap3A_1926], %sub3A_1925 {strides = array<i32>} : memref<3072xi32, #tpu.memory_space<vmem>>, vector<16xi32>,
    %add3A_1928 = arith.addi %get3A_1920, %sub3A_112 : vector<16xi32>
    %swap3A_1929 = arith.constant 2320 : index
    %swap3A_1930 = tpu.vector_load %arg9[%swap3A_1929] {strides = array<i32>} : memref<3072xi32, #tpu.memory_space<vmem>>, vector<16xi32>,
    tpu.vector_store %arg9[%swap3A_1929], %add3A_1928 {strides = array<i32>} : memref<3072xi32, #tpu.memory_space<vmem>>, vector<16xi32>,
    %get3A_1931 = arith.constant 2368 : index
    %get3A_1932 = tpu.vector_load %arg7[%get3A_1931] {strides = array<i32>} : memref<3120xi32, #tpu.memory_space<vmem>>, vector<16xi32>,
    %broadcast_in_dim3A_1933 = arith.constant 2369 : i32
    %broadcast_in_dim3A_1934 = vector.broadcast %broadcast_in_dim3A_1933 : i32 to vector<16xi32>
    %add3A_1935 = arith.addi %broadcast_in_dim3A_1934, %iota3A : vector<16xi32>
    %gather3A_1936 = tpu.vector_load_idx %arg7[%add3A_1935] : memref<3120xi32, #tpu.memory_space<vmem>>[vector<16xi32>], vector<16xi32>,
    %sub3A_1937 = arith.subi %gather3A_1936, %get3A_1932 : vector<16xi32>
    %swap3A_1938 = arith.constant 2336 : index
    %swap3A_1939 = tpu.vector_load %arg8[%swap3A_1938] {strides = array<i32>} : memref<3072xi32, #tpu.memory_space<vmem>>, vector<16xi32>,
    tpu.vector_store %arg8[%swap3A_1938], %sub3A_1937 {strides = array<i32>} : memref<3072xi32, #tpu.memory_space<vmem>>, vector<16xi32>,
    %add3A_1940 = arith.addi %get3A_1932, %sub3A_112 : vector<16xi32>
    %swap3A_1941 = arith.constant 2336 : index
    %swap3A_1942 = tpu.vector_load %arg9[%swap3A_1941] {strides = array<i32>} : memref<3072xi32, #tpu.memory_space<vmem>>, vector<16xi32>,
    tpu.vector_store %arg9[%swap3A_1941], %add3A_1940 {strides = array<i32>} : memref<3072xi32, #tpu.memory_space<vmem>>, vector<16xi32>,
    %get3A_1943 = arith.constant 2384 : index
    %get3A_1944 = tpu.vector_load %arg7[%get3A_1943] {strides = array<i32>} : memref<3120xi32, #tpu.memory_space<vmem>>, vector<16xi32>,
    %broadcast_in_dim3A_1945 = arith.constant 2385 : i32
    %broadcast_in_dim3A_1946 = vector.broadcast %broadcast_in_dim3A_1945 : i32 to vector<16xi32>
    %add3A_1947 = arith.addi %broadcast_in_dim3A_1946, %iota3A : vector<16xi32>
    %gather3A_1948 = tpu.vector_load_idx %arg7[%add3A_1947] : memref<3120xi32, #tpu.memory_space<vmem>>[vector<16xi32>], vector<16xi32>,
    %sub3A_1949 = arith.subi %gather3A_1948, %get3A_1944 : vector<16xi32>
    %swap3A_1950 = arith.constant 2352 : index
    %swap3A_1951 = tpu.vector_load %arg8[%swap3A_1950] {strides = array<i32>} : memref<3072xi32, #tpu.memory_space<vmem>>, vector<16xi32>,
    tpu.vector_store %arg8[%swap3A_1950], %sub3A_1949 {strides = array<i32>} : memref<3072xi32, #tpu.memory_space<vmem>>, vector<16xi32>,
    %add3A_1952 = arith.addi %get3A_1944, %sub3A_112 : vector<16xi32>
    %swap3A_1953 = arith.constant 2352 : index
    %swap3A_1954 = tpu.vector_load %arg9[%swap3A_1953] {strides = array<i32>} : memref<3072xi32, #tpu.memory_space<vmem>>, vector<16xi32>,
    tpu.vector_store %arg9[%swap3A_1953], %add3A_1952 {strides = array<i32>} : memref<3072xi32, #tpu.memory_space<vmem>>, vector<16xi32>,
    %get3A_1955 = arith.constant 2400 : index
    %get3A_1956 = tpu.vector_load %arg7[%get3A_1955] {strides = array<i32>} : memref<3120xi32, #tpu.memory_space<vmem>>, vector<16xi32>,
    %broadcast_in_dim3A_1957 = arith.constant 2401 : i32
    %broadcast_in_dim3A_1958 = vector.broadcast %broadcast_in_dim3A_1957 : i32 to vector<16xi32>
    %add3A_1959 = arith.addi %broadcast_in_dim3A_1958, %iota3A : vector<16xi32>
    %gather3A_1960 = tpu.vector_load_idx %arg7[%add3A_1959] : memref<3120xi32, #tpu.memory_space<vmem>>[vector<16xi32>], vector<16xi32>,
    %sub3A_1961 = arith.subi %gather3A_1960, %get3A_1956 : vector<16xi32>
    %swap3A_1962 = arith.constant 2368 : index
    %swap3A_1963 = tpu.vector_load %arg8[%swap3A_1962] {strides = array<i32>} : memref<3072xi32, #tpu.memory_space<vmem>>, vector<16xi32>,
    tpu.vector_store %arg8[%swap3A_1962], %sub3A_1961 {strides = array<i32>} : memref<3072xi32, #tpu.memory_space<vmem>>, vector<16xi32>,
    %add3A_1964 = arith.addi %get3A_1956, %sub3A_112 : vector<16xi32>
    %swap3A_1965 = arith.constant 2368 : index
    %swap3A_1966 = tpu.vector_load %arg9[%swap3A_1965] {strides = array<i32>} : memref<3072xi32, #tpu.memory_space<vmem>>, vector<16xi32>,
    tpu.vector_store %arg9[%swap3A_1965], %add3A_1964 {strides = array<i32>} : memref<3072xi32, #tpu.memory_space<vmem>>, vector<16xi32>,
    %get3A_1967 = arith.constant 2416 : index
    %get3A_1968 = tpu.vector_load %arg7[%get3A_1967] {strides = array<i32>} : memref<3120xi32, #tpu.memory_space<vmem>>, vector<16xi32>,
    %broadcast_in_dim3A_1969 = arith.constant 2417 : i32
    %broadcast_in_dim3A_1970 = vector.broadcast %broadcast_in_dim3A_1969 : i32 to vector<16xi32>
    %add3A_1971 = arith.addi %broadcast_in_dim3A_1970, %iota3A : vector<16xi32>
    %gather3A_1972 = tpu.vector_load_idx %arg7[%add3A_1971] : memref<3120xi32, #tpu.memory_space<vmem>>[vector<16xi32>], vector<16xi32>,
    %sub3A_1973 = arith.subi %gather3A_1972, %get3A_1968 : vector<16xi32>
    %swap3A_1974 = arith.constant 2384 : index
    %swap3A_1975 = tpu.vector_load %arg8[%swap3A_1974] {strides = array<i32>} : memref<3072xi32, #tpu.memory_space<vmem>>, vector<16xi32>,
    tpu.vector_store %arg8[%swap3A_1974], %sub3A_1973 {strides = array<i32>} : memref<3072xi32, #tpu.memory_space<vmem>>, vector<16xi32>,
    %add3A_1976 = arith.addi %get3A_1968, %sub3A_112 : vector<16xi32>
    %swap3A_1977 = arith.constant 2384 : index
    %swap3A_1978 = tpu.vector_load %arg9[%swap3A_1977] {strides = array<i32>} : memref<3072xi32, #tpu.memory_space<vmem>>, vector<16xi32>,
    tpu.vector_store %arg9[%swap3A_1977], %add3A_1976 {strides = array<i32>} : memref<3072xi32, #tpu.memory_space<vmem>>, vector<16xi32>,
    %get3A_1979 = arith.constant 2432 : index
    %get3A_1980 = tpu.vector_load %arg7[%get3A_1979] {strides = array<i32>} : memref<3120xi32, #tpu.memory_space<vmem>>, vector<16xi32>,
    %broadcast_in_dim3A_1981 = arith.constant 2433 : i32
    %broadcast_in_dim3A_1982 = vector.broadcast %broadcast_in_dim3A_1981 : i32 to vector<16xi32>
    %add3A_1983 = arith.addi %broadcast_in_dim3A_1982, %iota3A : vector<16xi32>
    %gather3A_1984 = tpu.vector_load_idx %arg7[%add3A_1983] : memref<3120xi32, #tpu.memory_space<vmem>>[vector<16xi32>], vector<16xi32>,
    %sub3A_1985 = arith.subi %gather3A_1984, %get3A_1980 : vector<16xi32>
    %swap3A_1986 = arith.constant 2400 : index
    %swap3A_1987 = tpu.vector_load %arg8[%swap3A_1986] {strides = array<i32>} : memref<3072xi32, #tpu.memory_space<vmem>>, vector<16xi32>,
    tpu.vector_store %arg8[%swap3A_1986], %sub3A_1985 {strides = array<i32>} : memref<3072xi32, #tpu.memory_space<vmem>>, vector<16xi32>,
    %add3A_1988 = arith.addi %get3A_1980, %sub3A_112 : vector<16xi32>
    %swap3A_1989 = arith.constant 2400 : index
    %swap3A_1990 = tpu.vector_load %arg9[%swap3A_1989] {strides = array<i32>} : memref<3072xi32, #tpu.memory_space<vmem>>, vector<16xi32>,
    tpu.vector_store %arg9[%swap3A_1989], %add3A_1988 {strides = array<i32>} : memref<3072xi32, #tpu.memory_space<vmem>>, vector<16xi32>,
    %get3A_1991 = arith.constant 2448 : index
    %get3A_1992 = tpu.vector_load %arg7[%get3A_1991] {strides = array<i32>} : memref<3120xi32, #tpu.memory_space<vmem>>, vector<16xi32>,
    %broadcast_in_dim3A_1993 = arith.constant 2449 : i32
    %broadcast_in_dim3A_1994 = vector.broadcast %broadcast_in_dim3A_1993 : i32 to vector<16xi32>
    %add3A_1995 = arith.addi %broadcast_in_dim3A_1994, %iota3A : vector<16xi32>
    %gather3A_1996 = tpu.vector_load_idx %arg7[%add3A_1995] : memref<3120xi32, #tpu.memory_space<vmem>>[vector<16xi32>], vector<16xi32>,
    %sub3A_1997 = arith.subi %gather3A_1996, %get3A_1992 : vector<16xi32>
    %swap3A_1998 = arith.constant 2416 : index
    %swap3A_1999 = tpu.vector_load %arg8[%swap3A_1998] {strides = array<i32>} : memref<3072xi32, #tpu.memory_space<vmem>>, vector<16xi32>,
    tpu.vector_store %arg8[%swap3A_1998], %sub3A_1997 {strides = array<i32>} : memref<3072xi32, #tpu.memory_space<vmem>>, vector<16xi32>,
    %add3A_2000 = arith.addi %get3A_1992, %sub3A_112 : vector<16xi32>
    %swap3A_2001 = arith.constant 2416 : index
    %swap3A_2002 = tpu.vector_load %arg9[%swap3A_2001] {strides = array<i32>} : memref<3072xi32, #tpu.memory_space<vmem>>, vector<16xi32>,
    tpu.vector_store %arg9[%swap3A_2001], %add3A_2000 {strides = array<i32>} : memref<3072xi32, #tpu.memory_space<vmem>>, vector<16xi32>,
    %get3A_2003 = arith.constant 2464 : index
    %get3A_2004 = tpu.vector_load %arg7[%get3A_2003] {strides = array<i32>} : memref<3120xi32, #tpu.memory_space<vmem>>, vector<16xi32>,
    %broadcast_in_dim3A_2005 = arith.constant 2465 : i32
    %broadcast_in_dim3A_2006 = vector.broadcast %broadcast_in_dim3A_2005 : i32 to vector<16xi32>
    %add3A_2007 = arith.addi %broadcast_in_dim3A_2006, %iota3A : vector<16xi32>
    %gather3A_2008 = tpu.vector_load_idx %arg7[%add3A_2007] : memref<3120xi32, #tpu.memory_space<vmem>>[vector<16xi32>], vector<16xi32>,
    %sub3A_2009 = arith.subi %gather3A_2008, %get3A_2004 : vector<16xi32>
    %swap3A_2010 = arith.constant 2432 : index
    %swap3A_2011 = tpu.vector_load %arg8[%swap3A_2010] {strides = array<i32>} : memref<3072xi32, #tpu.memory_space<vmem>>, vector<16xi32>,
    tpu.vector_store %arg8[%swap3A_2010], %sub3A_2009 {strides = array<i32>} : memref<3072xi32, #tpu.memory_space<vmem>>, vector<16xi32>,
    %add3A_2012 = arith.addi %get3A_2004, %sub3A_112 : vector<16xi32>
    %swap3A_2013 = arith.constant 2432 : index
    %swap3A_2014 = tpu.vector_load %arg9[%swap3A_2013] {strides = array<i32>} : memref<3072xi32, #tpu.memory_space<vmem>>, vector<16xi32>,
    tpu.vector_store %arg9[%swap3A_2013], %add3A_2012 {strides = array<i32>} : memref<3072xi32, #tpu.memory_space<vmem>>, vector<16xi32>,
    %get3A_2015 = arith.constant 2480 : index
    %get3A_2016 = tpu.vector_load %arg7[%get3A_2015] {strides = array<i32>} : memref<3120xi32, #tpu.memory_space<vmem>>, vector<16xi32>,
    %broadcast_in_dim3A_2017 = arith.constant 2481 : i32
    %broadcast_in_dim3A_2018 = vector.broadcast %broadcast_in_dim3A_2017 : i32 to vector<16xi32>
    %add3A_2019 = arith.addi %broadcast_in_dim3A_2018, %iota3A : vector<16xi32>
    %gather3A_2020 = tpu.vector_load_idx %arg7[%add3A_2019] : memref<3120xi32, #tpu.memory_space<vmem>>[vector<16xi32>], vector<16xi32>,
    %sub3A_2021 = arith.subi %gather3A_2020, %get3A_2016 : vector<16xi32>
    %swap3A_2022 = arith.constant 2448 : index
    %swap3A_2023 = tpu.vector_load %arg8[%swap3A_2022] {strides = array<i32>} : memref<3072xi32, #tpu.memory_space<vmem>>, vector<16xi32>,
    tpu.vector_store %arg8[%swap3A_2022], %sub3A_2021 {strides = array<i32>} : memref<3072xi32, #tpu.memory_space<vmem>>, vector<16xi32>,
    %add3A_2024 = arith.addi %get3A_2016, %sub3A_112 : vector<16xi32>
    %swap3A_2025 = arith.constant 2448 : index
    %swap3A_2026 = tpu.vector_load %arg9[%swap3A_2025] {strides = array<i32>} : memref<3072xi32, #tpu.memory_space<vmem>>, vector<16xi32>,
    tpu.vector_store %arg9[%swap3A_2025], %add3A_2024 {strides = array<i32>} : memref<3072xi32, #tpu.memory_space<vmem>>, vector<16xi32>,
    %get3A_2027 = arith.constant 2496 : index
    %get3A_2028 = tpu.vector_load %arg7[%get3A_2027] {strides = array<i32>} : memref<3120xi32, #tpu.memory_space<vmem>>, vector<16xi32>,
    %broadcast_in_dim3A_2029 = arith.constant 2497 : i32
    %broadcast_in_dim3A_2030 = vector.broadcast %broadcast_in_dim3A_2029 : i32 to vector<16xi32>
    %add3A_2031 = arith.addi %broadcast_in_dim3A_2030, %iota3A : vector<16xi32>
    %gather3A_2032 = tpu.vector_load_idx %arg7[%add3A_2031] : memref<3120xi32, #tpu.memory_space<vmem>>[vector<16xi32>], vector<16xi32>,
    %sub3A_2033 = arith.subi %gather3A_2032, %get3A_2028 : vector<16xi32>
    %swap3A_2034 = arith.constant 2464 : index
    %swap3A_2035 = tpu.vector_load %arg8[%swap3A_2034] {strides = array<i32>} : memref<3072xi32, #tpu.memory_space<vmem>>, vector<16xi32>,
    tpu.vector_store %arg8[%swap3A_2034], %sub3A_2033 {strides = array<i32>} : memref<3072xi32, #tpu.memory_space<vmem>>, vector<16xi32>,
    %add3A_2036 = arith.addi %get3A_2028, %sub3A_112 : vector<16xi32>
    %swap3A_2037 = arith.constant 2464 : index
    %swap3A_2038 = tpu.vector_load %arg9[%swap3A_2037] {strides = array<i32>} : memref<3072xi32, #tpu.memory_space<vmem>>, vector<16xi32>,
    tpu.vector_store %arg9[%swap3A_2037], %add3A_2036 {strides = array<i32>} : memref<3072xi32, #tpu.memory_space<vmem>>, vector<16xi32>,
    %get3A_2039 = arith.constant 2512 : index
    %get3A_2040 = tpu.vector_load %arg7[%get3A_2039] {strides = array<i32>} : memref<3120xi32, #tpu.memory_space<vmem>>, vector<16xi32>,
    %broadcast_in_dim3A_2041 = arith.constant 2513 : i32
    %broadcast_in_dim3A_2042 = vector.broadcast %broadcast_in_dim3A_2041 : i32 to vector<16xi32>
    %add3A_2043 = arith.addi %broadcast_in_dim3A_2042, %iota3A : vector<16xi32>
    %gather3A_2044 = tpu.vector_load_idx %arg7[%add3A_2043] : memref<3120xi32, #tpu.memory_space<vmem>>[vector<16xi32>], vector<16xi32>,
    %sub3A_2045 = arith.subi %gather3A_2044, %get3A_2040 : vector<16xi32>
    %swap3A_2046 = arith.constant 2480 : index
    %swap3A_2047 = tpu.vector_load %arg8[%swap3A_2046] {strides = array<i32>} : memref<3072xi32, #tpu.memory_space<vmem>>, vector<16xi32>,
    tpu.vector_store %arg8[%swap3A_2046], %sub3A_2045 {strides = array<i32>} : memref<3072xi32, #tpu.memory_space<vmem>>, vector<16xi32>,
    %add3A_2048 = arith.addi %get3A_2040, %sub3A_112 : vector<16xi32>
    %swap3A_2049 = arith.constant 2480 : index
    %swap3A_2050 = tpu.vector_load %arg9[%swap3A_2049] {strides = array<i32>} : memref<3072xi32, #tpu.memory_space<vmem>>, vector<16xi32>,
    tpu.vector_store %arg9[%swap3A_2049], %add3A_2048 {strides = array<i32>} : memref<3072xi32, #tpu.memory_space<vmem>>, vector<16xi32>,
    %get3A_2051 = arith.constant 2528 : index
    %get3A_2052 = tpu.vector_load %arg7[%get3A_2051] {strides = array<i32>} : memref<3120xi32, #tpu.memory_space<vmem>>, vector<16xi32>,
    %broadcast_in_dim3A_2053 = arith.constant 2529 : i32
    %broadcast_in_dim3A_2054 = vector.broadcast %broadcast_in_dim3A_2053 : i32 to vector<16xi32>
    %add3A_2055 = arith.addi %broadcast_in_dim3A_2054, %iota3A : vector<16xi32>
    %gather3A_2056 = tpu.vector_load_idx %arg7[%add3A_2055] : memref<3120xi32, #tpu.memory_space<vmem>>[vector<16xi32>], vector<16xi32>,
    %sub3A_2057 = arith.subi %gather3A_2056, %get3A_2052 : vector<16xi32>
    %swap3A_2058 = arith.constant 2496 : index
    %swap3A_2059 = tpu.vector_load %arg8[%swap3A_2058] {strides = array<i32>} : memref<3072xi32, #tpu.memory_space<vmem>>, vector<16xi32>,
    tpu.vector_store %arg8[%swap3A_2058], %sub3A_2057 {strides = array<i32>} : memref<3072xi32, #tpu.memory_space<vmem>>, vector<16xi32>,
    %add3A_2060 = arith.addi %get3A_2052, %sub3A_112 : vector<16xi32>
    %swap3A_2061 = arith.constant 2496 : index
    %swap3A_2062 = tpu.vector_load %arg9[%swap3A_2061] {strides = array<i32>} : memref<3072xi32, #tpu.memory_space<vmem>>, vector<16xi32>,
    tpu.vector_store %arg9[%swap3A_2061], %add3A_2060 {strides = array<i32>} : memref<3072xi32, #tpu.memory_space<vmem>>, vector<16xi32>,
    %get3A_2063 = arith.constant 2544 : index
    %get3A_2064 = tpu.vector_load %arg7[%get3A_2063] {strides = array<i32>} : memref<3120xi32, #tpu.memory_space<vmem>>, vector<16xi32>,
    %broadcast_in_dim3A_2065 = arith.constant 2545 : i32
    %broadcast_in_dim3A_2066 = vector.broadcast %broadcast_in_dim3A_2065 : i32 to vector<16xi32>
    %add3A_2067 = arith.addi %broadcast_in_dim3A_2066, %iota3A : vector<16xi32>
    %gather3A_2068 = tpu.vector_load_idx %arg7[%add3A_2067] : memref<3120xi32, #tpu.memory_space<vmem>>[vector<16xi32>], vector<16xi32>,
    %sub3A_2069 = arith.subi %gather3A_2068, %get3A_2064 : vector<16xi32>
    %swap3A_2070 = arith.constant 2512 : index
    %swap3A_2071 = tpu.vector_load %arg8[%swap3A_2070] {strides = array<i32>} : memref<3072xi32, #tpu.memory_space<vmem>>, vector<16xi32>,
    tpu.vector_store %arg8[%swap3A_2070], %sub3A_2069 {strides = array<i32>} : memref<3072xi32, #tpu.memory_space<vmem>>, vector<16xi32>,
    %add3A_2072 = arith.addi %get3A_2064, %sub3A_112 : vector<16xi32>
    %swap3A_2073 = arith.constant 2512 : index
    %swap3A_2074 = tpu.vector_load %arg9[%swap3A_2073] {strides = array<i32>} : memref<3072xi32, #tpu.memory_space<vmem>>, vector<16xi32>,
    tpu.vector_store %arg9[%swap3A_2073], %add3A_2072 {strides = array<i32>} : memref<3072xi32, #tpu.memory_space<vmem>>, vector<16xi32>,
    %get3A_2075 = arith.constant 2560 : index
    %get3A_2076 = tpu.vector_load %arg7[%get3A_2075] {strides = array<i32>} : memref<3120xi32, #tpu.memory_space<vmem>>, vector<16xi32>,
    %broadcast_in_dim3A_2077 = arith.constant 2561 : i32
    %broadcast_in_dim3A_2078 = vector.broadcast %broadcast_in_dim3A_2077 : i32 to vector<16xi32>
    %add3A_2079 = arith.addi %broadcast_in_dim3A_2078, %iota3A : vector<16xi32>
    %gather3A_2080 = tpu.vector_load_idx %arg7[%add3A_2079] : memref<3120xi32, #tpu.memory_space<vmem>>[vector<16xi32>], vector<16xi32>,
    %sub3A_2081 = arith.subi %gather3A_2080, %get3A_2076 : vector<16xi32>
    %swap3A_2082 = arith.constant 2528 : index
    %swap3A_2083 = tpu.vector_load %arg8[%swap3A_2082] {strides = array<i32>} : memref<3072xi32, #tpu.memory_space<vmem>>, vector<16xi32>,
    tpu.vector_store %arg8[%swap3A_2082], %sub3A_2081 {strides = array<i32>} : memref<3072xi32, #tpu.memory_space<vmem>>, vector<16xi32>,
    %add3A_2084 = arith.addi %get3A_2076, %sub3A_112 : vector<16xi32>
    %swap3A_2085 = arith.constant 2528 : index
    %swap3A_2086 = tpu.vector_load %arg9[%swap3A_2085] {strides = array<i32>} : memref<3072xi32, #tpu.memory_space<vmem>>, vector<16xi32>,
    tpu.vector_store %arg9[%swap3A_2085], %add3A_2084 {strides = array<i32>} : memref<3072xi32, #tpu.memory_space<vmem>>, vector<16xi32>,
    %get3A_2087 = arith.constant 2576 : index
    %get3A_2088 = tpu.vector_load %arg7[%get3A_2087] {strides = array<i32>} : memref<3120xi32, #tpu.memory_space<vmem>>, vector<16xi32>,
    %broadcast_in_dim3A_2089 = arith.constant 2577 : i32
    %broadcast_in_dim3A_2090 = vector.broadcast %broadcast_in_dim3A_2089 : i32 to vector<16xi32>
    %add3A_2091 = arith.addi %broadcast_in_dim3A_2090, %iota3A : vector<16xi32>
    %gather3A_2092 = tpu.vector_load_idx %arg7[%add3A_2091] : memref<3120xi32, #tpu.memory_space<vmem>>[vector<16xi32>], vector<16xi32>,
    %sub3A_2093 = arith.subi %gather3A_2092, %get3A_2088 : vector<16xi32>
    %swap3A_2094 = arith.constant 2544 : index
    %swap3A_2095 = tpu.vector_load %arg8[%swap3A_2094] {strides = array<i32>} : memref<3072xi32, #tpu.memory_space<vmem>>, vector<16xi32>,
    tpu.vector_store %arg8[%swap3A_2094], %sub3A_2093 {strides = array<i32>} : memref<3072xi32, #tpu.memory_space<vmem>>, vector<16xi32>,
    %add3A_2096 = arith.addi %get3A_2088, %sub3A_112 : vector<16xi32>
    %swap3A_2097 = arith.constant 2544 : index
    %swap3A_2098 = tpu.vector_load %arg9[%swap3A_2097] {strides = array<i32>} : memref<3072xi32, #tpu.memory_space<vmem>>, vector<16xi32>,
    tpu.vector_store %arg9[%swap3A_2097], %add3A_2096 {strides = array<i32>} : memref<3072xi32, #tpu.memory_space<vmem>>, vector<16xi32>,
    %get3A_2099 = arith.constant 2592 : index
    %get3A_2100 = tpu.vector_load %arg7[%get3A_2099] {strides = array<i32>} : memref<3120xi32, #tpu.memory_space<vmem>>, vector<16xi32>,
    %broadcast_in_dim3A_2101 = arith.constant 2593 : i32
    %broadcast_in_dim3A_2102 = vector.broadcast %broadcast_in_dim3A_2101 : i32 to vector<16xi32>
    %add3A_2103 = arith.addi %broadcast_in_dim3A_2102, %iota3A : vector<16xi32>
    %gather3A_2104 = tpu.vector_load_idx %arg7[%add3A_2103] : memref<3120xi32, #tpu.memory_space<vmem>>[vector<16xi32>], vector<16xi32>,
    %sub3A_2105 = arith.subi %gather3A_2104, %get3A_2100 : vector<16xi32>
    %swap3A_2106 = arith.constant 2560 : index
    %swap3A_2107 = tpu.vector_load %arg8[%swap3A_2106] {strides = array<i32>} : memref<3072xi32, #tpu.memory_space<vmem>>, vector<16xi32>,
    tpu.vector_store %arg8[%swap3A_2106], %sub3A_2105 {strides = array<i32>} : memref<3072xi32, #tpu.memory_space<vmem>>, vector<16xi32>,
    %add3A_2108 = arith.addi %get3A_2100, %sub3A_112 : vector<16xi32>
    %swap3A_2109 = arith.constant 2560 : index
    %swap3A_2110 = tpu.vector_load %arg9[%swap3A_2109] {strides = array<i32>} : memref<3072xi32, #tpu.memory_space<vmem>>, vector<16xi32>,
    tpu.vector_store %arg9[%swap3A_2109], %add3A_2108 {strides = array<i32>} : memref<3072xi32, #tpu.memory_space<vmem>>, vector<16xi32>,
    %get3A_2111 = arith.constant 2608 : index
    %get3A_2112 = tpu.vector_load %arg7[%get3A_2111] {strides = array<i32>} : memref<3120xi32, #tpu.memory_space<vmem>>, vector<16xi32>,
    %broadcast_in_dim3A_2113 = arith.constant 2609 : i32
    %broadcast_in_dim3A_2114 = vector.broadcast %broadcast_in_dim3A_2113 : i32 to vector<16xi32>
    %add3A_2115 = arith.addi %broadcast_in_dim3A_2114, %iota3A : vector<16xi32>
    %gather3A_2116 = tpu.vector_load_idx %arg7[%add3A_2115] : memref<3120xi32, #tpu.memory_space<vmem>>[vector<16xi32>], vector<16xi32>,
    %sub3A_2117 = arith.subi %gather3A_2116, %get3A_2112 : vector<16xi32>
    %swap3A_2118 = arith.constant 2576 : index
    %swap3A_2119 = tpu.vector_load %arg8[%swap3A_2118] {strides = array<i32>} : memref<3072xi32, #tpu.memory_space<vmem>>, vector<16xi32>,
    tpu.vector_store %arg8[%swap3A_2118], %sub3A_2117 {strides = array<i32>} : memref<3072xi32, #tpu.memory_space<vmem>>, vector<16xi32>,
    %add3A_2120 = arith.addi %get3A_2112, %sub3A_112 : vector<16xi32>
    %swap3A_2121 = arith.constant 2576 : index
    %swap3A_2122 = tpu.vector_load %arg9[%swap3A_2121] {strides = array<i32>} : memref<3072xi32, #tpu.memory_space<vmem>>, vector<16xi32>,
    tpu.vector_store %arg9[%swap3A_2121], %add3A_2120 {strides = array<i32>} : memref<3072xi32, #tpu.memory_space<vmem>>, vector<16xi32>,
    %get3A_2123 = arith.constant 2624 : index
    %get3A_2124 = tpu.vector_load %arg7[%get3A_2123] {strides = array<i32>} : memref<3120xi32, #tpu.memory_space<vmem>>, vector<16xi32>,
    %broadcast_in_dim3A_2125 = arith.constant 2625 : i32
    %broadcast_in_dim3A_2126 = vector.broadcast %broadcast_in_dim3A_2125 : i32 to vector<16xi32>
    %add3A_2127 = arith.addi %broadcast_in_dim3A_2126, %iota3A : vector<16xi32>
    %gather3A_2128 = tpu.vector_load_idx %arg7[%add3A_2127] : memref<3120xi32, #tpu.memory_space<vmem>>[vector<16xi32>], vector<16xi32>,
    %sub3A_2129 = arith.subi %gather3A_2128, %get3A_2124 : vector<16xi32>
    %swap3A_2130 = arith.constant 2592 : index
    %swap3A_2131 = tpu.vector_load %arg8[%swap3A_2130] {strides = array<i32>} : memref<3072xi32, #tpu.memory_space<vmem>>, vector<16xi32>,
    tpu.vector_store %arg8[%swap3A_2130], %sub3A_2129 {strides = array<i32>} : memref<3072xi32, #tpu.memory_space<vmem>>, vector<16xi32>,
    %add3A_2132 = arith.addi %get3A_2124, %sub3A_112 : vector<16xi32>
    %swap3A_2133 = arith.constant 2592 : index
    %swap3A_2134 = tpu.vector_load %arg9[%swap3A_2133] {strides = array<i32>} : memref<3072xi32, #tpu.memory_space<vmem>>, vector<16xi32>,
    tpu.vector_store %arg9[%swap3A_2133], %add3A_2132 {strides = array<i32>} : memref<3072xi32, #tpu.memory_space<vmem>>, vector<16xi32>,
    %get3A_2135 = arith.constant 2640 : index
    %get3A_2136 = tpu.vector_load %arg7[%get3A_2135] {strides = array<i32>} : memref<3120xi32, #tpu.memory_space<vmem>>, vector<16xi32>,
    %broadcast_in_dim3A_2137 = arith.constant 2641 : i32
    %broadcast_in_dim3A_2138 = vector.broadcast %broadcast_in_dim3A_2137 : i32 to vector<16xi32>
    %add3A_2139 = arith.addi %broadcast_in_dim3A_2138, %iota3A : vector<16xi32>
    %gather3A_2140 = tpu.vector_load_idx %arg7[%add3A_2139] : memref<3120xi32, #tpu.memory_space<vmem>>[vector<16xi32>], vector<16xi32>,
    %sub3A_2141 = arith.subi %gather3A_2140, %get3A_2136 : vector<16xi32>
    %swap3A_2142 = arith.constant 2608 : index
    %swap3A_2143 = tpu.vector_load %arg8[%swap3A_2142] {strides = array<i32>} : memref<3072xi32, #tpu.memory_space<vmem>>, vector<16xi32>,
    tpu.vector_store %arg8[%swap3A_2142], %sub3A_2141 {strides = array<i32>} : memref<3072xi32, #tpu.memory_space<vmem>>, vector<16xi32>,
    %add3A_2144 = arith.addi %get3A_2136, %sub3A_112 : vector<16xi32>
    %swap3A_2145 = arith.constant 2608 : index
    %swap3A_2146 = tpu.vector_load %arg9[%swap3A_2145] {strides = array<i32>} : memref<3072xi32, #tpu.memory_space<vmem>>, vector<16xi32>,
    tpu.vector_store %arg9[%swap3A_2145], %add3A_2144 {strides = array<i32>} : memref<3072xi32, #tpu.memory_space<vmem>>, vector<16xi32>,
    %get3A_2147 = arith.constant 2656 : index
    %get3A_2148 = tpu.vector_load %arg7[%get3A_2147] {strides = array<i32>} : memref<3120xi32, #tpu.memory_space<vmem>>, vector<16xi32>,
    %broadcast_in_dim3A_2149 = arith.constant 2657 : i32
    %broadcast_in_dim3A_2150 = vector.broadcast %broadcast_in_dim3A_2149 : i32 to vector<16xi32>
    %add3A_2151 = arith.addi %broadcast_in_dim3A_2150, %iota3A : vector<16xi32>
    %gather3A_2152 = tpu.vector_load_idx %arg7[%add3A_2151] : memref<3120xi32, #tpu.memory_space<vmem>>[vector<16xi32>], vector<16xi32>,
    %sub3A_2153 = arith.subi %gather3A_2152, %get3A_2148 : vector<16xi32>
    %swap3A_2154 = arith.constant 2624 : index
    %swap3A_2155 = tpu.vector_load %arg8[%swap3A_2154] {strides = array<i32>} : memref<3072xi32, #tpu.memory_space<vmem>>, vector<16xi32>,
    tpu.vector_store %arg8[%swap3A_2154], %sub3A_2153 {strides = array<i32>} : memref<3072xi32, #tpu.memory_space<vmem>>, vector<16xi32>,
    %add3A_2156 = arith.addi %get3A_2148, %sub3A_112 : vector<16xi32>
    %swap3A_2157 = arith.constant 2624 : index
    %swap3A_2158 = tpu.vector_load %arg9[%swap3A_2157] {strides = array<i32>} : memref<3072xi32, #tpu.memory_space<vmem>>, vector<16xi32>,
    tpu.vector_store %arg9[%swap3A_2157], %add3A_2156 {strides = array<i32>} : memref<3072xi32, #tpu.memory_space<vmem>>, vector<16xi32>,
    %get3A_2159 = arith.constant 2672 : index
    %get3A_2160 = tpu.vector_load %arg7[%get3A_2159] {strides = array<i32>} : memref<3120xi32, #tpu.memory_space<vmem>>, vector<16xi32>,
    %broadcast_in_dim3A_2161 = arith.constant 2673 : i32
    %broadcast_in_dim3A_2162 = vector.broadcast %broadcast_in_dim3A_2161 : i32 to vector<16xi32>
    %add3A_2163 = arith.addi %broadcast_in_dim3A_2162, %iota3A : vector<16xi32>
    %gather3A_2164 = tpu.vector_load_idx %arg7[%add3A_2163] : memref<3120xi32, #tpu.memory_space<vmem>>[vector<16xi32>], vector<16xi32>,
    %sub3A_2165 = arith.subi %gather3A_2164, %get3A_2160 : vector<16xi32>
    %swap3A_2166 = arith.constant 2640 : index
    %swap3A_2167 = tpu.vector_load %arg8[%swap3A_2166] {strides = array<i32>} : memref<3072xi32, #tpu.memory_space<vmem>>, vector<16xi32>,
    tpu.vector_store %arg8[%swap3A_2166], %sub3A_2165 {strides = array<i32>} : memref<3072xi32, #tpu.memory_space<vmem>>, vector<16xi32>,
    %add3A_2168 = arith.addi %get3A_2160, %sub3A_112 : vector<16xi32>
    %swap3A_2169 = arith.constant 2640 : index
    %swap3A_2170 = tpu.vector_load %arg9[%swap3A_2169] {strides = array<i32>} : memref<3072xi32, #tpu.memory_space<vmem>>, vector<16xi32>,
    tpu.vector_store %arg9[%swap3A_2169], %add3A_2168 {strides = array<i32>} : memref<3072xi32, #tpu.memory_space<vmem>>, vector<16xi32>,
    %get3A_2171 = arith.constant 2688 : index
    %get3A_2172 = tpu.vector_load %arg7[%get3A_2171] {strides = array<i32>} : memref<3120xi32, #tpu.memory_space<vmem>>, vector<16xi32>,
    %broadcast_in_dim3A_2173 = arith.constant 2689 : i32
    %broadcast_in_dim3A_2174 = vector.broadcast %broadcast_in_dim3A_2173 : i32 to vector<16xi32>
    %add3A_2175 = arith.addi %broadcast_in_dim3A_2174, %iota3A : vector<16xi32>
    %gather3A_2176 = tpu.vector_load_idx %arg7[%add3A_2175] : memref<3120xi32, #tpu.memory_space<vmem>>[vector<16xi32>], vector<16xi32>,
    %sub3A_2177 = arith.subi %gather3A_2176, %get3A_2172 : vector<16xi32>
    %swap3A_2178 = arith.constant 2656 : index
    %swap3A_2179 = tpu.vector_load %arg8[%swap3A_2178] {strides = array<i32>} : memref<3072xi32, #tpu.memory_space<vmem>>, vector<16xi32>,
    tpu.vector_store %arg8[%swap3A_2178], %sub3A_2177 {strides = array<i32>} : memref<3072xi32, #tpu.memory_space<vmem>>, vector<16xi32>,
    %add3A_2180 = arith.addi %get3A_2172, %sub3A_112 : vector<16xi32>
    %swap3A_2181 = arith.constant 2656 : index
    %swap3A_2182 = tpu.vector_load %arg9[%swap3A_2181] {strides = array<i32>} : memref<3072xi32, #tpu.memory_space<vmem>>, vector<16xi32>,
    tpu.vector_store %arg9[%swap3A_2181], %add3A_2180 {strides = array<i32>} : memref<3072xi32, #tpu.memory_space<vmem>>, vector<16xi32>,
    %get3A_2183 = arith.constant 2704 : index
    %get3A_2184 = tpu.vector_load %arg7[%get3A_2183] {strides = array<i32>} : memref<3120xi32, #tpu.memory_space<vmem>>, vector<16xi32>,
    %broadcast_in_dim3A_2185 = arith.constant 2705 : i32
    %broadcast_in_dim3A_2186 = vector.broadcast %broadcast_in_dim3A_2185 : i32 to vector<16xi32>
    %add3A_2187 = arith.addi %broadcast_in_dim3A_2186, %iota3A : vector<16xi32>
    %gather3A_2188 = tpu.vector_load_idx %arg7[%add3A_2187] : memref<3120xi32, #tpu.memory_space<vmem>>[vector<16xi32>], vector<16xi32>,
    %sub3A_2189 = arith.subi %gather3A_2188, %get3A_2184 : vector<16xi32>
    %swap3A_2190 = arith.constant 2672 : index
    %swap3A_2191 = tpu.vector_load %arg8[%swap3A_2190] {strides = array<i32>} : memref<3072xi32, #tpu.memory_space<vmem>>, vector<16xi32>,
    tpu.vector_store %arg8[%swap3A_2190], %sub3A_2189 {strides = array<i32>} : memref<3072xi32, #tpu.memory_space<vmem>>, vector<16xi32>,
    %add3A_2192 = arith.addi %get3A_2184, %sub3A_112 : vector<16xi32>
    %swap3A_2193 = arith.constant 2672 : index
    %swap3A_2194 = tpu.vector_load %arg9[%swap3A_2193] {strides = array<i32>} : memref<3072xi32, #tpu.memory_space<vmem>>, vector<16xi32>,
    tpu.vector_store %arg9[%swap3A_2193], %add3A_2192 {strides = array<i32>} : memref<3072xi32, #tpu.memory_space<vmem>>, vector<16xi32>,
    %get3A_2195 = arith.constant 2720 : index
    %get3A_2196 = tpu.vector_load %arg7[%get3A_2195] {strides = array<i32>} : memref<3120xi32, #tpu.memory_space<vmem>>, vector<16xi32>,
    %broadcast_in_dim3A_2197 = arith.constant 2721 : i32
    %broadcast_in_dim3A_2198 = vector.broadcast %broadcast_in_dim3A_2197 : i32 to vector<16xi32>
    %add3A_2199 = arith.addi %broadcast_in_dim3A_2198, %iota3A : vector<16xi32>
    %gather3A_2200 = tpu.vector_load_idx %arg7[%add3A_2199] : memref<3120xi32, #tpu.memory_space<vmem>>[vector<16xi32>], vector<16xi32>,
    %sub3A_2201 = arith.subi %gather3A_2200, %get3A_2196 : vector<16xi32>
    %swap3A_2202 = arith.constant 2688 : index
    %swap3A_2203 = tpu.vector_load %arg8[%swap3A_2202] {strides = array<i32>} : memref<3072xi32, #tpu.memory_space<vmem>>, vector<16xi32>,
    tpu.vector_store %arg8[%swap3A_2202], %sub3A_2201 {strides = array<i32>} : memref<3072xi32, #tpu.memory_space<vmem>>, vector<16xi32>,
    %add3A_2204 = arith.addi %get3A_2196, %sub3A_112 : vector<16xi32>
    %swap3A_2205 = arith.constant 2688 : index
    %swap3A_2206 = tpu.vector_load %arg9[%swap3A_2205] {strides = array<i32>} : memref<3072xi32, #tpu.memory_space<vmem>>, vector<16xi32>,
    tpu.vector_store %arg9[%swap3A_2205], %add3A_2204 {strides = array<i32>} : memref<3072xi32, #tpu.memory_space<vmem>>, vector<16xi32>,
    %get3A_2207 = arith.constant 2736 : index
    %get3A_2208 = tpu.vector_load %arg7[%get3A_2207] {strides = array<i32>} : memref<3120xi32, #tpu.memory_space<vmem>>, vector<16xi32>,
    %broadcast_in_dim3A_2209 = arith.constant 2737 : i32
    %broadcast_in_dim3A_2210 = vector.broadcast %broadcast_in_dim3A_2209 : i32 to vector<16xi32>
    %add3A_2211 = arith.addi %broadcast_in_dim3A_2210, %iota3A : vector<16xi32>
    %gather3A_2212 = tpu.vector_load_idx %arg7[%add3A_2211] : memref<3120xi32, #tpu.memory_space<vmem>>[vector<16xi32>], vector<16xi32>,
    %sub3A_2213 = arith.subi %gather3A_2212, %get3A_2208 : vector<16xi32>
    %swap3A_2214 = arith.constant 2704 : index
    %swap3A_2215 = tpu.vector_load %arg8[%swap3A_2214] {strides = array<i32>} : memref<3072xi32, #tpu.memory_space<vmem>>, vector<16xi32>,
    tpu.vector_store %arg8[%swap3A_2214], %sub3A_2213 {strides = array<i32>} : memref<3072xi32, #tpu.memory_space<vmem>>, vector<16xi32>,
    %add3A_2216 = arith.addi %get3A_2208, %sub3A_112 : vector<16xi32>
    %swap3A_2217 = arith.constant 2704 : index
    %swap3A_2218 = tpu.vector_load %arg9[%swap3A_2217] {strides = array<i32>} : memref<3072xi32, #tpu.memory_space<vmem>>, vector<16xi32>,
    tpu.vector_store %arg9[%swap3A_2217], %add3A_2216 {strides = array<i32>} : memref<3072xi32, #tpu.memory_space<vmem>>, vector<16xi32>,
    %get3A_2219 = arith.constant 2752 : index
    %get3A_2220 = tpu.vector_load %arg7[%get3A_2219] {strides = array<i32>} : memref<3120xi32, #tpu.memory_space<vmem>>, vector<16xi32>,
    %broadcast_in_dim3A_2221 = arith.constant 2753 : i32
    %broadcast_in_dim3A_2222 = vector.broadcast %broadcast_in_dim3A_2221 : i32 to vector<16xi32>
    %add3A_2223 = arith.addi %broadcast_in_dim3A_2222, %iota3A : vector<16xi32>
    %gather3A_2224 = tpu.vector_load_idx %arg7[%add3A_2223] : memref<3120xi32, #tpu.memory_space<vmem>>[vector<16xi32>], vector<16xi32>,
    %sub3A_2225 = arith.subi %gather3A_2224, %get3A_2220 : vector<16xi32>
    %swap3A_2226 = arith.constant 2720 : index
    %swap3A_2227 = tpu.vector_load %arg8[%swap3A_2226] {strides = array<i32>} : memref<3072xi32, #tpu.memory_space<vmem>>, vector<16xi32>,
    tpu.vector_store %arg8[%swap3A_2226], %sub3A_2225 {strides = array<i32>} : memref<3072xi32, #tpu.memory_space<vmem>>, vector<16xi32>,
    %add3A_2228 = arith.addi %get3A_2220, %sub3A_112 : vector<16xi32>
    %swap3A_2229 = arith.constant 2720 : index
    %swap3A_2230 = tpu.vector_load %arg9[%swap3A_2229] {strides = array<i32>} : memref<3072xi32, #tpu.memory_space<vmem>>, vector<16xi32>,
    tpu.vector_store %arg9[%swap3A_2229], %add3A_2228 {strides = array<i32>} : memref<3072xi32, #tpu.memory_space<vmem>>, vector<16xi32>,
    %get3A_2231 = arith.constant 2768 : index
    %get3A_2232 = tpu.vector_load %arg7[%get3A_2231] {strides = array<i32>} : memref<3120xi32, #tpu.memory_space<vmem>>, vector<16xi32>,
    %broadcast_in_dim3A_2233 = arith.constant 2769 : i32
    %broadcast_in_dim3A_2234 = vector.broadcast %broadcast_in_dim3A_2233 : i32 to vector<16xi32>
    %add3A_2235 = arith.addi %broadcast_in_dim3A_2234, %iota3A : vector<16xi32>
    %gather3A_2236 = tpu.vector_load_idx %arg7[%add3A_2235] : memref<3120xi32, #tpu.memory_space<vmem>>[vector<16xi32>], vector<16xi32>,
    %sub3A_2237 = arith.subi %gather3A_2236, %get3A_2232 : vector<16xi32>
    %swap3A_2238 = arith.constant 2736 : index
    %swap3A_2239 = tpu.vector_load %arg8[%swap3A_2238] {strides = array<i32>} : memref<3072xi32, #tpu.memory_space<vmem>>, vector<16xi32>,
    tpu.vector_store %arg8[%swap3A_2238], %sub3A_2237 {strides = array<i32>} : memref<3072xi32, #tpu.memory_space<vmem>>, vector<16xi32>,
    %add3A_2240 = arith.addi %get3A_2232, %sub3A_112 : vector<16xi32>
    %swap3A_2241 = arith.constant 2736 : index
    %swap3A_2242 = tpu.vector_load %arg9[%swap3A_2241] {strides = array<i32>} : memref<3072xi32, #tpu.memory_space<vmem>>, vector<16xi32>,
    tpu.vector_store %arg9[%swap3A_2241], %add3A_2240 {strides = array<i32>} : memref<3072xi32, #tpu.memory_space<vmem>>, vector<16xi32>,
    %get3A_2243 = arith.constant 2784 : index
    %get3A_2244 = tpu.vector_load %arg7[%get3A_2243] {strides = array<i32>} : memref<3120xi32, #tpu.memory_space<vmem>>, vector<16xi32>,
    %broadcast_in_dim3A_2245 = arith.constant 2785 : i32
    %broadcast_in_dim3A_2246 = vector.broadcast %broadcast_in_dim3A_2245 : i32 to vector<16xi32>
    %add3A_2247 = arith.addi %broadcast_in_dim3A_2246, %iota3A : vector<16xi32>
    %gather3A_2248 = tpu.vector_load_idx %arg7[%add3A_2247] : memref<3120xi32, #tpu.memory_space<vmem>>[vector<16xi32>], vector<16xi32>,
    %sub3A_2249 = arith.subi %gather3A_2248, %get3A_2244 : vector<16xi32>
    %swap3A_2250 = arith.constant 2752 : index
    %swap3A_2251 = tpu.vector_load %arg8[%swap3A_2250] {strides = array<i32>} : memref<3072xi32, #tpu.memory_space<vmem>>, vector<16xi32>,
    tpu.vector_store %arg8[%swap3A_2250], %sub3A_2249 {strides = array<i32>} : memref<3072xi32, #tpu.memory_space<vmem>>, vector<16xi32>,
    %add3A_2252 = arith.addi %get3A_2244, %sub3A_112 : vector<16xi32>
    %swap3A_2253 = arith.constant 2752 : index
    %swap3A_2254 = tpu.vector_load %arg9[%swap3A_2253] {strides = array<i32>} : memref<3072xi32, #tpu.memory_space<vmem>>, vector<16xi32>,
    tpu.vector_store %arg9[%swap3A_2253], %add3A_2252 {strides = array<i32>} : memref<3072xi32, #tpu.memory_space<vmem>>, vector<16xi32>,
    %get3A_2255 = arith.constant 2800 : index
    %get3A_2256 = tpu.vector_load %arg7[%get3A_2255] {strides = array<i32>} : memref<3120xi32, #tpu.memory_space<vmem>>, vector<16xi32>,
    %broadcast_in_dim3A_2257 = arith.constant 2801 : i32
    %broadcast_in_dim3A_2258 = vector.broadcast %broadcast_in_dim3A_2257 : i32 to vector<16xi32>
    %add3A_2259 = arith.addi %broadcast_in_dim3A_2258, %iota3A : vector<16xi32>
    %gather3A_2260 = tpu.vector_load_idx %arg7[%add3A_2259] : memref<3120xi32, #tpu.memory_space<vmem>>[vector<16xi32>], vector<16xi32>,
    %sub3A_2261 = arith.subi %gather3A_2260, %get3A_2256 : vector<16xi32>
    %swap3A_2262 = arith.constant 2768 : index
    %swap3A_2263 = tpu.vector_load %arg8[%swap3A_2262] {strides = array<i32>} : memref<3072xi32, #tpu.memory_space<vmem>>, vector<16xi32>,
    tpu.vector_store %arg8[%swap3A_2262], %sub3A_2261 {strides = array<i32>} : memref<3072xi32, #tpu.memory_space<vmem>>, vector<16xi32>,
    %add3A_2264 = arith.addi %get3A_2256, %sub3A_112 : vector<16xi32>
    %swap3A_2265 = arith.constant 2768 : index
    %swap3A_2266 = tpu.vector_load %arg9[%swap3A_2265] {strides = array<i32>} : memref<3072xi32, #tpu.memory_space<vmem>>, vector<16xi32>,
    tpu.vector_store %arg9[%swap3A_2265], %add3A_2264 {strides = array<i32>} : memref<3072xi32, #tpu.memory_space<vmem>>, vector<16xi32>,
    %get3A_2267 = arith.constant 2816 : index
    %get3A_2268 = tpu.vector_load %arg7[%get3A_2267] {strides = array<i32>} : memref<3120xi32, #tpu.memory_space<vmem>>, vector<16xi32>,
    %broadcast_in_dim3A_2269 = arith.constant 2817 : i32
    %broadcast_in_dim3A_2270 = vector.broadcast %broadcast_in_dim3A_2269 : i32 to vector<16xi32>
    %add3A_2271 = arith.addi %broadcast_in_dim3A_2270, %iota3A : vector<16xi32>
    %gather3A_2272 = tpu.vector_load_idx %arg7[%add3A_2271] : memref<3120xi32, #tpu.memory_space<vmem>>[vector<16xi32>], vector<16xi32>,
    %sub3A_2273 = arith.subi %gather3A_2272, %get3A_2268 : vector<16xi32>
    %swap3A_2274 = arith.constant 2784 : index
    %swap3A_2275 = tpu.vector_load %arg8[%swap3A_2274] {strides = array<i32>} : memref<3072xi32, #tpu.memory_space<vmem>>, vector<16xi32>,
    tpu.vector_store %arg8[%swap3A_2274], %sub3A_2273 {strides = array<i32>} : memref<3072xi32, #tpu.memory_space<vmem>>, vector<16xi32>,
    %add3A_2276 = arith.addi %get3A_2268, %sub3A_112 : vector<16xi32>
    %swap3A_2277 = arith.constant 2784 : index
    %swap3A_2278 = tpu.vector_load %arg9[%swap3A_2277] {strides = array<i32>} : memref<3072xi32, #tpu.memory_space<vmem>>, vector<16xi32>,
    tpu.vector_store %arg9[%swap3A_2277], %add3A_2276 {strides = array<i32>} : memref<3072xi32, #tpu.memory_space<vmem>>, vector<16xi32>,
    %get3A_2279 = arith.constant 2832 : index
    %get3A_2280 = tpu.vector_load %arg7[%get3A_2279] {strides = array<i32>} : memref<3120xi32, #tpu.memory_space<vmem>>, vector<16xi32>,
    %broadcast_in_dim3A_2281 = arith.constant 2833 : i32
    %broadcast_in_dim3A_2282 = vector.broadcast %broadcast_in_dim3A_2281 : i32 to vector<16xi32>
    %add3A_2283 = arith.addi %broadcast_in_dim3A_2282, %iota3A : vector<16xi32>
    %gather3A_2284 = tpu.vector_load_idx %arg7[%add3A_2283] : memref<3120xi32, #tpu.memory_space<vmem>>[vector<16xi32>], vector<16xi32>,
    %sub3A_2285 = arith.subi %gather3A_2284, %get3A_2280 : vector<16xi32>
    %swap3A_2286 = arith.constant 2800 : index
    %swap3A_2287 = tpu.vector_load %arg8[%swap3A_2286] {strides = array<i32>} : memref<3072xi32, #tpu.memory_space<vmem>>, vector<16xi32>,
    tpu.vector_store %arg8[%swap3A_2286], %sub3A_2285 {strides = array<i32>} : memref<3072xi32, #tpu.memory_space<vmem>>, vector<16xi32>,
    %add3A_2288 = arith.addi %get3A_2280, %sub3A_112 : vector<16xi32>
    %swap3A_2289 = arith.constant 2800 : index
    %swap3A_2290 = tpu.vector_load %arg9[%swap3A_2289] {strides = array<i32>} : memref<3072xi32, #tpu.memory_space<vmem>>, vector<16xi32>,
    tpu.vector_store %arg9[%swap3A_2289], %add3A_2288 {strides = array<i32>} : memref<3072xi32, #tpu.memory_space<vmem>>, vector<16xi32>,
    %get3A_2291 = arith.constant 2848 : index
    %get3A_2292 = tpu.vector_load %arg7[%get3A_2291] {strides = array<i32>} : memref<3120xi32, #tpu.memory_space<vmem>>, vector<16xi32>,
    %broadcast_in_dim3A_2293 = arith.constant 2849 : i32
    %broadcast_in_dim3A_2294 = vector.broadcast %broadcast_in_dim3A_2293 : i32 to vector<16xi32>
    %add3A_2295 = arith.addi %broadcast_in_dim3A_2294, %iota3A : vector<16xi32>
    %gather3A_2296 = tpu.vector_load_idx %arg7[%add3A_2295] : memref<3120xi32, #tpu.memory_space<vmem>>[vector<16xi32>], vector<16xi32>,
    %sub3A_2297 = arith.subi %gather3A_2296, %get3A_2292 : vector<16xi32>
    %swap3A_2298 = arith.constant 2816 : index
    %swap3A_2299 = tpu.vector_load %arg8[%swap3A_2298] {strides = array<i32>} : memref<3072xi32, #tpu.memory_space<vmem>>, vector<16xi32>,
    tpu.vector_store %arg8[%swap3A_2298], %sub3A_2297 {strides = array<i32>} : memref<3072xi32, #tpu.memory_space<vmem>>, vector<16xi32>,
    %add3A_2300 = arith.addi %get3A_2292, %sub3A_112 : vector<16xi32>
    %swap3A_2301 = arith.constant 2816 : index
    %swap3A_2302 = tpu.vector_load %arg9[%swap3A_2301] {strides = array<i32>} : memref<3072xi32, #tpu.memory_space<vmem>>, vector<16xi32>,
    tpu.vector_store %arg9[%swap3A_2301], %add3A_2300 {strides = array<i32>} : memref<3072xi32, #tpu.memory_space<vmem>>, vector<16xi32>,
    %get3A_2303 = arith.constant 2864 : index
    %get3A_2304 = tpu.vector_load %arg7[%get3A_2303] {strides = array<i32>} : memref<3120xi32, #tpu.memory_space<vmem>>, vector<16xi32>,
    %broadcast_in_dim3A_2305 = arith.constant 2865 : i32
    %broadcast_in_dim3A_2306 = vector.broadcast %broadcast_in_dim3A_2305 : i32 to vector<16xi32>
    %add3A_2307 = arith.addi %broadcast_in_dim3A_2306, %iota3A : vector<16xi32>
    %gather3A_2308 = tpu.vector_load_idx %arg7[%add3A_2307] : memref<3120xi32, #tpu.memory_space<vmem>>[vector<16xi32>], vector<16xi32>,
    %sub3A_2309 = arith.subi %gather3A_2308, %get3A_2304 : vector<16xi32>
    %swap3A_2310 = arith.constant 2832 : index
    %swap3A_2311 = tpu.vector_load %arg8[%swap3A_2310] {strides = array<i32>} : memref<3072xi32, #tpu.memory_space<vmem>>, vector<16xi32>,
    tpu.vector_store %arg8[%swap3A_2310], %sub3A_2309 {strides = array<i32>} : memref<3072xi32, #tpu.memory_space<vmem>>, vector<16xi32>,
    %add3A_2312 = arith.addi %get3A_2304, %sub3A_112 : vector<16xi32>
    %swap3A_2313 = arith.constant 2832 : index
    %swap3A_2314 = tpu.vector_load %arg9[%swap3A_2313] {strides = array<i32>} : memref<3072xi32, #tpu.memory_space<vmem>>, vector<16xi32>,
    tpu.vector_store %arg9[%swap3A_2313], %add3A_2312 {strides = array<i32>} : memref<3072xi32, #tpu.memory_space<vmem>>, vector<16xi32>,
    %get3A_2315 = arith.constant 2880 : index
    %get3A_2316 = tpu.vector_load %arg7[%get3A_2315] {strides = array<i32>} : memref<3120xi32, #tpu.memory_space<vmem>>, vector<16xi32>,
    %broadcast_in_dim3A_2317 = arith.constant 2881 : i32
    %broadcast_in_dim3A_2318 = vector.broadcast %broadcast_in_dim3A_2317 : i32 to vector<16xi32>
    %add3A_2319 = arith.addi %broadcast_in_dim3A_2318, %iota3A : vector<16xi32>
    %gather3A_2320 = tpu.vector_load_idx %arg7[%add3A_2319] : memref<3120xi32, #tpu.memory_space<vmem>>[vector<16xi32>], vector<16xi32>,
    %sub3A_2321 = arith.subi %gather3A_2320, %get3A_2316 : vector<16xi32>
    %swap3A_2322 = arith.constant 2848 : index
    %swap3A_2323 = tpu.vector_load %arg8[%swap3A_2322] {strides = array<i32>} : memref<3072xi32, #tpu.memory_space<vmem>>, vector<16xi32>,
    tpu.vector_store %arg8[%swap3A_2322], %sub3A_2321 {strides = array<i32>} : memref<3072xi32, #tpu.memory_space<vmem>>, vector<16xi32>,
    %add3A_2324 = arith.addi %get3A_2316, %sub3A_112 : vector<16xi32>
    %swap3A_2325 = arith.constant 2848 : index
    %swap3A_2326 = tpu.vector_load %arg9[%swap3A_2325] {strides = array<i32>} : memref<3072xi32, #tpu.memory_space<vmem>>, vector<16xi32>,
    tpu.vector_store %arg9[%swap3A_2325], %add3A_2324 {strides = array<i32>} : memref<3072xi32, #tpu.memory_space<vmem>>, vector<16xi32>,
    %get3A_2327 = arith.constant 2896 : index
    %get3A_2328 = tpu.vector_load %arg7[%get3A_2327] {strides = array<i32>} : memref<3120xi32, #tpu.memory_space<vmem>>, vector<16xi32>,
    %broadcast_in_dim3A_2329 = arith.constant 2897 : i32
    %broadcast_in_dim3A_2330 = vector.broadcast %broadcast_in_dim3A_2329 : i32 to vector<16xi32>
    %add3A_2331 = arith.addi %broadcast_in_dim3A_2330, %iota3A : vector<16xi32>
    %gather3A_2332 = tpu.vector_load_idx %arg7[%add3A_2331] : memref<3120xi32, #tpu.memory_space<vmem>>[vector<16xi32>], vector<16xi32>,
    %sub3A_2333 = arith.subi %gather3A_2332, %get3A_2328 : vector<16xi32>
    %swap3A_2334 = arith.constant 2864 : index
    %swap3A_2335 = tpu.vector_load %arg8[%swap3A_2334] {strides = array<i32>} : memref<3072xi32, #tpu.memory_space<vmem>>, vector<16xi32>,
    tpu.vector_store %arg8[%swap3A_2334], %sub3A_2333 {strides = array<i32>} : memref<3072xi32, #tpu.memory_space<vmem>>, vector<16xi32>,
    %add3A_2336 = arith.addi %get3A_2328, %sub3A_112 : vector<16xi32>
    %swap3A_2337 = arith.constant 2864 : index
    %swap3A_2338 = tpu.vector_load %arg9[%swap3A_2337] {strides = array<i32>} : memref<3072xi32, #tpu.memory_space<vmem>>, vector<16xi32>,
    tpu.vector_store %arg9[%swap3A_2337], %add3A_2336 {strides = array<i32>} : memref<3072xi32, #tpu.memory_space<vmem>>, vector<16xi32>,
    %get3A_2339 = arith.constant 2912 : index
    %get3A_2340 = tpu.vector_load %arg7[%get3A_2339] {strides = array<i32>} : memref<3120xi32, #tpu.memory_space<vmem>>, vector<16xi32>,
    %broadcast_in_dim3A_2341 = arith.constant 2913 : i32
    %broadcast_in_dim3A_2342 = vector.broadcast %broadcast_in_dim3A_2341 : i32 to vector<16xi32>
    %add3A_2343 = arith.addi %broadcast_in_dim3A_2342, %iota3A : vector<16xi32>
    %gather3A_2344 = tpu.vector_load_idx %arg7[%add3A_2343] : memref<3120xi32, #tpu.memory_space<vmem>>[vector<16xi32>], vector<16xi32>,
    %sub3A_2345 = arith.subi %gather3A_2344, %get3A_2340 : vector<16xi32>
    %swap3A_2346 = arith.constant 2880 : index
    %swap3A_2347 = tpu.vector_load %arg8[%swap3A_2346] {strides = array<i32>} : memref<3072xi32, #tpu.memory_space<vmem>>, vector<16xi32>,
    tpu.vector_store %arg8[%swap3A_2346], %sub3A_2345 {strides = array<i32>} : memref<3072xi32, #tpu.memory_space<vmem>>, vector<16xi32>,
    %add3A_2348 = arith.addi %get3A_2340, %sub3A_112 : vector<16xi32>
    %swap3A_2349 = arith.constant 2880 : index
    %swap3A_2350 = tpu.vector_load %arg9[%swap3A_2349] {strides = array<i32>} : memref<3072xi32, #tpu.memory_space<vmem>>, vector<16xi32>,
    tpu.vector_store %arg9[%swap3A_2349], %add3A_2348 {strides = array<i32>} : memref<3072xi32, #tpu.memory_space<vmem>>, vector<16xi32>,
    %get3A_2351 = arith.constant 2928 : index
    %get3A_2352 = tpu.vector_load %arg7[%get3A_2351] {strides = array<i32>} : memref<3120xi32, #tpu.memory_space<vmem>>, vector<16xi32>,
    %broadcast_in_dim3A_2353 = arith.constant 2929 : i32
    %broadcast_in_dim3A_2354 = vector.broadcast %broadcast_in_dim3A_2353 : i32 to vector<16xi32>
    %add3A_2355 = arith.addi %broadcast_in_dim3A_2354, %iota3A : vector<16xi32>
    %gather3A_2356 = tpu.vector_load_idx %arg7[%add3A_2355] : memref<3120xi32, #tpu.memory_space<vmem>>[vector<16xi32>], vector<16xi32>,
    %sub3A_2357 = arith.subi %gather3A_2356, %get3A_2352 : vector<16xi32>
    %swap3A_2358 = arith.constant 2896 : index
    %swap3A_2359 = tpu.vector_load %arg8[%swap3A_2358] {strides = array<i32>} : memref<3072xi32, #tpu.memory_space<vmem>>, vector<16xi32>,
    tpu.vector_store %arg8[%swap3A_2358], %sub3A_2357 {strides = array<i32>} : memref<3072xi32, #tpu.memory_space<vmem>>, vector<16xi32>,
    %add3A_2360 = arith.addi %get3A_2352, %sub3A_112 : vector<16xi32>
    %swap3A_2361 = arith.constant 2896 : index
    %swap3A_2362 = tpu.vector_load %arg9[%swap3A_2361] {strides = array<i32>} : memref<3072xi32, #tpu.memory_space<vmem>>, vector<16xi32>,
    tpu.vector_store %arg9[%swap3A_2361], %add3A_2360 {strides = array<i32>} : memref<3072xi32, #tpu.memory_space<vmem>>, vector<16xi32>,
    %get3A_2363 = arith.constant 2944 : index
    %get3A_2364 = tpu.vector_load %arg7[%get3A_2363] {strides = array<i32>} : memref<3120xi32, #tpu.memory_space<vmem>>, vector<16xi32>,
    %broadcast_in_dim3A_2365 = arith.constant 2945 : i32
    %broadcast_in_dim3A_2366 = vector.broadcast %broadcast_in_dim3A_2365 : i32 to vector<16xi32>
    %add3A_2367 = arith.addi %broadcast_in_dim3A_2366, %iota3A : vector<16xi32>
    %gather3A_2368 = tpu.vector_load_idx %arg7[%add3A_2367] : memref<3120xi32, #tpu.memory_space<vmem>>[vector<16xi32>], vector<16xi32>,
    %sub3A_2369 = arith.subi %gather3A_2368, %get3A_2364 : vector<16xi32>
    %swap3A_2370 = arith.constant 2912 : index
    %swap3A_2371 = tpu.vector_load %arg8[%swap3A_2370] {strides = array<i32>} : memref<3072xi32, #tpu.memory_space<vmem>>, vector<16xi32>,
    tpu.vector_store %arg8[%swap3A_2370], %sub3A_2369 {strides = array<i32>} : memref<3072xi32, #tpu.memory_space<vmem>>, vector<16xi32>,
    %add3A_2372 = arith.addi %get3A_2364, %sub3A_112 : vector<16xi32>
    %swap3A_2373 = arith.constant 2912 : index
    %swap3A_2374 = tpu.vector_load %arg9[%swap3A_2373] {strides = array<i32>} : memref<3072xi32, #tpu.memory_space<vmem>>, vector<16xi32>,
    tpu.vector_store %arg9[%swap3A_2373], %add3A_2372 {strides = array<i32>} : memref<3072xi32, #tpu.memory_space<vmem>>, vector<16xi32>,
    %get3A_2375 = arith.constant 2960 : index
    %get3A_2376 = tpu.vector_load %arg7[%get3A_2375] {strides = array<i32>} : memref<3120xi32, #tpu.memory_space<vmem>>, vector<16xi32>,
    %broadcast_in_dim3A_2377 = arith.constant 2961 : i32
    %broadcast_in_dim3A_2378 = vector.broadcast %broadcast_in_dim3A_2377 : i32 to vector<16xi32>
    %add3A_2379 = arith.addi %broadcast_in_dim3A_2378, %iota3A : vector<16xi32>
    %gather3A_2380 = tpu.vector_load_idx %arg7[%add3A_2379] : memref<3120xi32, #tpu.memory_space<vmem>>[vector<16xi32>], vector<16xi32>,
    %sub3A_2381 = arith.subi %gather3A_2380, %get3A_2376 : vector<16xi32>
    %swap3A_2382 = arith.constant 2928 : index
    %swap3A_2383 = tpu.vector_load %arg8[%swap3A_2382] {strides = array<i32>} : memref<3072xi32, #tpu.memory_space<vmem>>, vector<16xi32>,
    tpu.vector_store %arg8[%swap3A_2382], %sub3A_2381 {strides = array<i32>} : memref<3072xi32, #tpu.memory_space<vmem>>, vector<16xi32>,
    %add3A_2384 = arith.addi %get3A_2376, %sub3A_112 : vector<16xi32>
    %swap3A_2385 = arith.constant 2928 : index
    %swap3A_2386 = tpu.vector_load %arg9[%swap3A_2385] {strides = array<i32>} : memref<3072xi32, #tpu.memory_space<vmem>>, vector<16xi32>,
    tpu.vector_store %arg9[%swap3A_2385], %add3A_2384 {strides = array<i32>} : memref<3072xi32, #tpu.memory_space<vmem>>, vector<16xi32>,
    %get3A_2387 = arith.constant 2976 : index
    %get3A_2388 = tpu.vector_load %arg7[%get3A_2387] {strides = array<i32>} : memref<3120xi32, #tpu.memory_space<vmem>>, vector<16xi32>,
    %broadcast_in_dim3A_2389 = arith.constant 2977 : i32
    %broadcast_in_dim3A_2390 = vector.broadcast %broadcast_in_dim3A_2389 : i32 to vector<16xi32>
    %add3A_2391 = arith.addi %broadcast_in_dim3A_2390, %iota3A : vector<16xi32>
    %gather3A_2392 = tpu.vector_load_idx %arg7[%add3A_2391] : memref<3120xi32, #tpu.memory_space<vmem>>[vector<16xi32>], vector<16xi32>,
    %sub3A_2393 = arith.subi %gather3A_2392, %get3A_2388 : vector<16xi32>
    %swap3A_2394 = arith.constant 2944 : index
    %swap3A_2395 = tpu.vector_load %arg8[%swap3A_2394] {strides = array<i32>} : memref<3072xi32, #tpu.memory_space<vmem>>, vector<16xi32>,
    tpu.vector_store %arg8[%swap3A_2394], %sub3A_2393 {strides = array<i32>} : memref<3072xi32, #tpu.memory_space<vmem>>, vector<16xi32>,
    %add3A_2396 = arith.addi %get3A_2388, %sub3A_112 : vector<16xi32>
    %swap3A_2397 = arith.constant 2944 : index
    %swap3A_2398 = tpu.vector_load %arg9[%swap3A_2397] {strides = array<i32>} : memref<3072xi32, #tpu.memory_space<vmem>>, vector<16xi32>,
    tpu.vector_store %arg9[%swap3A_2397], %add3A_2396 {strides = array<i32>} : memref<3072xi32, #tpu.memory_space<vmem>>, vector<16xi32>,
    %get3A_2399 = arith.constant 2992 : index
    %get3A_2400 = tpu.vector_load %arg7[%get3A_2399] {strides = array<i32>} : memref<3120xi32, #tpu.memory_space<vmem>>, vector<16xi32>,
    %broadcast_in_dim3A_2401 = arith.constant 2993 : i32
    %broadcast_in_dim3A_2402 = vector.broadcast %broadcast_in_dim3A_2401 : i32 to vector<16xi32>
    %add3A_2403 = arith.addi %broadcast_in_dim3A_2402, %iota3A : vector<16xi32>
    %gather3A_2404 = tpu.vector_load_idx %arg7[%add3A_2403] : memref<3120xi32, #tpu.memory_space<vmem>>[vector<16xi32>], vector<16xi32>,
    %sub3A_2405 = arith.subi %gather3A_2404, %get3A_2400 : vector<16xi32>
    %swap3A_2406 = arith.constant 2960 : index
    %swap3A_2407 = tpu.vector_load %arg8[%swap3A_2406] {strides = array<i32>} : memref<3072xi32, #tpu.memory_space<vmem>>, vector<16xi32>,
    tpu.vector_store %arg8[%swap3A_2406], %sub3A_2405 {strides = array<i32>} : memref<3072xi32, #tpu.memory_space<vmem>>, vector<16xi32>,
    %add3A_2408 = arith.addi %get3A_2400, %sub3A_112 : vector<16xi32>
    %swap3A_2409 = arith.constant 2960 : index
    %swap3A_2410 = tpu.vector_load %arg9[%swap3A_2409] {strides = array<i32>} : memref<3072xi32, #tpu.memory_space<vmem>>, vector<16xi32>,
    tpu.vector_store %arg9[%swap3A_2409], %add3A_2408 {strides = array<i32>} : memref<3072xi32, #tpu.memory_space<vmem>>, vector<16xi32>,
    %get3A_2411 = arith.constant 3008 : index
    %get3A_2412 = tpu.vector_load %arg7[%get3A_2411] {strides = array<i32>} : memref<3120xi32, #tpu.memory_space<vmem>>, vector<16xi32>,
    %broadcast_in_dim3A_2413 = arith.constant 3009 : i32
    %broadcast_in_dim3A_2414 = vector.broadcast %broadcast_in_dim3A_2413 : i32 to vector<16xi32>
    %add3A_2415 = arith.addi %broadcast_in_dim3A_2414, %iota3A : vector<16xi32>
    %gather3A_2416 = tpu.vector_load_idx %arg7[%add3A_2415] : memref<3120xi32, #tpu.memory_space<vmem>>[vector<16xi32>], vector<16xi32>,
    %sub3A_2417 = arith.subi %gather3A_2416, %get3A_2412 : vector<16xi32>
    %swap3A_2418 = arith.constant 2976 : index
    %swap3A_2419 = tpu.vector_load %arg8[%swap3A_2418] {strides = array<i32>} : memref<3072xi32, #tpu.memory_space<vmem>>, vector<16xi32>,
    tpu.vector_store %arg8[%swap3A_2418], %sub3A_2417 {strides = array<i32>} : memref<3072xi32, #tpu.memory_space<vmem>>, vector<16xi32>,
    %add3A_2420 = arith.addi %get3A_2412, %sub3A_112 : vector<16xi32>
    %swap3A_2421 = arith.constant 2976 : index
    %swap3A_2422 = tpu.vector_load %arg9[%swap3A_2421] {strides = array<i32>} : memref<3072xi32, #tpu.memory_space<vmem>>, vector<16xi32>,
    tpu.vector_store %arg9[%swap3A_2421], %add3A_2420 {strides = array<i32>} : memref<3072xi32, #tpu.memory_space<vmem>>, vector<16xi32>,
    %get3A_2423 = arith.constant 3024 : index
    %get3A_2424 = tpu.vector_load %arg7[%get3A_2423] {strides = array<i32>} : memref<3120xi32, #tpu.memory_space<vmem>>, vector<16xi32>,
    %broadcast_in_dim3A_2425 = arith.constant 3025 : i32
    %broadcast_in_dim3A_2426 = vector.broadcast %broadcast_in_dim3A_2425 : i32 to vector<16xi32>
    %add3A_2427 = arith.addi %broadcast_in_dim3A_2426, %iota3A : vector<16xi32>
    %gather3A_2428 = tpu.vector_load_idx %arg7[%add3A_2427] : memref<3120xi32, #tpu.memory_space<vmem>>[vector<16xi32>], vector<16xi32>,
    %sub3A_2429 = arith.subi %gather3A_2428, %get3A_2424 : vector<16xi32>
    %swap3A_2430 = arith.constant 2992 : index
    %swap3A_2431 = tpu.vector_load %arg8[%swap3A_2430] {strides = array<i32>} : memref<3072xi32, #tpu.memory_space<vmem>>, vector<16xi32>,
    tpu.vector_store %arg8[%swap3A_2430], %sub3A_2429 {strides = array<i32>} : memref<3072xi32, #tpu.memory_space<vmem>>, vector<16xi32>,
    %add3A_2432 = arith.addi %get3A_2424, %sub3A_112 : vector<16xi32>
    %swap3A_2433 = arith.constant 2992 : index
    %swap3A_2434 = tpu.vector_load %arg9[%swap3A_2433] {strides = array<i32>} : memref<3072xi32, #tpu.memory_space<vmem>>, vector<16xi32>,
    tpu.vector_store %arg9[%swap3A_2433], %add3A_2432 {strides = array<i32>} : memref<3072xi32, #tpu.memory_space<vmem>>, vector<16xi32>,
    %get3A_2435 = arith.constant 3040 : index
    %get3A_2436 = tpu.vector_load %arg7[%get3A_2435] {strides = array<i32>} : memref<3120xi32, #tpu.memory_space<vmem>>, vector<16xi32>,
    %broadcast_in_dim3A_2437 = arith.constant 3041 : i32
    %broadcast_in_dim3A_2438 = vector.broadcast %broadcast_in_dim3A_2437 : i32 to vector<16xi32>
    %add3A_2439 = arith.addi %broadcast_in_dim3A_2438, %iota3A : vector<16xi32>
    %gather3A_2440 = tpu.vector_load_idx %arg7[%add3A_2439] : memref<3120xi32, #tpu.memory_space<vmem>>[vector<16xi32>], vector<16xi32>,
    %sub3A_2441 = arith.subi %gather3A_2440, %get3A_2436 : vector<16xi32>
    %swap3A_2442 = arith.constant 3008 : index
    %swap3A_2443 = tpu.vector_load %arg8[%swap3A_2442] {strides = array<i32>} : memref<3072xi32, #tpu.memory_space<vmem>>, vector<16xi32>,
    tpu.vector_store %arg8[%swap3A_2442], %sub3A_2441 {strides = array<i32>} : memref<3072xi32, #tpu.memory_space<vmem>>, vector<16xi32>,
    %add3A_2444 = arith.addi %get3A_2436, %sub3A_112 : vector<16xi32>
    %swap3A_2445 = arith.constant 3008 : index
    %swap3A_2446 = tpu.vector_load %arg9[%swap3A_2445] {strides = array<i32>} : memref<3072xi32, #tpu.memory_space<vmem>>, vector<16xi32>,
    tpu.vector_store %arg9[%swap3A_2445], %add3A_2444 {strides = array<i32>} : memref<3072xi32, #tpu.memory_space<vmem>>, vector<16xi32>,
    %get3A_2447 = arith.constant 3056 : index
    %get3A_2448 = tpu.vector_load %arg7[%get3A_2447] {strides = array<i32>} : memref<3120xi32, #tpu.memory_space<vmem>>, vector<16xi32>,
    %broadcast_in_dim3A_2449 = arith.constant 3057 : i32
    %broadcast_in_dim3A_2450 = vector.broadcast %broadcast_in_dim3A_2449 : i32 to vector<16xi32>
    %add3A_2451 = arith.addi %broadcast_in_dim3A_2450, %iota3A : vector<16xi32>
    %gather3A_2452 = tpu.vector_load_idx %arg7[%add3A_2451] : memref<3120xi32, #tpu.memory_space<vmem>>[vector<16xi32>], vector<16xi32>,
    %sub3A_2453 = arith.subi %gather3A_2452, %get3A_2448 : vector<16xi32>
    %swap3A_2454 = arith.constant 3024 : index
    %swap3A_2455 = tpu.vector_load %arg8[%swap3A_2454] {strides = array<i32>} : memref<3072xi32, #tpu.memory_space<vmem>>, vector<16xi32>,
    tpu.vector_store %arg8[%swap3A_2454], %sub3A_2453 {strides = array<i32>} : memref<3072xi32, #tpu.memory_space<vmem>>, vector<16xi32>,
    %add3A_2456 = arith.addi %get3A_2448, %sub3A_112 : vector<16xi32>
    %swap3A_2457 = arith.constant 3024 : index
    %swap3A_2458 = tpu.vector_load %arg9[%swap3A_2457] {strides = array<i32>} : memref<3072xi32, #tpu.memory_space<vmem>>, vector<16xi32>,
    tpu.vector_store %arg9[%swap3A_2457], %add3A_2456 {strides = array<i32>} : memref<3072xi32, #tpu.memory_space<vmem>>, vector<16xi32>,
    %get3A_2459 = arith.constant 3072 : index
    %get3A_2460 = tpu.vector_load %arg7[%get3A_2459] {strides = array<i32>} : memref<3120xi32, #tpu.memory_space<vmem>>, vector<16xi32>,
    %broadcast_in_dim3A_2461 = arith.constant 3073 : i32
    %broadcast_in_dim3A_2462 = vector.broadcast %broadcast_in_dim3A_2461 : i32 to vector<16xi32>
    %add3A_2463 = arith.addi %broadcast_in_dim3A_2462, %iota3A : vector<16xi32>
    %gather3A_2464 = tpu.vector_load_idx %arg7[%add3A_2463] : memref<3120xi32, #tpu.memory_space<vmem>>[vector<16xi32>], vector<16xi32>,
    %sub3A_2465 = arith.subi %gather3A_2464, %get3A_2460 : vector<16xi32>
    %swap3A_2466 = arith.constant 3040 : index
    %swap3A_2467 = tpu.vector_load %arg8[%swap3A_2466] {strides = array<i32>} : memref<3072xi32, #tpu.memory_space<vmem>>, vector<16xi32>,
    tpu.vector_store %arg8[%swap3A_2466], %sub3A_2465 {strides = array<i32>} : memref<3072xi32, #tpu.memory_space<vmem>>, vector<16xi32>,
    %add3A_2468 = arith.addi %get3A_2460, %sub3A_112 : vector<16xi32>
    %swap3A_2469 = arith.constant 3040 : index
    %swap3A_2470 = tpu.vector_load %arg9[%swap3A_2469] {strides = array<i32>} : memref<3072xi32, #tpu.memory_space<vmem>>, vector<16xi32>,
    tpu.vector_store %arg9[%swap3A_2469], %add3A_2468 {strides = array<i32>} : memref<3072xi32, #tpu.memory_space<vmem>>, vector<16xi32>,
    %get3A_2471 = arith.constant 3088 : index
    %get3A_2472 = tpu.vector_load %arg7[%get3A_2471] {strides = array<i32>} : memref<3120xi32, #tpu.memory_space<vmem>>, vector<16xi32>,
    %broadcast_in_dim3A_2473 = arith.constant 3089 : i32
    %broadcast_in_dim3A_2474 = vector.broadcast %broadcast_in_dim3A_2473 : i32 to vector<16xi32>
    %add3A_2475 = arith.addi %broadcast_in_dim3A_2474, %iota3A : vector<16xi32>
    %gather3A_2476 = tpu.vector_load_idx %arg7[%add3A_2475] : memref<3120xi32, #tpu.memory_space<vmem>>[vector<16xi32>], vector<16xi32>,
    %sub3A_2477 = arith.subi %gather3A_2476, %get3A_2472 : vector<16xi32>
    %swap3A_2478 = arith.constant 3056 : index
    %swap3A_2479 = tpu.vector_load %arg8[%swap3A_2478] {strides = array<i32>} : memref<3072xi32, #tpu.memory_space<vmem>>, vector<16xi32>,
    tpu.vector_store %arg8[%swap3A_2478], %sub3A_2477 {strides = array<i32>} : memref<3072xi32, #tpu.memory_space<vmem>>, vector<16xi32>,
    %add3A_2480 = arith.addi %get3A_2472, %sub3A_112 : vector<16xi32>
    %swap3A_2481 = arith.constant 3056 : index
    %swap3A_2482 = tpu.vector_load %arg9[%swap3A_2481] {strides = array<i32>} : memref<3072xi32, #tpu.memory_space<vmem>>, vector<16xi32>,
    tpu.vector_store %arg9[%swap3A_2481], %add3A_2480 {strides = array<i32>} : memref<3072xi32, #tpu.memory_space<vmem>>, vector<16xi32>,
    %add3A_2483 = arith.constant 32768 : i32
    %add3A_2484 = arith.addi %add3A_2483, %mul3A_2 : i32
    %dma_start3A_2485 = arith.constant 2048 : i32
    %dma_start3A_2486 = tpu.memref_slice %arg8[%dma_start3A_2485] : memref<3072xi32, #tpu.memory_space<vmem>> -> memref<1024xi32, #tpu.memory_space<vmem>>
    %dma_start3A_2487 = tpu.memref_slice %arg5[%add3A_2484] : memref<49152xi32, #tpu.memory_space<hbm>> -> memref<1024xi32, #tpu.memory_space<hbm>>
    %dma_start3A_2488 = tpu.memref_slice %arg5[%add3A_2484] : memref<49152xi32, #tpu.memory_space<hbm>> -> memref<1024xi32, #tpu.memory_space<hbm>>
    %dma_start3A_2489 = arith.constant 2048 : i32
    %dma_start3A_2490 = tpu.memref_slice %arg8[%dma_start3A_2489] : memref<3072xi32, #tpu.memory_space<vmem>> -> memref<1024xi32, #tpu.memory_space<vmem>>
    tpu.enqueue_dma source(%dma_start3A_2490 : memref<1024xi32, #tpu.memory_space<vmem>>) target(%dma_start3A_2488 : memref<1024xi32, #tpu.memory_space<hbm>>) target_semaphore(%arg14 : memref<!tpu.dma_semaphore, #tpu.memory_space<semaphore_mem>>)
    %add3A_2491 = arith.constant 32768 : i32
    %add3A_2492 = arith.addi %add3A_2491, %mul3A_2 : i32
    %dma_start3A_2493 = arith.constant 2048 : i32
    %dma_start3A_2494 = tpu.memref_slice %arg9[%dma_start3A_2493] : memref<3072xi32, #tpu.memory_space<vmem>> -> memref<1024xi32, #tpu.memory_space<vmem>>
    %dma_start3A_2495 = tpu.memref_slice %arg6[%add3A_2492] : memref<49160xi32, #tpu.memory_space<hbm>> -> memref<1024xi32, #tpu.memory_space<hbm>>
    %dma_start3A_2496 = tpu.memref_slice %arg6[%add3A_2492] : memref<49160xi32, #tpu.memory_space<hbm>> -> memref<1024xi32, #tpu.memory_space<hbm>>
    %dma_start3A_2497 = arith.constant 2048 : i32
    %dma_start3A_2498 = tpu.memref_slice %arg9[%dma_start3A_2497] : memref<3072xi32, #tpu.memory_space<vmem>> -> memref<1024xi32, #tpu.memory_space<vmem>>
    tpu.enqueue_dma source(%dma_start3A_2498 : memref<1024xi32, #tpu.memory_space<vmem>>) target(%dma_start3A_2496 : memref<1024xi32, #tpu.memory_space<hbm>>) target_semaphore(%arg14 : memref<!tpu.dma_semaphore, #tpu.memory_space<semaphore_mem>>)
    %eq3A_2499 = arith.constant 15 : i32
    %eq3A_2500 = arith.cmpi eq, %add3A, %eq3A_2499 : i32
    %convert_element_type3A = arith.extui %eq3A_2500 : i1 to i32
    %cond3A = arith.constant 0 : i32
    %cond3A_2501 = arith.cmpi ne, %convert_element_type3A, %cond3A : i32
    scf.if %cond3A_2501 {
      %add3A_2538 = arith.addi %gather3A_106, %sub3A_112 : vector<16xi32>
      %swap3A_2539 = arith.constant 0 : index
      %swap3A_2540 = tpu.vector_load %arg11[%swap3A_2539] {strides = array<i32>} : memref<16xi32, #tpu.memory_space<vmem>>, vector<16xi32>,
      tpu.vector_store %arg11[%swap3A_2539], %add3A_2538 {strides = array<i32>} : memref<16xi32, #tpu.memory_space<vmem>>, vector<16xi32>,
      "tpu.region"() ({
        %run_scoped3A = tpu.sem_alloc : memref<!tpu.dma_semaphore, #tpu.memory_space<semaphore_mem>>
        %dma_start3A_2541 = arith.constant 0 : i32
        %dma_start3A_2542 = tpu.memref_slice %arg11[%dma_start3A_2541] : memref<16xi32, #tpu.memory_space<vmem>> -> memref<8xi32, #tpu.memory_space<vmem>>
        %dma_start3A_2543 = arith.constant 49152 : i32
        %dma_start3A_2544 = tpu.memref_slice %arg6[%dma_start3A_2543] : memref<49160xi32, #tpu.memory_space<hbm>> -> memref<8xi32, #tpu.memory_space<hbm>>
        %dma_start3A_2545 = arith.constant 49152 : i32
        %dma_start3A_2546 = tpu.memref_slice %arg6[%dma_start3A_2545] : memref<49160xi32, #tpu.memory_space<hbm>> -> memref<8xi32, #tpu.memory_space<hbm>>
        %dma_start3A_2547 = arith.constant 0 : i32
        %dma_start3A_2548 = tpu.memref_slice %arg11[%dma_start3A_2547] : memref<16xi32, #tpu.memory_space<vmem>> -> memref<8xi32, #tpu.memory_space<vmem>>
        tpu.enqueue_dma source(%dma_start3A_2548 : memref<8xi32, #tpu.memory_space<vmem>>) target(%dma_start3A_2546 : memref<8xi32, #tpu.memory_space<hbm>>) target_semaphore(%run_scoped3A : memref<!tpu.dma_semaphore, #tpu.memory_space<semaphore_mem>>)
        %dma_wait3A_2549 = arith.constant 0 : i32
        %dma_wait3A_2550 = tpu.memref_slice %arg11[%dma_wait3A_2549] : memref<16xi32, #tpu.memory_space<vmem>> -> memref<8xi32, #tpu.memory_space<vmem>>
        %dma_wait3A_2551 = arith.constant 49152 : i32
        %dma_wait3A_2552 = tpu.memref_slice %arg6[%dma_wait3A_2551] : memref<49160xi32, #tpu.memory_space<hbm>> -> memref<8xi32, #tpu.memory_space<hbm>>
        %dma_wait3A_2553 = arith.constant 49152 : i32
        %dma_wait3A_2554 = tpu.memref_slice %arg6[%dma_wait3A_2553] : memref<49160xi32, #tpu.memory_space<hbm>> -> memref<8xi32, #tpu.memory_space<hbm>>
        %dma_wait3A_2555 = arith.constant 0 : i32
        %dma_wait3A_2556 = tpu.memref_slice %arg11[%dma_wait3A_2555] : memref<16xi32, #tpu.memory_space<vmem>> -> memref<8xi32, #tpu.memory_space<vmem>>
        tpu.wait_dma2 semaphore(%run_scoped3A : memref<!tpu.dma_semaphore, #tpu.memory_space<semaphore_mem>>) src(%dma_wait3A_2556 : memref<8xi32, #tpu.memory_space<vmem>>) dst(%dma_wait3A_2554 : memref<8xi32, #tpu.memory_space<hbm>>)
        tpu.yield
      }) : () -> ()
    } else {
    }
    %dma_wait3A_2502 = arith.constant 0 : i32
    %dma_wait3A_2503 = tpu.memref_slice %arg8[%dma_wait3A_2502] : memref<3072xi32, #tpu.memory_space<vmem>> -> memref<1024xi32, #tpu.memory_space<vmem>>
    %dma_wait3A_2504 = tpu.memref_slice %arg5[%add3A_892] : memref<49152xi32, #tpu.memory_space<hbm>> -> memref<1024xi32, #tpu.memory_space<hbm>>
    %dma_wait3A_2505 = tpu.memref_slice %arg5[%add3A_892] : memref<49152xi32, #tpu.memory_space<hbm>> -> memref<1024xi32, #tpu.memory_space<hbm>>
    %dma_wait3A_2506 = arith.constant 0 : i32
    %dma_wait3A_2507 = tpu.memref_slice %arg8[%dma_wait3A_2506] : memref<3072xi32, #tpu.memory_space<vmem>> -> memref<1024xi32, #tpu.memory_space<vmem>>
    tpu.wait_dma2 semaphore(%arg14 : memref<!tpu.dma_semaphore, #tpu.memory_space<semaphore_mem>>) src(%dma_wait3A_2507 : memref<1024xi32, #tpu.memory_space<vmem>>) dst(%dma_wait3A_2505 : memref<1024xi32, #tpu.memory_space<hbm>>)
    %dma_wait3A_2508 = arith.constant 0 : i32
    %dma_wait3A_2509 = tpu.memref_slice %arg9[%dma_wait3A_2508] : memref<3072xi32, #tpu.memory_space<vmem>> -> memref<1024xi32, #tpu.memory_space<vmem>>
    %dma_wait3A_2510 = tpu.memref_slice %arg6[%add3A_900] : memref<49160xi32, #tpu.memory_space<hbm>> -> memref<1024xi32, #tpu.memory_space<hbm>>
    %dma_wait3A_2511 = tpu.memref_slice %arg6[%add3A_900] : memref<49160xi32, #tpu.memory_space<hbm>> -> memref<1024xi32, #tpu.memory_space<hbm>>
    %dma_wait3A_2512 = arith.constant 0 : i32
    %dma_wait3A_2513 = tpu.memref_slice %arg9[%dma_wait3A_2512] : memref<3072xi32, #tpu.memory_space<vmem>> -> memref<1024xi32, #tpu.memory_space<vmem>>
    tpu.wait_dma2 semaphore(%arg14 : memref<!tpu.dma_semaphore, #tpu.memory_space<semaphore_mem>>) src(%dma_wait3A_2513 : memref<1024xi32, #tpu.memory_space<vmem>>) dst(%dma_wait3A_2511 : memref<1024xi32, #tpu.memory_space<hbm>>)
    %dma_wait3A_2514 = arith.constant 1024 : i32
    %dma_wait3A_2515 = tpu.memref_slice %arg8[%dma_wait3A_2514] : memref<3072xi32, #tpu.memory_space<vmem>> -> memref<1024xi32, #tpu.memory_space<vmem>>
    %dma_wait3A_2516 = tpu.memref_slice %arg5[%add3A_1688] : memref<49152xi32, #tpu.memory_space<hbm>> -> memref<1024xi32, #tpu.memory_space<hbm>>
    %dma_wait3A_2517 = tpu.memref_slice %arg5[%add3A_1688] : memref<49152xi32, #tpu.memory_space<hbm>> -> memref<1024xi32, #tpu.memory_space<hbm>>
    %dma_wait3A_2518 = arith.constant 1024 : i32
    %dma_wait3A_2519 = tpu.memref_slice %arg8[%dma_wait3A_2518] : memref<3072xi32, #tpu.memory_space<vmem>> -> memref<1024xi32, #tpu.memory_space<vmem>>
    tpu.wait_dma2 semaphore(%arg14 : memref<!tpu.dma_semaphore, #tpu.memory_space<semaphore_mem>>) src(%dma_wait3A_2519 : memref<1024xi32, #tpu.memory_space<vmem>>) dst(%dma_wait3A_2517 : memref<1024xi32, #tpu.memory_space<hbm>>)
    %dma_wait3A_2520 = arith.constant 1024 : i32
    %dma_wait3A_2521 = tpu.memref_slice %arg9[%dma_wait3A_2520] : memref<3072xi32, #tpu.memory_space<vmem>> -> memref<1024xi32, #tpu.memory_space<vmem>>
    %dma_wait3A_2522 = tpu.memref_slice %arg6[%add3A_1696] : memref<49160xi32, #tpu.memory_space<hbm>> -> memref<1024xi32, #tpu.memory_space<hbm>>
    %dma_wait3A_2523 = tpu.memref_slice %arg6[%add3A_1696] : memref<49160xi32, #tpu.memory_space<hbm>> -> memref<1024xi32, #tpu.memory_space<hbm>>
    %dma_wait3A_2524 = arith.constant 1024 : i32
    %dma_wait3A_2525 = tpu.memref_slice %arg9[%dma_wait3A_2524] : memref<3072xi32, #tpu.memory_space<vmem>> -> memref<1024xi32, #tpu.memory_space<vmem>>
    tpu.wait_dma2 semaphore(%arg14 : memref<!tpu.dma_semaphore, #tpu.memory_space<semaphore_mem>>) src(%dma_wait3A_2525 : memref<1024xi32, #tpu.memory_space<vmem>>) dst(%dma_wait3A_2523 : memref<1024xi32, #tpu.memory_space<hbm>>)
    %dma_wait3A_2526 = arith.constant 2048 : i32
    %dma_wait3A_2527 = tpu.memref_slice %arg8[%dma_wait3A_2526] : memref<3072xi32, #tpu.memory_space<vmem>> -> memref<1024xi32, #tpu.memory_space<vmem>>
    %dma_wait3A_2528 = tpu.memref_slice %arg5[%add3A_2484] : memref<49152xi32, #tpu.memory_space<hbm>> -> memref<1024xi32, #tpu.memory_space<hbm>>
    %dma_wait3A_2529 = tpu.memref_slice %arg5[%add3A_2484] : memref<49152xi32, #tpu.memory_space<hbm>> -> memref<1024xi32, #tpu.memory_space<hbm>>
    %dma_wait3A_2530 = arith.constant 2048 : i32
    %dma_wait3A_2531 = tpu.memref_slice %arg8[%dma_wait3A_2530] : memref<3072xi32, #tpu.memory_space<vmem>> -> memref<1024xi32, #tpu.memory_space<vmem>>
    tpu.wait_dma2 semaphore(%arg14 : memref<!tpu.dma_semaphore, #tpu.memory_space<semaphore_mem>>) src(%dma_wait3A_2531 : memref<1024xi32, #tpu.memory_space<vmem>>) dst(%dma_wait3A_2529 : memref<1024xi32, #tpu.memory_space<hbm>>)
    %dma_wait3A_2532 = arith.constant 2048 : i32
    %dma_wait3A_2533 = tpu.memref_slice %arg9[%dma_wait3A_2532] : memref<3072xi32, #tpu.memory_space<vmem>> -> memref<1024xi32, #tpu.memory_space<vmem>>
    %dma_wait3A_2534 = tpu.memref_slice %arg6[%add3A_2492] : memref<49160xi32, #tpu.memory_space<hbm>> -> memref<1024xi32, #tpu.memory_space<hbm>>
    %dma_wait3A_2535 = tpu.memref_slice %arg6[%add3A_2492] : memref<49160xi32, #tpu.memory_space<hbm>> -> memref<1024xi32, #tpu.memory_space<hbm>>
    %dma_wait3A_2536 = arith.constant 2048 : i32
    %dma_wait3A_2537 = tpu.memref_slice %arg9[%dma_wait3A_2536] : memref<3072xi32, #tpu.memory_space<vmem>> -> memref<1024xi32, #tpu.memory_space<vmem>>
    tpu.wait_dma2 semaphore(%arg14 : memref<!tpu.dma_semaphore, #tpu.memory_space<semaphore_mem>>) src(%dma_wait3A_2537 : memref<1024xi32, #tpu.memory_space<vmem>>) dst(%dma_wait3A_2535 : memref<1024xi32, #tpu.memory_space<hbm>>)
    return
  }
}

module attributes {stable_mosaic.version = 14 : i64} {
  func.func @_tc_body(%arg0: i32, %arg1: memref<1600x128xf32, #tpu.memory_space<vmem>>, %arg2: memref<1600x128xf32, #tpu.memory_space<vmem>>, %arg3: memref<1600x128xf32, #tpu.memory_space<vmem>>, %arg4: memref<3x1600x128xf32, #tpu.memory_space<vmem>>) attributes {dimension_semantics = [#tpu.dimension_semantics<arbitrary>], iteration_bounds = array<i64: 8>, scalar_prefetch = 0 : i64, scratch_operands = 0 : i64, tpu.core_type = #tpu.core_type<tc>, window_params = [{transform_indices = @transform_0, window_bounds = array<i64: 1600, 128>}, {transform_indices = @transform_1, window_bounds = array<i64: 1600, 128>}, {transform_indices = @transform_2, window_bounds = array<i64: 1600, 128>}, {transform_indices = @transform_3, window_bounds = array<i64: 3, 1600, 128>}]} {
    %get3A = arith.constant 0 : index
    %get3A_0 = arith.constant 0 : index
    %get3A_1 = vector.load %arg1[%get3A, %get3A_0] : memref<1600x128xf32, #tpu.memory_space<vmem>>, vector<1600x128xf32>
    %swap3A = arith.constant 0 : index
    %swap3A_2 = arith.constant 0 : index
    %swap3A_3 = arith.constant 0 : index
    %swap3A_4 = vector.load %arg4[%swap3A, %swap3A_2, %swap3A_3] : memref<3x1600x128xf32, #tpu.memory_space<vmem>>, vector<1x1600x128xf32>
    %swap3A_5 = vector.shape_cast %swap3A_4 : vector<1x1600x128xf32> to vector<1600x128xf32>
    %swap3A_6 = vector.shape_cast %get3A_1 : vector<1600x128xf32> to vector<1x1600x128xf32>
    tpu.vector_store %arg4[%swap3A, %swap3A_2, %swap3A_3], %swap3A_6 {strides = array<i32>} : memref<3x1600x128xf32, #tpu.memory_space<vmem>>, vector<1x1600x128xf32>,
    %get3A_7 = arith.constant 0 : index
    %get3A_8 = arith.constant 0 : index
    %get3A_9 = vector.load %arg2[%get3A_7, %get3A_8] : memref<1600x128xf32, #tpu.memory_space<vmem>>, vector<1600x128xf32>
    %swap3A_10 = arith.constant 1 : index
    %swap3A_11 = arith.constant 0 : index
    %swap3A_12 = arith.constant 0 : index
    %swap3A_13 = vector.load %arg4[%swap3A_10, %swap3A_11, %swap3A_12] : memref<3x1600x128xf32, #tpu.memory_space<vmem>>, vector<1x1600x128xf32>
    %swap3A_14 = vector.shape_cast %swap3A_13 : vector<1x1600x128xf32> to vector<1600x128xf32>
    %swap3A_15 = vector.shape_cast %get3A_9 : vector<1600x128xf32> to vector<1x1600x128xf32>
    tpu.vector_store %arg4[%swap3A_10, %swap3A_11, %swap3A_12], %swap3A_15 {strides = array<i32>} : memref<3x1600x128xf32, #tpu.memory_space<vmem>>, vector<1x1600x128xf32>,
    %get3A_16 = arith.constant 0 : index
    %get3A_17 = arith.constant 0 : index
    %get3A_18 = vector.load %arg3[%get3A_16, %get3A_17] : memref<1600x128xf32, #tpu.memory_space<vmem>>, vector<1600x128xf32>
    %swap3A_19 = arith.constant 2 : index
    %swap3A_20 = arith.constant 0 : index
    %swap3A_21 = arith.constant 0 : index
    %swap3A_22 = vector.load %arg4[%swap3A_19, %swap3A_20, %swap3A_21] : memref<3x1600x128xf32, #tpu.memory_space<vmem>>, vector<1x1600x128xf32>
    %swap3A_23 = vector.shape_cast %swap3A_22 : vector<1x1600x128xf32> to vector<1600x128xf32>
    %swap3A_24 = vector.shape_cast %get3A_18 : vector<1600x128xf32> to vector<1x1600x128xf32>
    tpu.vector_store %arg4[%swap3A_19, %swap3A_20, %swap3A_21], %swap3A_24 {strides = array<i32>} : memref<3x1600x128xf32, #tpu.memory_space<vmem>>, vector<1x1600x128xf32>,
    return
  }
  func.func @transform_0(%arg0: i32) -> (i32, i32) {
    %c0_i32 = arith.constant 0 : i32
    %c0_i32_0 = arith.constant 0 : i32
    return %arg0, %c0_i32 : i32, i32
  }
  func.func @transform_1(%arg0: i32) -> (i32, i32) {
    %c0_i32 = arith.constant 0 : i32
    %c0_i32_0 = arith.constant 0 : i32
    return %arg0, %c0_i32 : i32, i32
  }
  func.func @transform_2(%arg0: i32) -> (i32, i32) {
    %c0_i32 = arith.constant 0 : i32
    %c0_i32_0 = arith.constant 0 : i32
    return %arg0, %c0_i32 : i32, i32
  }
  func.func @transform_3(%arg0: i32) -> (i32, i32, i32) {
    %c0_i32 = arith.constant 0 : i32
    %c0_i32_0 = arith.constant 0 : i32
    %c0_i32_1 = arith.constant 0 : i32
    return %c0_i32, %arg0, %c0_i32_0 : i32, i32, i32
  }
}

</mosaic_0001>

<sc_bundles>
// kernel: _kjt.4.cloned.1.call-start
scs
__scs_entry_jumppad:
0x0: {  	(pc) =	sbr.rel $0x88, $3  }
0x1: {  	(tag) =	ssettag $0x0;
	lr =	simm.s32 $0x1  }
0x2: {  	[smem:$0x3F9B] =	sst lr;
	_ =	strace $0xD0000000  }
0x3: {  	_ = 	snop  }
0x4: {  	_ = 	snop  }
0x5: {  	_ = 	snop  }
0x6: {  	_ = 	snop  }
0x7: {  	_ = 	snop  }
__scs_overlays_trampoline_lowered:
0x8: {  	[smem:$0x3FAA] =	sst s0  }
0x9: {  	[smem:$0x3FAB] =	sst s1  }
0xa: {  	[smem:$0x3FAC] =	sst s2  }
0xb: {  	[smem:$0x3FAD] =	sst s3  }
0xc: {  	[smem:$0x3FAE] =	sst s4  }
0xd: {  	[smem:$0x3FAF] =	sst s5  }
0xe: {  	[smem:$0x3FB0] =	sst s6  }
0xf: {  	[smem:$0x3FB1] =	sst s7  }
0x10: {  	[smem:$0x3FB2] =	sst s8  }
0x11: {  	[smem:$0x3FB3] =	sst s9;
	s0 =	simm.s32 @!p0 $0x0  }
0x12: {  	s1 =	sld [smem:$0x3F99];
	s0 =	simm.s32 @p0 $0x1  }
0x13: {  	[smem:$0x3FB4] =	sst s0;
	s0 =	simm.s32 @!p1 $0x0  }
0x14: {  	s2 =	sld [smem:$0x3F98];
	s0 =	simm.s32 @p1 $0x1  }
0x15: {  	[smem:$0x3FB5] =	sst s0;
	s0 =	simm.s32 @!p2 $0x0  }
0x16: {  	s3 =	sld [smem:$0x3FDB];
	s0 =	simm.s32 @p2 $0x1  }
0x17: {  	s4 =	simm.s32 $0x1BF5;
	[smem:$0x3FB7] =	sst s0  }
0x18: {  	s0 =	sld [smem:$0x3F9A];
	_ =	swait.ge [sflag:s4], $0x0  }
0x19: {  	s7 =	sld [smem:$0x3F9B]  }
0x1a: {  	s8 =	sadd.s32 $0xFFFFE003, lr  }
0x1b: {  	s9 =	sadd.s32 $0xFFFFFEF7, lr;
	s5 =	simm.s32 $0xFFFFFFFF;
	p2 =	slt.u32 s8, $0xFFFFF086  }
0x1c: {  	p1 =	slt.u32 s9, $0xF7A;
	s5 =	simm.s32 @!p2 $0x0  }
0x1d: {  	s5 =	simm.s32 @p1 $0x1;
	p0 =	seq.s32 s7, s2  }
0x1e: {  	s7 =	smul.u32 @!p0 $0xF7A, s2;
	p2 =	seq.s32 @!p0 s5, $0x0  }
0x1f: {  	s9 =	smul.u32 $0xF7A, s1;
	s8 =	simm.s32 @!p0 $0x1BF5;
	p2 =	por !p2, p0  }
0x20: {  	[sflag:s8] =	ssyncset.s32 @!p0 $0xFFFFF086;
	s6 =	sadd.s32 @!p0 s3, s7;
	s7 =	simm.s32 @!p0 $0x108  }
0x21: {  	s3 =	sadd.s32 s3, s9;
	s6 =	sadd.s32 @!p0 $0x88, s6;
	s7 =	simm.s32 @p2 $0x1082  }
0x22: {  	[simem:s7], [sflag:s8] =	dma.local @!p0 [hbm:s6], $0xF7A  }
0x23: {  	s9 =	sor.u32 $0xD0000000, s2;
	s6 =	simm.s32 $0x108;
	_ =	swait.ge @!p0 [sflag:s8], $0x0  }
0x24: {  	s3 =	sadd.s32 $0x88, s3;
	s6 =	simm.s32 @!p1 $0x1082;
	[sflag:s4] =	ssyncset.s32 $0xFFFFF086  }
0x25: {  	[simem:s6], [sflag:s4] =	dma.local [hbm:s3], $0xF7A  }
0x26: {  	[smem:$0x3F9B] =	sst s1;
	(tag) =	ssettag s2;
	_ =	strace s9  }
0x27: {  	s1 =	sld [smem:$0x3FAB]  }
0x28: {  	s2 =	sld [smem:$0x3FAC]  }
0x29: {  	s4 =	sld [smem:$0x3FAE]  }
0x2a: {  	p0 =	seq.s32 s5, $0x0;
	s5 =	sld [smem:$0x3FAF]  }
0x2b: {  	s6 =	sld [smem:$0x3FB0]  }
0x2c: {  	s7 =	sld [smem:$0x3FB1]  }
0x2d: {  	s3 =	simm.s32 $0x108;
	s8 =	sld [smem:$0x3FB2]  }
0x2e: {  	s3 =	simm.s32 @!p0 $0x1082;
	s9 =	sld [smem:$0x3FB3]  }
0x2f: {  	lr =	sadd.s32 s0, s3;
	s0 =	sld [smem:$0x3FAA]  }
0x30: {  	s3 =	sld [smem:$0x3FAD]  }
0x31: {  	[smem:$0x3FB6] =	sst s10  }
0x32: {  	s10 =	sld [smem:$0x3FB4];
	_ =	sdelay $0x3  }
0x33: {  	p0 =	seq.s32 s10, $0x1;
	s10 =	sld [smem:$0x3FB6];
	_ =	sdelay $0x3  }
0x34: {  	[smem:$0x3FB6] =	sst s10  }
0x35: {  	s10 =	sld [smem:$0x3FB5];
	_ =	sdelay $0x3  }
0x36: {  	p1 =	seq.s32 s10, $0x1;
	s10 =	sld [smem:$0x3FB6];
	_ =	sdelay $0x3  }
0x37: {  	[smem:$0x3FB6] =	sst s10  }
0x38: {  	s10 =	sld [smem:$0x3FB7]  }
0x39: {  	_ = 	snop;
	(pc) =	sbr.ind lr, $3  }
0x3a: {  	_ = 	snop  }
0x3b: {  	_ = 	snop  }
0x3c: {  	p2 =	seq.s32 s10, $0x1;
	s10 =	sld [smem:$0x3FB6]  }
0x3d: {  	_ =	shalt  }
0x3e: {  	_ =	shalt  }
0x3f: {  	_ =	shalt  }
0x40: {  	_ =	shalt  }
0x41: {  	_ =	shalt  }
0x42: {  	_ =	shalt  }
0x43: {  	_ =	shalt  }
0x44: {  	_ =	shalt  }
0x45: {  	_ =	shalt  }
0x46: {  	_ =	shalt  }
0x47: {  	_ =	shalt  }
0x48: {  	_ =	shalt  }
0x49: {  	_ =	shalt  }
0x4a: {  	_ =	shalt  }
0x4b: {  	_ =	shalt  }
0x4c: {  	_ =	shalt  }
0x4d: {  	_ =	shalt  }
0x4e: {  	_ =	shalt  }
0x4f: {  	_ =	shalt  }
0x50: {  	_ =	shalt  }
0x51: {  	_ =	shalt  }
0x52: {  	_ =	shalt  }
0x53: {  	_ =	shalt  }
0x54: {  	_ =	shalt  }
0x55: {  	_ =	shalt  }
0x56: {  	_ =	shalt  }
0x57: {  	_ =	shalt  }
0x58: {  	_ =	shalt  }
0x59: {  	_ =	shalt  }
0x5a: {  	_ =	shalt  }
0x5b: {  	_ =	shalt  }
0x5c: {  	_ =	shalt  }
0x5d: {  	_ =	shalt  }
0x5e: {  	_ =	shalt  }
0x5f: {  	_ =	shalt  }
0x60: {  	_ =	shalt  }
0x61: {  	_ =	shalt  }
0x62: {  	_ =	shalt  }
0x63: {  	_ =	shalt  }
0x64: {  	_ =	shalt  }
0x65: {  	_ =	shalt  }
0x66: {  	_ =	shalt  }
0x67: {  	_ =	shalt  }
0x68: {  	_ =	shalt  }
0x69: {  	_ =	shalt  }
0x6a: {  	_ =	shalt  }
0x6b: {  	_ =	shalt  }
0x6c: {  	_ =	shalt  }
0x6d: {  	_ =	shalt  }
0x6e: {  	_ =	shalt  }
0x6f: {  	_ =	shalt  }
0x70: {  	_ =	shalt  }
0x71: {  	_ =	shalt  }
0x72: {  	_ =	shalt  }
0x73: {  	_ =	shalt  }
0x74: {  	_ =	shalt  }
0x75: {  	_ =	shalt  }
0x76: {  	_ =	shalt  }
0x77: {  	_ =	shalt  }
0x78: {  	_ =	shalt  }
0x79: {  	_ =	shalt  }
0x7a: {  	_ =	shalt  }
0x7b: {  	_ =	shalt  }
0x7c: {  	_ =	shalt  }
0x7d: {  	_ =	shalt  }
0x7e: {  	_ =	shalt  }
0x7f: {  	_ =	shalt  }
0x80: {  	_ =	shalt  }
0x81: {  	_ =	shalt  }
0x82: {  	_ =	shalt  }
0x83: {  	_ =	shalt  }
0x84: {  	_ =	shalt  }
0x85: {  	_ =	shalt  }
0x86: {  	_ =	shalt  }
0x87: {  	_ =	shalt  }
.Lfunc_end0:
.L_simem_size_0:
called_computation_lowered:
.L_overlay_start_0:
0x88: {  	s0 =	sld [smem:$0x3FD9]  }
0x89: {  	s1 =	sld [smem:$0x3FFE];
	_ =	sdelay $0x3  }
0x8a: {  	s0 =	sadd.s32 s1, s0  }
0x8b: {  	[smem:$0x3FC2] =	sst s0  }
0x8c: {  	_ = 	snop  }
0x8d: {  	s0 =	sld [smem:$0x3FD0]  }
0x8e: {  	s14 =	sld [smem:$0x3FC9]  }
0x8f: {  	s2 =	sld [smem:$0x3FC8]  }
0x90: {  	s4 =	simm.s32 $0xA;
	s5 =	simm.s32 $0x10;
	s3 =	sld [smem:$0x3FC7]  }
0x91: {  	[smem:s5], [sflag:s4] =	dma.local [hbm:s0], $0x1  }
0x92: {  	_ =	swait.eq [sflag:s4], $0x1  }
0x93: {  	[sflag:s4] =	ssyncset.done $0x0  }
0x94: {  	s15 =	sld [smem:$0x11];
	[sflag:s4] =	ssyncadd.s32 $0xFFFFFFFF  }
0x95: {  	s16 =	sld [smem:$0x12];
	(tm) =	ssettm $0x1  }
0x96: {  	s17 =	sld [smem:$0x3FFB];
	_ =	sdelay $0x3  }
0x97: {  	_ =	strace s17  }
0x98: {  	s5 =	sld [smem:$0x3FFC];
	_ =	sdelay $0x3  }
0x99: {  	_ =	strace s5  }
0x9a: {  	s5 =	sld [smem:$0x3FFD];
	_ =	sdelay $0x3  }
0x9b: {  	_ =	strace s5  }
0x9c: {  	_ =	strace $0x8FFFFFFF  }
0x9d: {  	s18 =	sld [smem:$0x3FDB];
	_ =	sdelay $0x1  }
0x9e: {  	s6 =	simm.s32 $_scs_section_size  }
0x9f: {  	s7 =	simm.s32 $_size__tile_overlayer_lowered;
	s8 =	simm.s32 $_tile_overlayer_lowered  }
0xa0: {  	s21 =	simm.s32 $0x1BFF;
	s20 =	sshll.u32 s8, $0x1;
	s5 =	sadd.s32 s6, s18  }
0xa1: {  	s9 =	simm.s32 $0x0;
	s19 =	sshll.u32 s7, $0x1;
	s7 =	sadd.s32 s20, s5  }
0xa2: {  	[timem:s9], [sflag:s21] =	dma.local [hbm:s7], s19  }
0xa3: {  	_ =	swait.ge [sflag:s21], s19  }
0xa4: {  	s6 =	ssub.s32 $0x0, s19;
	[sflag:s21] =	ssyncset.done $0x0  }
0xa5: {  	[sflag:s21] =	ssyncadd.s32 s6;
	_ =	sdelay $0x1  }
0xa6: {  	s22 =	simm.s32 $0x1B8B  }
0xa7: {  	_ =	swait.ge [sflag:s22], $0x1  }
0xa8: {  	[sflag:s22] =	ssyncset.done $0x0  }
0xa9: {  	s23 =	simm.s32 $0x1B8E;
	[sflag:s22] =	ssyncadd.s32 $0xFFFFFFFF  }
0xaa: {  	s24 =	simm.s32 $execute0_lowered;
	[smem:$0x3FD2] =	sst s23  }
0xab: {  	s6 =	sshll.u32 s24, $0x1;
	_ =	strace $0x80000046;
	[dreg:$0x1] =	wrdreg $0xFFFFFFFF  }
0xac: {  	s25 =	simm.s32 $_size_execute0_lowered;
	s5 =	sadd.s32 s5, s6;
	[dreg:$0x0] =	wrdreg $0x0  }
0xad: {  	s6 =	sshll.u32 s25, $0x1;
	[dreg:$0x2] =	wrdreg s5  }
0xae: {  	[dreg:$0x3] =	wrdreg s6  }
0xaf: {  	[dreg:$0x4] =	wrdreg $0xC0  }
0xb0: {  	_ =	task [dreg:s9], $0x5FFFF  }
0xb1: {  	[dreg:$0x1] =	wrdreg $0xFFFFFFFF  }
0xb2: {  	[dreg:$0x0] =	wrdreg $0x60  }
0xb3: {  	[dreg:$0x2] =	wrdreg s14  }
0xb4: {  	[dreg:$0x3] =	wrdreg s2  }
0xb5: {  	[dreg:$0x4] =	wrdreg s3  }
0xb6: {  	[dreg:$0x5] =	wrdreg s15  }
0xb7: {  	[dreg:$0x6] =	wrdreg s16  }
0xb8: {  	[dreg:$0x7] =	wrdreg $0x9  }
0xb9: {  	_ =	task.clear_ibuf [dreg:s9], $0x8FFFF;
	_ =	strace $0x90000046  }
0xba: {  	s26 =	simm.s32 $0x9;
	_ =	strace $0x80000048  }
0xbb: {  	_ =	swait.ge [sflag:s26], $0x1  }
0xbc: {  	[sflag:s26] =	ssyncadd.s32 $0xFFFFFFFF  }
0xbd: {  	_ =	strace $0x90000048  }
0xbe: {  	_ =	sfence  }
0xbf: {  	s28 =	sld [smem:$0x0];
	_ =	sdelay $0x1  }
0xc0: {  	s29 =	srdreg.scid  }
0xc1: {  	s30 =	sshll.u32 s29, $0xD;
	s31 =	sshrl.u32 s29, $0x2  }
0xc2: {  	s1 =	sand.u32 $0x1, s29;
	s2 =	sand.u32 $0x4000, s30;
	s0 =	sadd.s32 s31, s28  }
0xc3: {  	s1 =	sor.u32 s2, s1;
	s0 =	sshll.u32 s0, $0x11  }
0xc4: {  	s0 =	sor.u32 s0, s1  }
0xc5: {  	s0 =	sadd.s32 $0x8F2B, s0  }
0xc6: {  	[sflag:s0] =	ssyncadd.remote.s32 $0x1  }
0xc7: {  	_ =	sfence.sel $0xFFFF  }
0xc8: {  	[dreg:$0x0] =	wrdreg $0xFFFFFFFF;
	(pc) =	sbr.abs _section_cstart, $3  }
0xc9: {  	[dreg:$0x1] =	wrdreg $0xFFFFFFFF  }
0xca: {  	_ =	task.clear_ibuf [dreg:s9], $0x2FFFF;
	_ =	strace $0x9FFFFFFF  }
0xcb: {  	(tm) =	ssettm $0x7FFFFFFF  }
tec
execute0_lowered:
.L_overlay_start_1:
0x0: {  	(tag) =	ssettag $0x1  }
0x1: {  	s0 =	stileid.u32  }
0x2: {  	s1 =	sshll.u32 s0, $0xA  }
0x3: {  	s1 =	sadd.s32 $0x400, s1  }
0x4: {  	s6 =	rddreg [dreg:$0x0];
	vm0 =	vcmask $0x300;
	v0 =	vmov s1  }
0x5: {  	s7 =	rddreg [dreg:$0x1];
	vm14 =	vcmask $0x704;
	v0 =	vnsel vm0, $0x4000, v0  }
0x6: {  	s8 =	rddreg [dreg:$0x2];
	v0 =	vsel vm14, $0x0, v0  }
0x7: {  	s4 =	rddreg [dreg:$0x3]  }
0x8: {  	s2 =	rddreg [dreg:$0x4];
	s3 =	simm.s32 $0x0  }
0x9: {  	[smem:$0x7FF] =	sst s3  }
0xa: {  	vm15 =	vmmov $0xffff;
	s9 =	simm.s32 $0x2480;
	s1 =	rddreg [dreg:$0x5];
	_ =	strace $0x80000047  }
0xb: {  	[tilespmem:s9], [sflag:$0x1] =	stream.indirect_vreg.gather [hbm4b:s6+s3], $0x1, v0, vm15, $0xb8;
	[tilespmem:$0x2700] =	vst v63  }
0xc: {  	s10 =	simm.s32 $0x2500  }
0xd: {  	[tilespmem:s10], [sflag:$0x1] =	stream.indirect_vreg.gather [hbm4b:s7+s3], $0x1, v0, vm15, $0xb8;
	[tilespmem:$0x2700] =	vst v63  }
0xe: {  	s11 =	simm.s32 $0x2580;
	s5 =	sshll.u32 s0, $0x7  }
0xf: {  	[tilespmem:s11], [sflag:$0x1] =	stream.indirect_vreg.gather [hbm4b:s8+s3], $0x1, v0, vm15, $0xb8;
	[tilespmem:$0x2700] =	vst v63  }
0x10: {  	s6 =	sadd.s32 s6, s5  }
0x11: {  	[tilespmem:s3], [sflag:$0x2] =	stream.linear.gather [hbm4b:s6+s3], $0x400, $0x38;
	[tilespmem:$0x2700] =	vst v63  }
0x12: {  	s14 =	simm.s32 $0x410;
	s13 =	sadd.s32 s7, s5  }
0x13: {  	[tilespmem:s14], [sflag:$0x2] =	stream.linear.gather [hbm4b:s13+s3], $0x400, $0x38;
	[tilespmem:$0x2700] =	vst v63  }
0x14: {  	s16 =	simm.s32 $0x820;
	s17 =	simm.s32 $0x1;
	s15 =	sadd.s32 s8, s5  }
0x15: {  	[tilespmem:s16], [sflag:$0x2] =	stream.linear.gather [hbm4b:s15+s3], $0x400, $0x38;
	[tilespmem:$0x2700] =	vst v63  }
0x16: {  	_ =	swait.ge [sflag:s17], $0x10  }
0x17: {  	[sflag:s17] =	ssyncset.done $0x0  }
0x18: {  	[sflag:s17] =	ssyncadd.s32 $0xFFFFFFF0  }
0x19: {  	_ =	swait.ge [sflag:s17], $0x10  }
0x1a: {  	v49 =	vimm.s32 $0x1;
	[sflag:s17] =	ssyncset.done $0x0  }
0x1b: {  	[sflag:s17] =	ssyncadd.s32 $0xFFFFFFF0  }
0x1c: {  	_ =	swait.ge [sflag:s17], $0x10  }
0x1d: {  	v1 =	vimm.s32 $0x2;
	[sflag:s17] =	ssyncset.done $0x0  }
0x1e: {  	[sflag:s17] =	ssyncadd.s32 $0xFFFFFFF0  }
0x1f: {  	v5 =	vld.idx.msk [tilespmem:v49+s9+$0x0], $0xffff  }
0x20: {  	v2 =	vld.idx.msk [tilespmem:v49+s10+$0x0], $0xffff  }
0x21: {  	v4 =	vld.idx.msk [tilespmem:v49+s11+$0x0], $0xffff  }
0x22: {  	v6 =	vld.idx.msk [tilespmem:v1+s9+$0x0], $0xffff  }
0x23: {  	s18 =	simm.s32 $0x2;
	v3 =	vld.idx.msk [tilespmem:v1+s10+$0x0], $0xffff  }
0x24: {  	v0 =	vld.idx.msk [tilespmem:v1+s11+$0x0], $0xffff;
	_ =	swait.ge [sflag:s18], $0x400  }
0x25: {  	[sflag:s18] =	ssyncset.done $0x0  }
0x26: {  	[sflag:s18] =	ssyncadd.s32 $0xFFFFFC00  }
0x27: {  	v1 =	vlaneseq.u32;
	v7 =	vld [tilespmem:$0x2480]  }
0x28: {  	v8 =	vadd.s32 $0x1, v1;
	_ =	sdelay $0x3  }
0x29: {  	v50 =	vld [tilespmem:$0x0];
	[tilespmem:$0x400] =	vst v7  }
0x2a: {  	v8 =	vld.idx.msk [tilespmem:v8+s3+$0x0], $0xffff;
	_ =	sdelay $0x1  }
0x2b: {  	v9 =	vadd.s32 $0x11, v1;
	_ =	sdelay $0x1  }
0x2c: {  	v7 =	vsub.s32 v50, v5  }
0x2d: {  	[tilespmem:$0x1880] =	vst v7;
	v8 =	vsub.s32 v8, v50  }
0x2e: {  	v51 =	vld [tilespmem:$0x10];
	[tilespmem:$0xC80] =	vst v8  }
0x2f: {  	v8 =	vld.idx.msk [tilespmem:v9+s3+$0x0], $0xffff;
	_ =	sdelay $0x1  }
0x30: {  	v52 =	vadd.s32 $0x21, v1;
	_ =	sdelay $0x1  }
0x31: {  	v7 =	vsub.s32 v51, v5  }
0x32: {  	[tilespmem:$0x1890] =	vst v7;
	v8 =	vsub.s32 v8, v51  }
0x33: {  	v53 =	vld [tilespmem:$0x20];
	[tilespmem:$0xC90] =	vst v8  }
0x34: {  	v8 =	vld.idx.msk [tilespmem:v52+s3+$0x0], $0xffff;
	_ =	sdelay $0x1  }
0x35: {  	v54 =	vadd.s32 $0x31, v1;
	_ =	sdelay $0x1  }
0x36: {  	v7 =	vsub.s32 v53, v5  }
0x37: {  	[tilespmem:$0x18A0] =	vst v7;
	v8 =	vsub.s32 v8, v53  }
0x38: {  	v55 =	vld [tilespmem:$0x30];
	[tilespmem:$0xCA0] =	vst v8  }
0x39: {  	v8 =	vld.idx.msk [tilespmem:v54+s3+$0x0], $0xffff;
	_ =	sdelay $0x1  }
0x3a: {  	v56 =	vadd.s32 $0x41, v1;
	_ =	sdelay $0x1  }
0x3b: {  	v7 =	vsub.s32 v55, v5  }
0x3c: {  	[tilespmem:$0x18B0] =	vst v7;
	v8 =	vsub.s32 v8, v55  }
0x3d: {  	v57 =	vld [tilespmem:$0x40];
	[tilespmem:$0xCB0] =	vst v8  }
0x3e: {  	v8 =	vld.idx.msk [tilespmem:v56+s3+$0x0], $0xffff;
	_ =	sdelay $0x1  }
0x3f: {  	v58 =	vadd.s32 $0x51, v1;
	_ =	sdelay $0x1  }
0x40: {  	v7 =	vsub.s32 v57, v5  }
0x41: {  	[tilespmem:$0x18C0] =	vst v7;
	v8 =	vsub.s32 v8, v57  }
0x42: {  	v59 =	vld [tilespmem:$0x50];
	[tilespmem:$0xCC0] =	vst v8  }
0x43: {  	v8 =	vld.idx.msk [tilespmem:v58+s3+$0x0], $0xffff;
	_ =	sdelay $0x1  }
0x44: {  	v60 =	vadd.s32 $0x61, v1;
	_ =	sdelay $0x1  }
0x45: {  	v7 =	vsub.s32 v59, v5  }
0x46: {  	[tilespmem:$0x18D0] =	vst v7;
	v8 =	vsub.s32 v8, v59  }
0x47: {  	v61 =	vld [tilespmem:$0x60];
	[tilespmem:$0xCD0] =	vst v8  }
0x48: {  	v8 =	vld.idx.msk [tilespmem:v60+s3+$0x0], $0xffff;
	_ =	sdelay $0x1  }
0x49: {  	v62 =	vadd.s32 $0x71, v1;
	_ =	sdelay $0x1  }
0x4a: {  	v7 =	vsub.s32 v61, v5  }
0x4b: {  	[tilespmem:$0x18E0] =	vst v7;
	v8 =	vsub.s32 v8, v61  }
0x4c: {  	v63 =	vld [tilespmem:$0x70];
	[tilespmem:$0xCE0] =	vst v8  }
0x4d: {  	v8 =	vld.idx.msk [tilespmem:v62+s3+$0x0], $0xffff;
	_ =	sdelay $0x1  }
0x4e: {  	v12 =	vadd.s32 $0x81, v1;
	_ =	sdelay $0x1  }
0x4f: {  	v7 =	vsub.s32 v63, v5  }
0x50: {  	[tilespmem:$0x18F0] =	vst v7;
	v8 =	vsub.s32 v8, v63  }
0x51: {  	v13 =	vld [tilespmem:$0x80];
	[tilespmem:$0xCF0] =	vst v8  }
0x52: {  	v8 =	vld.idx.msk [tilespmem:v12+s3+$0x0], $0xffff;
	_ =	sdelay $0x1  }
0x53: {  	v14 =	vadd.s32 $0x91, v1;
	_ =	sdelay $0x1  }
0x54: {  	v7 =	vsub.s32 v13, v5  }
0x55: {  	[tilespmem:$0x1900] =	vst v7;
	v8 =	vsub.s32 v8, v13  }
0x56: {  	v15 =	vld [tilespmem:$0x90];
	[tilespmem:$0xD00] =	vst v8  }
0x57: {  	v8 =	vld.idx.msk [tilespmem:v14+s3+$0x0], $0xffff;
	_ =	sdelay $0x1  }
0x58: {  	v16 =	vadd.s32 $0xA1, v1;
	_ =	sdelay $0x1  }
0x59: {  	v7 =	vsub.s32 v15, v5  }
0x5a: {  	[tilespmem:$0x1910] =	vst v7;
	v8 =	vsub.s32 v8, v15  }
0x5b: {  	v17 =	vld [tilespmem:$0xA0];
	[tilespmem:$0xD10] =	vst v8  }
0x5c: {  	v8 =	vld.idx.msk [tilespmem:v16+s3+$0x0], $0xffff;
	_ =	sdelay $0x1  }
0x5d: {  	v18 =	vadd.s32 $0xB1, v1;
	_ =	sdelay $0x1  }
0x5e: {  	v7 =	vsub.s32 v17, v5  }
0x5f: {  	[tilespmem:$0x1920] =	vst v7;
	v8 =	vsub.s32 v8, v17  }
0x60: {  	v19 =	vld [tilespmem:$0xB0];
	[tilespmem:$0xD20] =	vst v8  }
0x61: {  	v8 =	vld.idx.msk [tilespmem:v18+s3+$0x0], $0xffff;
	_ =	sdelay $0x1  }
0x62: {  	v20 =	vadd.s32 $0xC1, v1;
	_ =	sdelay $0x1  }
0x63: {  	v7 =	vsub.s32 v19, v5  }
0x64: {  	[tilespmem:$0x1930] =	vst v7;
	v8 =	vsub.s32 v8, v19  }
0x65: {  	v21 =	vld [tilespmem:$0xC0];
	[tilespmem:$0xD30] =	vst v8  }
0x66: {  	v8 =	vld.idx.msk [tilespmem:v20+s3+$0x0], $0xffff;
	_ =	sdelay $0x1  }
0x67: {  	v22 =	vadd.s32 $0xD1, v1;
	_ =	sdelay $0x1  }
0x68: {  	v7 =	vsub.s32 v21, v5  }
0x69: {  	[tilespmem:$0x1940] =	vst v7;
	v8 =	vsub.s32 v8, v21  }
0x6a: {  	v23 =	vld [tilespmem:$0xD0];
	[tilespmem:$0xD40] =	vst v8  }
0x6b: {  	v8 =	vld.idx.msk [tilespmem:v22+s3+$0x0], $0xffff;
	_ =	sdelay $0x1  }
0x6c: {  	v24 =	vadd.s32 $0xE1, v1;
	_ =	sdelay $0x1  }
0x6d: {  	v7 =	vsub.s32 v23, v5  }
0x6e: {  	[tilespmem:$0x1950] =	vst v7;
	v8 =	vsub.s32 v8, v23  }
0x6f: {  	v25 =	vld [tilespmem:$0xE0];
	[tilespmem:$0xD50] =	vst v8  }
0x70: {  	v8 =	vld.idx.msk [tilespmem:v24+s3+$0x0], $0xffff;
	_ =	sdelay $0x1  }
0x71: {  	v26 =	vadd.s32 $0xF1, v1;
	_ =	sdelay $0x1  }
0x72: {  	v7 =	vsub.s32 v25, v5  }
0x73: {  	[tilespmem:$0x1960] =	vst v7;
	v8 =	vsub.s32 v8, v25  }
0x74: {  	v27 =	vld [tilespmem:$0xF0];
	[tilespmem:$0xD60] =	vst v8  }
0x75: {  	v8 =	vld.idx.msk [tilespmem:v26+s3+$0x0], $0xffff;
	_ =	sdelay $0x1  }
0x76: {  	v28 =	vadd.s32 $0x101, v1;
	_ =	sdelay $0x1  }
0x77: {  	v7 =	vsub.s32 v27, v5  }
0x78: {  	[tilespmem:$0x1970] =	vst v7;
	v8 =	vsub.s32 v8, v27  }
0x79: {  	v29 =	vld [tilespmem:$0x100];
	[tilespmem:$0xD70] =	vst v8  }
0x7a: {  	v8 =	vld.idx.msk [tilespmem:v28+s3+$0x0], $0xffff;
	_ =	sdelay $0x1  }
0x7b: {  	v30 =	vadd.s32 $0x111, v1;
	_ =	sdelay $0x1  }
0x7c: {  	v7 =	vsub.s32 v29, v5  }
0x7d: {  	[tilespmem:$0x1980] =	vst v7;
	v8 =	vsub.s32 v8, v29  }
0x7e: {  	v31 =	vld [tilespmem:$0x110];
	[tilespmem:$0xD80] =	vst v8  }
0x7f: {  	v8 =	vld.idx.msk [tilespmem:v30+s3+$0x0], $0xffff;
	_ =	sdelay $0x1  }
0x80: {  	v32 =	vadd.s32 $0x121, v1;
	_ =	sdelay $0x1  }
0x81: {  	v7 =	vsub.s32 v31, v5  }
0x82: {  	[tilespmem:$0x1990] =	vst v7;
	v8 =	vsub.s32 v8, v31  }
0x83: {  	v33 =	vld [tilespmem:$0x120];
	[tilespmem:$0xD90] =	vst v8  }
0x84: {  	v8 =	vld.idx.msk [tilespmem:v32+s3+$0x0], $0xffff;
	_ =	sdelay $0x1  }
0x85: {  	v34 =	vadd.s32 $0x131, v1;
	_ =	sdelay $0x1  }
0x86: {  	v7 =	vsub.s32 v33, v5  }
0x87: {  	[tilespmem:$0x19A0] =	vst v7;
	v8 =	vsub.s32 v8, v33  }
0x88: {  	v35 =	vld [tilespmem:$0x130];
	[tilespmem:$0xDA0] =	vst v8  }
0x89: {  	v8 =	vld.idx.msk [tilespmem:v34+s3+$0x0], $0xffff;
	_ =	sdelay $0x1  }
0x8a: {  	v36 =	vadd.s32 $0x141, v1;
	_ =	sdelay $0x1  }
0x8b: {  	v7 =	vsub.s32 v35, v5  }
0x8c: {  	[tilespmem:$0x19B0] =	vst v7;
	v8 =	vsub.s32 v8, v35  }
0x8d: {  	v37 =	vld [tilespmem:$0x140];
	[tilespmem:$0xDB0] =	vst v8  }
0x8e: {  	v8 =	vld.idx.msk [tilespmem:v36+s3+$0x0], $0xffff;
	_ =	sdelay $0x1  }
0x8f: {  	v38 =	vadd.s32 $0x151, v1;
	_ =	sdelay $0x1  }
0x90: {  	v7 =	vsub.s32 v37, v5  }
0x91: {  	[tilespmem:$0x19C0] =	vst v7;
	v8 =	vsub.s32 v8, v37  }
0x92: {  	v39 =	vld [tilespmem:$0x150];
	[tilespmem:$0xDC0] =	vst v8  }
0x93: {  	v8 =	vld.idx.msk [tilespmem:v38+s3+$0x0], $0xffff;
	_ =	sdelay $0x1  }
0x94: {  	v40 =	vadd.s32 $0x161, v1;
	_ =	sdelay $0x1  }
0x95: {  	v7 =	vsub.s32 v39, v5  }
0x96: {  	[tilespmem:$0x19D0] =	vst v7;
	v8 =	vsub.s32 v8, v39  }
0x97: {  	v41 =	vld [tilespmem:$0x160];
	[tilespmem:$0xDD0] =	vst v8  }
0x98: {  	v8 =	vld.idx.msk [tilespmem:v40+s3+$0x0], $0xffff;
	_ =	sdelay $0x1  }
0x99: {  	v42 =	vadd.s32 $0x171, v1;
	_ =	sdelay $0x1  }
0x9a: {  	v7 =	vsub.s32 v41, v5  }
0x9b: {  	[tilespmem:$0x19E0] =	vst v7;
	v8 =	vsub.s32 v8, v41  }
0x9c: {  	v43 =	vld [tilespmem:$0x170];
	[tilespmem:$0xDE0] =	vst v8  }
0x9d: {  	v8 =	vld.idx.msk [tilespmem:v42+s3+$0x0], $0xffff;
	_ =	sdelay $0x1  }
0x9e: {  	v44 =	vadd.s32 $0x181, v1;
	_ =	sdelay $0x1  }
0x9f: {  	v7 =	vsub.s32 v43, v5  }
0xa0: {  	[tilespmem:$0x19F0] =	vst v7;
	v8 =	vsub.s32 v8, v43  }
0xa1: {  	v45 =	vld [tilespmem:$0x180];
	[tilespmem:$0xDF0] =	vst v8  }
0xa2: {  	v8 =	vld.idx.msk [tilespmem:v44+s3+$0x0], $0xffff;
	_ =	sdelay $0x1  }
0xa3: {  	v46 =	vadd.s32 $0x191, v1;
	_ =	sdelay $0x1  }
0xa4: {  	v7 =	vsub.s32 v45, v5  }
0xa5: {  	[tilespmem:$0x1A00] =	vst v7;
	v8 =	vsub.s32 v8, v45  }
0xa6: {  	v47 =	vld [tilespmem:$0x190];
	[tilespmem:$0xE00] =	vst v8  }
0xa7: {  	v8 =	vld.idx.msk [tilespmem:v46+s3+$0x0], $0xffff;
	_ =	sdelay $0x1  }
0xa8: {  	v48 =	vadd.s32 $0x1A1, v1;
	_ =	sdelay $0x1  }
0xa9: {  	v7 =	vsub.s32 v47, v5  }
0xaa: {  	[tilespmem:$0x1A10] =	vst v7;
	v8 =	vsub.s32 v8, v47  }
0xab: {  	v49 =	vld [tilespmem:$0x1A0];
	[tilespmem:$0xE10] =	vst v8  }
0xac: {  	v8 =	vld.idx.msk [tilespmem:v48+s3+$0x0], $0xffff;
	_ =	sdelay $0x1  }
0xad: {  	v50 =	vadd.s32 $0x1B1, v1;
	_ =	sdelay $0x1  }
0xae: {  	v7 =	vsub.s32 v49, v5  }
0xaf: {  	[tilespmem:$0x1A20] =	vst v7;
	v8 =	vsub.s32 v8, v49  }
0xb0: {  	v51 =	vld [tilespmem:$0x1B0];
	[tilespmem:$0xE20] =	vst v8  }
0xb1: {  	v8 =	vld.idx.msk [tilespmem:v50+s3+$0x0], $0xffff;
	_ =	sdelay $0x1  }
0xb2: {  	v52 =	vadd.s32 $0x1C1, v1;
	_ =	sdelay $0x1  }
0xb3: {  	v7 =	vsub.s32 v51, v5  }
0xb4: {  	[tilespmem:$0x1A30] =	vst v7;
	v8 =	vsub.s32 v8, v51  }
0xb5: {  	v53 =	vld [tilespmem:$0x1C0];
	[tilespmem:$0xE30] =	vst v8  }
0xb6: {  	v8 =	vld.idx.msk [tilespmem:v52+s3+$0x0], $0xffff;
	_ =	sdelay $0x1  }
0xb7: {  	v54 =	vadd.s32 $0x1D1, v1;
	_ =	sdelay $0x1  }
0xb8: {  	v7 =	vsub.s32 v53, v5  }
0xb9: {  	[tilespmem:$0x1A40] =	vst v7;
	v8 =	vsub.s32 v8, v53  }
0xba: {  	v55 =	vld [tilespmem:$0x1D0];
	[tilespmem:$0xE40] =	vst v8  }
0xbb: {  	v8 =	vld.idx.msk [tilespmem:v54+s3+$0x0], $0xffff;
	_ =	sdelay $0x1  }
0xbc: {  	v56 =	vadd.s32 $0x1E1, v1;
	_ =	sdelay $0x1  }
0xbd: {  	v7 =	vsub.s32 v55, v5  }
0xbe: {  	[tilespmem:$0x1A50] =	vst v7;
	v8 =	vsub.s32 v8, v55  }
0xbf: {  	v57 =	vld [tilespmem:$0x1E0];
	[tilespmem:$0xE50] =	vst v8  }
0xc0: {  	v8 =	vld.idx.msk [tilespmem:v56+s3+$0x0], $0xffff;
	_ =	sdelay $0x1  }
0xc1: {  	v58 =	vadd.s32 $0x1F1, v1;
	_ =	sdelay $0x1  }
0xc2: {  	v7 =	vsub.s32 v57, v5  }
0xc3: {  	[tilespmem:$0x1A60] =	vst v7;
	v8 =	vsub.s32 v8, v57  }
0xc4: {  	v59 =	vld [tilespmem:$0x1F0];
	[tilespmem:$0xE60] =	vst v8  }
0xc5: {  	v8 =	vld.idx.msk [tilespmem:v58+s3+$0x0], $0xffff;
	_ =	sdelay $0x1  }
0xc6: {  	v60 =	vadd.s32 $0x201, v1;
	_ =	sdelay $0x1  }
0xc7: {  	v7 =	vsub.s32 v59, v5  }
0xc8: {  	[tilespmem:$0x1A70] =	vst v7;
	v8 =	vsub.s32 v8, v59  }
0xc9: {  	v61 =	vld [tilespmem:$0x200];
	[tilespmem:$0xE70] =	vst v8  }
0xca: {  	v8 =	vld.idx.msk [tilespmem:v60+s3+$0x0], $0xffff;
	_ =	sdelay $0x1  }
0xcb: {  	v62 =	vadd.s32 $0x211, v1;
	_ =	sdelay $0x1  }
0xcc: {  	v7 =	vsub.s32 v61, v5  }
0xcd: {  	[tilespmem:$0x1A80] =	vst v7;
	v8 =	vsub.s32 v8, v61  }
0xce: {  	v63 =	vld [tilespmem:$0x210];
	[tilespmem:$0xE80] =	vst v8  }
0xcf: {  	v8 =	vld.idx.msk [tilespmem:v62+s3+$0x0], $0xffff;
	_ =	sdelay $0x1  }
0xd0: {  	v12 =	vadd.s32 $0x221, v1;
	_ =	sdelay $0x1  }
0xd1: {  	v7 =	vsub.s32 v63, v5  }
0xd2: {  	[tilespmem:$0x1A90] =	vst v7;
	v8 =	vsub.s32 v8, v63  }
0xd3: {  	v13 =	vld [tilespmem:$0x220];
	[tilespmem:$0xE90] =	vst v8  }
0xd4: {  	v8 =	vld.idx.msk [tilespmem:v12+s3+$0x0], $0xffff;
	_ =	sdelay $0x1  }
0xd5: {  	v14 =	vadd.s32 $0x231, v1;
	_ =	sdelay $0x1  }
0xd6: {  	v7 =	vsub.s32 v13, v5  }
0xd7: {  	[tilespmem:$0x1AA0] =	vst v7;
	v8 =	vsub.s32 v8, v13  }
0xd8: {  	v15 =	vld [tilespmem:$0x230];
	[tilespmem:$0xEA0] =	vst v8  }
0xd9: {  	v8 =	vld.idx.msk [tilespmem:v14+s3+$0x0], $0xffff;
	_ =	sdelay $0x1  }
0xda: {  	v16 =	vadd.s32 $0x241, v1;
	_ =	sdelay $0x1  }
0xdb: {  	v7 =	vsub.s32 v15, v5  }
0xdc: {  	[tilespmem:$0x1AB0] =	vst v7;
	v8 =	vsub.s32 v8, v15  }
0xdd: {  	v17 =	vld [tilespmem:$0x240];
	[tilespmem:$0xEB0] =	vst v8  }
0xde: {  	v8 =	vld.idx.msk [tilespmem:v16+s3+$0x0], $0xffff;
	_ =	sdelay $0x1  }
0xdf: {  	v18 =	vadd.s32 $0x251, v1;
	_ =	sdelay $0x1  }
0xe0: {  	v7 =	vsub.s32 v17, v5  }
0xe1: {  	[tilespmem:$0x1AC0] =	vst v7;
	v8 =	vsub.s32 v8, v17  }
0xe2: {  	v19 =	vld [tilespmem:$0x250];
	[tilespmem:$0xEC0] =	vst v8  }
0xe3: {  	v8 =	vld.idx.msk [tilespmem:v18+s3+$0x0], $0xffff;
	_ =	sdelay $0x1  }
0xe4: {  	v20 =	vadd.s32 $0x261, v1;
	_ =	sdelay $0x1  }
0xe5: {  	v7 =	vsub.s32 v19, v5  }
0xe6: {  	[tilespmem:$0x1AD0] =	vst v7;
	v8 =	vsub.s32 v8, v19  }
0xe7: {  	v21 =	vld [tilespmem:$0x260];
	[tilespmem:$0xED0] =	vst v8  }
0xe8: {  	v8 =	vld.idx.msk [tilespmem:v20+s3+$0x0], $0xffff;
	_ =	sdelay $0x1  }
0xe9: {  	v22 =	vadd.s32 $0x271, v1;
	_ =	sdelay $0x1  }
0xea: {  	v7 =	vsub.s32 v21, v5  }
0xeb: {  	[tilespmem:$0x1AE0] =	vst v7;
	v8 =	vsub.s32 v8, v21  }
0xec: {  	v23 =	vld [tilespmem:$0x270];
	[tilespmem:$0xEE0] =	vst v8  }
0xed: {  	v8 =	vld.idx.msk [tilespmem:v22+s3+$0x0], $0xffff;
	_ =	sdelay $0x1  }
0xee: {  	v24 =	vadd.s32 $0x281, v1;
	_ =	sdelay $0x1  }
0xef: {  	v7 =	vsub.s32 v23, v5  }
0xf0: {  	[tilespmem:$0x1AF0] =	vst v7;
	v8 =	vsub.s32 v8, v23  }
0xf1: {  	v25 =	vld [tilespmem:$0x280];
	[tilespmem:$0xEF0] =	vst v8  }
0xf2: {  	v8 =	vld.idx.msk [tilespmem:v24+s3+$0x0], $0xffff;
	_ =	sdelay $0x1  }
0xf3: {  	v26 =	vadd.s32 $0x291, v1;
	_ =	sdelay $0x1  }
0xf4: {  	v7 =	vsub.s32 v25, v5  }
0xf5: {  	[tilespmem:$0x1B00] =	vst v7;
	v8 =	vsub.s32 v8, v25  }
0xf6: {  	v27 =	vld [tilespmem:$0x290];
	[tilespmem:$0xF00] =	vst v8  }
0xf7: {  	v8 =	vld.idx.msk [tilespmem:v26+s3+$0x0], $0xffff;
	_ =	sdelay $0x1  }
0xf8: {  	v28 =	vadd.s32 $0x2A1, v1;
	_ =	sdelay $0x1  }
0xf9: {  	v7 =	vsub.s32 v27, v5  }
0xfa: {  	[tilespmem:$0x1B10] =	vst v7;
	v8 =	vsub.s32 v8, v27  }
0xfb: {  	v29 =	vld [tilespmem:$0x2A0];
	[tilespmem:$0xF10] =	vst v8  }
0xfc: {  	v8 =	vld.idx.msk [tilespmem:v28+s3+$0x0], $0xffff;
	_ =	sdelay $0x1  }
0xfd: {  	v30 =	vadd.s32 $0x2B1, v1;
	_ =	sdelay $0x1  }
0xfe: {  	v7 =	vsub.s32 v29, v5  }
0xff: {  	[tilespmem:$0x1B20] =	vst v7;
	v8 =	vsub.s32 v8, v29  }
0x100: {  	v31 =	vld [tilespmem:$0x2B0];
	[tilespmem:$0xF20] =	vst v8  }
0x101: {  	v8 =	vld.idx.msk [tilespmem:v30+s3+$0x0], $0xffff;
	_ =	sdelay $0x1  }
0x102: {  	v32 =	vadd.s32 $0x2C1, v1;
	_ =	sdelay $0x1  }
0x103: {  	v7 =	vsub.s32 v31, v5  }
0x104: {  	[tilespmem:$0x1B30] =	vst v7;
	v8 =	vsub.s32 v8, v31  }
0x105: {  	v33 =	vld [tilespmem:$0x2C0];
	[tilespmem:$0xF30] =	vst v8  }
0x106: {  	v8 =	vld.idx.msk [tilespmem:v32+s3+$0x0], $0xffff;
	_ =	sdelay $0x1  }
0x107: {  	v34 =	vadd.s32 $0x2D1, v1;
	_ =	sdelay $0x1  }
0x108: {  	v7 =	vsub.s32 v33, v5  }
0x109: {  	[tilespmem:$0x1B40] =	vst v7;
	v8 =	vsub.s32 v8, v33  }
0x10a: {  	v35 =	vld [tilespmem:$0x2D0];
	[tilespmem:$0xF40] =	vst v8  }
0x10b: {  	v8 =	vld.idx.msk [tilespmem:v34+s3+$0x0], $0xffff;
	_ =	sdelay $0x1  }
0x10c: {  	v36 =	vadd.s32 $0x2E1, v1;
	_ =	sdelay $0x1  }
0x10d: {  	v7 =	vsub.s32 v35, v5  }
0x10e: {  	[tilespmem:$0x1B50] =	vst v7;
	v8 =	vsub.s32 v8, v35  }
0x10f: {  	v37 =	vld [tilespmem:$0x2E0];
	[tilespmem:$0xF50] =	vst v8  }
0x110: {  	v8 =	vld.idx.msk [tilespmem:v36+s3+$0x0], $0xffff;
	_ =	sdelay $0x1  }
0x111: {  	v38 =	vadd.s32 $0x2F1, v1;
	_ =	sdelay $0x1  }
0x112: {  	v7 =	vsub.s32 v37, v5  }
0x113: {  	[tilespmem:$0x1B60] =	vst v7;
	v8 =	vsub.s32 v8, v37  }
0x114: {  	v39 =	vld [tilespmem:$0x2F0];
	[tilespmem:$0xF60] =	vst v8  }
0x115: {  	v8 =	vld.idx.msk [tilespmem:v38+s3+$0x0], $0xffff;
	_ =	sdelay $0x1  }
0x116: {  	v40 =	vadd.s32 $0x301, v1;
	_ =	sdelay $0x1  }
0x117: {  	v7 =	vsub.s32 v39, v5  }
0x118: {  	[tilespmem:$0x1B70] =	vst v7;
	v8 =	vsub.s32 v8, v39  }
0x119: {  	v41 =	vld [tilespmem:$0x300];
	[tilespmem:$0xF70] =	vst v8  }
0x11a: {  	v8 =	vld.idx.msk [tilespmem:v40+s3+$0x0], $0xffff;
	_ =	sdelay $0x1  }
0x11b: {  	v42 =	vadd.s32 $0x311, v1;
	_ =	sdelay $0x1  }
0x11c: {  	v7 =	vsub.s32 v41, v5  }
0x11d: {  	[tilespmem:$0x1B80] =	vst v7;
	v8 =	vsub.s32 v8, v41  }
0x11e: {  	v43 =	vld [tilespmem:$0x310];
	[tilespmem:$0xF80] =	vst v8  }
0x11f: {  	v8 =	vld.idx.msk [tilespmem:v42+s3+$0x0], $0xffff;
	_ =	sdelay $0x1  }
0x120: {  	v44 =	vadd.s32 $0x321, v1;
	_ =	sdelay $0x1  }
0x121: {  	v7 =	vsub.s32 v43, v5  }
0x122: {  	[tilespmem:$0x1B90] =	vst v7;
	v8 =	vsub.s32 v8, v43  }
0x123: {  	v45 =	vld [tilespmem:$0x320];
	[tilespmem:$0xF90] =	vst v8  }
0x124: {  	v8 =	vld.idx.msk [tilespmem:v44+s3+$0x0], $0xffff;
	_ =	sdelay $0x1  }
0x125: {  	v46 =	vadd.s32 $0x331, v1;
	_ =	sdelay $0x1  }
0x126: {  	v7 =	vsub.s32 v45, v5  }
0x127: {  	[tilespmem:$0x1BA0] =	vst v7;
	v8 =	vsub.s32 v8, v45  }
0x128: {  	v47 =	vld [tilespmem:$0x330];
	[tilespmem:$0xFA0] =	vst v8  }
0x129: {  	v8 =	vld.idx.msk [tilespmem:v46+s3+$0x0], $0xffff;
	_ =	sdelay $0x1  }
0x12a: {  	v48 =	vadd.s32 $0x341, v1;
	_ =	sdelay $0x1  }
0x12b: {  	v7 =	vsub.s32 v47, v5  }
0x12c: {  	[tilespmem:$0x1BB0] =	vst v7;
	v8 =	vsub.s32 v8, v47  }
0x12d: {  	v49 =	vld [tilespmem:$0x340];
	[tilespmem:$0xFB0] =	vst v8  }
0x12e: {  	v8 =	vld.idx.msk [tilespmem:v48+s3+$0x0], $0xffff;
	_ =	sdelay $0x1  }
0x12f: {  	v50 =	vadd.s32 $0x351, v1;
	_ =	sdelay $0x1  }
0x130: {  	v7 =	vsub.s32 v49, v5  }
0x131: {  	[tilespmem:$0x1BC0] =	vst v7;
	v8 =	vsub.s32 v8, v49  }
0x132: {  	v51 =	vld [tilespmem:$0x350];
	[tilespmem:$0xFC0] =	vst v8  }
0x133: {  	v8 =	vld.idx.msk [tilespmem:v50+s3+$0x0], $0xffff;
	_ =	sdelay $0x1  }
0x134: {  	v52 =	vadd.s32 $0x361, v1;
	_ =	sdelay $0x1  }
0x135: {  	v7 =	vsub.s32 v51, v5  }
0x136: {  	[tilespmem:$0x1BD0] =	vst v7;
	v8 =	vsub.s32 v8, v51  }
0x137: {  	v53 =	vld [tilespmem:$0x360];
	[tilespmem:$0xFD0] =	vst v8  }
0x138: {  	v8 =	vld.idx.msk [tilespmem:v52+s3+$0x0], $0xffff;
	_ =	sdelay $0x1  }
0x139: {  	v54 =	vadd.s32 $0x371, v1;
	_ =	sdelay $0x1  }
0x13a: {  	v7 =	vsub.s32 v53, v5  }
0x13b: {  	[tilespmem:$0x1BE0] =	vst v7;
	v8 =	vsub.s32 v8, v53  }
0x13c: {  	v55 =	vld [tilespmem:$0x370];
	[tilespmem:$0xFE0] =	vst v8  }
0x13d: {  	v8 =	vld.idx.msk [tilespmem:v54+s3+$0x0], $0xffff;
	_ =	sdelay $0x1  }
0x13e: {  	v56 =	vadd.s32 $0x381, v1;
	_ =	sdelay $0x1  }
0x13f: {  	v7 =	vsub.s32 v55, v5  }
0x140: {  	[tilespmem:$0x1BF0] =	vst v7;
	v8 =	vsub.s32 v8, v55  }
0x141: {  	v57 =	vld [tilespmem:$0x380];
	[tilespmem:$0xFF0] =	vst v8  }
0x142: {  	v8 =	vld.idx.msk [tilespmem:v56+s3+$0x0], $0xffff;
	_ =	sdelay $0x1  }
0x143: {  	v58 =	vadd.s32 $0x391, v1;
	_ =	sdelay $0x1  }
0x144: {  	v7 =	vsub.s32 v57, v5  }
0x145: {  	[tilespmem:$0x1C00] =	vst v7;
	v8 =	vsub.s32 v8, v57  }
0x146: {  	v59 =	vld [tilespmem:$0x390];
	[tilespmem:$0x1000] =	vst v8  }
0x147: {  	v8 =	vld.idx.msk [tilespmem:v58+s3+$0x0], $0xffff;
	_ =	sdelay $0x1  }
0x148: {  	v60 =	vadd.s32 $0x3A1, v1;
	_ =	sdelay $0x1  }
0x149: {  	v7 =	vsub.s32 v59, v5  }
0x14a: {  	[tilespmem:$0x1C10] =	vst v7;
	v8 =	vsub.s32 v8, v59  }
0x14b: {  	v61 =	vld [tilespmem:$0x3A0];
	[tilespmem:$0x1010] =	vst v8  }
0x14c: {  	v8 =	vld.idx.msk [tilespmem:v60+s3+$0x0], $0xffff;
	_ =	sdelay $0x1  }
0x14d: {  	v62 =	vadd.s32 $0x3B1, v1;
	_ =	sdelay $0x1  }
0x14e: {  	v7 =	vsub.s32 v61, v5  }
0x14f: {  	[tilespmem:$0x1C20] =	vst v7;
	v8 =	vsub.s32 v8, v61  }
0x150: {  	v63 =	vld [tilespmem:$0x3B0];
	[tilespmem:$0x1020] =	vst v8  }
0x151: {  	v8 =	vld.idx.msk [tilespmem:v62+s3+$0x0], $0xffff;
	_ =	sdelay $0x1  }
0x152: {  	v12 =	vadd.s32 $0x3C1, v1;
	_ =	sdelay $0x1  }
0x153: {  	v7 =	vsub.s32 v63, v5  }
0x154: {  	[tilespmem:$0x1C30] =	vst v7;
	v8 =	vsub.s32 v8, v63  }
0x155: {  	v13 =	vld [tilespmem:$0x3C0];
	[tilespmem:$0x1030] =	vst v8  }
0x156: {  	v8 =	vld.idx.msk [tilespmem:v12+s3+$0x0], $0xffff;
	_ =	sdelay $0x1  }
0x157: {  	v14 =	vadd.s32 $0x3D1, v1;
	_ =	sdelay $0x1  }
0x158: {  	v7 =	vsub.s32 v13, v5  }
0x159: {  	[tilespmem:$0x1C40] =	vst v7;
	v8 =	vsub.s32 v8, v13  }
0x15a: {  	v15 =	vld [tilespmem:$0x3D0];
	[tilespmem:$0x1040] =	vst v8  }
0x15b: {  	v8 =	vld.idx.msk [tilespmem:v14+s3+$0x0], $0xffff;
	_ =	sdelay $0x1  }
0x15c: {  	v16 =	vadd.s32 $0x3E1, v1;
	_ =	sdelay $0x1  }
0x15d: {  	v7 =	vsub.s32 v15, v5  }
0x15e: {  	[tilespmem:$0x1C50] =	vst v7;
	v8 =	vsub.s32 v8, v15  }
0x15f: {  	v17 =	vld [tilespmem:$0x3E0];
	[tilespmem:$0x1050] =	vst v8  }
0x160: {  	v8 =	vld.idx.msk [tilespmem:v16+s3+$0x0], $0xffff;
	_ =	sdelay $0x1  }
0x161: {  	v18 =	vadd.s32 $0x3F1, v1;
	_ =	sdelay $0x1  }
0x162: {  	v7 =	vsub.s32 v17, v5  }
0x163: {  	[tilespmem:$0x1C60] =	vst v7;
	v8 =	vsub.s32 v8, v17  }
0x164: {  	v19 =	vld [tilespmem:$0x3F0];
	[tilespmem:$0x1060] =	vst v8  }
0x165: {  	v8 =	vld.idx.msk [tilespmem:v18+s3+$0x0], $0xffff;
	_ =	sdelay $0x3  }
0x166: {  	v7 =	vsub.s32 v19, v5  }
0x167: {  	[tilespmem:$0x1C70] =	vst v7;
	v8 =	vsub.s32 v8, v19  }
0x168: {  	s20 =	simm.s32 $0xC80;
	s19 =	sadd.s32 s4, s5;
	[tilespmem:$0x1070] =	vst v8  }
0x169: {  	[hbm4b:s19+s3] =	stream.linear.scatter [tilespmem:s20], [sflag:$0x3], $0x400, $0x38;
	[tilespmem:$0x2700] =	vst v63  }
0x16a: {  	s22 =	simm.s32 $0x1880;
	s21 =	sadd.s32 s2, s5  }
0x16b: {  	[hbm4b:s21+s3] =	stream.linear.scatter [tilespmem:s22], [sflag:$0x3], $0x400, $0x38;
	[tilespmem:$0x2700] =	vst v63  }
0x16c: {  	_ =	swait.ge [sflag:s18], $0x400  }
0x16d: {  	[sflag:s18] =	ssyncset.done $0x0  }
0x16e: {  	[sflag:s18] =	ssyncadd.s32 $0xFFFFFC00  }
0x16f: {  	v20 =	vld [tilespmem:$0x2500]  }
0x170: {  	v21 =	vadd.s32 $0x411, v1;
	_ =	sdelay $0x3  }
0x171: {  	v22 =	vld [tilespmem:$0x410];
	[tilespmem:$0x810] =	vst v20  }
0x172: {  	v8 =	vld.idx.msk [tilespmem:v21+s3+$0x0], $0xffff;
	_ =	sdelay $0x1  }
0x173: {  	v23 =	vadd.s32 $0x421, v1;
	v5 =	vsub.s32 v6, v5  }
0x174: {  	v6 =	vsub.s32 v5, v2  }
0x175: {  	v7 =	vadd.s32 v6, v22  }
0x176: {  	[tilespmem:$0x1C80] =	vst v7;
	v8 =	vsub.s32 v8, v22  }
0x177: {  	v24 =	vld [tilespmem:$0x420];
	[tilespmem:$0x1080] =	vst v8  }
0x178: {  	v8 =	vld.idx.msk [tilespmem:v23+s3+$0x0], $0xffff;
	_ =	sdelay $0x1  }
0x179: {  	v25 =	vadd.s32 $0x431, v1;
	_ =	sdelay $0x1  }
0x17a: {  	v7 =	vadd.s32 v6, v24  }
0x17b: {  	[tilespmem:$0x1C90] =	vst v7;
	v8 =	vsub.s32 v8, v24  }
0x17c: {  	v26 =	vld [tilespmem:$0x430];
	[tilespmem:$0x1090] =	vst v8  }
0x17d: {  	v8 =	vld.idx.msk [tilespmem:v25+s3+$0x0], $0xffff;
	_ =	sdelay $0x1  }
0x17e: {  	v27 =	vadd.s32 $0x441, v1;
	_ =	sdelay $0x1  }
0x17f: {  	v7 =	vadd.s32 v6, v26  }
0x180: {  	[tilespmem:$0x1CA0] =	vst v7;
	v8 =	vsub.s32 v8, v26  }
0x181: {  	v28 =	vld [tilespmem:$0x440];
	[tilespmem:$0x10A0] =	vst v8  }
0x182: {  	v8 =	vld.idx.msk [tilespmem:v27+s3+$0x0], $0xffff;
	_ =	sdelay $0x1  }
0x183: {  	v29 =	vadd.s32 $0x451, v1;
	_ =	sdelay $0x1  }
0x184: {  	v7 =	vadd.s32 v6, v28  }
0x185: {  	[tilespmem:$0x1CB0] =	vst v7;
	v8 =	vsub.s32 v8, v28  }
0x186: {  	v30 =	vld [tilespmem:$0x450];
	[tilespmem:$0x10B0] =	vst v8  }
0x187: {  	v8 =	vld.idx.msk [tilespmem:v29+s3+$0x0], $0xffff;
	_ =	sdelay $0x1  }
0x188: {  	v31 =	vadd.s32 $0x461, v1;
	_ =	sdelay $0x1  }
0x189: {  	v7 =	vadd.s32 v6, v30  }
0x18a: {  	[tilespmem:$0x1CC0] =	vst v7;
	v8 =	vsub.s32 v8, v30  }
0x18b: {  	v32 =	vld [tilespmem:$0x460];
	[tilespmem:$0x10C0] =	vst v8  }
0x18c: {  	v8 =	vld.idx.msk [tilespmem:v31+s3+$0x0], $0xffff;
	_ =	sdelay $0x1  }
0x18d: {  	v33 =	vadd.s32 $0x471, v1;
	_ =	sdelay $0x1  }
0x18e: {  	v7 =	vadd.s32 v6, v32  }
0x18f: {  	[tilespmem:$0x1CD0] =	vst v7;
	v8 =	vsub.s32 v8, v32  }
0x190: {  	v34 =	vld [tilespmem:$0x470];
	[tilespmem:$0x10D0] =	vst v8  }
0x191: {  	v8 =	vld.idx.msk [tilespmem:v33+s3+$0x0], $0xffff;
	_ =	sdelay $0x1  }
0x192: {  	v35 =	vadd.s32 $0x481, v1;
	_ =	sdelay $0x1  }
0x193: {  	v7 =	vadd.s32 v6, v34  }
0x194: {  	[tilespmem:$0x1CE0] =	vst v7;
	v8 =	vsub.s32 v8, v34  }
0x195: {  	v36 =	vld [tilespmem:$0x480];
	[tilespmem:$0x10E0] =	vst v8  }
0x196: {  	v8 =	vld.idx.msk [tilespmem:v35+s3+$0x0], $0xffff;
	_ =	sdelay $0x1  }
0x197: {  	v37 =	vadd.s32 $0x491, v1;
	_ =	sdelay $0x1  }
0x198: {  	v7 =	vadd.s32 v6, v36  }
0x199: {  	[tilespmem:$0x1CF0] =	vst v7;
	v8 =	vsub.s32 v8, v36  }
0x19a: {  	v38 =	vld [tilespmem:$0x490];
	[tilespmem:$0x10F0] =	vst v8  }
0x19b: {  	v8 =	vld.idx.msk [tilespmem:v37+s3+$0x0], $0xffff;
	_ =	sdelay $0x1  }
0x19c: {  	v39 =	vadd.s32 $0x4A1, v1;
	_ =	sdelay $0x1  }
0x19d: {  	v7 =	vadd.s32 v6, v38  }
0x19e: {  	[tilespmem:$0x1D00] =	vst v7;
	v8 =	vsub.s32 v8, v38  }
0x19f: {  	v40 =	vld [tilespmem:$0x4A0];
	[tilespmem:$0x1100] =	vst v8  }
0x1a0: {  	v8 =	vld.idx.msk [tilespmem:v39+s3+$0x0], $0xffff;
	_ =	sdelay $0x1  }
0x1a1: {  	v41 =	vadd.s32 $0x4B1, v1;
	_ =	sdelay $0x1  }
0x1a2: {  	v7 =	vadd.s32 v6, v40  }
0x1a3: {  	[tilespmem:$0x1D10] =	vst v7;
	v8 =	vsub.s32 v8, v40  }
0x1a4: {  	v42 =	vld [tilespmem:$0x4B0];
	[tilespmem:$0x1110] =	vst v8  }
0x1a5: {  	v8 =	vld.idx.msk [tilespmem:v41+s3+$0x0], $0xffff;
	_ =	sdelay $0x1  }
0x1a6: {  	v43 =	vadd.s32 $0x4C1, v1;
	_ =	sdelay $0x1  }
0x1a7: {  	v7 =	vadd.s32 v6, v42  }
0x1a8: {  	[tilespmem:$0x1D20] =	vst v7;
	v8 =	vsub.s32 v8, v42  }
0x1a9: {  	v44 =	vld [tilespmem:$0x4C0];
	[tilespmem:$0x1120] =	vst v8  }
0x1aa: {  	v8 =	vld.idx.msk [tilespmem:v43+s3+$0x0], $0xffff;
	_ =	sdelay $0x1  }
0x1ab: {  	v45 =	vadd.s32 $0x4D1, v1;
	_ =	sdelay $0x1  }
0x1ac: {  	v7 =	vadd.s32 v6, v44  }
0x1ad: {  	[tilespmem:$0x1D30] =	vst v7;
	v8 =	vsub.s32 v8, v44  }
0x1ae: {  	v46 =	vld [tilespmem:$0x4D0];
	[tilespmem:$0x1130] =	vst v8  }
0x1af: {  	v8 =	vld.idx.msk [tilespmem:v45+s3+$0x0], $0xffff;
	_ =	sdelay $0x1  }
0x1b0: {  	v47 =	vadd.s32 $0x4E1, v1;
	_ =	sdelay $0x1  }
0x1b1: {  	v7 =	vadd.s32 v6, v46  }
0x1b2: {  	[tilespmem:$0x1D40] =	vst v7;
	v8 =	vsub.s32 v8, v46  }
0x1b3: {  	v48 =	vld [tilespmem:$0x4E0];
	[tilespmem:$0x1140] =	vst v8  }
0x1b4: {  	v8 =	vld.idx.msk [tilespmem:v47+s3+$0x0], $0xffff;
	_ =	sdelay $0x1  }
0x1b5: {  	v49 =	vadd.s32 $0x4F1, v1;
	_ =	sdelay $0x1  }
0x1b6: {  	v7 =	vadd.s32 v6, v48  }
0x1b7: {  	[tilespmem:$0x1D50] =	vst v7;
	v8 =	vsub.s32 v8, v48  }
0x1b8: {  	v50 =	vld [tilespmem:$0x4F0];
	[tilespmem:$0x1150] =	vst v8  }
0x1b9: {  	v8 =	vld.idx.msk [tilespmem:v49+s3+$0x0], $0xffff;
	_ =	sdelay $0x1  }
0x1ba: {  	v51 =	vadd.s32 $0x501, v1;
	_ =	sdelay $0x1  }
0x1bb: {  	v7 =	vadd.s32 v6, v50  }
0x1bc: {  	[tilespmem:$0x1D60] =	vst v7;
	v8 =	vsub.s32 v8, v50  }
0x1bd: {  	v52 =	vld [tilespmem:$0x500];
	[tilespmem:$0x1160] =	vst v8  }
0x1be: {  	v8 =	vld.idx.msk [tilespmem:v51+s3+$0x0], $0xffff;
	_ =	sdelay $0x1  }
0x1bf: {  	v53 =	vadd.s32 $0x511, v1;
	_ =	sdelay $0x1  }
0x1c0: {  	v7 =	vadd.s32 v6, v52  }
0x1c1: {  	[tilespmem:$0x1D70] =	vst v7;
	v8 =	vsub.s32 v8, v52  }
0x1c2: {  	v54 =	vld [tilespmem:$0x510];
	[tilespmem:$0x1170] =	vst v8  }
0x1c3: {  	v8 =	vld.idx.msk [tilespmem:v53+s3+$0x0], $0xffff;
	_ =	sdelay $0x1  }
0x1c4: {  	v55 =	vadd.s32 $0x521, v1;
	_ =	sdelay $0x1  }
0x1c5: {  	v7 =	vadd.s32 v6, v54  }
0x1c6: {  	[tilespmem:$0x1D80] =	vst v7;
	v8 =	vsub.s32 v8, v54  }
0x1c7: {  	v56 =	vld [tilespmem:$0x520];
	[tilespmem:$0x1180] =	vst v8  }
0x1c8: {  	v8 =	vld.idx.msk [tilespmem:v55+s3+$0x0], $0xffff;
	_ =	sdelay $0x1  }
0x1c9: {  	v57 =	vadd.s32 $0x531, v1;
	_ =	sdelay $0x1  }
0x1ca: {  	v7 =	vadd.s32 v6, v56  }
0x1cb: {  	[tilespmem:$0x1D90] =	vst v7;
	v8 =	vsub.s32 v8, v56  }
0x1cc: {  	v58 =	vld [tilespmem:$0x530];
	[tilespmem:$0x1190] =	vst v8  }
0x1cd: {  	v8 =	vld.idx.msk [tilespmem:v57+s3+$0x0], $0xffff;
	_ =	sdelay $0x1  }
0x1ce: {  	v59 =	vadd.s32 $0x541, v1;
	_ =	sdelay $0x1  }
0x1cf: {  	v7 =	vadd.s32 v6, v58  }
0x1d0: {  	[tilespmem:$0x1DA0] =	vst v7;
	v8 =	vsub.s32 v8, v58  }
0x1d1: {  	v60 =	vld [tilespmem:$0x540];
	[tilespmem:$0x11A0] =	vst v8  }
0x1d2: {  	v8 =	vld.idx.msk [tilespmem:v59+s3+$0x0], $0xffff;
	_ =	sdelay $0x1  }
0x1d3: {  	v61 =	vadd.s32 $0x551, v1;
	_ =	sdelay $0x1  }
0x1d4: {  	v7 =	vadd.s32 v6, v60  }
0x1d5: {  	[tilespmem:$0x1DB0] =	vst v7;
	v8 =	vsub.s32 v8, v60  }
0x1d6: {  	v62 =	vld [tilespmem:$0x550];
	[tilespmem:$0x11B0] =	vst v8  }
0x1d7: {  	v8 =	vld.idx.msk [tilespmem:v61+s3+$0x0], $0xffff;
	_ =	sdelay $0x1  }
0x1d8: {  	v63 =	vadd.s32 $0x561, v1;
	_ =	sdelay $0x1  }
0x1d9: {  	v7 =	vadd.s32 v6, v62  }
0x1da: {  	[tilespmem:$0x1DC0] =	vst v7;
	v8 =	vsub.s32 v8, v62  }
0x1db: {  	v12 =	vld [tilespmem:$0x560];
	[tilespmem:$0x11C0] =	vst v8  }
0x1dc: {  	v8 =	vld.idx.msk [tilespmem:v63+s3+$0x0], $0xffff;
	_ =	sdelay $0x1  }
0x1dd: {  	v13 =	vadd.s32 $0x571, v1;
	_ =	sdelay $0x1  }
0x1de: {  	v7 =	vadd.s32 v6, v12  }
0x1df: {  	[tilespmem:$0x1DD0] =	vst v7;
	v8 =	vsub.s32 v8, v12  }
0x1e0: {  	v14 =	vld [tilespmem:$0x570];
	[tilespmem:$0x11D0] =	vst v8  }
0x1e1: {  	v8 =	vld.idx.msk [tilespmem:v13+s3+$0x0], $0xffff;
	_ =	sdelay $0x1  }
0x1e2: {  	v15 =	vadd.s32 $0x581, v1;
	_ =	sdelay $0x1  }
0x1e3: {  	v7 =	vadd.s32 v6, v14  }
0x1e4: {  	[tilespmem:$0x1DE0] =	vst v7;
	v8 =	vsub.s32 v8, v14  }
0x1e5: {  	v16 =	vld [tilespmem:$0x580];
	[tilespmem:$0x11E0] =	vst v8  }
0x1e6: {  	v8 =	vld.idx.msk [tilespmem:v15+s3+$0x0], $0xffff;
	_ =	sdelay $0x1  }
0x1e7: {  	v17 =	vadd.s32 $0x591, v1;
	_ =	sdelay $0x1  }
0x1e8: {  	v7 =	vadd.s32 v6, v16  }
0x1e9: {  	[tilespmem:$0x1DF0] =	vst v7;
	v8 =	vsub.s32 v8, v16  }
0x1ea: {  	v18 =	vld [tilespmem:$0x590];
	[tilespmem:$0x11F0] =	vst v8  }
0x1eb: {  	v8 =	vld.idx.msk [tilespmem:v17+s3+$0x0], $0xffff;
	_ =	sdelay $0x1  }
0x1ec: {  	v19 =	vadd.s32 $0x5A1, v1;
	_ =	sdelay $0x1  }
0x1ed: {  	v7 =	vadd.s32 v6, v18  }
0x1ee: {  	[tilespmem:$0x1E00] =	vst v7;
	v8 =	vsub.s32 v8, v18  }
0x1ef: {  	v20 =	vld [tilespmem:$0x5A0];
	[tilespmem:$0x1200] =	vst v8  }
0x1f0: {  	v8 =	vld.idx.msk [tilespmem:v19+s3+$0x0], $0xffff;
	_ =	sdelay $0x1  }
0x1f1: {  	v21 =	vadd.s32 $0x5B1, v1;
	_ =	sdelay $0x1  }
0x1f2: {  	v7 =	vadd.s32 v6, v20  }
0x1f3: {  	[tilespmem:$0x1E10] =	vst v7;
	v8 =	vsub.s32 v8, v20  }
0x1f4: {  	v22 =	vld [tilespmem:$0x5B0];
	[tilespmem:$0x1210] =	vst v8  }
0x1f5: {  	v8 =	vld.idx.msk [tilespmem:v21+s3+$0x0], $0xffff;
	_ =	sdelay $0x1  }
0x1f6: {  	v23 =	vadd.s32 $0x5C1, v1;
	_ =	sdelay $0x1  }
0x1f7: {  	v7 =	vadd.s32 v6, v22  }
0x1f8: {  	[tilespmem:$0x1E20] =	vst v7;
	v8 =	vsub.s32 v8, v22  }
0x1f9: {  	v24 =	vld [tilespmem:$0x5C0];
	[tilespmem:$0x1220] =	vst v8  }
0x1fa: {  	v8 =	vld.idx.msk [tilespmem:v23+s3+$0x0], $0xffff;
	_ =	sdelay $0x1  }
0x1fb: {  	v25 =	vadd.s32 $0x5D1, v1;
	_ =	sdelay $0x1  }
0x1fc: {  	v7 =	vadd.s32 v6, v24  }
0x1fd: {  	[tilespmem:$0x1E30] =	vst v7;
	v8 =	vsub.s32 v8, v24  }
0x1fe: {  	v26 =	vld [tilespmem:$0x5D0];
	[tilespmem:$0x1230] =	vst v8  }
0x1ff: {  	v8 =	vld.idx.msk [tilespmem:v25+s3+$0x0], $0xffff;
	_ =	sdelay $0x1  }
0x200: {  	v27 =	vadd.s32 $0x5E1, v1;
	_ =	sdelay $0x1  }
0x201: {  	v7 =	vadd.s32 v6, v26  }
0x202: {  	[tilespmem:$0x1E40] =	vst v7;
	v8 =	vsub.s32 v8, v26  }
0x203: {  	v28 =	vld [tilespmem:$0x5E0];
	[tilespmem:$0x1240] =	vst v8  }
0x204: {  	v8 =	vld.idx.msk [tilespmem:v27+s3+$0x0], $0xffff;
	_ =	sdelay $0x1  }
0x205: {  	v29 =	vadd.s32 $0x5F1, v1;
	_ =	sdelay $0x1  }
0x206: {  	v7 =	vadd.s32 v6, v28  }
0x207: {  	[tilespmem:$0x1E50] =	vst v7;
	v8 =	vsub.s32 v8, v28  }
0x208: {  	v30 =	vld [tilespmem:$0x5F0];
	[tilespmem:$0x1250] =	vst v8  }
0x209: {  	v8 =	vld.idx.msk [tilespmem:v29+s3+$0x0], $0xffff;
	_ =	sdelay $0x1  }
0x20a: {  	v31 =	vadd.s32 $0x601, v1;
	_ =	sdelay $0x1  }
0x20b: {  	v7 =	vadd.s32 v6, v30  }
0x20c: {  	[tilespmem:$0x1E60] =	vst v7;
	v8 =	vsub.s32 v8, v30  }
0x20d: {  	v32 =	vld [tilespmem:$0x600];
	[tilespmem:$0x1260] =	vst v8  }
0x20e: {  	v8 =	vld.idx.msk [tilespmem:v31+s3+$0x0], $0xffff;
	_ =	sdelay $0x1  }
0x20f: {  	v33 =	vadd.s32 $0x611, v1;
	_ =	sdelay $0x1  }
0x210: {  	v7 =	vadd.s32 v6, v32  }
0x211: {  	[tilespmem:$0x1E70] =	vst v7;
	v8 =	vsub.s32 v8, v32  }
0x212: {  	v34 =	vld [tilespmem:$0x610];
	[tilespmem:$0x1270] =	vst v8  }
0x213: {  	v8 =	vld.idx.msk [tilespmem:v33+s3+$0x0], $0xffff;
	_ =	sdelay $0x1  }
0x214: {  	v35 =	vadd.s32 $0x621, v1;
	_ =	sdelay $0x1  }
0x215: {  	v7 =	vadd.s32 v6, v34  }
0x216: {  	[tilespmem:$0x1E80] =	vst v7;
	v8 =	vsub.s32 v8, v34  }
0x217: {  	v36 =	vld [tilespmem:$0x620];
	[tilespmem:$0x1280] =	vst v8  }
0x218: {  	v8 =	vld.idx.msk [tilespmem:v35+s3+$0x0], $0xffff;
	_ =	sdelay $0x1  }
0x219: {  	v37 =	vadd.s32 $0x631, v1;
	_ =	sdelay $0x1  }
0x21a: {  	v7 =	vadd.s32 v6, v36  }
0x21b: {  	[tilespmem:$0x1E90] =	vst v7;
	v8 =	vsub.s32 v8, v36  }
0x21c: {  	v38 =	vld [tilespmem:$0x630];
	[tilespmem:$0x1290] =	vst v8  }
0x21d: {  	v8 =	vld.idx.msk [tilespmem:v37+s3+$0x0], $0xffff;
	_ =	sdelay $0x1  }
0x21e: {  	v39 =	vadd.s32 $0x641, v1;
	_ =	sdelay $0x1  }
0x21f: {  	v7 =	vadd.s32 v6, v38  }
0x220: {  	[tilespmem:$0x1EA0] =	vst v7;
	v8 =	vsub.s32 v8, v38  }
0x221: {  	v40 =	vld [tilespmem:$0x640];
	[tilespmem:$0x12A0] =	vst v8  }
0x222: {  	v8 =	vld.idx.msk [tilespmem:v39+s3+$0x0], $0xffff;
	_ =	sdelay $0x1  }
0x223: {  	v41 =	vadd.s32 $0x651, v1;
	_ =	sdelay $0x1  }
0x224: {  	v7 =	vadd.s32 v6, v40  }
0x225: {  	[tilespmem:$0x1EB0] =	vst v7;
	v8 =	vsub.s32 v8, v40  }
0x226: {  	v42 =	vld [tilespmem:$0x650];
	[tilespmem:$0x12B0] =	vst v8  }
0x227: {  	v8 =	vld.idx.msk [tilespmem:v41+s3+$0x0], $0xffff;
	_ =	sdelay $0x1  }
0x228: {  	v43 =	vadd.s32 $0x661, v1;
	_ =	sdelay $0x1  }
0x229: {  	v7 =	vadd.s32 v6, v42  }
0x22a: {  	[tilespmem:$0x1EC0] =	vst v7;
	v8 =	vsub.s32 v8, v42  }
0x22b: {  	v44 =	vld [tilespmem:$0x660];
	[tilespmem:$0x12C0] =	vst v8  }
0x22c: {  	v8 =	vld.idx.msk [tilespmem:v43+s3+$0x0], $0xffff;
	_ =	sdelay $0x1  }
0x22d: {  	v45 =	vadd.s32 $0x671, v1;
	_ =	sdelay $0x1  }
0x22e: {  	v7 =	vadd.s32 v6, v44  }
0x22f: {  	[tilespmem:$0x1ED0] =	vst v7;
	v8 =	vsub.s32 v8, v44  }
0x230: {  	v46 =	vld [tilespmem:$0x670];
	[tilespmem:$0x12D0] =	vst v8  }
0x231: {  	v8 =	vld.idx.msk [tilespmem:v45+s3+$0x0], $0xffff;
	_ =	sdelay $0x1  }
0x232: {  	v47 =	vadd.s32 $0x681, v1;
	_ =	sdelay $0x1  }
0x233: {  	v7 =	vadd.s32 v6, v46  }
0x234: {  	[tilespmem:$0x1EE0] =	vst v7;
	v8 =	vsub.s32 v8, v46  }
0x235: {  	v48 =	vld [tilespmem:$0x680];
	[tilespmem:$0x12E0] =	vst v8  }
0x236: {  	v8 =	vld.idx.msk [tilespmem:v47+s3+$0x0], $0xffff;
	_ =	sdelay $0x1  }
0x237: {  	v49 =	vadd.s32 $0x691, v1;
	_ =	sdelay $0x1  }
0x238: {  	v7 =	vadd.s32 v6, v48  }
0x239: {  	[tilespmem:$0x1EF0] =	vst v7;
	v8 =	vsub.s32 v8, v48  }
0x23a: {  	v50 =	vld [tilespmem:$0x690];
	[tilespmem:$0x12F0] =	vst v8  }
0x23b: {  	v8 =	vld.idx.msk [tilespmem:v49+s3+$0x0], $0xffff;
	_ =	sdelay $0x1  }
0x23c: {  	v51 =	vadd.s32 $0x6A1, v1;
	_ =	sdelay $0x1  }
0x23d: {  	v7 =	vadd.s32 v6, v50  }
0x23e: {  	[tilespmem:$0x1F00] =	vst v7;
	v8 =	vsub.s32 v8, v50  }
0x23f: {  	v52 =	vld [tilespmem:$0x6A0];
	[tilespmem:$0x1300] =	vst v8  }
0x240: {  	v8 =	vld.idx.msk [tilespmem:v51+s3+$0x0], $0xffff;
	_ =	sdelay $0x1  }
0x241: {  	v53 =	vadd.s32 $0x6B1, v1;
	_ =	sdelay $0x1  }
0x242: {  	v7 =	vadd.s32 v6, v52  }
0x243: {  	[tilespmem:$0x1F10] =	vst v7;
	v8 =	vsub.s32 v8, v52  }
0x244: {  	v54 =	vld [tilespmem:$0x6B0];
	[tilespmem:$0x1310] =	vst v8  }
0x245: {  	v8 =	vld.idx.msk [tilespmem:v53+s3+$0x0], $0xffff;
	_ =	sdelay $0x1  }
0x246: {  	v55 =	vadd.s32 $0x6C1, v1;
	_ =	sdelay $0x1  }
0x247: {  	v7 =	vadd.s32 v6, v54  }
0x248: {  	[tilespmem:$0x1F20] =	vst v7;
	v8 =	vsub.s32 v8, v54  }
0x249: {  	v56 =	vld [tilespmem:$0x6C0];
	[tilespmem:$0x1320] =	vst v8  }
0x24a: {  	v8 =	vld.idx.msk [tilespmem:v55+s3+$0x0], $0xffff;
	_ =	sdelay $0x1  }
0x24b: {  	v57 =	vadd.s32 $0x6D1, v1;
	_ =	sdelay $0x1  }
0x24c: {  	v7 =	vadd.s32 v6, v56  }
0x24d: {  	[tilespmem:$0x1F30] =	vst v7;
	v8 =	vsub.s32 v8, v56  }
0x24e: {  	v58 =	vld [tilespmem:$0x6D0];
	[tilespmem:$0x1330] =	vst v8  }
0x24f: {  	v8 =	vld.idx.msk [tilespmem:v57+s3+$0x0], $0xffff;
	_ =	sdelay $0x1  }
0x250: {  	v59 =	vadd.s32 $0x6E1, v1;
	_ =	sdelay $0x1  }
0x251: {  	v7 =	vadd.s32 v6, v58  }
0x252: {  	[tilespmem:$0x1F40] =	vst v7;
	v8 =	vsub.s32 v8, v58  }
0x253: {  	v60 =	vld [tilespmem:$0x6E0];
	[tilespmem:$0x1340] =	vst v8  }
0x254: {  	v8 =	vld.idx.msk [tilespmem:v59+s3+$0x0], $0xffff;
	_ =	sdelay $0x1  }
0x255: {  	v61 =	vadd.s32 $0x6F1, v1;
	_ =	sdelay $0x1  }
0x256: {  	v7 =	vadd.s32 v6, v60  }
0x257: {  	[tilespmem:$0x1F50] =	vst v7;
	v8 =	vsub.s32 v8, v60  }
0x258: {  	v62 =	vld [tilespmem:$0x6F0];
	[tilespmem:$0x1350] =	vst v8  }
0x259: {  	v8 =	vld.idx.msk [tilespmem:v61+s3+$0x0], $0xffff;
	_ =	sdelay $0x1  }
0x25a: {  	v63 =	vadd.s32 $0x701, v1;
	_ =	sdelay $0x1  }
0x25b: {  	v7 =	vadd.s32 v6, v62  }
0x25c: {  	[tilespmem:$0x1F60] =	vst v7;
	v8 =	vsub.s32 v8, v62  }
0x25d: {  	v12 =	vld [tilespmem:$0x700];
	[tilespmem:$0x1360] =	vst v8  }
0x25e: {  	v8 =	vld.idx.msk [tilespmem:v63+s3+$0x0], $0xffff;
	_ =	sdelay $0x1  }
0x25f: {  	v13 =	vadd.s32 $0x711, v1;
	_ =	sdelay $0x1  }
0x260: {  	v7 =	vadd.s32 v6, v12  }
0x261: {  	[tilespmem:$0x1F70] =	vst v7;
	v8 =	vsub.s32 v8, v12  }
0x262: {  	v14 =	vld [tilespmem:$0x710];
	[tilespmem:$0x1370] =	vst v8  }
0x263: {  	v8 =	vld.idx.msk [tilespmem:v13+s3+$0x0], $0xffff;
	_ =	sdelay $0x1  }
0x264: {  	v15 =	vadd.s32 $0x721, v1;
	_ =	sdelay $0x1  }
0x265: {  	v7 =	vadd.s32 v6, v14  }
0x266: {  	[tilespmem:$0x1F80] =	vst v7;
	v8 =	vsub.s32 v8, v14  }
0x267: {  	v16 =	vld [tilespmem:$0x720];
	[tilespmem:$0x1380] =	vst v8  }
0x268: {  	v8 =	vld.idx.msk [tilespmem:v15+s3+$0x0], $0xffff;
	_ =	sdelay $0x1  }
0x269: {  	v17 =	vadd.s32 $0x731, v1;
	_ =	sdelay $0x1  }
0x26a: {  	v7 =	vadd.s32 v6, v16  }
0x26b: {  	[tilespmem:$0x1F90] =	vst v7;
	v8 =	vsub.s32 v8, v16  }
0x26c: {  	v18 =	vld [tilespmem:$0x730];
	[tilespmem:$0x1390] =	vst v8  }
0x26d: {  	v8 =	vld.idx.msk [tilespmem:v17+s3+$0x0], $0xffff;
	_ =	sdelay $0x1  }
0x26e: {  	v19 =	vadd.s32 $0x741, v1;
	_ =	sdelay $0x1  }
0x26f: {  	v7 =	vadd.s32 v6, v18  }
0x270: {  	[tilespmem:$0x1FA0] =	vst v7;
	v8 =	vsub.s32 v8, v18  }
0x271: {  	v20 =	vld [tilespmem:$0x740];
	[tilespmem:$0x13A0] =	vst v8  }
0x272: {  	v8 =	vld.idx.msk [tilespmem:v19+s3+$0x0], $0xffff;
	_ =	sdelay $0x1  }
0x273: {  	v21 =	vadd.s32 $0x751, v1;
	_ =	sdelay $0x1  }
0x274: {  	v7 =	vadd.s32 v6, v20  }
0x275: {  	[tilespmem:$0x1FB0] =	vst v7;
	v8 =	vsub.s32 v8, v20  }
0x276: {  	v22 =	vld [tilespmem:$0x750];
	[tilespmem:$0x13B0] =	vst v8  }
0x277: {  	v8 =	vld.idx.msk [tilespmem:v21+s3+$0x0], $0xffff;
	_ =	sdelay $0x1  }
0x278: {  	v23 =	vadd.s32 $0x761, v1;
	_ =	sdelay $0x1  }
0x279: {  	v7 =	vadd.s32 v6, v22  }
0x27a: {  	[tilespmem:$0x1FC0] =	vst v7;
	v8 =	vsub.s32 v8, v22  }
0x27b: {  	v24 =	vld [tilespmem:$0x760];
	[tilespmem:$0x13C0] =	vst v8  }
0x27c: {  	v8 =	vld.idx.msk [tilespmem:v23+s3+$0x0], $0xffff;
	_ =	sdelay $0x1  }
0x27d: {  	v25 =	vadd.s32 $0x771, v1;
	_ =	sdelay $0x1  }
0x27e: {  	v7 =	vadd.s32 v6, v24  }
0x27f: {  	[tilespmem:$0x1FD0] =	vst v7;
	v8 =	vsub.s32 v8, v24  }
0x280: {  	v26 =	vld [tilespmem:$0x770];
	[tilespmem:$0x13D0] =	vst v8  }
0x281: {  	v8 =	vld.idx.msk [tilespmem:v25+s3+$0x0], $0xffff;
	_ =	sdelay $0x1  }
0x282: {  	v27 =	vadd.s32 $0x781, v1;
	_ =	sdelay $0x1  }
0x283: {  	v7 =	vadd.s32 v6, v26  }
0x284: {  	[tilespmem:$0x1FE0] =	vst v7;
	v8 =	vsub.s32 v8, v26  }
0x285: {  	v28 =	vld [tilespmem:$0x780];
	[tilespmem:$0x13E0] =	vst v8  }
0x286: {  	v8 =	vld.idx.msk [tilespmem:v27+s3+$0x0], $0xffff;
	_ =	sdelay $0x1  }
0x287: {  	v29 =	vadd.s32 $0x791, v1;
	_ =	sdelay $0x1  }
0x288: {  	v7 =	vadd.s32 v6, v28  }
0x289: {  	[tilespmem:$0x1FF0] =	vst v7;
	v8 =	vsub.s32 v8, v28  }
0x28a: {  	v30 =	vld [tilespmem:$0x790];
	[tilespmem:$0x13F0] =	vst v8  }
0x28b: {  	v8 =	vld.idx.msk [tilespmem:v29+s3+$0x0], $0xffff;
	_ =	sdelay $0x1  }
0x28c: {  	v31 =	vadd.s32 $0x7A1, v1;
	_ =	sdelay $0x1  }
0x28d: {  	v7 =	vadd.s32 v6, v30  }
0x28e: {  	[tilespmem:$0x2000] =	vst v7;
	v8 =	vsub.s32 v8, v30  }
0x28f: {  	v32 =	vld [tilespmem:$0x7A0];
	[tilespmem:$0x1400] =	vst v8  }
0x290: {  	v8 =	vld.idx.msk [tilespmem:v31+s3+$0x0], $0xffff;
	_ =	sdelay $0x1  }
0x291: {  	v33 =	vadd.s32 $0x7B1, v1;
	_ =	sdelay $0x1  }
0x292: {  	v7 =	vadd.s32 v6, v32  }
0x293: {  	[tilespmem:$0x2010] =	vst v7;
	v8 =	vsub.s32 v8, v32  }
0x294: {  	v34 =	vld [tilespmem:$0x7B0];
	[tilespmem:$0x1410] =	vst v8  }
0x295: {  	v8 =	vld.idx.msk [tilespmem:v33+s3+$0x0], $0xffff;
	_ =	sdelay $0x1  }
0x296: {  	v35 =	vadd.s32 $0x7C1, v1;
	_ =	sdelay $0x1  }
0x297: {  	v7 =	vadd.s32 v6, v34  }
0x298: {  	[tilespmem:$0x2020] =	vst v7;
	v8 =	vsub.s32 v8, v34  }
0x299: {  	v36 =	vld [tilespmem:$0x7C0];
	[tilespmem:$0x1420] =	vst v8  }
0x29a: {  	v8 =	vld.idx.msk [tilespmem:v35+s3+$0x0], $0xffff;
	_ =	sdelay $0x1  }
0x29b: {  	v37 =	vadd.s32 $0x7D1, v1;
	_ =	sdelay $0x1  }
0x29c: {  	v7 =	vadd.s32 v6, v36  }
0x29d: {  	[tilespmem:$0x2030] =	vst v7;
	v8 =	vsub.s32 v8, v36  }
0x29e: {  	v38 =	vld [tilespmem:$0x7D0];
	[tilespmem:$0x1430] =	vst v8  }
0x29f: {  	v8 =	vld.idx.msk [tilespmem:v37+s3+$0x0], $0xffff;
	_ =	sdelay $0x1  }
0x2a0: {  	v39 =	vadd.s32 $0x7E1, v1;
	_ =	sdelay $0x1  }
0x2a1: {  	v7 =	vadd.s32 v6, v38  }
0x2a2: {  	[tilespmem:$0x2040] =	vst v7;
	v8 =	vsub.s32 v8, v38  }
0x2a3: {  	v40 =	vld [tilespmem:$0x7E0];
	[tilespmem:$0x1440] =	vst v8  }
0x2a4: {  	v8 =	vld.idx.msk [tilespmem:v39+s3+$0x0], $0xffff;
	_ =	sdelay $0x1  }
0x2a5: {  	v41 =	vadd.s32 $0x7F1, v1;
	_ =	sdelay $0x1  }
0x2a6: {  	v7 =	vadd.s32 v6, v40  }
0x2a7: {  	[tilespmem:$0x2050] =	vst v7;
	v8 =	vsub.s32 v8, v40  }
0x2a8: {  	v42 =	vld [tilespmem:$0x7F0];
	[tilespmem:$0x1450] =	vst v8  }
0x2a9: {  	v8 =	vld.idx.msk [tilespmem:v41+s3+$0x0], $0xffff;
	_ =	sdelay $0x1  }
0x2aa: {  	v43 =	vadd.s32 $0x801, v1;
	_ =	sdelay $0x1  }
0x2ab: {  	v7 =	vadd.s32 v6, v42  }
0x2ac: {  	[tilespmem:$0x2060] =	vst v7;
	v8 =	vsub.s32 v8, v42  }
0x2ad: {  	v44 =	vld [tilespmem:$0x800];
	[tilespmem:$0x1460] =	vst v8  }
0x2ae: {  	v8 =	vld.idx.msk [tilespmem:v43+s3+$0x0], $0xffff;
	_ =	sdelay $0x3  }
0x2af: {  	v6 =	vadd.s32 v6, v44  }
0x2b0: {  	s23 =	sor.u32 $0x800, s5;
	[tilespmem:$0x2070] =	vst v6;
	v8 =	vsub.s32 v8, v44  }
0x2b1: {  	s25 =	simm.s32 $0x1080;
	s24 =	sadd.s32 s4, s23;
	[tilespmem:$0x1470] =	vst v8  }
0x2b2: {  	[hbm4b:s24+s3] =	stream.linear.scatter [tilespmem:s25], [sflag:$0x3], $0x400, $0x38;
	[tilespmem:$0x2700] =	vst v63  }
0x2b3: {  	s26 =	simm.s32 $0x1C80;
	s7 =	sadd.s32 s2, s23  }
0x2b4: {  	[hbm4b:s7+s3] =	stream.linear.scatter [tilespmem:s26], [sflag:$0x3], $0x400, $0x38;
	[tilespmem:$0x2700] =	vst v63  }
0x2b5: {  	_ =	swait.ge [sflag:s18], $0x400  }
0x2b6: {  	[sflag:s18] =	ssyncset.done $0x0  }
0x2b7: {  	[sflag:s18] =	ssyncadd.s32 $0xFFFFFC00  }
0x2b8: {  	v45 =	vld [tilespmem:$0x2580]  }
0x2b9: {  	v46 =	vadd.s32 $0x821, v1;
	_ =	sdelay $0x3  }
0x2ba: {  	v47 =	vld [tilespmem:$0x820];
	[tilespmem:$0xC20] =	vst v45  }
0x2bb: {  	v7 =	vld.idx.msk [tilespmem:v46+s3+$0x0], $0xffff  }
0x2bc: {  	v2 =	vadd.s32 v2, v4  }
0x2bd: {  	v2 =	vsub.s32 v5, v2;
	v48 =	vadd.s32 $0x831, v1  }
0x2be: {  	v2 =	vadd.s32 v3, v2  }
0x2bf: {  	v50 =	vadd.s32 v2, v47  }
0x2c0: {  	[tilespmem:$0x2080] =	vst v50;
	v49 =	vsub.s32 v7, v47  }
0x2c1: {  	v51 =	vld [tilespmem:$0x830];
	[tilespmem:$0x1480] =	vst v49  }
0x2c2: {  	v4 =	vld.idx.msk [tilespmem:v48+s3+$0x0], $0xffff;
	_ =	sdelay $0x1  }
0x2c3: {  	v52 =	vadd.s32 $0x841, v1;
	_ =	sdelay $0x1  }
0x2c4: {  	v3 =	vadd.s32 v2, v51  }
0x2c5: {  	[tilespmem:$0x2090] =	vst v3;
	v4 =	vsub.s32 v4, v51  }
0x2c6: {  	v53 =	vld [tilespmem:$0x840];
	[tilespmem:$0x1490] =	vst v4  }
0x2c7: {  	v4 =	vld.idx.msk [tilespmem:v52+s3+$0x0], $0xffff;
	_ =	sdelay $0x1  }
0x2c8: {  	v54 =	vadd.s32 $0x851, v1;
	_ =	sdelay $0x1  }
0x2c9: {  	v3 =	vadd.s32 v2, v53  }
0x2ca: {  	[tilespmem:$0x20A0] =	vst v3;
	v4 =	vsub.s32 v4, v53  }
0x2cb: {  	v55 =	vld [tilespmem:$0x850];
	[tilespmem:$0x14A0] =	vst v4  }
0x2cc: {  	v4 =	vld.idx.msk [tilespmem:v54+s3+$0x0], $0xffff;
	_ =	sdelay $0x1  }
0x2cd: {  	v56 =	vadd.s32 $0x861, v1;
	_ =	sdelay $0x1  }
0x2ce: {  	v3 =	vadd.s32 v2, v55  }
0x2cf: {  	[tilespmem:$0x20B0] =	vst v3;
	v4 =	vsub.s32 v4, v55  }
0x2d0: {  	v57 =	vld [tilespmem:$0x860];
	[tilespmem:$0x14B0] =	vst v4  }
0x2d1: {  	v4 =	vld.idx.msk [tilespmem:v56+s3+$0x0], $0xffff;
	_ =	sdelay $0x1  }
0x2d2: {  	v58 =	vadd.s32 $0x871, v1;
	_ =	sdelay $0x1  }
0x2d3: {  	v3 =	vadd.s32 v2, v57  }
0x2d4: {  	[tilespmem:$0x20C0] =	vst v3;
	v4 =	vsub.s32 v4, v57  }
0x2d5: {  	v59 =	vld [tilespmem:$0x870];
	[tilespmem:$0x14C0] =	vst v4  }
0x2d6: {  	v4 =	vld.idx.msk [tilespmem:v58+s3+$0x0], $0xffff;
	_ =	sdelay $0x1  }
0x2d7: {  	v60 =	vadd.s32 $0x881, v1;
	_ =	sdelay $0x1  }
0x2d8: {  	v3 =	vadd.s32 v2, v59  }
0x2d9: {  	[tilespmem:$0x20D0] =	vst v3;
	v4 =	vsub.s32 v4, v59  }
0x2da: {  	v61 =	vld [tilespmem:$0x880];
	[tilespmem:$0x14D0] =	vst v4  }
0x2db: {  	v4 =	vld.idx.msk [tilespmem:v60+s3+$0x0], $0xffff;
	_ =	sdelay $0x1  }
0x2dc: {  	v62 =	vadd.s32 $0x891, v1;
	_ =	sdelay $0x1  }
0x2dd: {  	v3 =	vadd.s32 v2, v61  }
0x2de: {  	[tilespmem:$0x20E0] =	vst v3;
	v4 =	vsub.s32 v4, v61  }
0x2df: {  	v63 =	vld [tilespmem:$0x890];
	[tilespmem:$0x14E0] =	vst v4  }
0x2e0: {  	v4 =	vld.idx.msk [tilespmem:v62+s3+$0x0], $0xffff;
	_ =	sdelay $0x1  }
0x2e1: {  	v8 =	vadd.s32 $0x8A1, v1;
	_ =	sdelay $0x1  }
0x2e2: {  	v3 =	vadd.s32 v2, v63  }
0x2e3: {  	[tilespmem:$0x20F0] =	vst v3;
	v4 =	vsub.s32 v4, v63  }
0x2e4: {  	v9 =	vld [tilespmem:$0x8A0];
	[tilespmem:$0x14F0] =	vst v4  }
0x2e5: {  	v4 =	vld.idx.msk [tilespmem:v8+s3+$0x0], $0xffff;
	_ =	sdelay $0x1  }
0x2e6: {  	v10 =	vadd.s32 $0x8B1, v1;
	_ =	sdelay $0x1  }
0x2e7: {  	v3 =	vadd.s32 v2, v9  }
0x2e8: {  	[tilespmem:$0x2100] =	vst v3;
	v4 =	vsub.s32 v4, v9  }
0x2e9: {  	v11 =	vld [tilespmem:$0x8B0];
	[tilespmem:$0x1500] =	vst v4  }
0x2ea: {  	v4 =	vld.idx.msk [tilespmem:v10+s3+$0x0], $0xffff;
	_ =	sdelay $0x1  }
0x2eb: {  	v12 =	vadd.s32 $0x8C1, v1;
	_ =	sdelay $0x1  }
0x2ec: {  	v3 =	vadd.s32 v2, v11  }
0x2ed: {  	[tilespmem:$0x2110] =	vst v3;
	v4 =	vsub.s32 v4, v11  }
0x2ee: {  	v13 =	vld [tilespmem:$0x8C0];
	[tilespmem:$0x1510] =	vst v4  }
0x2ef: {  	v4 =	vld.idx.msk [tilespmem:v12+s3+$0x0], $0xffff;
	_ =	sdelay $0x1  }
0x2f0: {  	v14 =	vadd.s32 $0x8D1, v1;
	_ =	sdelay $0x1  }
0x2f1: {  	v3 =	vadd.s32 v2, v13  }
0x2f2: {  	[tilespmem:$0x2120] =	vst v3;
	v4 =	vsub.s32 v4, v13  }
0x2f3: {  	v15 =	vld [tilespmem:$0x8D0];
	[tilespmem:$0x1520] =	vst v4  }
0x2f4: {  	v4 =	vld.idx.msk [tilespmem:v14+s3+$0x0], $0xffff;
	_ =	sdelay $0x1  }
0x2f5: {  	v16 =	vadd.s32 $0x8E1, v1;
	_ =	sdelay $0x1  }
0x2f6: {  	v3 =	vadd.s32 v2, v15  }
0x2f7: {  	[tilespmem:$0x2130] =	vst v3;
	v4 =	vsub.s32 v4, v15  }
0x2f8: {  	v17 =	vld [tilespmem:$0x8E0];
	[tilespmem:$0x1530] =	vst v4  }
0x2f9: {  	v4 =	vld.idx.msk [tilespmem:v16+s3+$0x0], $0xffff;
	_ =	sdelay $0x1  }
0x2fa: {  	v18 =	vadd.s32 $0x8F1, v1;
	_ =	sdelay $0x1  }
0x2fb: {  	v3 =	vadd.s32 v2, v17  }
0x2fc: {  	[tilespmem:$0x2140] =	vst v3;
	v4 =	vsub.s32 v4, v17  }
0x2fd: {  	v19 =	vld [tilespmem:$0x8F0];
	[tilespmem:$0x1540] =	vst v4  }
0x2fe: {  	v4 =	vld.idx.msk [tilespmem:v18+s3+$0x0], $0xffff;
	_ =	sdelay $0x1  }
0x2ff: {  	v20 =	vadd.s32 $0x901, v1;
	_ =	sdelay $0x1  }
0x300: {  	v3 =	vadd.s32 v2, v19  }
0x301: {  	[tilespmem:$0x2150] =	vst v3;
	v4 =	vsub.s32 v4, v19  }
0x302: {  	v21 =	vld [tilespmem:$0x900];
	[tilespmem:$0x1550] =	vst v4  }
0x303: {  	v4 =	vld.idx.msk [tilespmem:v20+s3+$0x0], $0xffff;
	_ =	sdelay $0x1  }
0x304: {  	v22 =	vadd.s32 $0x911, v1;
	_ =	sdelay $0x1  }
0x305: {  	v3 =	vadd.s32 v2, v21  }
0x306: {  	[tilespmem:$0x2160] =	vst v3;
	v4 =	vsub.s32 v4, v21  }
0x307: {  	v23 =	vld [tilespmem:$0x910];
	[tilespmem:$0x1560] =	vst v4  }
0x308: {  	v4 =	vld.idx.msk [tilespmem:v22+s3+$0x0], $0xffff;
	_ =	sdelay $0x1  }
0x309: {  	v24 =	vadd.s32 $0x921, v1;
	_ =	sdelay $0x1  }
0x30a: {  	v3 =	vadd.s32 v2, v23  }
0x30b: {  	[tilespmem:$0x2170] =	vst v3;
	v4 =	vsub.s32 v4, v23  }
0x30c: {  	v25 =	vld [tilespmem:$0x920];
	[tilespmem:$0x1570] =	vst v4  }
0x30d: {  	v4 =	vld.idx.msk [tilespmem:v24+s3+$0x0], $0xffff;
	_ =	sdelay $0x1  }
0x30e: {  	v26 =	vadd.s32 $0x931, v1;
	_ =	sdelay $0x1  }
0x30f: {  	v3 =	vadd.s32 v2, v25  }
0x310: {  	[tilespmem:$0x2180] =	vst v3;
	v4 =	vsub.s32 v4, v25  }
0x311: {  	v27 =	vld [tilespmem:$0x930];
	[tilespmem:$0x1580] =	vst v4  }
0x312: {  	v4 =	vld.idx.msk [tilespmem:v26+s3+$0x0], $0xffff;
	_ =	sdelay $0x1  }
0x313: {  	v28 =	vadd.s32 $0x941, v1;
	_ =	sdelay $0x1  }
0x314: {  	v3 =	vadd.s32 v2, v27  }
0x315: {  	[tilespmem:$0x2190] =	vst v3;
	v4 =	vsub.s32 v4, v27  }
0x316: {  	v29 =	vld [tilespmem:$0x940];
	[tilespmem:$0x1590] =	vst v4  }
0x317: {  	v4 =	vld.idx.msk [tilespmem:v28+s3+$0x0], $0xffff;
	_ =	sdelay $0x1  }
0x318: {  	v30 =	vadd.s32 $0x951, v1;
	_ =	sdelay $0x1  }
0x319: {  	v3 =	vadd.s32 v2, v29  }
0x31a: {  	[tilespmem:$0x21A0] =	vst v3;
	v4 =	vsub.s32 v4, v29  }
0x31b: {  	v31 =	vld [tilespmem:$0x950];
	[tilespmem:$0x15A0] =	vst v4  }
0x31c: {  	v4 =	vld.idx.msk [tilespmem:v30+s3+$0x0], $0xffff;
	_ =	sdelay $0x1  }
0x31d: {  	v32 =	vadd.s32 $0x961, v1;
	_ =	sdelay $0x1  }
0x31e: {  	v3 =	vadd.s32 v2, v31  }
0x31f: {  	[tilespmem:$0x21B0] =	vst v3;
	v4 =	vsub.s32 v4, v31  }
0x320: {  	v33 =	vld [tilespmem:$0x960];
	[tilespmem:$0x15B0] =	vst v4  }
0x321: {  	v4 =	vld.idx.msk [tilespmem:v32+s3+$0x0], $0xffff;
	_ =	sdelay $0x1  }
0x322: {  	v34 =	vadd.s32 $0x971, v1;
	_ =	sdelay $0x1  }
0x323: {  	v3 =	vadd.s32 v2, v33  }
0x324: {  	[tilespmem:$0x21C0] =	vst v3;
	v4 =	vsub.s32 v4, v33  }
0x325: {  	v35 =	vld [tilespmem:$0x970];
	[tilespmem:$0x15C0] =	vst v4  }
0x326: {  	v4 =	vld.idx.msk [tilespmem:v34+s3+$0x0], $0xffff;
	_ =	sdelay $0x1  }
0x327: {  	v36 =	vadd.s32 $0x981, v1;
	_ =	sdelay $0x1  }
0x328: {  	v3 =	vadd.s32 v2, v35  }
0x329: {  	[tilespmem:$0x21D0] =	vst v3;
	v4 =	vsub.s32 v4, v35  }
0x32a: {  	v37 =	vld [tilespmem:$0x980];
	[tilespmem:$0x15D0] =	vst v4  }
0x32b: {  	v4 =	vld.idx.msk [tilespmem:v36+s3+$0x0], $0xffff;
	_ =	sdelay $0x1  }
0x32c: {  	v38 =	vadd.s32 $0x991, v1;
	_ =	sdelay $0x1  }
0x32d: {  	v3 =	vadd.s32 v2, v37  }
0x32e: {  	[tilespmem:$0x21E0] =	vst v3;
	v4 =	vsub.s32 v4, v37  }
0x32f: {  	v39 =	vld [tilespmem:$0x990];
	[tilespmem:$0x15E0] =	vst v4  }
0x330: {  	v4 =	vld.idx.msk [tilespmem:v38+s3+$0x0], $0xffff;
	_ =	sdelay $0x1  }
0x331: {  	v40 =	vadd.s32 $0x9A1, v1;
	_ =	sdelay $0x1  }
0x332: {  	v3 =	vadd.s32 v2, v39  }
0x333: {  	[tilespmem:$0x21F0] =	vst v3;
	v4 =	vsub.s32 v4, v39  }
0x334: {  	v41 =	vld [tilespmem:$0x9A0];
	[tilespmem:$0x15F0] =	vst v4  }
0x335: {  	v4 =	vld.idx.msk [tilespmem:v40+s3+$0x0], $0xffff;
	_ =	sdelay $0x1  }
0x336: {  	v42 =	vadd.s32 $0x9B1, v1;
	_ =	sdelay $0x1  }
0x337: {  	v3 =	vadd.s32 v2, v41  }
0x338: {  	[tilespmem:$0x2200] =	vst v3;
	v4 =	vsub.s32 v4, v41  }
0x339: {  	v43 =	vld [tilespmem:$0x9B0];
	[tilespmem:$0x1600] =	vst v4  }
0x33a: {  	v4 =	vld.idx.msk [tilespmem:v42+s3+$0x0], $0xffff;
	_ =	sdelay $0x1  }
0x33b: {  	v44 =	vadd.s32 $0x9C1, v1;
	_ =	sdelay $0x1  }
0x33c: {  	v3 =	vadd.s32 v2, v43  }
0x33d: {  	[tilespmem:$0x2210] =	vst v3;
	v4 =	vsub.s32 v4, v43  }
0x33e: {  	v45 =	vld [tilespmem:$0x9C0];
	[tilespmem:$0x1610] =	vst v4  }
0x33f: {  	v4 =	vld.idx.msk [tilespmem:v44+s3+$0x0], $0xffff;
	_ =	sdelay $0x1  }
0x340: {  	v46 =	vadd.s32 $0x9D1, v1;
	_ =	sdelay $0x1  }
0x341: {  	v3 =	vadd.s32 v2, v45  }
0x342: {  	[tilespmem:$0x2220] =	vst v3;
	v4 =	vsub.s32 v4, v45  }
0x343: {  	v47 =	vld [tilespmem:$0x9D0];
	[tilespmem:$0x1620] =	vst v4  }
0x344: {  	v4 =	vld.idx.msk [tilespmem:v46+s3+$0x0], $0xffff;
	_ =	sdelay $0x1  }
0x345: {  	v48 =	vadd.s32 $0x9E1, v1;
	_ =	sdelay $0x1  }
0x346: {  	v3 =	vadd.s32 v2, v47  }
0x347: {  	[tilespmem:$0x2230] =	vst v3;
	v4 =	vsub.s32 v4, v47  }
0x348: {  	v49 =	vld [tilespmem:$0x9E0];
	[tilespmem:$0x1630] =	vst v4  }
0x349: {  	v4 =	vld.idx.msk [tilespmem:v48+s3+$0x0], $0xffff;
	_ =	sdelay $0x1  }
0x34a: {  	v50 =	vadd.s32 $0x9F1, v1;
	_ =	sdelay $0x1  }
0x34b: {  	v3 =	vadd.s32 v2, v49  }
0x34c: {  	[tilespmem:$0x2240] =	vst v3;
	v4 =	vsub.s32 v4, v49  }
0x34d: {  	v51 =	vld [tilespmem:$0x9F0];
	[tilespmem:$0x1640] =	vst v4  }
0x34e: {  	v4 =	vld.idx.msk [tilespmem:v50+s3+$0x0], $0xffff;
	_ =	sdelay $0x1  }
0x34f: {  	v52 =	vadd.s32 $0xA01, v1;
	_ =	sdelay $0x1  }
0x350: {  	v3 =	vadd.s32 v2, v51  }
0x351: {  	[tilespmem:$0x2250] =	vst v3;
	v4 =	vsub.s32 v4, v51  }
0x352: {  	v53 =	vld [tilespmem:$0xA00];
	[tilespmem:$0x1650] =	vst v4  }
0x353: {  	v4 =	vld.idx.msk [tilespmem:v52+s3+$0x0], $0xffff;
	_ =	sdelay $0x1  }
0x354: {  	v54 =	vadd.s32 $0xA11, v1;
	_ =	sdelay $0x1  }
0x355: {  	v3 =	vadd.s32 v2, v53  }
0x356: {  	[tilespmem:$0x2260] =	vst v3;
	v4 =	vsub.s32 v4, v53  }
0x357: {  	v55 =	vld [tilespmem:$0xA10];
	[tilespmem:$0x1660] =	vst v4  }
0x358: {  	v4 =	vld.idx.msk [tilespmem:v54+s3+$0x0], $0xffff;
	_ =	sdelay $0x1  }
0x359: {  	v56 =	vadd.s32 $0xA21, v1;
	_ =	sdelay $0x1  }
0x35a: {  	v3 =	vadd.s32 v2, v55  }
0x35b: {  	[tilespmem:$0x2270] =	vst v3;
	v4 =	vsub.s32 v4, v55  }
0x35c: {  	v57 =	vld [tilespmem:$0xA20];
	[tilespmem:$0x1670] =	vst v4  }
0x35d: {  	v4 =	vld.idx.msk [tilespmem:v56+s3+$0x0], $0xffff;
	_ =	sdelay $0x1  }
0x35e: {  	v58 =	vadd.s32 $0xA31, v1;
	_ =	sdelay $0x1  }
0x35f: {  	v3 =	vadd.s32 v2, v57  }
0x360: {  	[tilespmem:$0x2280] =	vst v3;
	v4 =	vsub.s32 v4, v57  }
0x361: {  	v59 =	vld [tilespmem:$0xA30];
	[tilespmem:$0x1680] =	vst v4  }
0x362: {  	v4 =	vld.idx.msk [tilespmem:v58+s3+$0x0], $0xffff;
	_ =	sdelay $0x1  }
0x363: {  	v60 =	vadd.s32 $0xA41, v1;
	_ =	sdelay $0x1  }
0x364: {  	v3 =	vadd.s32 v2, v59  }
0x365: {  	[tilespmem:$0x2290] =	vst v3;
	v4 =	vsub.s32 v4, v59  }
0x366: {  	v61 =	vld [tilespmem:$0xA40];
	[tilespmem:$0x1690] =	vst v4  }
0x367: {  	v4 =	vld.idx.msk [tilespmem:v60+s3+$0x0], $0xffff;
	_ =	sdelay $0x1  }
0x368: {  	v62 =	vadd.s32 $0xA51, v1;
	_ =	sdelay $0x1  }
0x369: {  	v3 =	vadd.s32 v2, v61  }
0x36a: {  	[tilespmem:$0x22A0] =	vst v3;
	v4 =	vsub.s32 v4, v61  }
0x36b: {  	v63 =	vld [tilespmem:$0xA50];
	[tilespmem:$0x16A0] =	vst v4  }
0x36c: {  	v4 =	vld.idx.msk [tilespmem:v62+s3+$0x0], $0xffff;
	_ =	sdelay $0x1  }
0x36d: {  	v8 =	vadd.s32 $0xA61, v1;
	_ =	sdelay $0x1  }
0x36e: {  	v3 =	vadd.s32 v2, v63  }
0x36f: {  	[tilespmem:$0x22B0] =	vst v3;
	v4 =	vsub.s32 v4, v63  }
0x370: {  	v9 =	vld [tilespmem:$0xA60];
	[tilespmem:$0x16B0] =	vst v4  }
0x371: {  	v4 =	vld.idx.msk [tilespmem:v8+s3+$0x0], $0xffff;
	_ =	sdelay $0x1  }
0x372: {  	v10 =	vadd.s32 $0xA71, v1;
	_ =	sdelay $0x1  }
0x373: {  	v3 =	vadd.s32 v2, v9  }
0x374: {  	[tilespmem:$0x22C0] =	vst v3;
	v4 =	vsub.s32 v4, v9  }
0x375: {  	v11 =	vld [tilespmem:$0xA70];
	[tilespmem:$0x16C0] =	vst v4  }
0x376: {  	v4 =	vld.idx.msk [tilespmem:v10+s3+$0x0], $0xffff;
	_ =	sdelay $0x1  }
0x377: {  	v12 =	vadd.s32 $0xA81, v1;
	_ =	sdelay $0x1  }
0x378: {  	v3 =	vadd.s32 v2, v11  }
0x379: {  	[tilespmem:$0x22D0] =	vst v3;
	v4 =	vsub.s32 v4, v11  }
0x37a: {  	v13 =	vld [tilespmem:$0xA80];
	[tilespmem:$0x16D0] =	vst v4  }
0x37b: {  	v4 =	vld.idx.msk [tilespmem:v12+s3+$0x0], $0xffff;
	_ =	sdelay $0x1  }
0x37c: {  	v14 =	vadd.s32 $0xA91, v1;
	_ =	sdelay $0x1  }
0x37d: {  	v3 =	vadd.s32 v2, v13  }
0x37e: {  	[tilespmem:$0x22E0] =	vst v3;
	v4 =	vsub.s32 v4, v13  }
0x37f: {  	v15 =	vld [tilespmem:$0xA90];
	[tilespmem:$0x16E0] =	vst v4  }
0x380: {  	v4 =	vld.idx.msk [tilespmem:v14+s3+$0x0], $0xffff;
	_ =	sdelay $0x1  }
0x381: {  	v16 =	vadd.s32 $0xAA1, v1;
	_ =	sdelay $0x1  }
0x382: {  	v3 =	vadd.s32 v2, v15  }
0x383: {  	[tilespmem:$0x22F0] =	vst v3;
	v4 =	vsub.s32 v4, v15  }
0x384: {  	v17 =	vld [tilespmem:$0xAA0];
	[tilespmem:$0x16F0] =	vst v4  }
0x385: {  	v4 =	vld.idx.msk [tilespmem:v16+s3+$0x0], $0xffff;
	_ =	sdelay $0x1  }
0x386: {  	v18 =	vadd.s32 $0xAB1, v1;
	_ =	sdelay $0x1  }
0x387: {  	v3 =	vadd.s32 v2, v17  }
0x388: {  	[tilespmem:$0x2300] =	vst v3;
	v4 =	vsub.s32 v4, v17  }
0x389: {  	v19 =	vld [tilespmem:$0xAB0];
	[tilespmem:$0x1700] =	vst v4  }
0x38a: {  	v4 =	vld.idx.msk [tilespmem:v18+s3+$0x0], $0xffff;
	_ =	sdelay $0x1  }
0x38b: {  	v20 =	vadd.s32 $0xAC1, v1;
	_ =	sdelay $0x1  }
0x38c: {  	v3 =	vadd.s32 v2, v19  }
0x38d: {  	[tilespmem:$0x2310] =	vst v3;
	v4 =	vsub.s32 v4, v19  }
0x38e: {  	v21 =	vld [tilespmem:$0xAC0];
	[tilespmem:$0x1710] =	vst v4  }
0x38f: {  	v4 =	vld.idx.msk [tilespmem:v20+s3+$0x0], $0xffff;
	_ =	sdelay $0x1  }
0x390: {  	v22 =	vadd.s32 $0xAD1, v1;
	_ =	sdelay $0x1  }
0x391: {  	v3 =	vadd.s32 v2, v21  }
0x392: {  	[tilespmem:$0x2320] =	vst v3;
	v4 =	vsub.s32 v4, v21  }
0x393: {  	v23 =	vld [tilespmem:$0xAD0];
	[tilespmem:$0x1720] =	vst v4  }
0x394: {  	v4 =	vld.idx.msk [tilespmem:v22+s3+$0x0], $0xffff;
	_ =	sdelay $0x1  }
0x395: {  	v24 =	vadd.s32 $0xAE1, v1;
	_ =	sdelay $0x1  }
0x396: {  	v3 =	vadd.s32 v2, v23  }
0x397: {  	[tilespmem:$0x2330] =	vst v3;
	v4 =	vsub.s32 v4, v23  }
0x398: {  	v25 =	vld [tilespmem:$0xAE0];
	[tilespmem:$0x1730] =	vst v4  }
0x399: {  	v4 =	vld.idx.msk [tilespmem:v24+s3+$0x0], $0xffff;
	_ =	sdelay $0x1  }
0x39a: {  	v26 =	vadd.s32 $0xAF1, v1;
	_ =	sdelay $0x1  }
0x39b: {  	v3 =	vadd.s32 v2, v25  }
0x39c: {  	[tilespmem:$0x2340] =	vst v3;
	v4 =	vsub.s32 v4, v25  }
0x39d: {  	v27 =	vld [tilespmem:$0xAF0];
	[tilespmem:$0x1740] =	vst v4  }
0x39e: {  	v4 =	vld.idx.msk [tilespmem:v26+s3+$0x0], $0xffff;
	_ =	sdelay $0x1  }
0x39f: {  	v28 =	vadd.s32 $0xB01, v1;
	_ =	sdelay $0x1  }
0x3a0: {  	v3 =	vadd.s32 v2, v27  }
0x3a1: {  	[tilespmem:$0x2350] =	vst v3;
	v4 =	vsub.s32 v4, v27  }
0x3a2: {  	v29 =	vld [tilespmem:$0xB00];
	[tilespmem:$0x1750] =	vst v4  }
0x3a3: {  	v4 =	vld.idx.msk [tilespmem:v28+s3+$0x0], $0xffff;
	_ =	sdelay $0x1  }
0x3a4: {  	v30 =	vadd.s32 $0xB11, v1;
	_ =	sdelay $0x1  }
0x3a5: {  	v3 =	vadd.s32 v2, v29  }
0x3a6: {  	[tilespmem:$0x2360] =	vst v3;
	v4 =	vsub.s32 v4, v29  }
0x3a7: {  	v31 =	vld [tilespmem:$0xB10];
	[tilespmem:$0x1760] =	vst v4  }
0x3a8: {  	v4 =	vld.idx.msk [tilespmem:v30+s3+$0x0], $0xffff;
	_ =	sdelay $0x1  }
0x3a9: {  	v32 =	vadd.s32 $0xB21, v1;
	_ =	sdelay $0x1  }
0x3aa: {  	v3 =	vadd.s32 v2, v31  }
0x3ab: {  	[tilespmem:$0x2370] =	vst v3;
	v4 =	vsub.s32 v4, v31  }
0x3ac: {  	v33 =	vld [tilespmem:$0xB20];
	[tilespmem:$0x1770] =	vst v4  }
0x3ad: {  	v4 =	vld.idx.msk [tilespmem:v32+s3+$0x0], $0xffff;
	_ =	sdelay $0x1  }
0x3ae: {  	v34 =	vadd.s32 $0xB31, v1;
	_ =	sdelay $0x1  }
0x3af: {  	v3 =	vadd.s32 v2, v33  }
0x3b0: {  	[tilespmem:$0x2380] =	vst v3;
	v4 =	vsub.s32 v4, v33  }
0x3b1: {  	v35 =	vld [tilespmem:$0xB30];
	[tilespmem:$0x1780] =	vst v4  }
0x3b2: {  	v4 =	vld.idx.msk [tilespmem:v34+s3+$0x0], $0xffff;
	_ =	sdelay $0x1  }
0x3b3: {  	v36 =	vadd.s32 $0xB41, v1;
	_ =	sdelay $0x1  }
0x3b4: {  	v3 =	vadd.s32 v2, v35  }
0x3b5: {  	[tilespmem:$0x2390] =	vst v3;
	v4 =	vsub.s32 v4, v35  }
0x3b6: {  	v37 =	vld [tilespmem:$0xB40];
	[tilespmem:$0x1790] =	vst v4  }
0x3b7: {  	v4 =	vld.idx.msk [tilespmem:v36+s3+$0x0], $0xffff;
	_ =	sdelay $0x1  }
0x3b8: {  	v38 =	vadd.s32 $0xB51, v1;
	_ =	sdelay $0x1  }
0x3b9: {  	v3 =	vadd.s32 v2, v37  }
0x3ba: {  	[tilespmem:$0x23A0] =	vst v3;
	v4 =	vsub.s32 v4, v37  }
0x3bb: {  	v39 =	vld [tilespmem:$0xB50];
	[tilespmem:$0x17A0] =	vst v4  }
0x3bc: {  	v4 =	vld.idx.msk [tilespmem:v38+s3+$0x0], $0xffff;
	_ =	sdelay $0x1  }
0x3bd: {  	v40 =	vadd.s32 $0xB61, v1;
	_ =	sdelay $0x1  }
0x3be: {  	v3 =	vadd.s32 v2, v39  }
0x3bf: {  	[tilespmem:$0x23B0] =	vst v3;
	v4 =	vsub.s32 v4, v39  }
0x3c0: {  	v41 =	vld [tilespmem:$0xB60];
	[tilespmem:$0x17B0] =	vst v4  }
0x3c1: {  	v4 =	vld.idx.msk [tilespmem:v40+s3+$0x0], $0xffff;
	_ =	sdelay $0x1  }
0x3c2: {  	v42 =	vadd.s32 $0xB71, v1;
	_ =	sdelay $0x1  }
0x3c3: {  	v3 =	vadd.s32 v2, v41  }
0x3c4: {  	[tilespmem:$0x23C0] =	vst v3;
	v4 =	vsub.s32 v4, v41  }
0x3c5: {  	v43 =	vld [tilespmem:$0xB70];
	[tilespmem:$0x17C0] =	vst v4  }
0x3c6: {  	v4 =	vld.idx.msk [tilespmem:v42+s3+$0x0], $0xffff;
	_ =	sdelay $0x1  }
0x3c7: {  	v44 =	vadd.s32 $0xB81, v1;
	_ =	sdelay $0x1  }
0x3c8: {  	v3 =	vadd.s32 v2, v43  }
0x3c9: {  	[tilespmem:$0x23D0] =	vst v3;
	v4 =	vsub.s32 v4, v43  }
0x3ca: {  	v45 =	vld [tilespmem:$0xB80];
	[tilespmem:$0x17D0] =	vst v4  }
0x3cb: {  	v4 =	vld.idx.msk [tilespmem:v44+s3+$0x0], $0xffff;
	_ =	sdelay $0x1  }
0x3cc: {  	v46 =	vadd.s32 $0xB91, v1;
	_ =	sdelay $0x1  }
0x3cd: {  	v3 =	vadd.s32 v2, v45  }
0x3ce: {  	[tilespmem:$0x23E0] =	vst v3;
	v4 =	vsub.s32 v4, v45  }
0x3cf: {  	v47 =	vld [tilespmem:$0xB90];
	[tilespmem:$0x17E0] =	vst v4  }
0x3d0: {  	v4 =	vld.idx.msk [tilespmem:v46+s3+$0x0], $0xffff;
	_ =	sdelay $0x1  }
0x3d1: {  	v48 =	vadd.s32 $0xBA1, v1;
	_ =	sdelay $0x1  }
0x3d2: {  	v3 =	vadd.s32 v2, v47  }
0x3d3: {  	[tilespmem:$0x23F0] =	vst v3;
	v4 =	vsub.s32 v4, v47  }
0x3d4: {  	v49 =	vld [tilespmem:$0xBA0];
	[tilespmem:$0x17F0] =	vst v4  }
0x3d5: {  	v4 =	vld.idx.msk [tilespmem:v48+s3+$0x0], $0xffff;
	_ =	sdelay $0x1  }
0x3d6: {  	v50 =	vadd.s32 $0xBB1, v1;
	_ =	sdelay $0x1  }
0x3d7: {  	v3 =	vadd.s32 v2, v49  }
0x3d8: {  	[tilespmem:$0x2400] =	vst v3;
	v4 =	vsub.s32 v4, v49  }
0x3d9: {  	v51 =	vld [tilespmem:$0xBB0];
	[tilespmem:$0x1800] =	vst v4  }
0x3da: {  	v4 =	vld.idx.msk [tilespmem:v50+s3+$0x0], $0xffff;
	_ =	sdelay $0x1  }
0x3db: {  	v52 =	vadd.s32 $0xBC1, v1;
	_ =	sdelay $0x1  }
0x3dc: {  	v3 =	vadd.s32 v2, v51  }
0x3dd: {  	[tilespmem:$0x2410] =	vst v3;
	v4 =	vsub.s32 v4, v51  }
0x3de: {  	v53 =	vld [tilespmem:$0xBC0];
	[tilespmem:$0x1810] =	vst v4  }
0x3df: {  	v4 =	vld.idx.msk [tilespmem:v52+s3+$0x0], $0xffff;
	_ =	sdelay $0x1  }
0x3e0: {  	v54 =	vadd.s32 $0xBD1, v1;
	_ =	sdelay $0x1  }
0x3e1: {  	v3 =	vadd.s32 v2, v53  }
0x3e2: {  	[tilespmem:$0x2420] =	vst v3;
	v4 =	vsub.s32 v4, v53  }
0x3e3: {  	v55 =	vld [tilespmem:$0xBD0];
	[tilespmem:$0x1820] =	vst v4  }
0x3e4: {  	v4 =	vld.idx.msk [tilespmem:v54+s3+$0x0], $0xffff;
	_ =	sdelay $0x1  }
0x3e5: {  	v56 =	vadd.s32 $0xBE1, v1;
	_ =	sdelay $0x1  }
0x3e6: {  	v3 =	vadd.s32 v2, v55  }
0x3e7: {  	[tilespmem:$0x2430] =	vst v3;
	v4 =	vsub.s32 v4, v55  }
0x3e8: {  	v57 =	vld [tilespmem:$0xBE0];
	[tilespmem:$0x1830] =	vst v4  }
0x3e9: {  	v4 =	vld.idx.msk [tilespmem:v56+s3+$0x0], $0xffff;
	_ =	sdelay $0x1  }
0x3ea: {  	v58 =	vadd.s32 $0xBF1, v1;
	_ =	sdelay $0x1  }
0x3eb: {  	v3 =	vadd.s32 v2, v57  }
0x3ec: {  	[tilespmem:$0x2440] =	vst v3;
	v4 =	vsub.s32 v4, v57  }
0x3ed: {  	v59 =	vld [tilespmem:$0xBF0];
	[tilespmem:$0x1840] =	vst v4  }
0x3ee: {  	v4 =	vld.idx.msk [tilespmem:v58+s3+$0x0], $0xffff;
	_ =	sdelay $0x1  }
0x3ef: {  	v60 =	vadd.s32 $0xC01, v1;
	_ =	sdelay $0x1  }
0x3f0: {  	v3 =	vadd.s32 v2, v59  }
0x3f1: {  	[tilespmem:$0x2450] =	vst v3;
	v4 =	vsub.s32 v4, v59  }
0x3f2: {  	v61 =	vld [tilespmem:$0xC00];
	[tilespmem:$0x1850] =	vst v4  }
0x3f3: {  	v4 =	vld.idx.msk [tilespmem:v60+s3+$0x0], $0xffff;
	_ =	sdelay $0x1  }
0x3f4: {  	v1 =	vadd.s32 $0xC11, v1;
	_ =	sdelay $0x1  }
0x3f5: {  	v3 =	vadd.s32 v2, v61  }
0x3f6: {  	[tilespmem:$0x2460] =	vst v3;
	v4 =	vsub.s32 v4, v61  }
0x3f7: {  	v62 =	vld [tilespmem:$0xC10];
	[tilespmem:$0x1860] =	vst v4  }
0x3f8: {  	v1 =	vld.idx.msk [tilespmem:v1+s3+$0x0], $0xffff;
	_ =	sdelay $0x3  }
0x3f9: {  	v63 =	vadd.s32 v2, v62  }
0x3fa: {  	s5 =	sor.u32 $0x1000, s5;
	[tilespmem:$0x2470] =	vst v63;
	v1 =	vsub.s32 v1, v62  }
0x3fb: {  	s28 =	simm.s32 $0x1480;
	s4 =	sadd.s32 s4, s5;
	[tilespmem:$0x1870] =	vst v1  }
0x3fc: {  	[hbm4b:s4+s3] =	stream.linear.scatter [tilespmem:s28], [sflag:$0x3], $0x400, $0x38;
	[tilespmem:$0x2700] =	vst v63  }
0x3fd: {  	s30 =	simm.s32 $0x2080;
	p0 =	sne.s32 s0, $0xF;
	s29 =	sadd.s32 s2, s5  }
0x3fe: {  	v0 =	vadd.s32 @!p0 v0, v2;
	[hbm4b:s29+s3] =	stream.linear.scatter [tilespmem:s30], [sflag:$0x3], $0x400, $0x38;
	[tilespmem:$0x2700] =	vst v63  }
0x3ff: {  	s2 =	sadd.s32 @!p0 $0x1800, s2;
	s4 =	simm.s32 @!p0 $0x2680;
	s3 =	simm.s32 @!p0 $0x0;
	[tilespmem:$0x2680] =	vst @!p0 v0  }
0x400: {  	[hbm4b:s2+s3] =	stream.linear.scatter @!p0 [tilespmem:s4], [sflag:$0x4], $0x8, $0x38;
	[tilespmem:$0x2700] =	vst v63  }
0x401: {  	s2 =	simm.s32 @!p0 $0x4  }
0x402: {  	_ =	swait.ge @!p0 [sflag:s2], $0x8  }
0x403: {  	[sflag:s2] =	ssyncset.done @!p0 $0x0  }
0x404: {  	s31 =	simm.s32 $0x3;
	[sflag:s2] =	ssyncadd.s32 @!p0 $0xFFFFFFF8  }
0x405: {  	_ =	swait.ge [sflag:s31], $0x400  }
0x406: {  	[sflag:s31] =	ssyncset.done $0x0  }
0x407: {  	[sflag:s31] =	ssyncadd.s32 $0xFFFFFC00  }
0x408: {  	_ =	swait.ge [sflag:s31], $0x400  }
0x409: {  	[sflag:s31] =	ssyncset.done $0x0  }
0x40a: {  	[sflag:s31] =	ssyncadd.s32 $0xFFFFFC00  }
0x40b: {  	_ =	swait.ge [sflag:s31], $0x400  }
0x40c: {  	[sflag:s31] =	ssyncset.done $0x0  }
0x40d: {  	[sflag:s31] =	ssyncadd.s32 $0xFFFFFC00  }
0x40e: {  	_ =	swait.ge [sflag:s31], $0x400  }
0x40f: {  	[sflag:s31] =	ssyncset.done $0x0  }
0x410: {  	[sflag:s31] =	ssyncadd.s32 $0xFFFFFC00  }
0x411: {  	_ =	swait.ge [sflag:s31], $0x400  }
0x412: {  	[sflag:s31] =	ssyncset.done $0x0  }
0x413: {  	[sflag:s31] =	ssyncadd.s32 $0xFFFFFC00  }
0x414: {  	_ =	swait.ge [sflag:s31], $0x400  }
0x415: {  	[sflag:s31] =	ssyncset.done $0x0  }
0x416: {  	[sflag:s31] =	ssyncadd.s32 $0xFFFFFC00  }
0x417: {  	_ =	sfence.sel $0x180000  }
0x418: {  	[bflag:$0x0] =	sbarrier.arrive $0xFFFF  }
0x419: {  	p0 =	sne.s32 s0, $0x0;
	_ =	strace $0x90000047  }
0x41a: {  	s0 =	sadd.s32 @!p0 $0x100000, s1;
	[bflag:$0x2] =	sbarrier.arrive $0xFFFF  }
0x41b: {  	[sflag:s0] =	ssyncadd.tile.s32 @!p0 $0x1;
	_ =	shalt  }
.Lfunc_end2:
_tile_overlayer_lowered:
.L_overlay_start_2:
0x41c: {  	(tag) =	ssettag $0x2  }
0x41d: {  	s0 =	rddreg [dreg:$0x0];
	s2 =	stileid.u32  }
0x41e: {  	s1 =	rddreg [dreg:$0x1];
	p0 =	sne.s32 s2, $0x0  }
0x41f: {  	s3 =	rddreg [dreg:$0x2];
	[bflag:$0x3] =	sbarrier.arrive $0xFFFF;
	s2 =	simm.s32 @!p0 $0x1C04  }
0x420: {  	[timem:s3], [sflag:s2] =	dma.local @!p0 [hbm:s0], s1  }
0x421: {  	s0 =	simm.s32 @!p0 $0x4  }
0x422: {  	_ =	swait.ge @!p0 [sflag:s0], s1  }
0x423: {  	s1 =	ssub.s32 @!p0 $0x0, s1;
	[sflag:s0] =	ssyncset.done @!p0 $0x0  }
0x424: {  	[sflag:s0] =	ssyncadd.s32 @!p0 s1  }
0x425: {  	[bflag:$0x3] =	sbarrier.arrive $0xFFFF  }
0x426: {  	_ =	shalt  }

</sc_bundles>
